<compile_context>
chip_gen: v7x
topology: tpu7x:2x2x1
jax: 0.10.2.dev20260603
libtpu: 0.0.44.dev20260713+nightly
codegen_flags: <defaults>
</compile_context>

<pallas_src>
import functools

import numpy as np

import jax
import jax.numpy as jnp
from jax import lax
from jax.experimental import pallas as pl
from jax.experimental.pallas import tpu as pltpu
from jax.experimental.pallas import tpu_sc as plsc

N_NODES = 10000
N_EDGES = 160000
N_GRAPHS = 100
D = 32
H1 = 128
OUT_DIM = 4
ROUNDS = 5
EPS = 1e-10
SLOPE = 0.01

NC = 2
NS = 16
NW = NC * NS
EPW = N_EDGES // NW
CH = 1000
NCH = EPW // CH
RPW = 1000
NTI = N_NODES // RPW

PK = 4
ER = N_EDGES // PK
H4 = PK * H1
BE = 4000
BR = BE // PK
NEB = N_EDGES // BE

_f32 = functools.partial(jnp.asarray, dtype=jnp.float32)

_O1 = np.kron(np.eye(PK), np.ones((H1, 1))).astype(np.float32)
_E1 = np.kron(np.eye(PK), np.ones((1, H1))).astype(np.float32)
_O2 = np.kron(np.eye(PK), np.ones((D, 1))).astype(np.float32)
_E2 = np.kron(np.eye(PK), np.ones((1, D))).astype(np.float32)


@functools.cache
def _sc_kernels():
    mesh = plsc.VectorSubcoreMesh(core_axis_name="c", subcore_axis_name="s",
                                  num_cores=NC, num_subcores=NS)

    @functools.partial(
        pl.kernel,
        out_type=(jax.ShapeDtypeStruct((N_EDGES, D), jnp.float32),
                  jax.ShapeDtypeStruct((N_EDGES, D), jnp.float32)),
        mesh=mesh,
        compiler_params=pltpu.CompilerParams(use_tc_tiling_on_sc=False),
        scratch_types=[pltpu.VMEM((CH,), jnp.int32),
                       pltpu.VMEM((CH, D), jnp.float32),
                       pltpu.VMEM((CH, D), jnp.float32),
                       pltpu.SemaphoreType.DMA],
    )
    def sc_gather(p, idx_hbm, g0, g1, idx_v, r0, r1, sem):
        c = lax.axis_index("c")
        s = lax.axis_index("s")
        base = (s * jnp.int32(NC) + c) * jnp.int32(EPW)

        def body(i, carry):
            off = base + i * jnp.int32(CH)
            pltpu.sync_copy(idx_hbm.at[pl.ds(off, CH)], idx_v)
            cp0 = pltpu.async_copy(p.at[jnp.int32(0)].at[idx_v], r0, sem)
            cp1 = pltpu.async_copy(p.at[jnp.int32(1)].at[idx_v], r1, sem)
            cp0.wait()
            cp1.wait()
            pltpu.sync_copy(r0, g0.at[pl.ds(off, CH)])
            pltpu.sync_copy(r1, g1.at[pl.ds(off, CH)])
            return carry

        lax.fori_loop(jnp.int32(0), jnp.int32(NCH), body, jnp.int32(0))

    @functools.partial(
        pl.kernel,
        out_type=jax.ShapeDtypeStruct((NC, N_NODES, D), jnp.float32),
        mesh=mesh,
        compiler_params=pltpu.CompilerParams(use_tc_tiling_on_sc=False),
        scratch_types=[pltpu.VMEM((CH,), jnp.int32),
                       pltpu.VMEM((CH, D), jnp.float32),
                       pltpu.VMEM_SHARED((N_NODES, D), jnp.float32)],
    )
    def sc_scatter(pp, msg, idx_hbm, q, idx_v, rows_v, acc):
        c = lax.axis_index("c")
        s = lax.axis_index("s")
        rs = s * jnp.int32(RPW)

        @pl.when(s < NTI)
        def _():
            pltpu.sync_copy(pp.at[c].at[pl.ds(rs, RPW)], rows_v)
            pltpu.sync_copy(rows_v, acc.at[pl.ds(rs, RPW)])

        plsc.subcore_barrier()

        base = (s * jnp.int32(NC) + c) * jnp.int32(EPW)

        def body(i, carry):
            off = base + i * jnp.int32(CH)
            pltpu.sync_copy(idx_hbm.at[pl.ds(off, CH)], idx_v)
            pltpu.sync_copy(msg.at[pl.ds(off, CH)], rows_v)
            pltpu.sync_copy(rows_v, acc.at[idx_v], add=True)
            return carry

        lax.fori_loop(jnp.int32(0), jnp.int32(NCH), body, jnp.int32(0))
        plsc.subcore_barrier()

        @pl.when(s < NTI)
        def _():
            pltpu.sync_copy(acc.at[pl.ds(rs, RPW)], rows_v)
            pltpu.sync_copy(rows_v, q.at[c].at[pl.ds(rs, RPW)])

    return sc_gather, sc_scatter


def _dot(a, b, prec=lax.Precision.HIGHEST):
    return jnp.dot(a, b, preferred_element_type=jnp.float32, precision=prec)


def _split_bf16(w):
    hi = w.astype(jnp.bfloat16)
    lo = (w - hi.astype(jnp.float32)).astype(jnp.bfloat16)
    return hi, lo


def _dot3(x, w_hi, w_lo):
    xh = x.astype(jnp.bfloat16)
    xl = (x - xh.astype(jnp.float32)).astype(jnp.bfloat16)
    acc = jnp.dot(xl, w_lo, preferred_element_type=jnp.float32)
    acc = acc + jnp.dot(xh, w_lo, preferred_element_type=jnp.float32)
    acc = acc + jnp.dot(xl, w_hi, preferred_element_type=jnp.float32)
    return acc + jnp.dot(xh, w_hi, preferred_element_type=jnp.float32)


def _leaky(x):
    return jnp.where(x >= 0, x, SLOPE * x)


def _group_ln(x, n, g, b):
    parts = []
    for k in range(PK):
        xg = x[:, n * k:n * (k + 1)]
        m = jnp.mean(xg, axis=-1, keepdims=True)
        d = xg - m
        v = jnp.mean(d * d, axis=-1, keepdims=True)
        parts.append(d * lax.rsqrt(v + 1e-5))
    return jnp.concatenate(parts, axis=1) * g + b


def _mlp_body(first, *refs):
    if first:
        (ec4, w1b, b1, g1, bb1, w2h, w2l, b2, g2, bb2, out) = refs
        h = b1[...]
    else:
        (ga, gb, ec4, w1ah, w1al, w1b, b1, g1, bb1,
         w2h, w2l, b2, g2, bb2, out) = refs
        x = ga[...] + gb[...]
        h = _dot3(x, w1ah[...], w1al[...]) + b1[...]
    ecv = ec4[...]
    w1bv = w1b[...]
    ecw = jnp.concatenate(
        [ecv[:, k:k + 1] * w1bv for k in range(PK)], axis=1)
    h = h + ecw
    h = _leaky(_group_ln(h, H1, g1[...], bb1[...]))
    u = _dot3(h, w2h[...], w2l[...]) + b2[...]
    out[...] = _leaky(_group_ln(u, D, g2[...], bb2[...]))


def _make_mlp(first):
    full = lambda i: (jnp.int32(0), jnp.int32(0))
    edge = lambda i: (i, jnp.int32(0))
    in_specs = []
    if not first:
        in_specs += [pl.BlockSpec((BR, H1), edge)] * 2
    in_specs += [pl.BlockSpec((BR, PK), edge)]
    if not first:
        in_specs += [pl.BlockSpec((H1, H4), full)] * 2
    in_specs += [pl.BlockSpec((1, H1), full)]
    in_specs += [pl.BlockSpec((1, H4), full)] * 3
    in_specs += [pl.BlockSpec((H4, H1), full)] * 2
    in_specs += [pl.BlockSpec((1, H1), full)] * 3
    return pl.pallas_call(
        functools.partial(_mlp_body, first),
        grid=(NEB,),
        in_specs=in_specs,
        out_specs=pl.BlockSpec((BR, H1), edge),
        out_shape=jax.ShapeDtypeStruct((ER, H1), jnp.float32),
    )


_mlp_first = _make_mlp(True)
_mlp = _make_mlp(False)


NB = 2000
NGB = N_NODES // NB


def _pool_body(ngi, p0, p1, ow1, ob1, ow2, ob2, out, acc):
    i = pl.program_id(0)

    @pl.when(i == 0)
    def _():
        acc[...] = jnp.zeros_like(acc)

    rows = p0[...] + p1[...]
    gids = ngi[0]
    giota = lax.broadcasted_iota(jnp.int32, (N_GRAPHS, NB), 0)
    oh = (giota == gids).astype(jnp.float32)
    acc[...] += _dot(oh, rows, lax.Precision.HIGHEST)

    @pl.when(i == NGB - 1)
    def _():
        ev = _dot(acc[...], ow1[...], lax.Precision.HIGHEST) + ob1[...]
        ev = _dot(ev, ow2[...], lax.Precision.HIGHEST) + ob2[...]
        sp = jnp.maximum(ev, 0.0) + jnp.log1p(jnp.exp(-jnp.abs(ev)))
        col = lax.broadcasted_iota(jnp.int32, (N_GRAPHS, OUT_DIM), 1)
        out[...] = jnp.where(col == 0, ev,
                             sp + EPS + (col == 2).astype(jnp.float32))


_pool_head = pl.pallas_call(
    _pool_body,
    grid=(NGB,),
    in_specs=[pl.BlockSpec((1, 1, NB), lambda i: (i, jnp.int32(0), jnp.int32(0))),
              pl.BlockSpec((NB, D), lambda i: (i, jnp.int32(0))),
              pl.BlockSpec((NB, D), lambda i: (i, jnp.int32(0))),
              pl.BlockSpec((D, H1), lambda i: (jnp.int32(0), jnp.int32(0))),
              pl.BlockSpec((1, H1), lambda i: (jnp.int32(0), jnp.int32(0))),
              pl.BlockSpec((H1, OUT_DIM), lambda i: (jnp.int32(0), jnp.int32(0))),
              pl.BlockSpec((1, OUT_DIM), lambda i: (jnp.int32(0), jnp.int32(0)))],
    out_specs=pl.BlockSpec((N_GRAPHS, OUT_DIM),
                           lambda i: (jnp.int32(0), jnp.int32(0))),
    out_shape=jax.ShapeDtypeStruct((N_GRAPHS, OUT_DIM), jnp.float32),
    scratch_shapes=[pltpu.VMEM((N_GRAPHS, D), jnp.float32)],
)


def _bdiag(w, n):
    a, b = w.shape
    out = jnp.zeros((n * a, n * b), w.dtype)
    for g in range(n):
        out = out.at[g * a:(g + 1) * a, g * b:(g + 1) * b].set(w)
    return out


def kernel(edge_coulomb, edge_lengths, node_from, node_to, node_graph_index,
           w1, b1, ln1_g, ln1_b, w2, b2, ln2_g, ln2_b, ow1, ob1, ow2, ob2):
    ec4 = _f32(edge_coulomb.reshape(N_EDGES)).reshape(ER, PK)
    nf = node_from.astype(jnp.int32)
    nt = node_to.astype(jnp.int32)
    ngi = node_graph_index.astype(jnp.int32).reshape(NGB, 1, NB)

    w1a4h, w1a4l = _split_bf16(_bdiag(_f32(w1[:D]), PK))
    w1bf = _f32(w1[D:])
    b1f = jnp.tile(_f32(b1).reshape(1, H1), (1, PK))
    g1f = jnp.tile(_f32(ln1_g).reshape(1, H1), (1, PK))
    bb1f = jnp.tile(_f32(ln1_b).reshape(1, H1), (1, PK))
    w2f4h, w2f4l = _split_bf16(_bdiag(_f32(w2), PK))
    b2f = jnp.tile(_f32(b2).reshape(1, D), (1, PK))
    g2f = jnp.tile(_f32(ln2_g).reshape(1, D), (1, PK))
    bb2f = jnp.tile(_f32(ln2_b).reshape(1, D), (1, PK))
    ow1f = _f32(ow1)
    ob1f = _f32(ob1).reshape(1, H1)
    ow2f = _f32(ow2)
    ob2f = _f32(ob2).reshape(1, OUT_DIM)
    zeros = jnp.zeros((NC, N_NODES, D), jnp.float32)
    _sc_gather, _sc_scatter = _sc_kernels()

    msg = _mlp_first(ec4, w1bf, b1f, g1f, bb1f,
                     w2f4h, w2f4l, b2f, g2f, bb2f)
    p = _sc_scatter(zeros, msg.reshape(N_EDGES, D), nt)
    for _ in range(ROUNDS - 1):
        g0, g1 = _sc_gather(p, nf)
        msg = _mlp(g0.reshape(ER, H1), g1.reshape(ER, H1), ec4,
                   w1a4h, w1a4l, w1bf, b1f, g1f, bb1f,
                   w2f4h, w2f4l, b2f, g2f, bb2f)
        p = _sc_scatter(p, msg.reshape(N_EDGES, D), nt)

    out = _pool_head(ngi, p[0], p[1], ow1f, ob1f, ow2f, ob2f)
    return out.astype(jnp.float64)

# --- scband reference (transcript-rebuilt; emitter-appended) ---
"""Pipeline reference for scband-evidential-qm7-3-d-72688026517895 (READ-ONLY COPY).

The authoritative reference and input builder live on the scoring server;
editing this copy changes nothing except your own understanding.
"""

import jax, jax.numpy as jnp
import numpy as np

jax.config.update("jax_enable_x64", True)

N_NODES = 10000
N_EDGES = 160000
N_GRAPHS = 100
STATE_DIM = 32
NUM_FEATURES = 1
H1 = 128
HOUT = 128
OUT_DIM = 4
ROUNDS = 5
EPS = 1e-10
SLOPE = 0.01


def _kaiming(k, fan_in, fan_out):
    std = np.sqrt(2.0) / np.sqrt(fan_out)
    return jax.random.normal(k, (fan_in, fan_out), dtype=jnp.float64) * std


def setup_inputs(seed: int = 0):
    key = jax.random.key(seed)
    ks = jax.random.split(key, 10)
    edge_coulomb = jax.random.normal(ks[0], (N_EDGES, NUM_FEATURES), dtype=jnp.float64)
    edge_lengths = jax.random.uniform(ks[1], (N_EDGES,), dtype=jnp.float64)
    node_from = jax.random.randint(ks[2], (N_EDGES,), 0, N_NODES, dtype=jnp.int64)
    node_to = jax.random.randint(ks[3], (N_EDGES,), 0, N_NODES, dtype=jnp.int64)
    node_graph_index = jnp.sort(jax.random.randint(ks[4], (N_NODES,), 0, N_GRAPHS, dtype=jnp.int64))
    inp = {
        "edge_coulomb": edge_coulomb,
        "edge_lengths": edge_lengths,
        "node_from": node_from,
        "node_to": node_to,
        "node_graph_index": node_graph_index,
        "w1": _kaiming(ks[5], STATE_DIM + NUM_FEATURES, H1),
        "b1": jnp.zeros((H1,), jnp.float64),
        "ln1_g": jnp.ones((H1,), jnp.float64),
        "ln1_b": jnp.zeros((H1,), jnp.float64),
        "w2": _kaiming(ks[6], H1, STATE_DIM),
        "b2": jnp.zeros((STATE_DIM,), jnp.float64),
        "ln2_g": jnp.ones((STATE_DIM,), jnp.float64),
        "ln2_b": jnp.zeros((STATE_DIM,), jnp.float64),
        "ow1": _kaiming(ks[7], STATE_DIM, HOUT),
        "ob1": jnp.zeros((HOUT,), jnp.float64),
        "ow2": _kaiming(ks[8], HOUT, OUT_DIM),
        "ob2": jnp.zeros((OUT_DIM,), jnp.float64),
    }
    return inp


def _layernorm(x, g, b):
    m = jnp.mean(x, axis=-1, keepdims=True)
    v = jnp.mean((x - m) ** 2, axis=-1, keepdims=True)
    return (x - m) / jnp.sqrt(v + 1e-5) * g + b


def _leaky(x):
    return jnp.where(x >= 0, x, SLOPE * x)


def reference(edge_coulomb, edge_lengths, node_from, node_to, node_graph_index,
              w1, b1, ln1_g, ln1_b, w2, b2, ln2_g, ln2_b, ow1, ob1, ow2, ob2):
    state = jnp.zeros((N_NODES, STATE_DIM), jnp.float64)
    for _ in range(ROUNDS):
        inp = jnp.concatenate([state[node_from], edge_coulomb], axis=1)
        h = _leaky(_layernorm(inp @ w1 + b1, ln1_g, ln1_b))
        msg = _leaky(_layernorm(h @ w2 + b2, ln2_g, ln2_b))
        state = state.at[node_to].add(msg)
    graph_state = jnp.zeros((N_GRAPHS, STATE_DIM), jnp.float64).at[node_graph_index].add(state)
    ev = (graph_state @ ow1 + ob1) @ ow2 + ob2
    gamma, v, alpha, beta = jnp.split(ev, 4, axis=1)
    sp = jax.nn.softplus
    out = jnp.concatenate([gamma, sp(v) + EPS, sp(alpha) + 1.0 + EPS, sp(beta) + EPS], axis=1)
    return out

if __name__ == "__main__":
    import jax
    _d = setup_inputs()
    print(jax.jit(kernel)(*tuple(_d.values())))

</pallas_src>

<mosaic_0001>
#map = affine_map<(d0, d1) -> (0, 0, 0)>
#map1 = affine_map<(d0, d1) -> (0)>
#map2 = affine_map<(d0, d1) -> (0, 0)>
module attributes {stable_mosaic.version = 14 : i64} {
  func.func @sc_gather(%arg0: i32, %arg1: i32, %arg2: memref<2x10000x32xf32, #tpu.memory_space<hbm>>, %arg3: memref<160000xi32, #tpu.memory_space<hbm>>, %arg4: memref<160000x32xf32, #tpu.memory_space<hbm>>, %arg5: memref<160000x32xf32, #tpu.memory_space<hbm>>, %arg6: memref<1000xi32, #tpu.memory_space<vmem>>, %arg7: memref<1000x32xf32, #tpu.memory_space<vmem>>, %arg8: memref<1000x32xf32, #tpu.memory_space<vmem>>, %arg9: memref<!tpu.dma_semaphore, #tpu.memory_space<semaphore_mem>>) attributes {dimension_semantics = [#tpu.dimension_semantics<core_parallel>, #tpu.dimension_semantics<subcore_parallel>], iteration_bounds = array<i64: 2, 16>, scalar_prefetch = 0 : i64, scratch_operands = 4 : i64, tpu.core_type = #tpu.core_type<sc_vector_subcore>, window_params = [{transform_indices = #map}, {transform_indices = #map1}, {transform_indices = #map2}, {transform_indices = #map2}]} {
    %mul3A = arith.constant 2 : i32
    %mul3A_0 = arith.muli %arg1, %mul3A : i32
    %add3A = arith.addi %mul3A_0, %arg0 : i32
    %mul3A_1 = arith.constant 5000 : i32
    %mul3A_2 = arith.muli %add3A, %mul3A_1 : i32
    %while3A = arith.constant 0 : i32
    %while3A_3 = arith.constant 0 : i32
    %while3A_4 = arith.constant 5 : i32
    %while3A_5 = arith.subi %while3A_4, %while3A_3 : i32
    %while3A_6 = arith.addi %while3A_3, %while3A_5 : i32
    %while3A_7 = arith.constant 1 : i32
    %while3A_8 = arith.divsi %while3A_5, %while3A_7 : i32
    %while3A_9 = arith.muli %while3A_8, %while3A_7 : i32
    %while3A_10 = arith.addi %while3A_3, %while3A_9 : i32
    %while3A_11 = arith.constant 1 : i32
    scf.for %while3A_13 = %while3A_3 to %while3A_10 step %while3A_11  : i32 {
      %mul3A_14 = arith.constant 1000 : i32
      %mul3A_15 = arith.muli %while3A_13, %mul3A_14 : i32
      %add3A_16 = arith.addi %mul3A_2, %mul3A_15 : i32
      "tpu.region"() ({
        %run_scoped3A = tpu.sem_alloc : memref<!tpu.dma_semaphore, #tpu.memory_space<semaphore_mem>>
        %dma_start3A_47 = tpu.memref_slice %arg3[%add3A_16] : memref<160000xi32, #tpu.memory_space<hbm>> -> memref<1000xi32, #tpu.memory_space<hbm>>
        %dma_start3A_48 = tpu.memref_slice %arg3[%add3A_16] : memref<160000xi32, #tpu.memory_space<hbm>> -> memref<1000xi32, #tpu.memory_space<hbm>>
        tpu.enqueue_dma source(%dma_start3A_48 : memref<1000xi32, #tpu.memory_space<hbm>>) target(%arg6 : memref<1000xi32, #tpu.memory_space<vmem>>) target_semaphore(%run_scoped3A : memref<!tpu.dma_semaphore, #tpu.memory_space<semaphore_mem>>)
        %dma_wait3A_49 = tpu.memref_slice %arg3[%add3A_16] : memref<160000xi32, #tpu.memory_space<hbm>> -> memref<1000xi32, #tpu.memory_space<hbm>>
        %dma_wait3A_50 = tpu.memref_slice %arg3[%add3A_16] : memref<160000xi32, #tpu.memory_space<hbm>> -> memref<1000xi32, #tpu.memory_space<hbm>>
        tpu.wait_dma2 semaphore(%run_scoped3A : memref<!tpu.dma_semaphore, #tpu.memory_space<semaphore_mem>>) src(%dma_wait3A_50 : memref<1000xi32, #tpu.memory_space<hbm>>) dst(%arg6 : memref<1000xi32, #tpu.memory_space<vmem>>)
        tpu.yield
      }) : () -> ()
      %dma_start3A = arith.constant 0 : i32
      %dma_start3A_17 = arith.constant 0 : i32
      %dma_start3A_18 = arith.constant 0 : i32
      %dma_start3A_19 = tpu.memref_slice %arg2[%dma_start3A, %dma_start3A_17, %dma_start3A_18] : memref<2x10000x32xf32, #tpu.memory_space<hbm>> -> memref<1x10000x32xf32, #tpu.memory_space<hbm>>
      %dma_start3A_20 = tpu.memref_squeeze %dma_start3A_19 : memref<1x10000x32xf32, #tpu.memory_space<hbm>> -> memref<10000x32xf32, #tpu.memory_space<hbm>>
      %dma_start3A_21 = arith.constant 0 : i32
      %dma_start3A_22 = arith.constant 0 : i32
      %dma_start3A_23 = tpu.memref_slice %dma_start3A_20[%dma_start3A_21, %dma_start3A_22] : memref<10000x32xf32, #tpu.memory_space<hbm>> -> memref<10000x32xf32, #tpu.memory_space<hbm>>
      tpu.enqueue_indirect_dma source(%dma_start3A_23 : memref<10000x32xf32, #tpu.memory_space<hbm>>) target(%arg7 : memref<1000x32xf32, #tpu.memory_space<vmem>>) offsets(%arg6 : memref<1000xi32, #tpu.memory_space<vmem>>) semaphore(%arg9 : memref<!tpu.dma_semaphore, #tpu.memory_space<semaphore_mem>>)
      %dma_start3A_24 = arith.constant 1 : i32
      %dma_start3A_25 = arith.constant 0 : i32
      %dma_start3A_26 = arith.constant 0 : i32
      %dma_start3A_27 = tpu.memref_slice %arg2[%dma_start3A_24, %dma_start3A_25, %dma_start3A_26] : memref<2x10000x32xf32, #tpu.memory_space<hbm>> -> memref<1x10000x32xf32, #tpu.memory_space<hbm>>
      %dma_start3A_28 = tpu.memref_squeeze %dma_start3A_27 : memref<1x10000x32xf32, #tpu.memory_space<hbm>> -> memref<10000x32xf32, #tpu.memory_space<hbm>>
      %dma_start3A_29 = arith.constant 0 : i32
      %dma_start3A_30 = arith.constant 0 : i32
      %dma_start3A_31 = tpu.memref_slice %dma_start3A_28[%dma_start3A_29, %dma_start3A_30] : memref<10000x32xf32, #tpu.memory_space<hbm>> -> memref<10000x32xf32, #tpu.memory_space<hbm>>
      tpu.enqueue_indirect_dma source(%dma_start3A_31 : memref<10000x32xf32, #tpu.memory_space<hbm>>) target(%arg8 : memref<1000x32xf32, #tpu.memory_space<vmem>>) offsets(%arg6 : memref<1000xi32, #tpu.memory_space<vmem>>) semaphore(%arg9 : memref<!tpu.dma_semaphore, #tpu.memory_space<semaphore_mem>>)
      %dma_wait3A = arith.constant 0 : i32
      %dma_wait3A_32 = arith.constant 0 : i32
      %dma_wait3A_33 = arith.constant 0 : i32
      %dma_wait3A_34 = tpu.memref_slice %arg2[%dma_wait3A, %dma_wait3A_32, %dma_wait3A_33] : memref<2x10000x32xf32, #tpu.memory_space<hbm>> -> memref<1x10000x32xf32, #tpu.memory_space<hbm>>
      %dma_wait3A_35 = tpu.memref_squeeze %dma_wait3A_34 : memref<1x10000x32xf32, #tpu.memory_space<hbm>> -> memref<10000x32xf32, #tpu.memory_space<hbm>>
      %dma_wait3A_36 = arith.constant 0 : i32
      %dma_wait3A_37 = arith.constant 0 : i32
      %dma_wait3A_38 = tpu.memref_slice %dma_wait3A_35[%dma_wait3A_36, %dma_wait3A_37] : memref<10000x32xf32, #tpu.memory_space<hbm>> -> memref<10000x32xf32, #tpu.memory_space<hbm>>
      tpu.wait_indirect_dma semaphore(%arg9 : memref<!tpu.dma_semaphore, #tpu.memory_space<semaphore_mem>>) src(%dma_wait3A_38 : memref<10000x32xf32, #tpu.memory_space<hbm>>) dst(%arg7 : memref<1000x32xf32, #tpu.memory_space<vmem>>)
      %dma_wait3A_39 = arith.constant 1 : i32
      %dma_wait3A_40 = arith.constant 0 : i32
      %dma_wait3A_41 = arith.constant 0 : i32
      %dma_wait3A_42 = tpu.memref_slice %arg2[%dma_wait3A_39, %dma_wait3A_40, %dma_wait3A_41] : memref<2x10000x32xf32, #tpu.memory_space<hbm>> -> memref<1x10000x32xf32, #tpu.memory_space<hbm>>
      %dma_wait3A_43 = tpu.memref_squeeze %dma_wait3A_42 : memref<1x10000x32xf32, #tpu.memory_space<hbm>> -> memref<10000x32xf32, #tpu.memory_space<hbm>>
      %dma_wait3A_44 = arith.constant 0 : i32
      %dma_wait3A_45 = arith.constant 0 : i32
      %dma_wait3A_46 = tpu.memref_slice %dma_wait3A_43[%dma_wait3A_44, %dma_wait3A_45] : memref<10000x32xf32, #tpu.memory_space<hbm>> -> memref<10000x32xf32, #tpu.memory_space<hbm>>
      tpu.wait_indirect_dma semaphore(%arg9 : memref<!tpu.dma_semaphore, #tpu.memory_space<semaphore_mem>>) src(%dma_wait3A_46 : memref<10000x32xf32, #tpu.memory_space<hbm>>) dst(%arg8 : memref<1000x32xf32, #tpu.memory_space<vmem>>)
      "tpu.region"() ({
        %run_scoped3A = tpu.sem_alloc : memref<!tpu.dma_semaphore, #tpu.memory_space<semaphore_mem>>
        %dma_start3A_47 = arith.constant 0 : i32
        %dma_start3A_48 = tpu.memref_slice %arg4[%add3A_16, %dma_start3A_47] : memref<160000x32xf32, #tpu.memory_space<hbm>> -> memref<1000x32xf32, #tpu.memory_space<hbm>>
        %dma_start3A_49 = arith.constant 0 : i32
        %dma_start3A_50 = tpu.memref_slice %arg4[%add3A_16, %dma_start3A_49] : memref<160000x32xf32, #tpu.memory_space<hbm>> -> memref<1000x32xf32, #tpu.memory_space<hbm>>
        tpu.enqueue_dma source(%arg7 : memref<1000x32xf32, #tpu.memory_space<vmem>>) target(%dma_start3A_50 : memref<1000x32xf32, #tpu.memory_space<hbm>>) target_semaphore(%run_scoped3A : memref<!tpu.dma_semaphore, #tpu.memory_space<semaphore_mem>>)
        %dma_wait3A_51 = arith.constant 0 : i32
        %dma_wait3A_52 = tpu.memref_slice %arg4[%add3A_16, %dma_wait3A_51] : memref<160000x32xf32, #tpu.memory_space<hbm>> -> memref<1000x32xf32, #tpu.memory_space<hbm>>
        %dma_wait3A_53 = arith.constant 0 : i32
        %dma_wait3A_54 = tpu.memref_slice %arg4[%add3A_16, %dma_wait3A_53] : memref<160000x32xf32, #tpu.memory_space<hbm>> -> memref<1000x32xf32, #tpu.memory_space<hbm>>
        tpu.wait_dma2 semaphore(%run_scoped3A : memref<!tpu.dma_semaphore, #tpu.memory_space<semaphore_mem>>) src(%arg7 : memref<1000x32xf32, #tpu.memory_space<vmem>>) dst(%dma_wait3A_54 : memref<1000x32xf32, #tpu.memory_space<hbm>>)
        tpu.yield
      }) : () -> ()
      "tpu.region"() ({
        %run_scoped3A = tpu.sem_alloc : memref<!tpu.dma_semaphore, #tpu.memory_space<semaphore_mem>>
        %dma_start3A_47 = arith.constant 0 : i32
        %dma_start3A_48 = tpu.memref_slice %arg5[%add3A_16, %dma_start3A_47] : memref<160000x32xf32, #tpu.memory_space<hbm>> -> memref<1000x32xf32, #tpu.memory_space<hbm>>
        %dma_start3A_49 = arith.constant 0 : i32
        %dma_start3A_50 = tpu.memref_slice %arg5[%add3A_16, %dma_start3A_49] : memref<160000x32xf32, #tpu.memory_space<hbm>> -> memref<1000x32xf32, #tpu.memory_space<hbm>>
        tpu.enqueue_dma source(%arg8 : memref<1000x32xf32, #tpu.memory_space<vmem>>) target(%dma_start3A_50 : memref<1000x32xf32, #tpu.memory_space<hbm>>) target_semaphore(%run_scoped3A : memref<!tpu.dma_semaphore, #tpu.memory_space<semaphore_mem>>)
        %dma_wait3A_51 = arith.constant 0 : i32
        %dma_wait3A_52 = tpu.memref_slice %arg5[%add3A_16, %dma_wait3A_51] : memref<160000x32xf32, #tpu.memory_space<hbm>> -> memref<1000x32xf32, #tpu.memory_space<hbm>>
        %dma_wait3A_53 = arith.constant 0 : i32
        %dma_wait3A_54 = tpu.memref_slice %arg5[%add3A_16, %dma_wait3A_53] : memref<160000x32xf32, #tpu.memory_space<hbm>> -> memref<1000x32xf32, #tpu.memory_space<hbm>>
        tpu.wait_dma2 semaphore(%run_scoped3A : memref<!tpu.dma_semaphore, #tpu.memory_space<semaphore_mem>>) src(%arg8 : memref<1000x32xf32, #tpu.memory_space<vmem>>) dst(%dma_wait3A_54 : memref<1000x32xf32, #tpu.memory_space<hbm>>)
        tpu.yield
      }) : () -> ()
    }
    %while3A_12 = arith.constant 1 : i32
    scf.for %while3A_13 = %while3A_10 to %while3A_6 step %while3A_12  : i32 {
      %mul3A_14 = arith.constant 1000 : i32
      %mul3A_15 = arith.muli %while3A_13, %mul3A_14 : i32
      %add3A_16 = arith.addi %mul3A_2, %mul3A_15 : i32
      "tpu.region"() ({
        %run_scoped3A = tpu.sem_alloc : memref<!tpu.dma_semaphore, #tpu.memory_space<semaphore_mem>>
        %dma_start3A_47 = tpu.memref_slice %arg3[%add3A_16] : memref<160000xi32, #tpu.memory_space<hbm>> -> memref<1000xi32, #tpu.memory_space<hbm>>
        %dma_start3A_48 = tpu.memref_slice %arg3[%add3A_16] : memref<160000xi32, #tpu.memory_space<hbm>> -> memref<1000xi32, #tpu.memory_space<hbm>>
        tpu.enqueue_dma source(%dma_start3A_48 : memref<1000xi32, #tpu.memory_space<hbm>>) target(%arg6 : memref<1000xi32, #tpu.memory_space<vmem>>) target_semaphore(%run_scoped3A : memref<!tpu.dma_semaphore, #tpu.memory_space<semaphore_mem>>)
        %dma_wait3A_49 = tpu.memref_slice %arg3[%add3A_16] : memref<160000xi32, #tpu.memory_space<hbm>> -> memref<1000xi32, #tpu.memory_space<hbm>>
        %dma_wait3A_50 = tpu.memref_slice %arg3[%add3A_16] : memref<160000xi32, #tpu.memory_space<hbm>> -> memref<1000xi32, #tpu.memory_space<hbm>>
        tpu.wait_dma2 semaphore(%run_scoped3A : memref<!tpu.dma_semaphore, #tpu.memory_space<semaphore_mem>>) src(%dma_wait3A_50 : memref<1000xi32, #tpu.memory_space<hbm>>) dst(%arg6 : memref<1000xi32, #tpu.memory_space<vmem>>)
        tpu.yield
      }) : () -> ()
      %dma_start3A = arith.constant 0 : i32
      %dma_start3A_17 = arith.constant 0 : i32
      %dma_start3A_18 = arith.constant 0 : i32
      %dma_start3A_19 = tpu.memref_slice %arg2[%dma_start3A, %dma_start3A_17, %dma_start3A_18] : memref<2x10000x32xf32, #tpu.memory_space<hbm>> -> memref<1x10000x32xf32, #tpu.memory_space<hbm>>
      %dma_start3A_20 = tpu.memref_squeeze %dma_start3A_19 : memref<1x10000x32xf32, #tpu.memory_space<hbm>> -> memref<10000x32xf32, #tpu.memory_space<hbm>>
      %dma_start3A_21 = arith.constant 0 : i32
      %dma_start3A_22 = arith.constant 0 : i32
      %dma_start3A_23 = tpu.memref_slice %dma_start3A_20[%dma_start3A_21, %dma_start3A_22] : memref<10000x32xf32, #tpu.memory_space<hbm>> -> memref<10000x32xf32, #tpu.memory_space<hbm>>
      tpu.enqueue_indirect_dma source(%dma_start3A_23 : memref<10000x32xf32, #tpu.memory_space<hbm>>) target(%arg7 : memref<1000x32xf32, #tpu.memory_space<vmem>>) offsets(%arg6 : memref<1000xi32, #tpu.memory_space<vmem>>) semaphore(%arg9 : memref<!tpu.dma_semaphore, #tpu.memory_space<semaphore_mem>>)
      %dma_start3A_24 = arith.constant 1 : i32
      %dma_start3A_25 = arith.constant 0 : i32
      %dma_start3A_26 = arith.constant 0 : i32
      %dma_start3A_27 = tpu.memref_slice %arg2[%dma_start3A_24, %dma_start3A_25, %dma_start3A_26] : memref<2x10000x32xf32, #tpu.memory_space<hbm>> -> memref<1x10000x32xf32, #tpu.memory_space<hbm>>
      %dma_start3A_28 = tpu.memref_squeeze %dma_start3A_27 : memref<1x10000x32xf32, #tpu.memory_space<hbm>> -> memref<10000x32xf32, #tpu.memory_space<hbm>>
      %dma_start3A_29 = arith.constant 0 : i32
      %dma_start3A_30 = arith.constant 0 : i32
      %dma_start3A_31 = tpu.memref_slice %dma_start3A_28[%dma_start3A_29, %dma_start3A_30] : memref<10000x32xf32, #tpu.memory_space<hbm>> -> memref<10000x32xf32, #tpu.memory_space<hbm>>
      tpu.enqueue_indirect_dma source(%dma_start3A_31 : memref<10000x32xf32, #tpu.memory_space<hbm>>) target(%arg8 : memref<1000x32xf32, #tpu.memory_space<vmem>>) offsets(%arg6 : memref<1000xi32, #tpu.memory_space<vmem>>) semaphore(%arg9 : memref<!tpu.dma_semaphore, #tpu.memory_space<semaphore_mem>>)
      %dma_wait3A = arith.constant 0 : i32
      %dma_wait3A_32 = arith.constant 0 : i32
      %dma_wait3A_33 = arith.constant 0 : i32
      %dma_wait3A_34 = tpu.memref_slice %arg2[%dma_wait3A, %dma_wait3A_32, %dma_wait3A_33] : memref<2x10000x32xf32, #tpu.memory_space<hbm>> -> memref<1x10000x32xf32, #tpu.memory_space<hbm>>
      %dma_wait3A_35 = tpu.memref_squeeze %dma_wait3A_34 : memref<1x10000x32xf32, #tpu.memory_space<hbm>> -> memref<10000x32xf32, #tpu.memory_space<hbm>>
      %dma_wait3A_36 = arith.constant 0 : i32
      %dma_wait3A_37 = arith.constant 0 : i32
      %dma_wait3A_38 = tpu.memref_slice %dma_wait3A_35[%dma_wait3A_36, %dma_wait3A_37] : memref<10000x32xf32, #tpu.memory_space<hbm>> -> memref<10000x32xf32, #tpu.memory_space<hbm>>
      tpu.wait_indirect_dma semaphore(%arg9 : memref<!tpu.dma_semaphore, #tpu.memory_space<semaphore_mem>>) src(%dma_wait3A_38 : memref<10000x32xf32, #tpu.memory_space<hbm>>) dst(%arg7 : memref<1000x32xf32, #tpu.memory_space<vmem>>)
      %dma_wait3A_39 = arith.constant 1 : i32
      %dma_wait3A_40 = arith.constant 0 : i32
      %dma_wait3A_41 = arith.constant 0 : i32
      %dma_wait3A_42 = tpu.memref_slice %arg2[%dma_wait3A_39, %dma_wait3A_40, %dma_wait3A_41] : memref<2x10000x32xf32, #tpu.memory_space<hbm>> -> memref<1x10000x32xf32, #tpu.memory_space<hbm>>
      %dma_wait3A_43 = tpu.memref_squeeze %dma_wait3A_42 : memref<1x10000x32xf32, #tpu.memory_space<hbm>> -> memref<10000x32xf32, #tpu.memory_space<hbm>>
      %dma_wait3A_44 = arith.constant 0 : i32
      %dma_wait3A_45 = arith.constant 0 : i32
      %dma_wait3A_46 = tpu.memref_slice %dma_wait3A_43[%dma_wait3A_44, %dma_wait3A_45] : memref<10000x32xf32, #tpu.memory_space<hbm>> -> memref<10000x32xf32, #tpu.memory_space<hbm>>
      tpu.wait_indirect_dma semaphore(%arg9 : memref<!tpu.dma_semaphore, #tpu.memory_space<semaphore_mem>>) src(%dma_wait3A_46 : memref<10000x32xf32, #tpu.memory_space<hbm>>) dst(%arg8 : memref<1000x32xf32, #tpu.memory_space<vmem>>)
      "tpu.region"() ({
        %run_scoped3A = tpu.sem_alloc : memref<!tpu.dma_semaphore, #tpu.memory_space<semaphore_mem>>
        %dma_start3A_47 = arith.constant 0 : i32
        %dma_start3A_48 = tpu.memref_slice %arg4[%add3A_16, %dma_start3A_47] : memref<160000x32xf32, #tpu.memory_space<hbm>> -> memref<1000x32xf32, #tpu.memory_space<hbm>>
        %dma_start3A_49 = arith.constant 0 : i32
        %dma_start3A_50 = tpu.memref_slice %arg4[%add3A_16, %dma_start3A_49] : memref<160000x32xf32, #tpu.memory_space<hbm>> -> memref<1000x32xf32, #tpu.memory_space<hbm>>
        tpu.enqueue_dma source(%arg7 : memref<1000x32xf32, #tpu.memory_space<vmem>>) target(%dma_start3A_50 : memref<1000x32xf32, #tpu.memory_space<hbm>>) target_semaphore(%run_scoped3A : memref<!tpu.dma_semaphore, #tpu.memory_space<semaphore_mem>>)
        %dma_wait3A_51 = arith.constant 0 : i32
        %dma_wait3A_52 = tpu.memref_slice %arg4[%add3A_16, %dma_wait3A_51] : memref<160000x32xf32, #tpu.memory_space<hbm>> -> memref<1000x32xf32, #tpu.memory_space<hbm>>
        %dma_wait3A_53 = arith.constant 0 : i32
        %dma_wait3A_54 = tpu.memref_slice %arg4[%add3A_16, %dma_wait3A_53] : memref<160000x32xf32, #tpu.memory_space<hbm>> -> memref<1000x32xf32, #tpu.memory_space<hbm>>
        tpu.wait_dma2 semaphore(%run_scoped3A : memref<!tpu.dma_semaphore, #tpu.memory_space<semaphore_mem>>) src(%arg7 : memref<1000x32xf32, #tpu.memory_space<vmem>>) dst(%dma_wait3A_54 : memref<1000x32xf32, #tpu.memory_space<hbm>>)
        tpu.yield
      }) : () -> ()
      "tpu.region"() ({
        %run_scoped3A = tpu.sem_alloc : memref<!tpu.dma_semaphore, #tpu.memory_space<semaphore_mem>>
        %dma_start3A_47 = arith.constant 0 : i32
        %dma_start3A_48 = tpu.memref_slice %arg5[%add3A_16, %dma_start3A_47] : memref<160000x32xf32, #tpu.memory_space<hbm>> -> memref<1000x32xf32, #tpu.memory_space<hbm>>
        %dma_start3A_49 = arith.constant 0 : i32
        %dma_start3A_50 = tpu.memref_slice %arg5[%add3A_16, %dma_start3A_49] : memref<160000x32xf32, #tpu.memory_space<hbm>> -> memref<1000x32xf32, #tpu.memory_space<hbm>>
        tpu.enqueue_dma source(%arg8 : memref<1000x32xf32, #tpu.memory_space<vmem>>) target(%dma_start3A_50 : memref<1000x32xf32, #tpu.memory_space<hbm>>) target_semaphore(%run_scoped3A : memref<!tpu.dma_semaphore, #tpu.memory_space<semaphore_mem>>)
        %dma_wait3A_51 = arith.constant 0 : i32
        %dma_wait3A_52 = tpu.memref_slice %arg5[%add3A_16, %dma_wait3A_51] : memref<160000x32xf32, #tpu.memory_space<hbm>> -> memref<1000x32xf32, #tpu.memory_space<hbm>>
        %dma_wait3A_53 = arith.constant 0 : i32
        %dma_wait3A_54 = tpu.memref_slice %arg5[%add3A_16, %dma_wait3A_53] : memref<160000x32xf32, #tpu.memory_space<hbm>> -> memref<1000x32xf32, #tpu.memory_space<hbm>>
        tpu.wait_dma2 semaphore(%run_scoped3A : memref<!tpu.dma_semaphore, #tpu.memory_space<semaphore_mem>>) src(%arg8 : memref<1000x32xf32, #tpu.memory_space<vmem>>) dst(%dma_wait3A_54 : memref<1000x32xf32, #tpu.memory_space<hbm>>)
        tpu.yield
      }) : () -> ()
    }
    return
  }
}

#map = affine_map<(d0, d1) -> (0, 0, 0)>
#map1 = affine_map<(d0, d1) -> (0, 0)>
#map2 = affine_map<(d0, d1) -> (0)>
module attributes {stable_mosaic.version = 14 : i64} {
  func.func @sc_scatter(%arg0: i32, %arg1: i32, %arg2: memref<2x10000x32xf32, #tpu.memory_space<hbm>>, %arg3: memref<160000x32xf32, #tpu.memory_space<hbm>>, %arg4: memref<160000xi32, #tpu.memory_space<hbm>>, %arg5: memref<2x10000x32xf32, #tpu.memory_space<hbm>>, %arg6: memref<1000xi32, #tpu.memory_space<vmem>>, %arg7: memref<1000x32xf32, #tpu.memory_space<vmem>>, %arg8: memref<10000x32xf32, #tpu.memory_space<vmem_shared>>) attributes {dimension_semantics = [#tpu.dimension_semantics<core_parallel>, #tpu.dimension_semantics<subcore_parallel>], iteration_bounds = array<i64: 2, 16>, scalar_prefetch = 0 : i64, scratch_operands = 3 : i64, tpu.core_type = #tpu.core_type<sc_vector_subcore>, window_params = [{transform_indices = #map}, {transform_indices = #map1}, {transform_indices = #map2}, {transform_indices = #map}]} {
    %mul3A = arith.constant 1000 : i32
    %mul3A_0 = arith.muli %arg1, %mul3A : i32
    %lt3A = arith.constant 10 : i32
    %lt3A_1 = arith.cmpi slt, %arg1, %lt3A : i32
    %convert_element_type3A = arith.extui %lt3A_1 : i1 to i32
    %cond3A = arith.constant 0 : i32
    %cond3A_2 = arith.cmpi ne, %convert_element_type3A, %cond3A : i32
    scf.if %cond3A_2 {
      "tpu.region"() ({
        %run_scoped3A = tpu.sem_alloc : memref<!tpu.dma_semaphore, #tpu.memory_space<semaphore_mem>>
        %dma_start3A = arith.constant 0 : i32
        %dma_start3A_23 = arith.constant 0 : i32
        %dma_start3A_24 = tpu.memref_slice %arg2[%arg0, %dma_start3A, %dma_start3A_23] : memref<2x10000x32xf32, #tpu.memory_space<hbm>> -> memref<1x10000x32xf32, #tpu.memory_space<hbm>>
        %dma_start3A_25 = tpu.memref_squeeze %dma_start3A_24 : memref<1x10000x32xf32, #tpu.memory_space<hbm>> -> memref<10000x32xf32, #tpu.memory_space<hbm>>
        %dma_start3A_26 = arith.constant 0 : i32
        %dma_start3A_27 = tpu.memref_slice %dma_start3A_25[%mul3A_0, %dma_start3A_26] : memref<10000x32xf32, #tpu.memory_space<hbm>> -> memref<1000x32xf32, #tpu.memory_space<hbm>>
        %dma_start3A_28 = arith.constant 0 : i32
        %dma_start3A_29 = arith.constant 0 : i32
        %dma_start3A_30 = tpu.memref_slice %arg2[%arg0, %dma_start3A_28, %dma_start3A_29] : memref<2x10000x32xf32, #tpu.memory_space<hbm>> -> memref<1x10000x32xf32, #tpu.memory_space<hbm>>
        %dma_start3A_31 = tpu.memref_squeeze %dma_start3A_30 : memref<1x10000x32xf32, #tpu.memory_space<hbm>> -> memref<10000x32xf32, #tpu.memory_space<hbm>>
        %dma_start3A_32 = arith.constant 0 : i32
        %dma_start3A_33 = tpu.memref_slice %dma_start3A_31[%mul3A_0, %dma_start3A_32] : memref<10000x32xf32, #tpu.memory_space<hbm>> -> memref<1000x32xf32, #tpu.memory_space<hbm>>
        tpu.enqueue_dma source(%dma_start3A_33 : memref<1000x32xf32, #tpu.memory_space<hbm>>) target(%arg7 : memref<1000x32xf32, #tpu.memory_space<vmem>>) target_semaphore(%run_scoped3A : memref<!tpu.dma_semaphore, #tpu.memory_space<semaphore_mem>>)
        %dma_wait3A = arith.constant 0 : i32
        %dma_wait3A_34 = arith.constant 0 : i32
        %dma_wait3A_35 = tpu.memref_slice %arg2[%arg0, %dma_wait3A, %dma_wait3A_34] : memref<2x10000x32xf32, #tpu.memory_space<hbm>> -> memref<1x10000x32xf32, #tpu.memory_space<hbm>>
        %dma_wait3A_36 = tpu.memref_squeeze %dma_wait3A_35 : memref<1x10000x32xf32, #tpu.memory_space<hbm>> -> memref<10000x32xf32, #tpu.memory_space<hbm>>
        %dma_wait3A_37 = arith.constant 0 : i32
        %dma_wait3A_38 = tpu.memref_slice %dma_wait3A_36[%mul3A_0, %dma_wait3A_37] : memref<10000x32xf32, #tpu.memory_space<hbm>> -> memref<1000x32xf32, #tpu.memory_space<hbm>>
        %dma_wait3A_39 = arith.constant 0 : i32
        %dma_wait3A_40 = arith.constant 0 : i32
        %dma_wait3A_41 = tpu.memref_slice %arg2[%arg0, %dma_wait3A_39, %dma_wait3A_40] : memref<2x10000x32xf32, #tpu.memory_space<hbm>> -> memref<1x10000x32xf32, #tpu.memory_space<hbm>>
        %dma_wait3A_42 = tpu.memref_squeeze %dma_wait3A_41 : memref<1x10000x32xf32, #tpu.memory_space<hbm>> -> memref<10000x32xf32, #tpu.memory_space<hbm>>
        %dma_wait3A_43 = arith.constant 0 : i32
        %dma_wait3A_44 = tpu.memref_slice %dma_wait3A_42[%mul3A_0, %dma_wait3A_43] : memref<10000x32xf32, #tpu.memory_space<hbm>> -> memref<1000x32xf32, #tpu.memory_space<hbm>>
        tpu.wait_dma2 semaphore(%run_scoped3A : memref<!tpu.dma_semaphore, #tpu.memory_space<semaphore_mem>>) src(%dma_wait3A_44 : memref<1000x32xf32, #tpu.memory_space<hbm>>) dst(%arg7 : memref<1000x32xf32, #tpu.memory_space<vmem>>)
        tpu.yield
      }) : () -> ()
      "tpu.region"() ({
        %run_scoped3A = tpu.sem_alloc : memref<!tpu.dma_semaphore, #tpu.memory_space<semaphore_mem>>
        %dma_start3A = arith.constant 0 : i32
        %dma_start3A_23 = tpu.memref_slice %arg8[%mul3A_0, %dma_start3A] : memref<10000x32xf32, #tpu.memory_space<vmem_shared>> -> memref<1000x32xf32, #tpu.memory_space<vmem_shared>>
        %dma_start3A_24 = arith.constant 0 : i32
        %dma_start3A_25 = tpu.memref_slice %arg8[%mul3A_0, %dma_start3A_24] : memref<10000x32xf32, #tpu.memory_space<vmem_shared>> -> memref<1000x32xf32, #tpu.memory_space<vmem_shared>>
        tpu.enqueue_dma source(%arg7 : memref<1000x32xf32, #tpu.memory_space<vmem>>) target(%dma_start3A_25 : memref<1000x32xf32, #tpu.memory_space<vmem_shared>>) target_semaphore(%run_scoped3A : memref<!tpu.dma_semaphore, #tpu.memory_space<semaphore_mem>>)
        %dma_wait3A = arith.constant 0 : i32
        %dma_wait3A_26 = tpu.memref_slice %arg8[%mul3A_0, %dma_wait3A] : memref<10000x32xf32, #tpu.memory_space<vmem_shared>> -> memref<1000x32xf32, #tpu.memory_space<vmem_shared>>
        %dma_wait3A_27 = arith.constant 0 : i32
        %dma_wait3A_28 = tpu.memref_slice %arg8[%mul3A_0, %dma_wait3A_27] : memref<10000x32xf32, #tpu.memory_space<vmem_shared>> -> memref<1000x32xf32, #tpu.memory_space<vmem_shared>>
        tpu.wait_dma2 semaphore(%run_scoped3A : memref<!tpu.dma_semaphore, #tpu.memory_space<semaphore_mem>>) src(%arg7 : memref<1000x32xf32, #tpu.memory_space<vmem>>) dst(%dma_wait3A_28 : memref<1000x32xf32, #tpu.memory_space<vmem_shared>>)
        tpu.yield
      }) : () -> ()
    } else {
    }
    %barrier3A = arith.constant 0 : index
    tpu.barrier barrier_id(%barrier3A)
    %mul3A_3 = arith.constant 2 : i32
    %mul3A_4 = arith.muli %arg1, %mul3A_3 : i32
    %add3A = arith.addi %mul3A_4, %arg0 : i32
    %mul3A_5 = arith.constant 5000 : i32
    %mul3A_6 = arith.muli %add3A, %mul3A_5 : i32
    %while3A = arith.constant 0 : i32
    %while3A_7 = arith.constant 0 : i32
    %while3A_8 = arith.constant 5 : i32
    %while3A_9 = arith.subi %while3A_8, %while3A_7 : i32
    %while3A_10 = arith.addi %while3A_7, %while3A_9 : i32
    %while3A_11 = arith.constant 1 : i32
    %while3A_12 = arith.divsi %while3A_9, %while3A_11 : i32
    %while3A_13 = arith.muli %while3A_12, %while3A_11 : i32
    %while3A_14 = arith.addi %while3A_7, %while3A_13 : i32
    %while3A_15 = arith.constant 1 : i32
    scf.for %while3A_23 = %while3A_7 to %while3A_14 step %while3A_15  : i32 {
      %mul3A_24 = arith.constant 1000 : i32
      %mul3A_25 = arith.muli %while3A_23, %mul3A_24 : i32
      %add3A_26 = arith.addi %mul3A_6, %mul3A_25 : i32
      "tpu.region"() ({
        %run_scoped3A = tpu.sem_alloc : memref<!tpu.dma_semaphore, #tpu.memory_space<semaphore_mem>>
        %dma_start3A = tpu.memref_slice %arg4[%add3A_26] : memref<160000xi32, #tpu.memory_space<hbm>> -> memref<1000xi32, #tpu.memory_space<hbm>>
        %dma_start3A_27 = tpu.memref_slice %arg4[%add3A_26] : memref<160000xi32, #tpu.memory_space<hbm>> -> memref<1000xi32, #tpu.memory_space<hbm>>
        tpu.enqueue_dma source(%dma_start3A_27 : memref<1000xi32, #tpu.memory_space<hbm>>) target(%arg6 : memref<1000xi32, #tpu.memory_space<vmem>>) target_semaphore(%run_scoped3A : memref<!tpu.dma_semaphore, #tpu.memory_space<semaphore_mem>>)
        %dma_wait3A = tpu.memref_slice %arg4[%add3A_26] : memref<160000xi32, #tpu.memory_space<hbm>> -> memref<1000xi32, #tpu.memory_space<hbm>>
        %dma_wait3A_28 = tpu.memref_slice %arg4[%add3A_26] : memref<160000xi32, #tpu.memory_space<hbm>> -> memref<1000xi32, #tpu.memory_space<hbm>>
        tpu.wait_dma2 semaphore(%run_scoped3A : memref<!tpu.dma_semaphore, #tpu.memory_space<semaphore_mem>>) src(%dma_wait3A_28 : memref<1000xi32, #tpu.memory_space<hbm>>) dst(%arg6 : memref<1000xi32, #tpu.memory_space<vmem>>)
        tpu.yield
      }) : () -> ()
      "tpu.region"() ({
        %run_scoped3A = tpu.sem_alloc : memref<!tpu.dma_semaphore, #tpu.memory_space<semaphore_mem>>
        %dma_start3A = arith.constant 0 : i32
        %dma_start3A_27 = tpu.memref_slice %arg3[%add3A_26, %dma_start3A] : memref<160000x32xf32, #tpu.memory_space<hbm>> -> memref<1000x32xf32, #tpu.memory_space<hbm>>
        %dma_start3A_28 = arith.constant 0 : i32
        %dma_start3A_29 = tpu.memref_slice %arg3[%add3A_26, %dma_start3A_28] : memref<160000x32xf32, #tpu.memory_space<hbm>> -> memref<1000x32xf32, #tpu.memory_space<hbm>>
        tpu.enqueue_dma source(%dma_start3A_29 : memref<1000x32xf32, #tpu.memory_space<hbm>>) target(%arg7 : memref<1000x32xf32, #tpu.memory_space<vmem>>) target_semaphore(%run_scoped3A : memref<!tpu.dma_semaphore, #tpu.memory_space<semaphore_mem>>)
        %dma_wait3A = arith.constant 0 : i32
        %dma_wait3A_30 = tpu.memref_slice %arg3[%add3A_26, %dma_wait3A] : memref<160000x32xf32, #tpu.memory_space<hbm>> -> memref<1000x32xf32, #tpu.memory_space<hbm>>
        %dma_wait3A_31 = arith.constant 0 : i32
        %dma_wait3A_32 = tpu.memref_slice %arg3[%add3A_26, %dma_wait3A_31] : memref<160000x32xf32, #tpu.memory_space<hbm>> -> memref<1000x32xf32, #tpu.memory_space<hbm>>
        tpu.wait_dma2 semaphore(%run_scoped3A : memref<!tpu.dma_semaphore, #tpu.memory_space<semaphore_mem>>) src(%dma_wait3A_32 : memref<1000x32xf32, #tpu.memory_space<hbm>>) dst(%arg7 : memref<1000x32xf32, #tpu.memory_space<vmem>>)
        tpu.yield
      }) : () -> ()
      "tpu.region"() ({
        %run_scoped3A = tpu.sem_alloc : memref<!tpu.dma_semaphore, #tpu.memory_space<semaphore_mem>>
        %dma_start3A = arith.constant 0 : i32
        %dma_start3A_27 = arith.constant 0 : i32
        %dma_start3A_28 = tpu.memref_slice %arg8[%dma_start3A, %dma_start3A_27] : memref<10000x32xf32, #tpu.memory_space<vmem_shared>> -> memref<10000x32xf32, #tpu.memory_space<vmem_shared>>
        tpu.enqueue_indirect_dma source(%arg7 : memref<1000x32xf32, #tpu.memory_space<vmem>>) target(%dma_start3A_28 : memref<10000x32xf32, #tpu.memory_space<vmem_shared>>) offsets(%arg6 : memref<1000xi32, #tpu.memory_space<vmem>>) semaphore(%run_scoped3A : memref<!tpu.dma_semaphore, #tpu.memory_space<semaphore_mem>>) {add = true}
        %dma_wait3A = arith.constant 0 : i32
        %dma_wait3A_29 = arith.constant 0 : i32
        %dma_wait3A_30 = tpu.memref_slice %arg8[%dma_wait3A, %dma_wait3A_29] : memref<10000x32xf32, #tpu.memory_space<vmem_shared>> -> memref<10000x32xf32, #tpu.memory_space<vmem_shared>>
        tpu.wait_indirect_dma semaphore(%run_scoped3A : memref<!tpu.dma_semaphore, #tpu.memory_space<semaphore_mem>>) src(%arg7 : memref<1000x32xf32, #tpu.memory_space<vmem>>) dst(%dma_wait3A_30 : memref<10000x32xf32, #tpu.memory_space<vmem_shared>>)
        tpu.yield
      }) : () -> ()
    }
    %while3A_16 = arith.constant 1 : i32
    scf.for %while3A_23 = %while3A_14 to %while3A_10 step %while3A_16  : i32 {
      %mul3A_24 = arith.constant 1000 : i32
      %mul3A_25 = arith.muli %while3A_23, %mul3A_24 : i32
      %add3A_26 = arith.addi %mul3A_6, %mul3A_25 : i32
      "tpu.region"() ({
        %run_scoped3A = tpu.sem_alloc : memref<!tpu.dma_semaphore, #tpu.memory_space<semaphore_mem>>
        %dma_start3A = tpu.memref_slice %arg4[%add3A_26] : memref<160000xi32, #tpu.memory_space<hbm>> -> memref<1000xi32, #tpu.memory_space<hbm>>
        %dma_start3A_27 = tpu.memref_slice %arg4[%add3A_26] : memref<160000xi32, #tpu.memory_space<hbm>> -> memref<1000xi32, #tpu.memory_space<hbm>>
        tpu.enqueue_dma source(%dma_start3A_27 : memref<1000xi32, #tpu.memory_space<hbm>>) target(%arg6 : memref<1000xi32, #tpu.memory_space<vmem>>) target_semaphore(%run_scoped3A : memref<!tpu.dma_semaphore, #tpu.memory_space<semaphore_mem>>)
        %dma_wait3A = tpu.memref_slice %arg4[%add3A_26] : memref<160000xi32, #tpu.memory_space<hbm>> -> memref<1000xi32, #tpu.memory_space<hbm>>
        %dma_wait3A_28 = tpu.memref_slice %arg4[%add3A_26] : memref<160000xi32, #tpu.memory_space<hbm>> -> memref<1000xi32, #tpu.memory_space<hbm>>
        tpu.wait_dma2 semaphore(%run_scoped3A : memref<!tpu.dma_semaphore, #tpu.memory_space<semaphore_mem>>) src(%dma_wait3A_28 : memref<1000xi32, #tpu.memory_space<hbm>>) dst(%arg6 : memref<1000xi32, #tpu.memory_space<vmem>>)
        tpu.yield
      }) : () -> ()
      "tpu.region"() ({
        %run_scoped3A = tpu.sem_alloc : memref<!tpu.dma_semaphore, #tpu.memory_space<semaphore_mem>>
        %dma_start3A = arith.constant 0 : i32
        %dma_start3A_27 = tpu.memref_slice %arg3[%add3A_26, %dma_start3A] : memref<160000x32xf32, #tpu.memory_space<hbm>> -> memref<1000x32xf32, #tpu.memory_space<hbm>>
        %dma_start3A_28 = arith.constant 0 : i32
        %dma_start3A_29 = tpu.memref_slice %arg3[%add3A_26, %dma_start3A_28] : memref<160000x32xf32, #tpu.memory_space<hbm>> -> memref<1000x32xf32, #tpu.memory_space<hbm>>
        tpu.enqueue_dma source(%dma_start3A_29 : memref<1000x32xf32, #tpu.memory_space<hbm>>) target(%arg7 : memref<1000x32xf32, #tpu.memory_space<vmem>>) target_semaphore(%run_scoped3A : memref<!tpu.dma_semaphore, #tpu.memory_space<semaphore_mem>>)
        %dma_wait3A = arith.constant 0 : i32
        %dma_wait3A_30 = tpu.memref_slice %arg3[%add3A_26, %dma_wait3A] : memref<160000x32xf32, #tpu.memory_space<hbm>> -> memref<1000x32xf32, #tpu.memory_space<hbm>>
        %dma_wait3A_31 = arith.constant 0 : i32
        %dma_wait3A_32 = tpu.memref_slice %arg3[%add3A_26, %dma_wait3A_31] : memref<160000x32xf32, #tpu.memory_space<hbm>> -> memref<1000x32xf32, #tpu.memory_space<hbm>>
        tpu.wait_dma2 semaphore(%run_scoped3A : memref<!tpu.dma_semaphore, #tpu.memory_space<semaphore_mem>>) src(%dma_wait3A_32 : memref<1000x32xf32, #tpu.memory_space<hbm>>) dst(%arg7 : memref<1000x32xf32, #tpu.memory_space<vmem>>)
        tpu.yield
      }) : () -> ()
      "tpu.region"() ({
        %run_scoped3A = tpu.sem_alloc : memref<!tpu.dma_semaphore, #tpu.memory_space<semaphore_mem>>
        %dma_start3A = arith.constant 0 : i32
        %dma_start3A_27 = arith.constant 0 : i32
        %dma_start3A_28 = tpu.memref_slice %arg8[%dma_start3A, %dma_start3A_27] : memref<10000x32xf32, #tpu.memory_space<vmem_shared>> -> memref<10000x32xf32, #tpu.memory_space<vmem_shared>>
        tpu.enqueue_indirect_dma source(%arg7 : memref<1000x32xf32, #tpu.memory_space<vmem>>) target(%dma_start3A_28 : memref<10000x32xf32, #tpu.memory_space<vmem_shared>>) offsets(%arg6 : memref<1000xi32, #tpu.memory_space<vmem>>) semaphore(%run_scoped3A : memref<!tpu.dma_semaphore, #tpu.memory_space<semaphore_mem>>) {add = true}
        %dma_wait3A = arith.constant 0 : i32
        %dma_wait3A_29 = arith.constant 0 : i32
        %dma_wait3A_30 = tpu.memref_slice %arg8[%dma_wait3A, %dma_wait3A_29] : memref<10000x32xf32, #tpu.memory_space<vmem_shared>> -> memref<10000x32xf32, #tpu.memory_space<vmem_shared>>
        tpu.wait_indirect_dma semaphore(%run_scoped3A : memref<!tpu.dma_semaphore, #tpu.memory_space<semaphore_mem>>) src(%arg7 : memref<1000x32xf32, #tpu.memory_space<vmem>>) dst(%dma_wait3A_30 : memref<10000x32xf32, #tpu.memory_space<vmem_shared>>)
        tpu.yield
      }) : () -> ()
    }
    %barrier3A_17 = arith.constant 0 : index
    tpu.barrier barrier_id(%barrier3A_17)
    %lt3A_18 = arith.constant 10 : i32
    %lt3A_19 = arith.cmpi slt, %arg1, %lt3A_18 : i32
    %convert_element_type3A_20 = arith.extui %lt3A_19 : i1 to i32
    %cond3A_21 = arith.constant 0 : i32
    %cond3A_22 = arith.cmpi ne, %convert_element_type3A_20, %cond3A_21 : i32
    scf.if %cond3A_22 {
      "tpu.region"() ({
        %run_scoped3A = tpu.sem_alloc : memref<!tpu.dma_semaphore, #tpu.memory_space<semaphore_mem>>
        %dma_start3A = arith.constant 0 : i32
        %dma_start3A_23 = tpu.memref_slice %arg8[%mul3A_0, %dma_start3A] : memref<10000x32xf32, #tpu.memory_space<vmem_shared>> -> memref<1000x32xf32, #tpu.memory_space<vmem_shared>>
        %dma_start3A_24 = arith.constant 0 : i32
        %dma_start3A_25 = tpu.memref_slice %arg8[%mul3A_0, %dma_start3A_24] : memref<10000x32xf32, #tpu.memory_space<vmem_shared>> -> memref<1000x32xf32, #tpu.memory_space<vmem_shared>>
        tpu.enqueue_dma source(%dma_start3A_25 : memref<1000x32xf32, #tpu.memory_space<vmem_shared>>) target(%arg7 : memref<1000x32xf32, #tpu.memory_space<vmem>>) target_semaphore(%run_scoped3A : memref<!tpu.dma_semaphore, #tpu.memory_space<semaphore_mem>>)
        %dma_wait3A = arith.constant 0 : i32
        %dma_wait3A_26 = tpu.memref_slice %arg8[%mul3A_0, %dma_wait3A] : memref<10000x32xf32, #tpu.memory_space<vmem_shared>> -> memref<1000x32xf32, #tpu.memory_space<vmem_shared>>
        %dma_wait3A_27 = arith.constant 0 : i32
        %dma_wait3A_28 = tpu.memref_slice %arg8[%mul3A_0, %dma_wait3A_27] : memref<10000x32xf32, #tpu.memory_space<vmem_shared>> -> memref<1000x32xf32, #tpu.memory_space<vmem_shared>>
        tpu.wait_dma2 semaphore(%run_scoped3A : memref<!tpu.dma_semaphore, #tpu.memory_space<semaphore_mem>>) src(%dma_wait3A_28 : memref<1000x32xf32, #tpu.memory_space<vmem_shared>>) dst(%arg7 : memref<1000x32xf32, #tpu.memory_space<vmem>>)
        tpu.yield
      }) : () -> ()
      "tpu.region"() ({
        %run_scoped3A = tpu.sem_alloc : memref<!tpu.dma_semaphore, #tpu.memory_space<semaphore_mem>>
        %dma_start3A = arith.constant 0 : i32
        %dma_start3A_23 = arith.constant 0 : i32
        %dma_start3A_24 = tpu.memref_slice %arg5[%arg0, %dma_start3A, %dma_start3A_23] : memref<2x10000x32xf32, #tpu.memory_space<hbm>> -> memref<1x10000x32xf32, #tpu.memory_space<hbm>>
        %dma_start3A_25 = tpu.memref_squeeze %dma_start3A_24 : memref<1x10000x32xf32, #tpu.memory_space<hbm>> -> memref<10000x32xf32, #tpu.memory_space<hbm>>
        %dma_start3A_26 = arith.constant 0 : i32
        %dma_start3A_27 = tpu.memref_slice %dma_start3A_25[%mul3A_0, %dma_start3A_26] : memref<10000x32xf32, #tpu.memory_space<hbm>> -> memref<1000x32xf32, #tpu.memory_space<hbm>>
        %dma_start3A_28 = arith.constant 0 : i32
        %dma_start3A_29 = arith.constant 0 : i32
        %dma_start3A_30 = tpu.memref_slice %arg5[%arg0, %dma_start3A_28, %dma_start3A_29] : memref<2x10000x32xf32, #tpu.memory_space<hbm>> -> memref<1x10000x32xf32, #tpu.memory_space<hbm>>
        %dma_start3A_31 = tpu.memref_squeeze %dma_start3A_30 : memref<1x10000x32xf32, #tpu.memory_space<hbm>> -> memref<10000x32xf32, #tpu.memory_space<hbm>>
        %dma_start3A_32 = arith.constant 0 : i32
        %dma_start3A_33 = tpu.memref_slice %dma_start3A_31[%mul3A_0, %dma_start3A_32] : memref<10000x32xf32, #tpu.memory_space<hbm>> -> memref<1000x32xf32, #tpu.memory_space<hbm>>
        tpu.enqueue_dma source(%arg7 : memref<1000x32xf32, #tpu.memory_space<vmem>>) target(%dma_start3A_33 : memref<1000x32xf32, #tpu.memory_space<hbm>>) target_semaphore(%run_scoped3A : memref<!tpu.dma_semaphore, #tpu.memory_space<semaphore_mem>>)
        %dma_wait3A = arith.constant 0 : i32
        %dma_wait3A_34 = arith.constant 0 : i32
        %dma_wait3A_35 = tpu.memref_slice %arg5[%arg0, %dma_wait3A, %dma_wait3A_34] : memref<2x10000x32xf32, #tpu.memory_space<hbm>> -> memref<1x10000x32xf32, #tpu.memory_space<hbm>>
        %dma_wait3A_36 = tpu.memref_squeeze %dma_wait3A_35 : memref<1x10000x32xf32, #tpu.memory_space<hbm>> -> memref<10000x32xf32, #tpu.memory_space<hbm>>
        %dma_wait3A_37 = arith.constant 0 : i32
        %dma_wait3A_38 = tpu.memref_slice %dma_wait3A_36[%mul3A_0, %dma_wait3A_37] : memref<10000x32xf32, #tpu.memory_space<hbm>> -> memref<1000x32xf32, #tpu.memory_space<hbm>>
        %dma_wait3A_39 = arith.constant 0 : i32
        %dma_wait3A_40 = arith.constant 0 : i32
        %dma_wait3A_41 = tpu.memref_slice %arg5[%arg0, %dma_wait3A_39, %dma_wait3A_40] : memref<2x10000x32xf32, #tpu.memory_space<hbm>> -> memref<1x10000x32xf32, #tpu.memory_space<hbm>>
        %dma_wait3A_42 = tpu.memref_squeeze %dma_wait3A_41 : memref<1x10000x32xf32, #tpu.memory_space<hbm>> -> memref<10000x32xf32, #tpu.memory_space<hbm>>
        %dma_wait3A_43 = arith.constant 0 : i32
        %dma_wait3A_44 = tpu.memref_slice %dma_wait3A_42[%mul3A_0, %dma_wait3A_43] : memref<10000x32xf32, #tpu.memory_space<hbm>> -> memref<1000x32xf32, #tpu.memory_space<hbm>>
        tpu.wait_dma2 semaphore(%run_scoped3A : memref<!tpu.dma_semaphore, #tpu.memory_space<semaphore_mem>>) src(%arg7 : memref<1000x32xf32, #tpu.memory_space<vmem>>) dst(%dma_wait3A_44 : memref<1000x32xf32, #tpu.memory_space<hbm>>)
        tpu.yield
      }) : () -> ()
    } else {
    }
    return
  }
}

#map = affine_map<(d0, d1) -> (0, 0, 0)>
#map1 = affine_map<(d0, d1) -> (0)>
#map2 = affine_map<(d0, d1) -> (0, 0)>
module attributes {stable_mosaic.version = 14 : i64} {
  func.func @sc_gather(%arg0: i32, %arg1: i32, %arg2: memref<2x10000x32xf32, #tpu.memory_space<hbm>>, %arg3: memref<160000xi32, #tpu.memory_space<hbm>>, %arg4: memref<160000x32xf32, #tpu.memory_space<hbm>>, %arg5: memref<160000x32xf32, #tpu.memory_space<hbm>>, %arg6: memref<1000xi32, #tpu.memory_space<vmem>>, %arg7: memref<1000x32xf32, #tpu.memory_space<vmem>>, %arg8: memref<1000x32xf32, #tpu.memory_space<vmem>>, %arg9: memref<!tpu.dma_semaphore, #tpu.memory_space<semaphore_mem>>) attributes {dimension_semantics = [#tpu.dimension_semantics<core_parallel>, #tpu.dimension_semantics<subcore_parallel>], iteration_bounds = array<i64: 2, 16>, scalar_prefetch = 0 : i64, scratch_operands = 4 : i64, tpu.core_type = #tpu.core_type<sc_vector_subcore>, window_params = [{transform_indices = #map}, {transform_indices = #map1}, {transform_indices = #map2}, {transform_indices = #map2}]} {
    %mul3A = arith.constant 2 : i32
    %mul3A_0 = arith.muli %arg1, %mul3A : i32
    %add3A = arith.addi %mul3A_0, %arg0 : i32
    %mul3A_1 = arith.constant 5000 : i32
    %mul3A_2 = arith.muli %add3A, %mul3A_1 : i32
    %while3A = arith.constant 0 : i32
    %while3A_3 = arith.constant 0 : i32
    %while3A_4 = arith.constant 5 : i32
    %while3A_5 = arith.subi %while3A_4, %while3A_3 : i32
    %while3A_6 = arith.addi %while3A_3, %while3A_5 : i32
    %while3A_7 = arith.constant 1 : i32
    %while3A_8 = arith.divsi %while3A_5, %while3A_7 : i32
    %while3A_9 = arith.muli %while3A_8, %while3A_7 : i32
    %while3A_10 = arith.addi %while3A_3, %while3A_9 : i32
    %while3A_11 = arith.constant 1 : i32
    scf.for %while3A_13 = %while3A_3 to %while3A_10 step %while3A_11  : i32 {
      %mul3A_14 = arith.constant 1000 : i32
      %mul3A_15 = arith.muli %while3A_13, %mul3A_14 : i32
      %add3A_16 = arith.addi %mul3A_2, %mul3A_15 : i32
      "tpu.region"() ({
        %run_scoped3A = tpu.sem_alloc : memref<!tpu.dma_semaphore, #tpu.memory_space<semaphore_mem>>
        %dma_start3A_47 = tpu.memref_slice %arg3[%add3A_16] : memref<160000xi32, #tpu.memory_space<hbm>> -> memref<1000xi32, #tpu.memory_space<hbm>>
        %dma_start3A_48 = tpu.memref_slice %arg3[%add3A_16] : memref<160000xi32, #tpu.memory_space<hbm>> -> memref<1000xi32, #tpu.memory_space<hbm>>
        tpu.enqueue_dma source(%dma_start3A_48 : memref<1000xi32, #tpu.memory_space<hbm>>) target(%arg6 : memref<1000xi32, #tpu.memory_space<vmem>>) target_semaphore(%run_scoped3A : memref<!tpu.dma_semaphore, #tpu.memory_space<semaphore_mem>>)
        %dma_wait3A_49 = tpu.memref_slice %arg3[%add3A_16] : memref<160000xi32, #tpu.memory_space<hbm>> -> memref<1000xi32, #tpu.memory_space<hbm>>
        %dma_wait3A_50 = tpu.memref_slice %arg3[%add3A_16] : memref<160000xi32, #tpu.memory_space<hbm>> -> memref<1000xi32, #tpu.memory_space<hbm>>
        tpu.wait_dma2 semaphore(%run_scoped3A : memref<!tpu.dma_semaphore, #tpu.memory_space<semaphore_mem>>) src(%dma_wait3A_50 : memref<1000xi32, #tpu.memory_space<hbm>>) dst(%arg6 : memref<1000xi32, #tpu.memory_space<vmem>>)
        tpu.yield
      }) : () -> ()
      %dma_start3A = arith.constant 0 : i32
      %dma_start3A_17 = arith.constant 0 : i32
      %dma_start3A_18 = arith.constant 0 : i32
      %dma_start3A_19 = tpu.memref_slice %arg2[%dma_start3A, %dma_start3A_17, %dma_start3A_18] : memref<2x10000x32xf32, #tpu.memory_space<hbm>> -> memref<1x10000x32xf32, #tpu.memory_space<hbm>>
      %dma_start3A_20 = tpu.memref_squeeze %dma_start3A_19 : memref<1x10000x32xf32, #tpu.memory_space<hbm>> -> memref<10000x32xf32, #tpu.memory_space<hbm>>
      %dma_start3A_21 = arith.constant 0 : i32
      %dma_start3A_22 = arith.constant 0 : i32
      %dma_start3A_23 = tpu.memref_slice %dma_start3A_20[%dma_start3A_21, %dma_start3A_22] : memref<10000x32xf32, #tpu.memory_space<hbm>> -> memref<10000x32xf32, #tpu.memory_space<hbm>>
      tpu.enqueue_indirect_dma source(%dma_start3A_23 : memref<10000x32xf32, #tpu.memory_space<hbm>>) target(%arg7 : memref<1000x32xf32, #tpu.memory_space<vmem>>) offsets(%arg6 : memref<1000xi32, #tpu.memory_space<vmem>>) semaphore(%arg9 : memref<!tpu.dma_semaphore, #tpu.memory_space<semaphore_mem>>)
      %dma_start3A_24 = arith.constant 1 : i32
      %dma_start3A_25 = arith.constant 0 : i32
      %dma_start3A_26 = arith.constant 0 : i32
      %dma_start3A_27 = tpu.memref_slice %arg2[%dma_start3A_24, %dma_start3A_25, %dma_start3A_26] : memref<2x10000x32xf32, #tpu.memory_space<hbm>> -> memref<1x10000x32xf32, #tpu.memory_space<hbm>>
      %dma_start3A_28 = tpu.memref_squeeze %dma_start3A_27 : memref<1x10000x32xf32, #tpu.memory_space<hbm>> -> memref<10000x32xf32, #tpu.memory_space<hbm>>
      %dma_start3A_29 = arith.constant 0 : i32
      %dma_start3A_30 = arith.constant 0 : i32
      %dma_start3A_31 = tpu.memref_slice %dma_start3A_28[%dma_start3A_29, %dma_start3A_30] : memref<10000x32xf32, #tpu.memory_space<hbm>> -> memref<10000x32xf32, #tpu.memory_space<hbm>>
      tpu.enqueue_indirect_dma source(%dma_start3A_31 : memref<10000x32xf32, #tpu.memory_space<hbm>>) target(%arg8 : memref<1000x32xf32, #tpu.memory_space<vmem>>) offsets(%arg6 : memref<1000xi32, #tpu.memory_space<vmem>>) semaphore(%arg9 : memref<!tpu.dma_semaphore, #tpu.memory_space<semaphore_mem>>)
      %dma_wait3A = arith.constant 0 : i32
      %dma_wait3A_32 = arith.constant 0 : i32
      %dma_wait3A_33 = arith.constant 0 : i32
      %dma_wait3A_34 = tpu.memref_slice %arg2[%dma_wait3A, %dma_wait3A_32, %dma_wait3A_33] : memref<2x10000x32xf32, #tpu.memory_space<hbm>> -> memref<1x10000x32xf32, #tpu.memory_space<hbm>>
      %dma_wait3A_35 = tpu.memref_squeeze %dma_wait3A_34 : memref<1x10000x32xf32, #tpu.memory_space<hbm>> -> memref<10000x32xf32, #tpu.memory_space<hbm>>
      %dma_wait3A_36 = arith.constant 0 : i32
      %dma_wait3A_37 = arith.constant 0 : i32
      %dma_wait3A_38 = tpu.memref_slice %dma_wait3A_35[%dma_wait3A_36, %dma_wait3A_37] : memref<10000x32xf32, #tpu.memory_space<hbm>> -> memref<10000x32xf32, #tpu.memory_space<hbm>>
      tpu.wait_indirect_dma semaphore(%arg9 : memref<!tpu.dma_semaphore, #tpu.memory_space<semaphore_mem>>) src(%dma_wait3A_38 : memref<10000x32xf32, #tpu.memory_space<hbm>>) dst(%arg7 : memref<1000x32xf32, #tpu.memory_space<vmem>>)
      %dma_wait3A_39 = arith.constant 1 : i32
      %dma_wait3A_40 = arith.constant 0 : i32
      %dma_wait3A_41 = arith.constant 0 : i32
      %dma_wait3A_42 = tpu.memref_slice %arg2[%dma_wait3A_39, %dma_wait3A_40, %dma_wait3A_41] : memref<2x10000x32xf32, #tpu.memory_space<hbm>> -> memref<1x10000x32xf32, #tpu.memory_space<hbm>>
      %dma_wait3A_43 = tpu.memref_squeeze %dma_wait3A_42 : memref<1x10000x32xf32, #tpu.memory_space<hbm>> -> memref<10000x32xf32, #tpu.memory_space<hbm>>
      %dma_wait3A_44 = arith.constant 0 : i32
      %dma_wait3A_45 = arith.constant 0 : i32
      %dma_wait3A_46 = tpu.memref_slice %dma_wait3A_43[%dma_wait3A_44, %dma_wait3A_45] : memref<10000x32xf32, #tpu.memory_space<hbm>> -> memref<10000x32xf32, #tpu.memory_space<hbm>>
      tpu.wait_indirect_dma semaphore(%arg9 : memref<!tpu.dma_semaphore, #tpu.memory_space<semaphore_mem>>) src(%dma_wait3A_46 : memref<10000x32xf32, #tpu.memory_space<hbm>>) dst(%arg8 : memref<1000x32xf32, #tpu.memory_space<vmem>>)
      "tpu.region"() ({
        %run_scoped3A = tpu.sem_alloc : memref<!tpu.dma_semaphore, #tpu.memory_space<semaphore_mem>>
        %dma_start3A_47 = arith.constant 0 : i32
        %dma_start3A_48 = tpu.memref_slice %arg4[%add3A_16, %dma_start3A_47] : memref<160000x32xf32, #tpu.memory_space<hbm>> -> memref<1000x32xf32, #tpu.memory_space<hbm>>
        %dma_start3A_49 = arith.constant 0 : i32
        %dma_start3A_50 = tpu.memref_slice %arg4[%add3A_16, %dma_start3A_49] : memref<160000x32xf32, #tpu.memory_space<hbm>> -> memref<1000x32xf32, #tpu.memory_space<hbm>>
        tpu.enqueue_dma source(%arg7 : memref<1000x32xf32, #tpu.memory_space<vmem>>) target(%dma_start3A_50 : memref<1000x32xf32, #tpu.memory_space<hbm>>) target_semaphore(%run_scoped3A : memref<!tpu.dma_semaphore, #tpu.memory_space<semaphore_mem>>)
        %dma_wait3A_51 = arith.constant 0 : i32
        %dma_wait3A_52 = tpu.memref_slice %arg4[%add3A_16, %dma_wait3A_51] : memref<160000x32xf32, #tpu.memory_space<hbm>> -> memref<1000x32xf32, #tpu.memory_space<hbm>>
        %dma_wait3A_53 = arith.constant 0 : i32
        %dma_wait3A_54 = tpu.memref_slice %arg4[%add3A_16, %dma_wait3A_53] : memref<160000x32xf32, #tpu.memory_space<hbm>> -> memref<1000x32xf32, #tpu.memory_space<hbm>>
        tpu.wait_dma2 semaphore(%run_scoped3A : memref<!tpu.dma_semaphore, #tpu.memory_space<semaphore_mem>>) src(%arg7 : memref<1000x32xf32, #tpu.memory_space<vmem>>) dst(%dma_wait3A_54 : memref<1000x32xf32, #tpu.memory_space<hbm>>)
        tpu.yield
      }) : () -> ()
      "tpu.region"() ({
        %run_scoped3A = tpu.sem_alloc : memref<!tpu.dma_semaphore, #tpu.memory_space<semaphore_mem>>
        %dma_start3A_47 = arith.constant 0 : i32
        %dma_start3A_48 = tpu.memref_slice %arg5[%add3A_16, %dma_start3A_47] : memref<160000x32xf32, #tpu.memory_space<hbm>> -> memref<1000x32xf32, #tpu.memory_space<hbm>>
        %dma_start3A_49 = arith.constant 0 : i32
        %dma_start3A_50 = tpu.memref_slice %arg5[%add3A_16, %dma_start3A_49] : memref<160000x32xf32, #tpu.memory_space<hbm>> -> memref<1000x32xf32, #tpu.memory_space<hbm>>
        tpu.enqueue_dma source(%arg8 : memref<1000x32xf32, #tpu.memory_space<vmem>>) target(%dma_start3A_50 : memref<1000x32xf32, #tpu.memory_space<hbm>>) target_semaphore(%run_scoped3A : memref<!tpu.dma_semaphore, #tpu.memory_space<semaphore_mem>>)
        %dma_wait3A_51 = arith.constant 0 : i32
        %dma_wait3A_52 = tpu.memref_slice %arg5[%add3A_16, %dma_wait3A_51] : memref<160000x32xf32, #tpu.memory_space<hbm>> -> memref<1000x32xf32, #tpu.memory_space<hbm>>
        %dma_wait3A_53 = arith.constant 0 : i32
        %dma_wait3A_54 = tpu.memref_slice %arg5[%add3A_16, %dma_wait3A_53] : memref<160000x32xf32, #tpu.memory_space<hbm>> -> memref<1000x32xf32, #tpu.memory_space<hbm>>
        tpu.wait_dma2 semaphore(%run_scoped3A : memref<!tpu.dma_semaphore, #tpu.memory_space<semaphore_mem>>) src(%arg8 : memref<1000x32xf32, #tpu.memory_space<vmem>>) dst(%dma_wait3A_54 : memref<1000x32xf32, #tpu.memory_space<hbm>>)
        tpu.yield
      }) : () -> ()
    }
    %while3A_12 = arith.constant 1 : i32
    scf.for %while3A_13 = %while3A_10 to %while3A_6 step %while3A_12  : i32 {
      %mul3A_14 = arith.constant 1000 : i32
      %mul3A_15 = arith.muli %while3A_13, %mul3A_14 : i32
      %add3A_16 = arith.addi %mul3A_2, %mul3A_15 : i32
      "tpu.region"() ({
        %run_scoped3A = tpu.sem_alloc : memref<!tpu.dma_semaphore, #tpu.memory_space<semaphore_mem>>
        %dma_start3A_47 = tpu.memref_slice %arg3[%add3A_16] : memref<160000xi32, #tpu.memory_space<hbm>> -> memref<1000xi32, #tpu.memory_space<hbm>>
        %dma_start3A_48 = tpu.memref_slice %arg3[%add3A_16] : memref<160000xi32, #tpu.memory_space<hbm>> -> memref<1000xi32, #tpu.memory_space<hbm>>
        tpu.enqueue_dma source(%dma_start3A_48 : memref<1000xi32, #tpu.memory_space<hbm>>) target(%arg6 : memref<1000xi32, #tpu.memory_space<vmem>>) target_semaphore(%run_scoped3A : memref<!tpu.dma_semaphore, #tpu.memory_space<semaphore_mem>>)
        %dma_wait3A_49 = tpu.memref_slice %arg3[%add3A_16] : memref<160000xi32, #tpu.memory_space<hbm>> -> memref<1000xi32, #tpu.memory_space<hbm>>
        %dma_wait3A_50 = tpu.memref_slice %arg3[%add3A_16] : memref<160000xi32, #tpu.memory_space<hbm>> -> memref<1000xi32, #tpu.memory_space<hbm>>
        tpu.wait_dma2 semaphore(%run_scoped3A : memref<!tpu.dma_semaphore, #tpu.memory_space<semaphore_mem>>) src(%dma_wait3A_50 : memref<1000xi32, #tpu.memory_space<hbm>>) dst(%arg6 : memref<1000xi32, #tpu.memory_space<vmem>>)
        tpu.yield
      }) : () -> ()
      %dma_start3A = arith.constant 0 : i32
      %dma_start3A_17 = arith.constant 0 : i32
      %dma_start3A_18 = arith.constant 0 : i32
      %dma_start3A_19 = tpu.memref_slice %arg2[%dma_start3A, %dma_start3A_17, %dma_start3A_18] : memref<2x10000x32xf32, #tpu.memory_space<hbm>> -> memref<1x10000x32xf32, #tpu.memory_space<hbm>>
      %dma_start3A_20 = tpu.memref_squeeze %dma_start3A_19 : memref<1x10000x32xf32, #tpu.memory_space<hbm>> -> memref<10000x32xf32, #tpu.memory_space<hbm>>
      %dma_start3A_21 = arith.constant 0 : i32
      %dma_start3A_22 = arith.constant 0 : i32
      %dma_start3A_23 = tpu.memref_slice %dma_start3A_20[%dma_start3A_21, %dma_start3A_22] : memref<10000x32xf32, #tpu.memory_space<hbm>> -> memref<10000x32xf32, #tpu.memory_space<hbm>>
      tpu.enqueue_indirect_dma source(%dma_start3A_23 : memref<10000x32xf32, #tpu.memory_space<hbm>>) target(%arg7 : memref<1000x32xf32, #tpu.memory_space<vmem>>) offsets(%arg6 : memref<1000xi32, #tpu.memory_space<vmem>>) semaphore(%arg9 : memref<!tpu.dma_semaphore, #tpu.memory_space<semaphore_mem>>)
      %dma_start3A_24 = arith.constant 1 : i32
      %dma_start3A_25 = arith.constant 0 : i32
      %dma_start3A_26 = arith.constant 0 : i32
      %dma_start3A_27 = tpu.memref_slice %arg2[%dma_start3A_24, %dma_start3A_25, %dma_start3A_26] : memref<2x10000x32xf32, #tpu.memory_space<hbm>> -> memref<1x10000x32xf32, #tpu.memory_space<hbm>>
      %dma_start3A_28 = tpu.memref_squeeze %dma_start3A_27 : memref<1x10000x32xf32, #tpu.memory_space<hbm>> -> memref<10000x32xf32, #tpu.memory_space<hbm>>
      %dma_start3A_29 = arith.constant 0 : i32
      %dma_start3A_30 = arith.constant 0 : i32
      %dma_start3A_31 = tpu.memref_slice %dma_start3A_28[%dma_start3A_29, %dma_start3A_30] : memref<10000x32xf32, #tpu.memory_space<hbm>> -> memref<10000x32xf32, #tpu.memory_space<hbm>>
      tpu.enqueue_indirect_dma source(%dma_start3A_31 : memref<10000x32xf32, #tpu.memory_space<hbm>>) target(%arg8 : memref<1000x32xf32, #tpu.memory_space<vmem>>) offsets(%arg6 : memref<1000xi32, #tpu.memory_space<vmem>>) semaphore(%arg9 : memref<!tpu.dma_semaphore, #tpu.memory_space<semaphore_mem>>)
      %dma_wait3A = arith.constant 0 : i32
      %dma_wait3A_32 = arith.constant 0 : i32
      %dma_wait3A_33 = arith.constant 0 : i32
      %dma_wait3A_34 = tpu.memref_slice %arg2[%dma_wait3A, %dma_wait3A_32, %dma_wait3A_33] : memref<2x10000x32xf32, #tpu.memory_space<hbm>> -> memref<1x10000x32xf32, #tpu.memory_space<hbm>>
      %dma_wait3A_35 = tpu.memref_squeeze %dma_wait3A_34 : memref<1x10000x32xf32, #tpu.memory_space<hbm>> -> memref<10000x32xf32, #tpu.memory_space<hbm>>
      %dma_wait3A_36 = arith.constant 0 : i32
      %dma_wait3A_37 = arith.constant 0 : i32
      %dma_wait3A_38 = tpu.memref_slice %dma_wait3A_35[%dma_wait3A_36, %dma_wait3A_37] : memref<10000x32xf32, #tpu.memory_space<hbm>> -> memref<10000x32xf32, #tpu.memory_space<hbm>>
      tpu.wait_indirect_dma semaphore(%arg9 : memref<!tpu.dma_semaphore, #tpu.memory_space<semaphore_mem>>) src(%dma_wait3A_38 : memref<10000x32xf32, #tpu.memory_space<hbm>>) dst(%arg7 : memref<1000x32xf32, #tpu.memory_space<vmem>>)
      %dma_wait3A_39 = arith.constant 1 : i32
      %dma_wait3A_40 = arith.constant 0 : i32
      %dma_wait3A_41 = arith.constant 0 : i32
      %dma_wait3A_42 = tpu.memref_slice %arg2[%dma_wait3A_39, %dma_wait3A_40, %dma_wait3A_41] : memref<2x10000x32xf32, #tpu.memory_space<hbm>> -> memref<1x10000x32xf32, #tpu.memory_space<hbm>>
      %dma_wait3A_43 = tpu.memref_squeeze %dma_wait3A_42 : memref<1x10000x32xf32, #tpu.memory_space<hbm>> -> memref<10000x32xf32, #tpu.memory_space<hbm>>
      %dma_wait3A_44 = arith.constant 0 : i32
      %dma_wait3A_45 = arith.constant 0 : i32
      %dma_wait3A_46 = tpu.memref_slice %dma_wait3A_43[%dma_wait3A_44, %dma_wait3A_45] : memref<10000x32xf32, #tpu.memory_space<hbm>> -> memref<10000x32xf32, #tpu.memory_space<hbm>>
      tpu.wait_indirect_dma semaphore(%arg9 : memref<!tpu.dma_semaphore, #tpu.memory_space<semaphore_mem>>) src(%dma_wait3A_46 : memref<10000x32xf32, #tpu.memory_space<hbm>>) dst(%arg8 : memref<1000x32xf32, #tpu.memory_space<vmem>>)
      "tpu.region"() ({
        %run_scoped3A = tpu.sem_alloc : memref<!tpu.dma_semaphore, #tpu.memory_space<semaphore_mem>>
        %dma_start3A_47 = arith.constant 0 : i32
        %dma_start3A_48 = tpu.memref_slice %arg4[%add3A_16, %dma_start3A_47] : memref<160000x32xf32, #tpu.memory_space<hbm>> -> memref<1000x32xf32, #tpu.memory_space<hbm>>
        %dma_start3A_49 = arith.constant 0 : i32
        %dma_start3A_50 = tpu.memref_slice %arg4[%add3A_16, %dma_start3A_49] : memref<160000x32xf32, #tpu.memory_space<hbm>> -> memref<1000x32xf32, #tpu.memory_space<hbm>>
        tpu.enqueue_dma source(%arg7 : memref<1000x32xf32, #tpu.memory_space<vmem>>) target(%dma_start3A_50 : memref<1000x32xf32, #tpu.memory_space<hbm>>) target_semaphore(%run_scoped3A : memref<!tpu.dma_semaphore, #tpu.memory_space<semaphore_mem>>)
        %dma_wait3A_51 = arith.constant 0 : i32
        %dma_wait3A_52 = tpu.memref_slice %arg4[%add3A_16, %dma_wait3A_51] : memref<160000x32xf32, #tpu.memory_space<hbm>> -> memref<1000x32xf32, #tpu.memory_space<hbm>>
        %dma_wait3A_53 = arith.constant 0 : i32
        %dma_wait3A_54 = tpu.memref_slice %arg4[%add3A_16, %dma_wait3A_53] : memref<160000x32xf32, #tpu.memory_space<hbm>> -> memref<1000x32xf32, #tpu.memory_space<hbm>>
        tpu.wait_dma2 semaphore(%run_scoped3A : memref<!tpu.dma_semaphore, #tpu.memory_space<semaphore_mem>>) src(%arg7 : memref<1000x32xf32, #tpu.memory_space<vmem>>) dst(%dma_wait3A_54 : memref<1000x32xf32, #tpu.memory_space<hbm>>)
        tpu.yield
      }) : () -> ()
      "tpu.region"() ({
        %run_scoped3A = tpu.sem_alloc : memref<!tpu.dma_semaphore, #tpu.memory_space<semaphore_mem>>
        %dma_start3A_47 = arith.constant 0 : i32
        %dma_start3A_48 = tpu.memref_slice %arg5[%add3A_16, %dma_start3A_47] : memref<160000x32xf32, #tpu.memory_space<hbm>> -> memref<1000x32xf32, #tpu.memory_space<hbm>>
        %dma_start3A_49 = arith.constant 0 : i32
        %dma_start3A_50 = tpu.memref_slice %arg5[%add3A_16, %dma_start3A_49] : memref<160000x32xf32, #tpu.memory_space<hbm>> -> memref<1000x32xf32, #tpu.memory_space<hbm>>
        tpu.enqueue_dma source(%arg8 : memref<1000x32xf32, #tpu.memory_space<vmem>>) target(%dma_start3A_50 : memref<1000x32xf32, #tpu.memory_space<hbm>>) target_semaphore(%run_scoped3A : memref<!tpu.dma_semaphore, #tpu.memory_space<semaphore_mem>>)
        %dma_wait3A_51 = arith.constant 0 : i32
        %dma_wait3A_52 = tpu.memref_slice %arg5[%add3A_16, %dma_wait3A_51] : memref<160000x32xf32, #tpu.memory_space<hbm>> -> memref<1000x32xf32, #tpu.memory_space<hbm>>
        %dma_wait3A_53 = arith.constant 0 : i32
        %dma_wait3A_54 = tpu.memref_slice %arg5[%add3A_16, %dma_wait3A_53] : memref<160000x32xf32, #tpu.memory_space<hbm>> -> memref<1000x32xf32, #tpu.memory_space<hbm>>
        tpu.wait_dma2 semaphore(%run_scoped3A : memref<!tpu.dma_semaphore, #tpu.memory_space<semaphore_mem>>) src(%arg8 : memref<1000x32xf32, #tpu.memory_space<vmem>>) dst(%dma_wait3A_54 : memref<1000x32xf32, #tpu.memory_space<hbm>>)
        tpu.yield
      }) : () -> ()
    }
    return
  }
}

#map = affine_map<(d0, d1) -> (0, 0, 0)>
#map1 = affine_map<(d0, d1) -> (0, 0)>
#map2 = affine_map<(d0, d1) -> (0)>
module attributes {stable_mosaic.version = 14 : i64} {
  func.func @sc_scatter(%arg0: i32, %arg1: i32, %arg2: memref<2x10000x32xf32, #tpu.memory_space<hbm>>, %arg3: memref<160000x32xf32, #tpu.memory_space<hbm>>, %arg4: memref<160000xi32, #tpu.memory_space<hbm>>, %arg5: memref<2x10000x32xf32, #tpu.memory_space<hbm>>, %arg6: memref<1000xi32, #tpu.memory_space<vmem>>, %arg7: memref<1000x32xf32, #tpu.memory_space<vmem>>, %arg8: memref<10000x32xf32, #tpu.memory_space<vmem_shared>>) attributes {dimension_semantics = [#tpu.dimension_semantics<core_parallel>, #tpu.dimension_semantics<subcore_parallel>], iteration_bounds = array<i64: 2, 16>, scalar_prefetch = 0 : i64, scratch_operands = 3 : i64, tpu.core_type = #tpu.core_type<sc_vector_subcore>, window_params = [{transform_indices = #map}, {transform_indices = #map1}, {transform_indices = #map2}, {transform_indices = #map}]} {
    %mul3A = arith.constant 1000 : i32
    %mul3A_0 = arith.muli %arg1, %mul3A : i32
    %lt3A = arith.constant 10 : i32
    %lt3A_1 = arith.cmpi slt, %arg1, %lt3A : i32
    %convert_element_type3A = arith.extui %lt3A_1 : i1 to i32
    %cond3A = arith.constant 0 : i32
    %cond3A_2 = arith.cmpi ne, %convert_element_type3A, %cond3A : i32
    scf.if %cond3A_2 {
      "tpu.region"() ({
        %run_scoped3A = tpu.sem_alloc : memref<!tpu.dma_semaphore, #tpu.memory_space<semaphore_mem>>
        %dma_start3A = arith.constant 0 : i32
        %dma_start3A_23 = arith.constant 0 : i32
        %dma_start3A_24 = tpu.memref_slice %arg2[%arg0, %dma_start3A, %dma_start3A_23] : memref<2x10000x32xf32, #tpu.memory_space<hbm>> -> memref<1x10000x32xf32, #tpu.memory_space<hbm>>
        %dma_start3A_25 = tpu.memref_squeeze %dma_start3A_24 : memref<1x10000x32xf32, #tpu.memory_space<hbm>> -> memref<10000x32xf32, #tpu.memory_space<hbm>>
        %dma_start3A_26 = arith.constant 0 : i32
        %dma_start3A_27 = tpu.memref_slice %dma_start3A_25[%mul3A_0, %dma_start3A_26] : memref<10000x32xf32, #tpu.memory_space<hbm>> -> memref<1000x32xf32, #tpu.memory_space<hbm>>
        %dma_start3A_28 = arith.constant 0 : i32
        %dma_start3A_29 = arith.constant 0 : i32
        %dma_start3A_30 = tpu.memref_slice %arg2[%arg0, %dma_start3A_28, %dma_start3A_29] : memref<2x10000x32xf32, #tpu.memory_space<hbm>> -> memref<1x10000x32xf32, #tpu.memory_space<hbm>>
        %dma_start3A_31 = tpu.memref_squeeze %dma_start3A_30 : memref<1x10000x32xf32, #tpu.memory_space<hbm>> -> memref<10000x32xf32, #tpu.memory_space<hbm>>
        %dma_start3A_32 = arith.constant 0 : i32
        %dma_start3A_33 = tpu.memref_slice %dma_start3A_31[%mul3A_0, %dma_start3A_32] : memref<10000x32xf32, #tpu.memory_space<hbm>> -> memref<1000x32xf32, #tpu.memory_space<hbm>>
        tpu.enqueue_dma source(%dma_start3A_33 : memref<1000x32xf32, #tpu.memory_space<hbm>>) target(%arg7 : memref<1000x32xf32, #tpu.memory_space<vmem>>) target_semaphore(%run_scoped3A : memref<!tpu.dma_semaphore, #tpu.memory_space<semaphore_mem>>)
        %dma_wait3A = arith.constant 0 : i32
        %dma_wait3A_34 = arith.constant 0 : i32
        %dma_wait3A_35 = tpu.memref_slice %arg2[%arg0, %dma_wait3A, %dma_wait3A_34] : memref<2x10000x32xf32, #tpu.memory_space<hbm>> -> memref<1x10000x32xf32, #tpu.memory_space<hbm>>
        %dma_wait3A_36 = tpu.memref_squeeze %dma_wait3A_35 : memref<1x10000x32xf32, #tpu.memory_space<hbm>> -> memref<10000x32xf32, #tpu.memory_space<hbm>>
        %dma_wait3A_37 = arith.constant 0 : i32
        %dma_wait3A_38 = tpu.memref_slice %dma_wait3A_36[%mul3A_0, %dma_wait3A_37] : memref<10000x32xf32, #tpu.memory_space<hbm>> -> memref<1000x32xf32, #tpu.memory_space<hbm>>
        %dma_wait3A_39 = arith.constant 0 : i32
        %dma_wait3A_40 = arith.constant 0 : i32
        %dma_wait3A_41 = tpu.memref_slice %arg2[%arg0, %dma_wait3A_39, %dma_wait3A_40] : memref<2x10000x32xf32, #tpu.memory_space<hbm>> -> memref<1x10000x32xf32, #tpu.memory_space<hbm>>
        %dma_wait3A_42 = tpu.memref_squeeze %dma_wait3A_41 : memref<1x10000x32xf32, #tpu.memory_space<hbm>> -> memref<10000x32xf32, #tpu.memory_space<hbm>>
        %dma_wait3A_43 = arith.constant 0 : i32
        %dma_wait3A_44 = tpu.memref_slice %dma_wait3A_42[%mul3A_0, %dma_wait3A_43] : memref<10000x32xf32, #tpu.memory_space<hbm>> -> memref<1000x32xf32, #tpu.memory_space<hbm>>
        tpu.wait_dma2 semaphore(%run_scoped3A : memref<!tpu.dma_semaphore, #tpu.memory_space<semaphore_mem>>) src(%dma_wait3A_44 : memref<1000x32xf32, #tpu.memory_space<hbm>>) dst(%arg7 : memref<1000x32xf32, #tpu.memory_space<vmem>>)
        tpu.yield
      }) : () -> ()
      "tpu.region"() ({
        %run_scoped3A = tpu.sem_alloc : memref<!tpu.dma_semaphore, #tpu.memory_space<semaphore_mem>>
        %dma_start3A = arith.constant 0 : i32
        %dma_start3A_23 = tpu.memref_slice %arg8[%mul3A_0, %dma_start3A] : memref<10000x32xf32, #tpu.memory_space<vmem_shared>> -> memref<1000x32xf32, #tpu.memory_space<vmem_shared>>
        %dma_start3A_24 = arith.constant 0 : i32
        %dma_start3A_25 = tpu.memref_slice %arg8[%mul3A_0, %dma_start3A_24] : memref<10000x32xf32, #tpu.memory_space<vmem_shared>> -> memref<1000x32xf32, #tpu.memory_space<vmem_shared>>
        tpu.enqueue_dma source(%arg7 : memref<1000x32xf32, #tpu.memory_space<vmem>>) target(%dma_start3A_25 : memref<1000x32xf32, #tpu.memory_space<vmem_shared>>) target_semaphore(%run_scoped3A : memref<!tpu.dma_semaphore, #tpu.memory_space<semaphore_mem>>)
        %dma_wait3A = arith.constant 0 : i32
        %dma_wait3A_26 = tpu.memref_slice %arg8[%mul3A_0, %dma_wait3A] : memref<10000x32xf32, #tpu.memory_space<vmem_shared>> -> memref<1000x32xf32, #tpu.memory_space<vmem_shared>>
        %dma_wait3A_27 = arith.constant 0 : i32
        %dma_wait3A_28 = tpu.memref_slice %arg8[%mul3A_0, %dma_wait3A_27] : memref<10000x32xf32, #tpu.memory_space<vmem_shared>> -> memref<1000x32xf32, #tpu.memory_space<vmem_shared>>
        tpu.wait_dma2 semaphore(%run_scoped3A : memref<!tpu.dma_semaphore, #tpu.memory_space<semaphore_mem>>) src(%arg7 : memref<1000x32xf32, #tpu.memory_space<vmem>>) dst(%dma_wait3A_28 : memref<1000x32xf32, #tpu.memory_space<vmem_shared>>)
        tpu.yield
      }) : () -> ()
    } else {
    }
    %barrier3A = arith.constant 0 : index
    tpu.barrier barrier_id(%barrier3A)
    %mul3A_3 = arith.constant 2 : i32
    %mul3A_4 = arith.muli %arg1, %mul3A_3 : i32
    %add3A = arith.addi %mul3A_4, %arg0 : i32
    %mul3A_5 = arith.constant 5000 : i32
    %mul3A_6 = arith.muli %add3A, %mul3A_5 : i32
    %while3A = arith.constant 0 : i32
    %while3A_7 = arith.constant 0 : i32
    %while3A_8 = arith.constant 5 : i32
    %while3A_9 = arith.subi %while3A_8, %while3A_7 : i32
    %while3A_10 = arith.addi %while3A_7, %while3A_9 : i32
    %while3A_11 = arith.constant 1 : i32
    %while3A_12 = arith.divsi %while3A_9, %while3A_11 : i32
    %while3A_13 = arith.muli %while3A_12, %while3A_11 : i32
    %while3A_14 = arith.addi %while3A_7, %while3A_13 : i32
    %while3A_15 = arith.constant 1 : i32
    scf.for %while3A_23 = %while3A_7 to %while3A_14 step %while3A_15  : i32 {
      %mul3A_24 = arith.constant 1000 : i32
      %mul3A_25 = arith.muli %while3A_23, %mul3A_24 : i32
      %add3A_26 = arith.addi %mul3A_6, %mul3A_25 : i32
      "tpu.region"() ({
        %run_scoped3A = tpu.sem_alloc : memref<!tpu.dma_semaphore, #tpu.memory_space<semaphore_mem>>
        %dma_start3A = tpu.memref_slice %arg4[%add3A_26] : memref<160000xi32, #tpu.memory_space<hbm>> -> memref<1000xi32, #tpu.memory_space<hbm>>
        %dma_start3A_27 = tpu.memref_slice %arg4[%add3A_26] : memref<160000xi32, #tpu.memory_space<hbm>> -> memref<1000xi32, #tpu.memory_space<hbm>>
        tpu.enqueue_dma source(%dma_start3A_27 : memref<1000xi32, #tpu.memory_space<hbm>>) target(%arg6 : memref<1000xi32, #tpu.memory_space<vmem>>) target_semaphore(%run_scoped3A : memref<!tpu.dma_semaphore, #tpu.memory_space<semaphore_mem>>)
        %dma_wait3A = tpu.memref_slice %arg4[%add3A_26] : memref<160000xi32, #tpu.memory_space<hbm>> -> memref<1000xi32, #tpu.memory_space<hbm>>
        %dma_wait3A_28 = tpu.memref_slice %arg4[%add3A_26] : memref<160000xi32, #tpu.memory_space<hbm>> -> memref<1000xi32, #tpu.memory_space<hbm>>
        tpu.wait_dma2 semaphore(%run_scoped3A : memref<!tpu.dma_semaphore, #tpu.memory_space<semaphore_mem>>) src(%dma_wait3A_28 : memref<1000xi32, #tpu.memory_space<hbm>>) dst(%arg6 : memref<1000xi32, #tpu.memory_space<vmem>>)
        tpu.yield
      }) : () -> ()
      "tpu.region"() ({
        %run_scoped3A = tpu.sem_alloc : memref<!tpu.dma_semaphore, #tpu.memory_space<semaphore_mem>>
        %dma_start3A = arith.constant 0 : i32
        %dma_start3A_27 = tpu.memref_slice %arg3[%add3A_26, %dma_start3A] : memref<160000x32xf32, #tpu.memory_space<hbm>> -> memref<1000x32xf32, #tpu.memory_space<hbm>>
        %dma_start3A_28 = arith.constant 0 : i32
        %dma_start3A_29 = tpu.memref_slice %arg3[%add3A_26, %dma_start3A_28] : memref<160000x32xf32, #tpu.memory_space<hbm>> -> memref<1000x32xf32, #tpu.memory_space<hbm>>
        tpu.enqueue_dma source(%dma_start3A_29 : memref<1000x32xf32, #tpu.memory_space<hbm>>) target(%arg7 : memref<1000x32xf32, #tpu.memory_space<vmem>>) target_semaphore(%run_scoped3A : memref<!tpu.dma_semaphore, #tpu.memory_space<semaphore_mem>>)
        %dma_wait3A = arith.constant 0 : i32
        %dma_wait3A_30 = tpu.memref_slice %arg3[%add3A_26, %dma_wait3A] : memref<160000x32xf32, #tpu.memory_space<hbm>> -> memref<1000x32xf32, #tpu.memory_space<hbm>>
        %dma_wait3A_31 = arith.constant 0 : i32
        %dma_wait3A_32 = tpu.memref_slice %arg3[%add3A_26, %dma_wait3A_31] : memref<160000x32xf32, #tpu.memory_space<hbm>> -> memref<1000x32xf32, #tpu.memory_space<hbm>>
        tpu.wait_dma2 semaphore(%run_scoped3A : memref<!tpu.dma_semaphore, #tpu.memory_space<semaphore_mem>>) src(%dma_wait3A_32 : memref<1000x32xf32, #tpu.memory_space<hbm>>) dst(%arg7 : memref<1000x32xf32, #tpu.memory_space<vmem>>)
        tpu.yield
      }) : () -> ()
      "tpu.region"() ({
        %run_scoped3A = tpu.sem_alloc : memref<!tpu.dma_semaphore, #tpu.memory_space<semaphore_mem>>
        %dma_start3A = arith.constant 0 : i32
        %dma_start3A_27 = arith.constant 0 : i32
        %dma_start3A_28 = tpu.memref_slice %arg8[%dma_start3A, %dma_start3A_27] : memref<10000x32xf32, #tpu.memory_space<vmem_shared>> -> memref<10000x32xf32, #tpu.memory_space<vmem_shared>>
        tpu.enqueue_indirect_dma source(%arg7 : memref<1000x32xf32, #tpu.memory_space<vmem>>) target(%dma_start3A_28 : memref<10000x32xf32, #tpu.memory_space<vmem_shared>>) offsets(%arg6 : memref<1000xi32, #tpu.memory_space<vmem>>) semaphore(%run_scoped3A : memref<!tpu.dma_semaphore, #tpu.memory_space<semaphore_mem>>) {add = true}
        %dma_wait3A = arith.constant 0 : i32
        %dma_wait3A_29 = arith.constant 0 : i32
        %dma_wait3A_30 = tpu.memref_slice %arg8[%dma_wait3A, %dma_wait3A_29] : memref<10000x32xf32, #tpu.memory_space<vmem_shared>> -> memref<10000x32xf32, #tpu.memory_space<vmem_shared>>
        tpu.wait_indirect_dma semaphore(%run_scoped3A : memref<!tpu.dma_semaphore, #tpu.memory_space<semaphore_mem>>) src(%arg7 : memref<1000x32xf32, #tpu.memory_space<vmem>>) dst(%dma_wait3A_30 : memref<10000x32xf32, #tpu.memory_space<vmem_shared>>)
        tpu.yield
      }) : () -> ()
    }
    %while3A_16 = arith.constant 1 : i32
    scf.for %while3A_23 = %while3A_14 to %while3A_10 step %while3A_16  : i32 {
      %mul3A_24 = arith.constant 1000 : i32
      %mul3A_25 = arith.muli %while3A_23, %mul3A_24 : i32
      %add3A_26 = arith.addi %mul3A_6, %mul3A_25 : i32
      "tpu.region"() ({
        %run_scoped3A = tpu.sem_alloc : memref<!tpu.dma_semaphore, #tpu.memory_space<semaphore_mem>>
        %dma_start3A = tpu.memref_slice %arg4[%add3A_26] : memref<160000xi32, #tpu.memory_space<hbm>> -> memref<1000xi32, #tpu.memory_space<hbm>>
        %dma_start3A_27 = tpu.memref_slice %arg4[%add3A_26] : memref<160000xi32, #tpu.memory_space<hbm>> -> memref<1000xi32, #tpu.memory_space<hbm>>
        tpu.enqueue_dma source(%dma_start3A_27 : memref<1000xi32, #tpu.memory_space<hbm>>) target(%arg6 : memref<1000xi32, #tpu.memory_space<vmem>>) target_semaphore(%run_scoped3A : memref<!tpu.dma_semaphore, #tpu.memory_space<semaphore_mem>>)
        %dma_wait3A = tpu.memref_slice %arg4[%add3A_26] : memref<160000xi32, #tpu.memory_space<hbm>> -> memref<1000xi32, #tpu.memory_space<hbm>>
        %dma_wait3A_28 = tpu.memref_slice %arg4[%add3A_26] : memref<160000xi32, #tpu.memory_space<hbm>> -> memref<1000xi32, #tpu.memory_space<hbm>>
        tpu.wait_dma2 semaphore(%run_scoped3A : memref<!tpu.dma_semaphore, #tpu.memory_space<semaphore_mem>>) src(%dma_wait3A_28 : memref<1000xi32, #tpu.memory_space<hbm>>) dst(%arg6 : memref<1000xi32, #tpu.memory_space<vmem>>)
        tpu.yield
      }) : () -> ()
      "tpu.region"() ({
        %run_scoped3A = tpu.sem_alloc : memref<!tpu.dma_semaphore, #tpu.memory_space<semaphore_mem>>
        %dma_start3A = arith.constant 0 : i32
        %dma_start3A_27 = tpu.memref_slice %arg3[%add3A_26, %dma_start3A] : memref<160000x32xf32, #tpu.memory_space<hbm>> -> memref<1000x32xf32, #tpu.memory_space<hbm>>
        %dma_start3A_28 = arith.constant 0 : i32
        %dma_start3A_29 = tpu.memref_slice %arg3[%add3A_26, %dma_start3A_28] : memref<160000x32xf32, #tpu.memory_space<hbm>> -> memref<1000x32xf32, #tpu.memory_space<hbm>>
        tpu.enqueue_dma source(%dma_start3A_29 : memref<1000x32xf32, #tpu.memory_space<hbm>>) target(%arg7 : memref<1000x32xf32, #tpu.memory_space<vmem>>) target_semaphore(%run_scoped3A : memref<!tpu.dma_semaphore, #tpu.memory_space<semaphore_mem>>)
        %dma_wait3A = arith.constant 0 : i32
        %dma_wait3A_30 = tpu.memref_slice %arg3[%add3A_26, %dma_wait3A] : memref<160000x32xf32, #tpu.memory_space<hbm>> -> memref<1000x32xf32, #tpu.memory_space<hbm>>
        %dma_wait3A_31 = arith.constant 0 : i32
        %dma_wait3A_32 = tpu.memref_slice %arg3[%add3A_26, %dma_wait3A_31] : memref<160000x32xf32, #tpu.memory_space<hbm>> -> memref<1000x32xf32, #tpu.memory_space<hbm>>
        tpu.wait_dma2 semaphore(%run_scoped3A : memref<!tpu.dma_semaphore, #tpu.memory_space<semaphore_mem>>) src(%dma_wait3A_32 : memref<1000x32xf32, #tpu.memory_space<hbm>>) dst(%arg7 : memref<1000x32xf32, #tpu.memory_space<vmem>>)
        tpu.yield
      }) : () -> ()
      "tpu.region"() ({
        %run_scoped3A = tpu.sem_alloc : memref<!tpu.dma_semaphore, #tpu.memory_space<semaphore_mem>>
        %dma_start3A = arith.constant 0 : i32
        %dma_start3A_27 = arith.constant 0 : i32
        %dma_start3A_28 = tpu.memref_slice %arg8[%dma_start3A, %dma_start3A_27] : memref<10000x32xf32, #tpu.memory_space<vmem_shared>> -> memref<10000x32xf32, #tpu.memory_space<vmem_shared>>
        tpu.enqueue_indirect_dma source(%arg7 : memref<1000x32xf32, #tpu.memory_space<vmem>>) target(%dma_start3A_28 : memref<10000x32xf32, #tpu.memory_space<vmem_shared>>) offsets(%arg6 : memref<1000xi32, #tpu.memory_space<vmem>>) semaphore(%run_scoped3A : memref<!tpu.dma_semaphore, #tpu.memory_space<semaphore_mem>>) {add = true}
        %dma_wait3A = arith.constant 0 : i32
        %dma_wait3A_29 = arith.constant 0 : i32
        %dma_wait3A_30 = tpu.memref_slice %arg8[%dma_wait3A, %dma_wait3A_29] : memref<10000x32xf32, #tpu.memory_space<vmem_shared>> -> memref<10000x32xf32, #tpu.memory_space<vmem_shared>>
        tpu.wait_indirect_dma semaphore(%run_scoped3A : memref<!tpu.dma_semaphore, #tpu.memory_space<semaphore_mem>>) src(%arg7 : memref<1000x32xf32, #tpu.memory_space<vmem>>) dst(%dma_wait3A_30 : memref<10000x32xf32, #tpu.memory_space<vmem_shared>>)
        tpu.yield
      }) : () -> ()
    }
    %barrier3A_17 = arith.constant 0 : index
    tpu.barrier barrier_id(%barrier3A_17)
    %lt3A_18 = arith.constant 10 : i32
    %lt3A_19 = arith.cmpi slt, %arg1, %lt3A_18 : i32
    %convert_element_type3A_20 = arith.extui %lt3A_19 : i1 to i32
    %cond3A_21 = arith.constant 0 : i32
    %cond3A_22 = arith.cmpi ne, %convert_element_type3A_20, %cond3A_21 : i32
    scf.if %cond3A_22 {
      "tpu.region"() ({
        %run_scoped3A = tpu.sem_alloc : memref<!tpu.dma_semaphore, #tpu.memory_space<semaphore_mem>>
        %dma_start3A = arith.constant 0 : i32
        %dma_start3A_23 = tpu.memref_slice %arg8[%mul3A_0, %dma_start3A] : memref<10000x32xf32, #tpu.memory_space<vmem_shared>> -> memref<1000x32xf32, #tpu.memory_space<vmem_shared>>
        %dma_start3A_24 = arith.constant 0 : i32
        %dma_start3A_25 = tpu.memref_slice %arg8[%mul3A_0, %dma_start3A_24] : memref<10000x32xf32, #tpu.memory_space<vmem_shared>> -> memref<1000x32xf32, #tpu.memory_space<vmem_shared>>
        tpu.enqueue_dma source(%dma_start3A_25 : memref<1000x32xf32, #tpu.memory_space<vmem_shared>>) target(%arg7 : memref<1000x32xf32, #tpu.memory_space<vmem>>) target_semaphore(%run_scoped3A : memref<!tpu.dma_semaphore, #tpu.memory_space<semaphore_mem>>)
        %dma_wait3A = arith.constant 0 : i32
        %dma_wait3A_26 = tpu.memref_slice %arg8[%mul3A_0, %dma_wait3A] : memref<10000x32xf32, #tpu.memory_space<vmem_shared>> -> memref<1000x32xf32, #tpu.memory_space<vmem_shared>>
        %dma_wait3A_27 = arith.constant 0 : i32
        %dma_wait3A_28 = tpu.memref_slice %arg8[%mul3A_0, %dma_wait3A_27] : memref<10000x32xf32, #tpu.memory_space<vmem_shared>> -> memref<1000x32xf32, #tpu.memory_space<vmem_shared>>
        tpu.wait_dma2 semaphore(%run_scoped3A : memref<!tpu.dma_semaphore, #tpu.memory_space<semaphore_mem>>) src(%dma_wait3A_28 : memref<1000x32xf32, #tpu.memory_space<vmem_shared>>) dst(%arg7 : memref<1000x32xf32, #tpu.memory_space<vmem>>)
        tpu.yield
      }) : () -> ()
      "tpu.region"() ({
        %run_scoped3A = tpu.sem_alloc : memref<!tpu.dma_semaphore, #tpu.memory_space<semaphore_mem>>
        %dma_start3A = arith.constant 0 : i32
        %dma_start3A_23 = arith.constant 0 : i32
        %dma_start3A_24 = tpu.memref_slice %arg5[%arg0, %dma_start3A, %dma_start3A_23] : memref<2x10000x32xf32, #tpu.memory_space<hbm>> -> memref<1x10000x32xf32, #tpu.memory_space<hbm>>
        %dma_start3A_25 = tpu.memref_squeeze %dma_start3A_24 : memref<1x10000x32xf32, #tpu.memory_space<hbm>> -> memref<10000x32xf32, #tpu.memory_space<hbm>>
        %dma_start3A_26 = arith.constant 0 : i32
        %dma_start3A_27 = tpu.memref_slice %dma_start3A_25[%mul3A_0, %dma_start3A_26] : memref<10000x32xf32, #tpu.memory_space<hbm>> -> memref<1000x32xf32, #tpu.memory_space<hbm>>
        %dma_start3A_28 = arith.constant 0 : i32
        %dma_start3A_29 = arith.constant 0 : i32
        %dma_start3A_30 = tpu.memref_slice %arg5[%arg0, %dma_start3A_28, %dma_start3A_29] : memref<2x10000x32xf32, #tpu.memory_space<hbm>> -> memref<1x10000x32xf32, #tpu.memory_space<hbm>>
        %dma_start3A_31 = tpu.memref_squeeze %dma_start3A_30 : memref<1x10000x32xf32, #tpu.memory_space<hbm>> -> memref<10000x32xf32, #tpu.memory_space<hbm>>
        %dma_start3A_32 = arith.constant 0 : i32
        %dma_start3A_33 = tpu.memref_slice %dma_start3A_31[%mul3A_0, %dma_start3A_32] : memref<10000x32xf32, #tpu.memory_space<hbm>> -> memref<1000x32xf32, #tpu.memory_space<hbm>>
        tpu.enqueue_dma source(%arg7 : memref<1000x32xf32, #tpu.memory_space<vmem>>) target(%dma_start3A_33 : memref<1000x32xf32, #tpu.memory_space<hbm>>) target_semaphore(%run_scoped3A : memref<!tpu.dma_semaphore, #tpu.memory_space<semaphore_mem>>)
        %dma_wait3A = arith.constant 0 : i32
        %dma_wait3A_34 = arith.constant 0 : i32
        %dma_wait3A_35 = tpu.memref_slice %arg5[%arg0, %dma_wait3A, %dma_wait3A_34] : memref<2x10000x32xf32, #tpu.memory_space<hbm>> -> memref<1x10000x32xf32, #tpu.memory_space<hbm>>
        %dma_wait3A_36 = tpu.memref_squeeze %dma_wait3A_35 : memref<1x10000x32xf32, #tpu.memory_space<hbm>> -> memref<10000x32xf32, #tpu.memory_space<hbm>>
        %dma_wait3A_37 = arith.constant 0 : i32
        %dma_wait3A_38 = tpu.memref_slice %dma_wait3A_36[%mul3A_0, %dma_wait3A_37] : memref<10000x32xf32, #tpu.memory_space<hbm>> -> memref<1000x32xf32, #tpu.memory_space<hbm>>
        %dma_wait3A_39 = arith.constant 0 : i32
        %dma_wait3A_40 = arith.constant 0 : i32
        %dma_wait3A_41 = tpu.memref_slice %arg5[%arg0, %dma_wait3A_39, %dma_wait3A_40] : memref<2x10000x32xf32, #tpu.memory_space<hbm>> -> memref<1x10000x32xf32, #tpu.memory_space<hbm>>
        %dma_wait3A_42 = tpu.memref_squeeze %dma_wait3A_41 : memref<1x10000x32xf32, #tpu.memory_space<hbm>> -> memref<10000x32xf32, #tpu.memory_space<hbm>>
        %dma_wait3A_43 = arith.constant 0 : i32
        %dma_wait3A_44 = tpu.memref_slice %dma_wait3A_42[%mul3A_0, %dma_wait3A_43] : memref<10000x32xf32, #tpu.memory_space<hbm>> -> memref<1000x32xf32, #tpu.memory_space<hbm>>
        tpu.wait_dma2 semaphore(%run_scoped3A : memref<!tpu.dma_semaphore, #tpu.memory_space<semaphore_mem>>) src(%arg7 : memref<1000x32xf32, #tpu.memory_space<vmem>>) dst(%dma_wait3A_44 : memref<1000x32xf32, #tpu.memory_space<hbm>>)
        tpu.yield
      }) : () -> ()
    } else {
    }
    return
  }
}

#map = affine_map<(d0, d1) -> (0, 0, 0)>
#map1 = affine_map<(d0, d1) -> (0, 0)>
#map2 = affine_map<(d0, d1) -> (0)>
module attributes {stable_mosaic.version = 14 : i64} {
  func.func @sc_scatter(%arg0: i32, %arg1: i32, %arg2: memref<2x10000x32xf32, #tpu.memory_space<hbm>>, %arg3: memref<160000x32xf32, #tpu.memory_space<hbm>>, %arg4: memref<160000xi32, #tpu.memory_space<hbm>>, %arg5: memref<2x10000x32xf32, #tpu.memory_space<hbm>>, %arg6: memref<1000xi32, #tpu.memory_space<vmem>>, %arg7: memref<1000x32xf32, #tpu.memory_space<vmem>>, %arg8: memref<10000x32xf32, #tpu.memory_space<vmem_shared>>) attributes {dimension_semantics = [#tpu.dimension_semantics<core_parallel>, #tpu.dimension_semantics<subcore_parallel>], iteration_bounds = array<i64: 2, 16>, scalar_prefetch = 0 : i64, scratch_operands = 3 : i64, tpu.core_type = #tpu.core_type<sc_vector_subcore>, window_params = [{transform_indices = #map}, {transform_indices = #map1}, {transform_indices = #map2}, {transform_indices = #map}]} {
    %mul3A = arith.constant 1000 : i32
    %mul3A_0 = arith.muli %arg1, %mul3A : i32
    %lt3A = arith.constant 10 : i32
    %lt3A_1 = arith.cmpi slt, %arg1, %lt3A : i32
    %convert_element_type3A = arith.extui %lt3A_1 : i1 to i32
    %cond3A = arith.constant 0 : i32
    %cond3A_2 = arith.cmpi ne, %convert_element_type3A, %cond3A : i32
    scf.if %cond3A_2 {
      "tpu.region"() ({
        %run_scoped3A = tpu.sem_alloc : memref<!tpu.dma_semaphore, #tpu.memory_space<semaphore_mem>>
        %dma_start3A = arith.constant 0 : i32
        %dma_start3A_23 = arith.constant 0 : i32
        %dma_start3A_24 = tpu.memref_slice %arg2[%arg0, %dma_start3A, %dma_start3A_23] : memref<2x10000x32xf32, #tpu.memory_space<hbm>> -> memref<1x10000x32xf32, #tpu.memory_space<hbm>>
        %dma_start3A_25 = tpu.memref_squeeze %dma_start3A_24 : memref<1x10000x32xf32, #tpu.memory_space<hbm>> -> memref<10000x32xf32, #tpu.memory_space<hbm>>
        %dma_start3A_26 = arith.constant 0 : i32
        %dma_start3A_27 = tpu.memref_slice %dma_start3A_25[%mul3A_0, %dma_start3A_26] : memref<10000x32xf32, #tpu.memory_space<hbm>> -> memref<1000x32xf32, #tpu.memory_space<hbm>>
        %dma_start3A_28 = arith.constant 0 : i32
        %dma_start3A_29 = arith.constant 0 : i32
        %dma_start3A_30 = tpu.memref_slice %arg2[%arg0, %dma_start3A_28, %dma_start3A_29] : memref<2x10000x32xf32, #tpu.memory_space<hbm>> -> memref<1x10000x32xf32, #tpu.memory_space<hbm>>
        %dma_start3A_31 = tpu.memref_squeeze %dma_start3A_30 : memref<1x10000x32xf32, #tpu.memory_space<hbm>> -> memref<10000x32xf32, #tpu.memory_space<hbm>>
        %dma_start3A_32 = arith.constant 0 : i32
        %dma_start3A_33 = tpu.memref_slice %dma_start3A_31[%mul3A_0, %dma_start3A_32] : memref<10000x32xf32, #tpu.memory_space<hbm>> -> memref<1000x32xf32, #tpu.memory_space<hbm>>
        tpu.enqueue_dma source(%dma_start3A_33 : memref<1000x32xf32, #tpu.memory_space<hbm>>) target(%arg7 : memref<1000x32xf32, #tpu.memory_space<vmem>>) target_semaphore(%run_scoped3A : memref<!tpu.dma_semaphore, #tpu.memory_space<semaphore_mem>>)
        %dma_wait3A = arith.constant 0 : i32
        %dma_wait3A_34 = arith.constant 0 : i32
        %dma_wait3A_35 = tpu.memref_slice %arg2[%arg0, %dma_wait3A, %dma_wait3A_34] : memref<2x10000x32xf32, #tpu.memory_space<hbm>> -> memref<1x10000x32xf32, #tpu.memory_space<hbm>>
        %dma_wait3A_36 = tpu.memref_squeeze %dma_wait3A_35 : memref<1x10000x32xf32, #tpu.memory_space<hbm>> -> memref<10000x32xf32, #tpu.memory_space<hbm>>
        %dma_wait3A_37 = arith.constant 0 : i32
        %dma_wait3A_38 = tpu.memref_slice %dma_wait3A_36[%mul3A_0, %dma_wait3A_37] : memref<10000x32xf32, #tpu.memory_space<hbm>> -> memref<1000x32xf32, #tpu.memory_space<hbm>>
        %dma_wait3A_39 = arith.constant 0 : i32
        %dma_wait3A_40 = arith.constant 0 : i32
        %dma_wait3A_41 = tpu.memref_slice %arg2[%arg0, %dma_wait3A_39, %dma_wait3A_40] : memref<2x10000x32xf32, #tpu.memory_space<hbm>> -> memref<1x10000x32xf32, #tpu.memory_space<hbm>>
        %dma_wait3A_42 = tpu.memref_squeeze %dma_wait3A_41 : memref<1x10000x32xf32, #tpu.memory_space<hbm>> -> memref<10000x32xf32, #tpu.memory_space<hbm>>
        %dma_wait3A_43 = arith.constant 0 : i32
        %dma_wait3A_44 = tpu.memref_slice %dma_wait3A_42[%mul3A_0, %dma_wait3A_43] : memref<10000x32xf32, #tpu.memory_space<hbm>> -> memref<1000x32xf32, #tpu.memory_space<hbm>>
        tpu.wait_dma2 semaphore(%run_scoped3A : memref<!tpu.dma_semaphore, #tpu.memory_space<semaphore_mem>>) src(%dma_wait3A_44 : memref<1000x32xf32, #tpu.memory_space<hbm>>) dst(%arg7 : memref<1000x32xf32, #tpu.memory_space<vmem>>)
        tpu.yield
      }) : () -> ()
      "tpu.region"() ({
        %run_scoped3A = tpu.sem_alloc : memref<!tpu.dma_semaphore, #tpu.memory_space<semaphore_mem>>
        %dma_start3A = arith.constant 0 : i32
        %dma_start3A_23 = tpu.memref_slice %arg8[%mul3A_0, %dma_start3A] : memref<10000x32xf32, #tpu.memory_space<vmem_shared>> -> memref<1000x32xf32, #tpu.memory_space<vmem_shared>>
        %dma_start3A_24 = arith.constant 0 : i32
        %dma_start3A_25 = tpu.memref_slice %arg8[%mul3A_0, %dma_start3A_24] : memref<10000x32xf32, #tpu.memory_space<vmem_shared>> -> memref<1000x32xf32, #tpu.memory_space<vmem_shared>>
        tpu.enqueue_dma source(%arg7 : memref<1000x32xf32, #tpu.memory_space<vmem>>) target(%dma_start3A_25 : memref<1000x32xf32, #tpu.memory_space<vmem_shared>>) target_semaphore(%run_scoped3A : memref<!tpu.dma_semaphore, #tpu.memory_space<semaphore_mem>>)
        %dma_wait3A = arith.constant 0 : i32
        %dma_wait3A_26 = tpu.memref_slice %arg8[%mul3A_0, %dma_wait3A] : memref<10000x32xf32, #tpu.memory_space<vmem_shared>> -> memref<1000x32xf32, #tpu.memory_space<vmem_shared>>
        %dma_wait3A_27 = arith.constant 0 : i32
        %dma_wait3A_28 = tpu.memref_slice %arg8[%mul3A_0, %dma_wait3A_27] : memref<10000x32xf32, #tpu.memory_space<vmem_shared>> -> memref<1000x32xf32, #tpu.memory_space<vmem_shared>>
        tpu.wait_dma2 semaphore(%run_scoped3A : memref<!tpu.dma_semaphore, #tpu.memory_space<semaphore_mem>>) src(%arg7 : memref<1000x32xf32, #tpu.memory_space<vmem>>) dst(%dma_wait3A_28 : memref<1000x32xf32, #tpu.memory_space<vmem_shared>>)
        tpu.yield
      }) : () -> ()
    } else {
    }
    %barrier3A = arith.constant 0 : index
    tpu.barrier barrier_id(%barrier3A)
    %mul3A_3 = arith.constant 2 : i32
    %mul3A_4 = arith.muli %arg1, %mul3A_3 : i32
    %add3A = arith.addi %mul3A_4, %arg0 : i32
    %mul3A_5 = arith.constant 5000 : i32
    %mul3A_6 = arith.muli %add3A, %mul3A_5 : i32
    %while3A = arith.constant 0 : i32
    %while3A_7 = arith.constant 0 : i32
    %while3A_8 = arith.constant 5 : i32
    %while3A_9 = arith.subi %while3A_8, %while3A_7 : i32
    %while3A_10 = arith.addi %while3A_7, %while3A_9 : i32
    %while3A_11 = arith.constant 1 : i32
    %while3A_12 = arith.divsi %while3A_9, %while3A_11 : i32
    %while3A_13 = arith.muli %while3A_12, %while3A_11 : i32
    %while3A_14 = arith.addi %while3A_7, %while3A_13 : i32
    %while3A_15 = arith.constant 1 : i32
    scf.for %while3A_23 = %while3A_7 to %while3A_14 step %while3A_15  : i32 {
      %mul3A_24 = arith.constant 1000 : i32
      %mul3A_25 = arith.muli %while3A_23, %mul3A_24 : i32
      %add3A_26 = arith.addi %mul3A_6, %mul3A_25 : i32
      "tpu.region"() ({
        %run_scoped3A = tpu.sem_alloc : memref<!tpu.dma_semaphore, #tpu.memory_space<semaphore_mem>>
        %dma_start3A = tpu.memref_slice %arg4[%add3A_26] : memref<160000xi32, #tpu.memory_space<hbm>> -> memref<1000xi32, #tpu.memory_space<hbm>>
        %dma_start3A_27 = tpu.memref_slice %arg4[%add3A_26] : memref<160000xi32, #tpu.memory_space<hbm>> -> memref<1000xi32, #tpu.memory_space<hbm>>
        tpu.enqueue_dma source(%dma_start3A_27 : memref<1000xi32, #tpu.memory_space<hbm>>) target(%arg6 : memref<1000xi32, #tpu.memory_space<vmem>>) target_semaphore(%run_scoped3A : memref<!tpu.dma_semaphore, #tpu.memory_space<semaphore_mem>>)
        %dma_wait3A = tpu.memref_slice %arg4[%add3A_26] : memref<160000xi32, #tpu.memory_space<hbm>> -> memref<1000xi32, #tpu.memory_space<hbm>>
        %dma_wait3A_28 = tpu.memref_slice %arg4[%add3A_26] : memref<160000xi32, #tpu.memory_space<hbm>> -> memref<1000xi32, #tpu.memory_space<hbm>>
        tpu.wait_dma2 semaphore(%run_scoped3A : memref<!tpu.dma_semaphore, #tpu.memory_space<semaphore_mem>>) src(%dma_wait3A_28 : memref<1000xi32, #tpu.memory_space<hbm>>) dst(%arg6 : memref<1000xi32, #tpu.memory_space<vmem>>)
        tpu.yield
      }) : () -> ()
      "tpu.region"() ({
        %run_scoped3A = tpu.sem_alloc : memref<!tpu.dma_semaphore, #tpu.memory_space<semaphore_mem>>
        %dma_start3A = arith.constant 0 : i32
        %dma_start3A_27 = tpu.memref_slice %arg3[%add3A_26, %dma_start3A] : memref<160000x32xf32, #tpu.memory_space<hbm>> -> memref<1000x32xf32, #tpu.memory_space<hbm>>
        %dma_start3A_28 = arith.constant 0 : i32
        %dma_start3A_29 = tpu.memref_slice %arg3[%add3A_26, %dma_start3A_28] : memref<160000x32xf32, #tpu.memory_space<hbm>> -> memref<1000x32xf32, #tpu.memory_space<hbm>>
        tpu.enqueue_dma source(%dma_start3A_29 : memref<1000x32xf32, #tpu.memory_space<hbm>>) target(%arg7 : memref<1000x32xf32, #tpu.memory_space<vmem>>) target_semaphore(%run_scoped3A : memref<!tpu.dma_semaphore, #tpu.memory_space<semaphore_mem>>)
        %dma_wait3A = arith.constant 0 : i32
        %dma_wait3A_30 = tpu.memref_slice %arg3[%add3A_26, %dma_wait3A] : memref<160000x32xf32, #tpu.memory_space<hbm>> -> memref<1000x32xf32, #tpu.memory_space<hbm>>
        %dma_wait3A_31 = arith.constant 0 : i32
        %dma_wait3A_32 = tpu.memref_slice %arg3[%add3A_26, %dma_wait3A_31] : memref<160000x32xf32, #tpu.memory_space<hbm>> -> memref<1000x32xf32, #tpu.memory_space<hbm>>
        tpu.wait_dma2 semaphore(%run_scoped3A : memref<!tpu.dma_semaphore, #tpu.memory_space<semaphore_mem>>) src(%dma_wait3A_32 : memref<1000x32xf32, #tpu.memory_space<hbm>>) dst(%arg7 : memref<1000x32xf32, #tpu.memory_space<vmem>>)
        tpu.yield
      }) : () -> ()
      "tpu.region"() ({
        %run_scoped3A = tpu.sem_alloc : memref<!tpu.dma_semaphore, #tpu.memory_space<semaphore_mem>>
        %dma_start3A = arith.constant 0 : i32
        %dma_start3A_27 = arith.constant 0 : i32
        %dma_start3A_28 = tpu.memref_slice %arg8[%dma_start3A, %dma_start3A_27] : memref<10000x32xf32, #tpu.memory_space<vmem_shared>> -> memref<10000x32xf32, #tpu.memory_space<vmem_shared>>
        tpu.enqueue_indirect_dma source(%arg7 : memref<1000x32xf32, #tpu.memory_space<vmem>>) target(%dma_start3A_28 : memref<10000x32xf32, #tpu.memory_space<vmem_shared>>) offsets(%arg6 : memref<1000xi32, #tpu.memory_space<vmem>>) semaphore(%run_scoped3A : memref<!tpu.dma_semaphore, #tpu.memory_space<semaphore_mem>>) {add = true}
        %dma_wait3A = arith.constant 0 : i32
        %dma_wait3A_29 = arith.constant 0 : i32
        %dma_wait3A_30 = tpu.memref_slice %arg8[%dma_wait3A, %dma_wait3A_29] : memref<10000x32xf32, #tpu.memory_space<vmem_shared>> -> memref<10000x32xf32, #tpu.memory_space<vmem_shared>>
        tpu.wait_indirect_dma semaphore(%run_scoped3A : memref<!tpu.dma_semaphore, #tpu.memory_space<semaphore_mem>>) src(%arg7 : memref<1000x32xf32, #tpu.memory_space<vmem>>) dst(%dma_wait3A_30 : memref<10000x32xf32, #tpu.memory_space<vmem_shared>>)
        tpu.yield
      }) : () -> ()
    }
    %while3A_16 = arith.constant 1 : i32
    scf.for %while3A_23 = %while3A_14 to %while3A_10 step %while3A_16  : i32 {
      %mul3A_24 = arith.constant 1000 : i32
      %mul3A_25 = arith.muli %while3A_23, %mul3A_24 : i32
      %add3A_26 = arith.addi %mul3A_6, %mul3A_25 : i32
      "tpu.region"() ({
        %run_scoped3A = tpu.sem_alloc : memref<!tpu.dma_semaphore, #tpu.memory_space<semaphore_mem>>
        %dma_start3A = tpu.memref_slice %arg4[%add3A_26] : memref<160000xi32, #tpu.memory_space<hbm>> -> memref<1000xi32, #tpu.memory_space<hbm>>
        %dma_start3A_27 = tpu.memref_slice %arg4[%add3A_26] : memref<160000xi32, #tpu.memory_space<hbm>> -> memref<1000xi32, #tpu.memory_space<hbm>>
        tpu.enqueue_dma source(%dma_start3A_27 : memref<1000xi32, #tpu.memory_space<hbm>>) target(%arg6 : memref<1000xi32, #tpu.memory_space<vmem>>) target_semaphore(%run_scoped3A : memref<!tpu.dma_semaphore, #tpu.memory_space<semaphore_mem>>)
        %dma_wait3A = tpu.memref_slice %arg4[%add3A_26] : memref<160000xi32, #tpu.memory_space<hbm>> -> memref<1000xi32, #tpu.memory_space<hbm>>
        %dma_wait3A_28 = tpu.memref_slice %arg4[%add3A_26] : memref<160000xi32, #tpu.memory_space<hbm>> -> memref<1000xi32, #tpu.memory_space<hbm>>
        tpu.wait_dma2 semaphore(%run_scoped3A : memref<!tpu.dma_semaphore, #tpu.memory_space<semaphore_mem>>) src(%dma_wait3A_28 : memref<1000xi32, #tpu.memory_space<hbm>>) dst(%arg6 : memref<1000xi32, #tpu.memory_space<vmem>>)
        tpu.yield
      }) : () -> ()
      "tpu.region"() ({
        %run_scoped3A = tpu.sem_alloc : memref<!tpu.dma_semaphore, #tpu.memory_space<semaphore_mem>>
        %dma_start3A = arith.constant 0 : i32
        %dma_start3A_27 = tpu.memref_slice %arg3[%add3A_26, %dma_start3A] : memref<160000x32xf32, #tpu.memory_space<hbm>> -> memref<1000x32xf32, #tpu.memory_space<hbm>>
        %dma_start3A_28 = arith.constant 0 : i32
        %dma_start3A_29 = tpu.memref_slice %arg3[%add3A_26, %dma_start3A_28] : memref<160000x32xf32, #tpu.memory_space<hbm>> -> memref<1000x32xf32, #tpu.memory_space<hbm>>
        tpu.enqueue_dma source(%dma_start3A_29 : memref<1000x32xf32, #tpu.memory_space<hbm>>) target(%arg7 : memref<1000x32xf32, #tpu.memory_space<vmem>>) target_semaphore(%run_scoped3A : memref<!tpu.dma_semaphore, #tpu.memory_space<semaphore_mem>>)
        %dma_wait3A = arith.constant 0 : i32
        %dma_wait3A_30 = tpu.memref_slice %arg3[%add3A_26, %dma_wait3A] : memref<160000x32xf32, #tpu.memory_space<hbm>> -> memref<1000x32xf32, #tpu.memory_space<hbm>>
        %dma_wait3A_31 = arith.constant 0 : i32
        %dma_wait3A_32 = tpu.memref_slice %arg3[%add3A_26, %dma_wait3A_31] : memref<160000x32xf32, #tpu.memory_space<hbm>> -> memref<1000x32xf32, #tpu.memory_space<hbm>>
        tpu.wait_dma2 semaphore(%run_scoped3A : memref<!tpu.dma_semaphore, #tpu.memory_space<semaphore_mem>>) src(%dma_wait3A_32 : memref<1000x32xf32, #tpu.memory_space<hbm>>) dst(%arg7 : memref<1000x32xf32, #tpu.memory_space<vmem>>)
        tpu.yield
      }) : () -> ()
      "tpu.region"() ({
        %run_scoped3A = tpu.sem_alloc : memref<!tpu.dma_semaphore, #tpu.memory_space<semaphore_mem>>
        %dma_start3A = arith.constant 0 : i32
        %dma_start3A_27 = arith.constant 0 : i32
        %dma_start3A_28 = tpu.memref_slice %arg8[%dma_start3A, %dma_start3A_27] : memref<10000x32xf32, #tpu.memory_space<vmem_shared>> -> memref<10000x32xf32, #tpu.memory_space<vmem_shared>>
        tpu.enqueue_indirect_dma source(%arg7 : memref<1000x32xf32, #tpu.memory_space<vmem>>) target(%dma_start3A_28 : memref<10000x32xf32, #tpu.memory_space<vmem_shared>>) offsets(%arg6 : memref<1000xi32, #tpu.memory_space<vmem>>) semaphore(%run_scoped3A : memref<!tpu.dma_semaphore, #tpu.memory_space<semaphore_mem>>) {add = true}
        %dma_wait3A = arith.constant 0 : i32
        %dma_wait3A_29 = arith.constant 0 : i32
        %dma_wait3A_30 = tpu.memref_slice %arg8[%dma_wait3A, %dma_wait3A_29] : memref<10000x32xf32, #tpu.memory_space<vmem_shared>> -> memref<10000x32xf32, #tpu.memory_space<vmem_shared>>
        tpu.wait_indirect_dma semaphore(%run_scoped3A : memref<!tpu.dma_semaphore, #tpu.memory_space<semaphore_mem>>) src(%arg7 : memref<1000x32xf32, #tpu.memory_space<vmem>>) dst(%dma_wait3A_30 : memref<10000x32xf32, #tpu.memory_space<vmem_shared>>)
        tpu.yield
      }) : () -> ()
    }
    %barrier3A_17 = arith.constant 0 : index
    tpu.barrier barrier_id(%barrier3A_17)
    %lt3A_18 = arith.constant 10 : i32
    %lt3A_19 = arith.cmpi slt, %arg1, %lt3A_18 : i32
    %convert_element_type3A_20 = arith.extui %lt3A_19 : i1 to i32
    %cond3A_21 = arith.constant 0 : i32
    %cond3A_22 = arith.cmpi ne, %convert_element_type3A_20, %cond3A_21 : i32
    scf.if %cond3A_22 {
      "tpu.region"() ({
        %run_scoped3A = tpu.sem_alloc : memref<!tpu.dma_semaphore, #tpu.memory_space<semaphore_mem>>
        %dma_start3A = arith.constant 0 : i32
        %dma_start3A_23 = tpu.memref_slice %arg8[%mul3A_0, %dma_start3A] : memref<10000x32xf32, #tpu.memory_space<vmem_shared>> -> memref<1000x32xf32, #tpu.memory_space<vmem_shared>>
        %dma_start3A_24 = arith.constant 0 : i32
        %dma_start3A_25 = tpu.memref_slice %arg8[%mul3A_0, %dma_start3A_24] : memref<10000x32xf32, #tpu.memory_space<vmem_shared>> -> memref<1000x32xf32, #tpu.memory_space<vmem_shared>>
        tpu.enqueue_dma source(%dma_start3A_25 : memref<1000x32xf32, #tpu.memory_space<vmem_shared>>) target(%arg7 : memref<1000x32xf32, #tpu.memory_space<vmem>>) target_semaphore(%run_scoped3A : memref<!tpu.dma_semaphore, #tpu.memory_space<semaphore_mem>>)
        %dma_wait3A = arith.constant 0 : i32
        %dma_wait3A_26 = tpu.memref_slice %arg8[%mul3A_0, %dma_wait3A] : memref<10000x32xf32, #tpu.memory_space<vmem_shared>> -> memref<1000x32xf32, #tpu.memory_space<vmem_shared>>
        %dma_wait3A_27 = arith.constant 0 : i32
        %dma_wait3A_28 = tpu.memref_slice %arg8[%mul3A_0, %dma_wait3A_27] : memref<10000x32xf32, #tpu.memory_space<vmem_shared>> -> memref<1000x32xf32, #tpu.memory_space<vmem_shared>>
        tpu.wait_dma2 semaphore(%run_scoped3A : memref<!tpu.dma_semaphore, #tpu.memory_space<semaphore_mem>>) src(%dma_wait3A_28 : memref<1000x32xf32, #tpu.memory_space<vmem_shared>>) dst(%arg7 : memref<1000x32xf32, #tpu.memory_space<vmem>>)
        tpu.yield
      }) : () -> ()
      "tpu.region"() ({
        %run_scoped3A = tpu.sem_alloc : memref<!tpu.dma_semaphore, #tpu.memory_space<semaphore_mem>>
        %dma_start3A = arith.constant 0 : i32
        %dma_start3A_23 = arith.constant 0 : i32
        %dma_start3A_24 = tpu.memref_slice %arg5[%arg0, %dma_start3A, %dma_start3A_23] : memref<2x10000x32xf32, #tpu.memory_space<hbm>> -> memref<1x10000x32xf32, #tpu.memory_space<hbm>>
        %dma_start3A_25 = tpu.memref_squeeze %dma_start3A_24 : memref<1x10000x32xf32, #tpu.memory_space<hbm>> -> memref<10000x32xf32, #tpu.memory_space<hbm>>
        %dma_start3A_26 = arith.constant 0 : i32
        %dma_start3A_27 = tpu.memref_slice %dma_start3A_25[%mul3A_0, %dma_start3A_26] : memref<10000x32xf32, #tpu.memory_space<hbm>> -> memref<1000x32xf32, #tpu.memory_space<hbm>>
        %dma_start3A_28 = arith.constant 0 : i32
        %dma_start3A_29 = arith.constant 0 : i32
        %dma_start3A_30 = tpu.memref_slice %arg5[%arg0, %dma_start3A_28, %dma_start3A_29] : memref<2x10000x32xf32, #tpu.memory_space<hbm>> -> memref<1x10000x32xf32, #tpu.memory_space<hbm>>
        %dma_start3A_31 = tpu.memref_squeeze %dma_start3A_30 : memref<1x10000x32xf32, #tpu.memory_space<hbm>> -> memref<10000x32xf32, #tpu.memory_space<hbm>>
        %dma_start3A_32 = arith.constant 0 : i32
        %dma_start3A_33 = tpu.memref_slice %dma_start3A_31[%mul3A_0, %dma_start3A_32] : memref<10000x32xf32, #tpu.memory_space<hbm>> -> memref<1000x32xf32, #tpu.memory_space<hbm>>
        tpu.enqueue_dma source(%arg7 : memref<1000x32xf32, #tpu.memory_space<vmem>>) target(%dma_start3A_33 : memref<1000x32xf32, #tpu.memory_space<hbm>>) target_semaphore(%run_scoped3A : memref<!tpu.dma_semaphore, #tpu.memory_space<semaphore_mem>>)
        %dma_wait3A = arith.constant 0 : i32
        %dma_wait3A_34 = arith.constant 0 : i32
        %dma_wait3A_35 = tpu.memref_slice %arg5[%arg0, %dma_wait3A, %dma_wait3A_34] : memref<2x10000x32xf32, #tpu.memory_space<hbm>> -> memref<1x10000x32xf32, #tpu.memory_space<hbm>>
        %dma_wait3A_36 = tpu.memref_squeeze %dma_wait3A_35 : memref<1x10000x32xf32, #tpu.memory_space<hbm>> -> memref<10000x32xf32, #tpu.memory_space<hbm>>
        %dma_wait3A_37 = arith.constant 0 : i32
        %dma_wait3A_38 = tpu.memref_slice %dma_wait3A_36[%mul3A_0, %dma_wait3A_37] : memref<10000x32xf32, #tpu.memory_space<hbm>> -> memref<1000x32xf32, #tpu.memory_space<hbm>>
        %dma_wait3A_39 = arith.constant 0 : i32
        %dma_wait3A_40 = arith.constant 0 : i32
        %dma_wait3A_41 = tpu.memref_slice %arg5[%arg0, %dma_wait3A_39, %dma_wait3A_40] : memref<2x10000x32xf32, #tpu.memory_space<hbm>> -> memref<1x10000x32xf32, #tpu.memory_space<hbm>>
        %dma_wait3A_42 = tpu.memref_squeeze %dma_wait3A_41 : memref<1x10000x32xf32, #tpu.memory_space<hbm>> -> memref<10000x32xf32, #tpu.memory_space<hbm>>
        %dma_wait3A_43 = arith.constant 0 : i32
        %dma_wait3A_44 = tpu.memref_slice %dma_wait3A_42[%mul3A_0, %dma_wait3A_43] : memref<10000x32xf32, #tpu.memory_space<hbm>> -> memref<1000x32xf32, #tpu.memory_space<hbm>>
        tpu.wait_dma2 semaphore(%run_scoped3A : memref<!tpu.dma_semaphore, #tpu.memory_space<semaphore_mem>>) src(%arg7 : memref<1000x32xf32, #tpu.memory_space<vmem>>) dst(%dma_wait3A_44 : memref<1000x32xf32, #tpu.memory_space<hbm>>)
        tpu.yield
      }) : () -> ()
    } else {
    }
    return
  }
}

#map = affine_map<(d0, d1) -> (0, 0, 0)>
#map1 = affine_map<(d0, d1) -> (0)>
#map2 = affine_map<(d0, d1) -> (0, 0)>
module attributes {stable_mosaic.version = 14 : i64} {
  func.func @sc_gather(%arg0: i32, %arg1: i32, %arg2: memref<2x10000x32xf32, #tpu.memory_space<hbm>>, %arg3: memref<160000xi32, #tpu.memory_space<hbm>>, %arg4: memref<160000x32xf32, #tpu.memory_space<hbm>>, %arg5: memref<160000x32xf32, #tpu.memory_space<hbm>>, %arg6: memref<1000xi32, #tpu.memory_space<vmem>>, %arg7: memref<1000x32xf32, #tpu.memory_space<vmem>>, %arg8: memref<1000x32xf32, #tpu.memory_space<vmem>>, %arg9: memref<!tpu.dma_semaphore, #tpu.memory_space<semaphore_mem>>) attributes {dimension_semantics = [#tpu.dimension_semantics<core_parallel>, #tpu.dimension_semantics<subcore_parallel>], iteration_bounds = array<i64: 2, 16>, scalar_prefetch = 0 : i64, scratch_operands = 4 : i64, tpu.core_type = #tpu.core_type<sc_vector_subcore>, window_params = [{transform_indices = #map}, {transform_indices = #map1}, {transform_indices = #map2}, {transform_indices = #map2}]} {
    %mul3A = arith.constant 2 : i32
    %mul3A_0 = arith.muli %arg1, %mul3A : i32
    %add3A = arith.addi %mul3A_0, %arg0 : i32
    %mul3A_1 = arith.constant 5000 : i32
    %mul3A_2 = arith.muli %add3A, %mul3A_1 : i32
    %while3A = arith.constant 0 : i32
    %while3A_3 = arith.constant 0 : i32
    %while3A_4 = arith.constant 5 : i32
    %while3A_5 = arith.subi %while3A_4, %while3A_3 : i32
    %while3A_6 = arith.addi %while3A_3, %while3A_5 : i32
    %while3A_7 = arith.constant 1 : i32
    %while3A_8 = arith.divsi %while3A_5, %while3A_7 : i32
    %while3A_9 = arith.muli %while3A_8, %while3A_7 : i32
    %while3A_10 = arith.addi %while3A_3, %while3A_9 : i32
    %while3A_11 = arith.constant 1 : i32
    scf.for %while3A_13 = %while3A_3 to %while3A_10 step %while3A_11  : i32 {
      %mul3A_14 = arith.constant 1000 : i32
      %mul3A_15 = arith.muli %while3A_13, %mul3A_14 : i32
      %add3A_16 = arith.addi %mul3A_2, %mul3A_15 : i32
      "tpu.region"() ({
        %run_scoped3A = tpu.sem_alloc : memref<!tpu.dma_semaphore, #tpu.memory_space<semaphore_mem>>
        %dma_start3A_47 = tpu.memref_slice %arg3[%add3A_16] : memref<160000xi32, #tpu.memory_space<hbm>> -> memref<1000xi32, #tpu.memory_space<hbm>>
        %dma_start3A_48 = tpu.memref_slice %arg3[%add3A_16] : memref<160000xi32, #tpu.memory_space<hbm>> -> memref<1000xi32, #tpu.memory_space<hbm>>
        tpu.enqueue_dma source(%dma_start3A_48 : memref<1000xi32, #tpu.memory_space<hbm>>) target(%arg6 : memref<1000xi32, #tpu.memory_space<vmem>>) target_semaphore(%run_scoped3A : memref<!tpu.dma_semaphore, #tpu.memory_space<semaphore_mem>>)
        %dma_wait3A_49 = tpu.memref_slice %arg3[%add3A_16] : memref<160000xi32, #tpu.memory_space<hbm>> -> memref<1000xi32, #tpu.memory_space<hbm>>
        %dma_wait3A_50 = tpu.memref_slice %arg3[%add3A_16] : memref<160000xi32, #tpu.memory_space<hbm>> -> memref<1000xi32, #tpu.memory_space<hbm>>
        tpu.wait_dma2 semaphore(%run_scoped3A : memref<!tpu.dma_semaphore, #tpu.memory_space<semaphore_mem>>) src(%dma_wait3A_50 : memref<1000xi32, #tpu.memory_space<hbm>>) dst(%arg6 : memref<1000xi32, #tpu.memory_space<vmem>>)
        tpu.yield
      }) : () -> ()
      %dma_start3A = arith.constant 0 : i32
      %dma_start3A_17 = arith.constant 0 : i32
      %dma_start3A_18 = arith.constant 0 : i32
      %dma_start3A_19 = tpu.memref_slice %arg2[%dma_start3A, %dma_start3A_17, %dma_start3A_18] : memref<2x10000x32xf32, #tpu.memory_space<hbm>> -> memref<1x10000x32xf32, #tpu.memory_space<hbm>>
      %dma_start3A_20 = tpu.memref_squeeze %dma_start3A_19 : memref<1x10000x32xf32, #tpu.memory_space<hbm>> -> memref<10000x32xf32, #tpu.memory_space<hbm>>
      %dma_start3A_21 = arith.constant 0 : i32
      %dma_start3A_22 = arith.constant 0 : i32
      %dma_start3A_23 = tpu.memref_slice %dma_start3A_20[%dma_start3A_21, %dma_start3A_22] : memref<10000x32xf32, #tpu.memory_space<hbm>> -> memref<10000x32xf32, #tpu.memory_space<hbm>>
      tpu.enqueue_indirect_dma source(%dma_start3A_23 : memref<10000x32xf32, #tpu.memory_space<hbm>>) target(%arg7 : memref<1000x32xf32, #tpu.memory_space<vmem>>) offsets(%arg6 : memref<1000xi32, #tpu.memory_space<vmem>>) semaphore(%arg9 : memref<!tpu.dma_semaphore, #tpu.memory_space<semaphore_mem>>)
      %dma_start3A_24 = arith.constant 1 : i32
      %dma_start3A_25 = arith.constant 0 : i32
      %dma_start3A_26 = arith.constant 0 : i32
      %dma_start3A_27 = tpu.memref_slice %arg2[%dma_start3A_24, %dma_start3A_25, %dma_start3A_26] : memref<2x10000x32xf32, #tpu.memory_space<hbm>> -> memref<1x10000x32xf32, #tpu.memory_space<hbm>>
      %dma_start3A_28 = tpu.memref_squeeze %dma_start3A_27 : memref<1x10000x32xf32, #tpu.memory_space<hbm>> -> memref<10000x32xf32, #tpu.memory_space<hbm>>
      %dma_start3A_29 = arith.constant 0 : i32
      %dma_start3A_30 = arith.constant 0 : i32
      %dma_start3A_31 = tpu.memref_slice %dma_start3A_28[%dma_start3A_29, %dma_start3A_30] : memref<10000x32xf32, #tpu.memory_space<hbm>> -> memref<10000x32xf32, #tpu.memory_space<hbm>>
      tpu.enqueue_indirect_dma source(%dma_start3A_31 : memref<10000x32xf32, #tpu.memory_space<hbm>>) target(%arg8 : memref<1000x32xf32, #tpu.memory_space<vmem>>) offsets(%arg6 : memref<1000xi32, #tpu.memory_space<vmem>>) semaphore(%arg9 : memref<!tpu.dma_semaphore, #tpu.memory_space<semaphore_mem>>)
      %dma_wait3A = arith.constant 0 : i32
      %dma_wait3A_32 = arith.constant 0 : i32
      %dma_wait3A_33 = arith.constant 0 : i32
      %dma_wait3A_34 = tpu.memref_slice %arg2[%dma_wait3A, %dma_wait3A_32, %dma_wait3A_33] : memref<2x10000x32xf32, #tpu.memory_space<hbm>> -> memref<1x10000x32xf32, #tpu.memory_space<hbm>>
      %dma_wait3A_35 = tpu.memref_squeeze %dma_wait3A_34 : memref<1x10000x32xf32, #tpu.memory_space<hbm>> -> memref<10000x32xf32, #tpu.memory_space<hbm>>
      %dma_wait3A_36 = arith.constant 0 : i32
      %dma_wait3A_37 = arith.constant 0 : i32
      %dma_wait3A_38 = tpu.memref_slice %dma_wait3A_35[%dma_wait3A_36, %dma_wait3A_37] : memref<10000x32xf32, #tpu.memory_space<hbm>> -> memref<10000x32xf32, #tpu.memory_space<hbm>>
      tpu.wait_indirect_dma semaphore(%arg9 : memref<!tpu.dma_semaphore, #tpu.memory_space<semaphore_mem>>) src(%dma_wait3A_38 : memref<10000x32xf32, #tpu.memory_space<hbm>>) dst(%arg7 : memref<1000x32xf32, #tpu.memory_space<vmem>>)
      %dma_wait3A_39 = arith.constant 1 : i32
      %dma_wait3A_40 = arith.constant 0 : i32
      %dma_wait3A_41 = arith.constant 0 : i32
      %dma_wait3A_42 = tpu.memref_slice %arg2[%dma_wait3A_39, %dma_wait3A_40, %dma_wait3A_41] : memref<2x10000x32xf32, #tpu.memory_space<hbm>> -> memref<1x10000x32xf32, #tpu.memory_space<hbm>>
      %dma_wait3A_43 = tpu.memref_squeeze %dma_wait3A_42 : memref<1x10000x32xf32, #tpu.memory_space<hbm>> -> memref<10000x32xf32, #tpu.memory_space<hbm>>
      %dma_wait3A_44 = arith.constant 0 : i32
      %dma_wait3A_45 = arith.constant 0 : i32
      %dma_wait3A_46 = tpu.memref_slice %dma_wait3A_43[%dma_wait3A_44, %dma_wait3A_45] : memref<10000x32xf32, #tpu.memory_space<hbm>> -> memref<10000x32xf32, #tpu.memory_space<hbm>>
      tpu.wait_indirect_dma semaphore(%arg9 : memref<!tpu.dma_semaphore, #tpu.memory_space<semaphore_mem>>) src(%dma_wait3A_46 : memref<10000x32xf32, #tpu.memory_space<hbm>>) dst(%arg8 : memref<1000x32xf32, #tpu.memory_space<vmem>>)
      "tpu.region"() ({
        %run_scoped3A = tpu.sem_alloc : memref<!tpu.dma_semaphore, #tpu.memory_space<semaphore_mem>>
        %dma_start3A_47 = arith.constant 0 : i32
        %dma_start3A_48 = tpu.memref_slice %arg4[%add3A_16, %dma_start3A_47] : memref<160000x32xf32, #tpu.memory_space<hbm>> -> memref<1000x32xf32, #tpu.memory_space<hbm>>
        %dma_start3A_49 = arith.constant 0 : i32
        %dma_start3A_50 = tpu.memref_slice %arg4[%add3A_16, %dma_start3A_49] : memref<160000x32xf32, #tpu.memory_space<hbm>> -> memref<1000x32xf32, #tpu.memory_space<hbm>>
        tpu.enqueue_dma source(%arg7 : memref<1000x32xf32, #tpu.memory_space<vmem>>) target(%dma_start3A_50 : memref<1000x32xf32, #tpu.memory_space<hbm>>) target_semaphore(%run_scoped3A : memref<!tpu.dma_semaphore, #tpu.memory_space<semaphore_mem>>)
        %dma_wait3A_51 = arith.constant 0 : i32
        %dma_wait3A_52 = tpu.memref_slice %arg4[%add3A_16, %dma_wait3A_51] : memref<160000x32xf32, #tpu.memory_space<hbm>> -> memref<1000x32xf32, #tpu.memory_space<hbm>>
        %dma_wait3A_53 = arith.constant 0 : i32
        %dma_wait3A_54 = tpu.memref_slice %arg4[%add3A_16, %dma_wait3A_53] : memref<160000x32xf32, #tpu.memory_space<hbm>> -> memref<1000x32xf32, #tpu.memory_space<hbm>>
        tpu.wait_dma2 semaphore(%run_scoped3A : memref<!tpu.dma_semaphore, #tpu.memory_space<semaphore_mem>>) src(%arg7 : memref<1000x32xf32, #tpu.memory_space<vmem>>) dst(%dma_wait3A_54 : memref<1000x32xf32, #tpu.memory_space<hbm>>)
        tpu.yield
      }) : () -> ()
      "tpu.region"() ({
        %run_scoped3A = tpu.sem_alloc : memref<!tpu.dma_semaphore, #tpu.memory_space<semaphore_mem>>
        %dma_start3A_47 = arith.constant 0 : i32
        %dma_start3A_48 = tpu.memref_slice %arg5[%add3A_16, %dma_start3A_47] : memref<160000x32xf32, #tpu.memory_space<hbm>> -> memref<1000x32xf32, #tpu.memory_space<hbm>>
        %dma_start3A_49 = arith.constant 0 : i32
        %dma_start3A_50 = tpu.memref_slice %arg5[%add3A_16, %dma_start3A_49] : memref<160000x32xf32, #tpu.memory_space<hbm>> -> memref<1000x32xf32, #tpu.memory_space<hbm>>
        tpu.enqueue_dma source(%arg8 : memref<1000x32xf32, #tpu.memory_space<vmem>>) target(%dma_start3A_50 : memref<1000x32xf32, #tpu.memory_space<hbm>>) target_semaphore(%run_scoped3A : memref<!tpu.dma_semaphore, #tpu.memory_space<semaphore_mem>>)
        %dma_wait3A_51 = arith.constant 0 : i32
        %dma_wait3A_52 = tpu.memref_slice %arg5[%add3A_16, %dma_wait3A_51] : memref<160000x32xf32, #tpu.memory_space<hbm>> -> memref<1000x32xf32, #tpu.memory_space<hbm>>
        %dma_wait3A_53 = arith.constant 0 : i32
        %dma_wait3A_54 = tpu.memref_slice %arg5[%add3A_16, %dma_wait3A_53] : memref<160000x32xf32, #tpu.memory_space<hbm>> -> memref<1000x32xf32, #tpu.memory_space<hbm>>
        tpu.wait_dma2 semaphore(%run_scoped3A : memref<!tpu.dma_semaphore, #tpu.memory_space<semaphore_mem>>) src(%arg8 : memref<1000x32xf32, #tpu.memory_space<vmem>>) dst(%dma_wait3A_54 : memref<1000x32xf32, #tpu.memory_space<hbm>>)
        tpu.yield
      }) : () -> ()
    }
    %while3A_12 = arith.constant 1 : i32
    scf.for %while3A_13 = %while3A_10 to %while3A_6 step %while3A_12  : i32 {
      %mul3A_14 = arith.constant 1000 : i32
      %mul3A_15 = arith.muli %while3A_13, %mul3A_14 : i32
      %add3A_16 = arith.addi %mul3A_2, %mul3A_15 : i32
      "tpu.region"() ({
        %run_scoped3A = tpu.sem_alloc : memref<!tpu.dma_semaphore, #tpu.memory_space<semaphore_mem>>
        %dma_start3A_47 = tpu.memref_slice %arg3[%add3A_16] : memref<160000xi32, #tpu.memory_space<hbm>> -> memref<1000xi32, #tpu.memory_space<hbm>>
        %dma_start3A_48 = tpu.memref_slice %arg3[%add3A_16] : memref<160000xi32, #tpu.memory_space<hbm>> -> memref<1000xi32, #tpu.memory_space<hbm>>
        tpu.enqueue_dma source(%dma_start3A_48 : memref<1000xi32, #tpu.memory_space<hbm>>) target(%arg6 : memref<1000xi32, #tpu.memory_space<vmem>>) target_semaphore(%run_scoped3A : memref<!tpu.dma_semaphore, #tpu.memory_space<semaphore_mem>>)
        %dma_wait3A_49 = tpu.memref_slice %arg3[%add3A_16] : memref<160000xi32, #tpu.memory_space<hbm>> -> memref<1000xi32, #tpu.memory_space<hbm>>
        %dma_wait3A_50 = tpu.memref_slice %arg3[%add3A_16] : memref<160000xi32, #tpu.memory_space<hbm>> -> memref<1000xi32, #tpu.memory_space<hbm>>
        tpu.wait_dma2 semaphore(%run_scoped3A : memref<!tpu.dma_semaphore, #tpu.memory_space<semaphore_mem>>) src(%dma_wait3A_50 : memref<1000xi32, #tpu.memory_space<hbm>>) dst(%arg6 : memref<1000xi32, #tpu.memory_space<vmem>>)
        tpu.yield
      }) : () -> ()
      %dma_start3A = arith.constant 0 : i32
      %dma_start3A_17 = arith.constant 0 : i32
      %dma_start3A_18 = arith.constant 0 : i32
      %dma_start3A_19 = tpu.memref_slice %arg2[%dma_start3A, %dma_start3A_17, %dma_start3A_18] : memref<2x10000x32xf32, #tpu.memory_space<hbm>> -> memref<1x10000x32xf32, #tpu.memory_space<hbm>>
      %dma_start3A_20 = tpu.memref_squeeze %dma_start3A_19 : memref<1x10000x32xf32, #tpu.memory_space<hbm>> -> memref<10000x32xf32, #tpu.memory_space<hbm>>
      %dma_start3A_21 = arith.constant 0 : i32
      %dma_start3A_22 = arith.constant 0 : i32
      %dma_start3A_23 = tpu.memref_slice %dma_start3A_20[%dma_start3A_21, %dma_start3A_22] : memref<10000x32xf32, #tpu.memory_space<hbm>> -> memref<10000x32xf32, #tpu.memory_space<hbm>>
      tpu.enqueue_indirect_dma source(%dma_start3A_23 : memref<10000x32xf32, #tpu.memory_space<hbm>>) target(%arg7 : memref<1000x32xf32, #tpu.memory_space<vmem>>) offsets(%arg6 : memref<1000xi32, #tpu.memory_space<vmem>>) semaphore(%arg9 : memref<!tpu.dma_semaphore, #tpu.memory_space<semaphore_mem>>)
      %dma_start3A_24 = arith.constant 1 : i32
      %dma_start3A_25 = arith.constant 0 : i32
      %dma_start3A_26 = arith.constant 0 : i32
      %dma_start3A_27 = tpu.memref_slice %arg2[%dma_start3A_24, %dma_start3A_25, %dma_start3A_26] : memref<2x10000x32xf32, #tpu.memory_space<hbm>> -> memref<1x10000x32xf32, #tpu.memory_space<hbm>>
      %dma_start3A_28 = tpu.memref_squeeze %dma_start3A_27 : memref<1x10000x32xf32, #tpu.memory_space<hbm>> -> memref<10000x32xf32, #tpu.memory_space<hbm>>
      %dma_start3A_29 = arith.constant 0 : i32
      %dma_start3A_30 = arith.constant 0 : i32
      %dma_start3A_31 = tpu.memref_slice %dma_start3A_28[%dma_start3A_29, %dma_start3A_30] : memref<10000x32xf32, #tpu.memory_space<hbm>> -> memref<10000x32xf32, #tpu.memory_space<hbm>>
      tpu.enqueue_indirect_dma source(%dma_start3A_31 : memref<10000x32xf32, #tpu.memory_space<hbm>>) target(%arg8 : memref<1000x32xf32, #tpu.memory_space<vmem>>) offsets(%arg6 : memref<1000xi32, #tpu.memory_space<vmem>>) semaphore(%arg9 : memref<!tpu.dma_semaphore, #tpu.memory_space<semaphore_mem>>)
      %dma_wait3A = arith.constant 0 : i32
      %dma_wait3A_32 = arith.constant 0 : i32
      %dma_wait3A_33 = arith.constant 0 : i32
      %dma_wait3A_34 = tpu.memref_slice %arg2[%dma_wait3A, %dma_wait3A_32, %dma_wait3A_33] : memref<2x10000x32xf32, #tpu.memory_space<hbm>> -> memref<1x10000x32xf32, #tpu.memory_space<hbm>>
      %dma_wait3A_35 = tpu.memref_squeeze %dma_wait3A_34 : memref<1x10000x32xf32, #tpu.memory_space<hbm>> -> memref<10000x32xf32, #tpu.memory_space<hbm>>
      %dma_wait3A_36 = arith.constant 0 : i32
      %dma_wait3A_37 = arith.constant 0 : i32
      %dma_wait3A_38 = tpu.memref_slice %dma_wait3A_35[%dma_wait3A_36, %dma_wait3A_37] : memref<10000x32xf32, #tpu.memory_space<hbm>> -> memref<10000x32xf32, #tpu.memory_space<hbm>>
      tpu.wait_indirect_dma semaphore(%arg9 : memref<!tpu.dma_semaphore, #tpu.memory_space<semaphore_mem>>) src(%dma_wait3A_38 : memref<10000x32xf32, #tpu.memory_space<hbm>>) dst(%arg7 : memref<1000x32xf32, #tpu.memory_space<vmem>>)
      %dma_wait3A_39 = arith.constant 1 : i32
      %dma_wait3A_40 = arith.constant 0 : i32
      %dma_wait3A_41 = arith.constant 0 : i32
      %dma_wait3A_42 = tpu.memref_slice %arg2[%dma_wait3A_39, %dma_wait3A_40, %dma_wait3A_41] : memref<2x10000x32xf32, #tpu.memory_space<hbm>> -> memref<1x10000x32xf32, #tpu.memory_space<hbm>>
      %dma_wait3A_43 = tpu.memref_squeeze %dma_wait3A_42 : memref<1x10000x32xf32, #tpu.memory_space<hbm>> -> memref<10000x32xf32, #tpu.memory_space<hbm>>
      %dma_wait3A_44 = arith.constant 0 : i32
      %dma_wait3A_45 = arith.constant 0 : i32
      %dma_wait3A_46 = tpu.memref_slice %dma_wait3A_43[%dma_wait3A_44, %dma_wait3A_45] : memref<10000x32xf32, #tpu.memory_space<hbm>> -> memref<10000x32xf32, #tpu.memory_space<hbm>>
      tpu.wait_indirect_dma semaphore(%arg9 : memref<!tpu.dma_semaphore, #tpu.memory_space<semaphore_mem>>) src(%dma_wait3A_46 : memref<10000x32xf32, #tpu.memory_space<hbm>>) dst(%arg8 : memref<1000x32xf32, #tpu.memory_space<vmem>>)
      "tpu.region"() ({
        %run_scoped3A = tpu.sem_alloc : memref<!tpu.dma_semaphore, #tpu.memory_space<semaphore_mem>>
        %dma_start3A_47 = arith.constant 0 : i32
        %dma_start3A_48 = tpu.memref_slice %arg4[%add3A_16, %dma_start3A_47] : memref<160000x32xf32, #tpu.memory_space<hbm>> -> memref<1000x32xf32, #tpu.memory_space<hbm>>
        %dma_start3A_49 = arith.constant 0 : i32
        %dma_start3A_50 = tpu.memref_slice %arg4[%add3A_16, %dma_start3A_49] : memref<160000x32xf32, #tpu.memory_space<hbm>> -> memref<1000x32xf32, #tpu.memory_space<hbm>>
        tpu.enqueue_dma source(%arg7 : memref<1000x32xf32, #tpu.memory_space<vmem>>) target(%dma_start3A_50 : memref<1000x32xf32, #tpu.memory_space<hbm>>) target_semaphore(%run_scoped3A : memref<!tpu.dma_semaphore, #tpu.memory_space<semaphore_mem>>)
        %dma_wait3A_51 = arith.constant 0 : i32
        %dma_wait3A_52 = tpu.memref_slice %arg4[%add3A_16, %dma_wait3A_51] : memref<160000x32xf32, #tpu.memory_space<hbm>> -> memref<1000x32xf32, #tpu.memory_space<hbm>>
        %dma_wait3A_53 = arith.constant 0 : i32
        %dma_wait3A_54 = tpu.memref_slice %arg4[%add3A_16, %dma_wait3A_53] : memref<160000x32xf32, #tpu.memory_space<hbm>> -> memref<1000x32xf32, #tpu.memory_space<hbm>>
        tpu.wait_dma2 semaphore(%run_scoped3A : memref<!tpu.dma_semaphore, #tpu.memory_space<semaphore_mem>>) src(%arg7 : memref<1000x32xf32, #tpu.memory_space<vmem>>) dst(%dma_wait3A_54 : memref<1000x32xf32, #tpu.memory_space<hbm>>)
        tpu.yield
      }) : () -> ()
      "tpu.region"() ({
        %run_scoped3A = tpu.sem_alloc : memref<!tpu.dma_semaphore, #tpu.memory_space<semaphore_mem>>
        %dma_start3A_47 = arith.constant 0 : i32
        %dma_start3A_48 = tpu.memref_slice %arg5[%add3A_16, %dma_start3A_47] : memref<160000x32xf32, #tpu.memory_space<hbm>> -> memref<1000x32xf32, #tpu.memory_space<hbm>>
        %dma_start3A_49 = arith.constant 0 : i32
        %dma_start3A_50 = tpu.memref_slice %arg5[%add3A_16, %dma_start3A_49] : memref<160000x32xf32, #tpu.memory_space<hbm>> -> memref<1000x32xf32, #tpu.memory_space<hbm>>
        tpu.enqueue_dma source(%arg8 : memref<1000x32xf32, #tpu.memory_space<vmem>>) target(%dma_start3A_50 : memref<1000x32xf32, #tpu.memory_space<hbm>>) target_semaphore(%run_scoped3A : memref<!tpu.dma_semaphore, #tpu.memory_space<semaphore_mem>>)
        %dma_wait3A_51 = arith.constant 0 : i32
        %dma_wait3A_52 = tpu.memref_slice %arg5[%add3A_16, %dma_wait3A_51] : memref<160000x32xf32, #tpu.memory_space<hbm>> -> memref<1000x32xf32, #tpu.memory_space<hbm>>
        %dma_wait3A_53 = arith.constant 0 : i32
        %dma_wait3A_54 = tpu.memref_slice %arg5[%add3A_16, %dma_wait3A_53] : memref<160000x32xf32, #tpu.memory_space<hbm>> -> memref<1000x32xf32, #tpu.memory_space<hbm>>
        tpu.wait_dma2 semaphore(%run_scoped3A : memref<!tpu.dma_semaphore, #tpu.memory_space<semaphore_mem>>) src(%arg8 : memref<1000x32xf32, #tpu.memory_space<vmem>>) dst(%dma_wait3A_54 : memref<1000x32xf32, #tpu.memory_space<hbm>>)
        tpu.yield
      }) : () -> ()
    }
    return
  }
}

#map = affine_map<(d0, d1) -> (0, 0, 0)>
#map1 = affine_map<(d0, d1) -> (0, 0)>
#map2 = affine_map<(d0, d1) -> (0)>
module attributes {stable_mosaic.version = 14 : i64} {
  func.func @sc_scatter(%arg0: i32, %arg1: i32, %arg2: memref<2x10000x32xf32, #tpu.memory_space<hbm>>, %arg3: memref<160000x32xf32, #tpu.memory_space<hbm>>, %arg4: memref<160000xi32, #tpu.memory_space<hbm>>, %arg5: memref<2x10000x32xf32, #tpu.memory_space<hbm>>, %arg6: memref<1000xi32, #tpu.memory_space<vmem>>, %arg7: memref<1000x32xf32, #tpu.memory_space<vmem>>, %arg8: memref<10000x32xf32, #tpu.memory_space<vmem_shared>>) attributes {dimension_semantics = [#tpu.dimension_semantics<core_parallel>, #tpu.dimension_semantics<subcore_parallel>], iteration_bounds = array<i64: 2, 16>, scalar_prefetch = 0 : i64, scratch_operands = 3 : i64, tpu.core_type = #tpu.core_type<sc_vector_subcore>, window_params = [{transform_indices = #map}, {transform_indices = #map1}, {transform_indices = #map2}, {transform_indices = #map}]} {
    %mul3A = arith.constant 1000 : i32
    %mul3A_0 = arith.muli %arg1, %mul3A : i32
    %lt3A = arith.constant 10 : i32
    %lt3A_1 = arith.cmpi slt, %arg1, %lt3A : i32
    %convert_element_type3A = arith.extui %lt3A_1 : i1 to i32
    %cond3A = arith.constant 0 : i32
    %cond3A_2 = arith.cmpi ne, %convert_element_type3A, %cond3A : i32
    scf.if %cond3A_2 {
      "tpu.region"() ({
        %run_scoped3A = tpu.sem_alloc : memref<!tpu.dma_semaphore, #tpu.memory_space<semaphore_mem>>
        %dma_start3A = arith.constant 0 : i32
        %dma_start3A_23 = arith.constant 0 : i32
        %dma_start3A_24 = tpu.memref_slice %arg2[%arg0, %dma_start3A, %dma_start3A_23] : memref<2x10000x32xf32, #tpu.memory_space<hbm>> -> memref<1x10000x32xf32, #tpu.memory_space<hbm>>
        %dma_start3A_25 = tpu.memref_squeeze %dma_start3A_24 : memref<1x10000x32xf32, #tpu.memory_space<hbm>> -> memref<10000x32xf32, #tpu.memory_space<hbm>>
        %dma_start3A_26 = arith.constant 0 : i32
        %dma_start3A_27 = tpu.memref_slice %dma_start3A_25[%mul3A_0, %dma_start3A_26] : memref<10000x32xf32, #tpu.memory_space<hbm>> -> memref<1000x32xf32, #tpu.memory_space<hbm>>
        %dma_start3A_28 = arith.constant 0 : i32
        %dma_start3A_29 = arith.constant 0 : i32
        %dma_start3A_30 = tpu.memref_slice %arg2[%arg0, %dma_start3A_28, %dma_start3A_29] : memref<2x10000x32xf32, #tpu.memory_space<hbm>> -> memref<1x10000x32xf32, #tpu.memory_space<hbm>>
        %dma_start3A_31 = tpu.memref_squeeze %dma_start3A_30 : memref<1x10000x32xf32, #tpu.memory_space<hbm>> -> memref<10000x32xf32, #tpu.memory_space<hbm>>
        %dma_start3A_32 = arith.constant 0 : i32
        %dma_start3A_33 = tpu.memref_slice %dma_start3A_31[%mul3A_0, %dma_start3A_32] : memref<10000x32xf32, #tpu.memory_space<hbm>> -> memref<1000x32xf32, #tpu.memory_space<hbm>>
        tpu.enqueue_dma source(%dma_start3A_33 : memref<1000x32xf32, #tpu.memory_space<hbm>>) target(%arg7 : memref<1000x32xf32, #tpu.memory_space<vmem>>) target_semaphore(%run_scoped3A : memref<!tpu.dma_semaphore, #tpu.memory_space<semaphore_mem>>)
        %dma_wait3A = arith.constant 0 : i32
        %dma_wait3A_34 = arith.constant 0 : i32
        %dma_wait3A_35 = tpu.memref_slice %arg2[%arg0, %dma_wait3A, %dma_wait3A_34] : memref<2x10000x32xf32, #tpu.memory_space<hbm>> -> memref<1x10000x32xf32, #tpu.memory_space<hbm>>
        %dma_wait3A_36 = tpu.memref_squeeze %dma_wait3A_35 : memref<1x10000x32xf32, #tpu.memory_space<hbm>> -> memref<10000x32xf32, #tpu.memory_space<hbm>>
        %dma_wait3A_37 = arith.constant 0 : i32
        %dma_wait3A_38 = tpu.memref_slice %dma_wait3A_36[%mul3A_0, %dma_wait3A_37] : memref<10000x32xf32, #tpu.memory_space<hbm>> -> memref<1000x32xf32, #tpu.memory_space<hbm>>
        %dma_wait3A_39 = arith.constant 0 : i32
        %dma_wait3A_40 = arith.constant 0 : i32
        %dma_wait3A_41 = tpu.memref_slice %arg2[%arg0, %dma_wait3A_39, %dma_wait3A_40] : memref<2x10000x32xf32, #tpu.memory_space<hbm>> -> memref<1x10000x32xf32, #tpu.memory_space<hbm>>
        %dma_wait3A_42 = tpu.memref_squeeze %dma_wait3A_41 : memref<1x10000x32xf32, #tpu.memory_space<hbm>> -> memref<10000x32xf32, #tpu.memory_space<hbm>>
        %dma_wait3A_43 = arith.constant 0 : i32
        %dma_wait3A_44 = tpu.memref_slice %dma_wait3A_42[%mul3A_0, %dma_wait3A_43] : memref<10000x32xf32, #tpu.memory_space<hbm>> -> memref<1000x32xf32, #tpu.memory_space<hbm>>
        tpu.wait_dma2 semaphore(%run_scoped3A : memref<!tpu.dma_semaphore, #tpu.memory_space<semaphore_mem>>) src(%dma_wait3A_44 : memref<1000x32xf32, #tpu.memory_space<hbm>>) dst(%arg7 : memref<1000x32xf32, #tpu.memory_space<vmem>>)
        tpu.yield
      }) : () -> ()
      "tpu.region"() ({
        %run_scoped3A = tpu.sem_alloc : memref<!tpu.dma_semaphore, #tpu.memory_space<semaphore_mem>>
        %dma_start3A = arith.constant 0 : i32
        %dma_start3A_23 = tpu.memref_slice %arg8[%mul3A_0, %dma_start3A] : memref<10000x32xf32, #tpu.memory_space<vmem_shared>> -> memref<1000x32xf32, #tpu.memory_space<vmem_shared>>
        %dma_start3A_24 = arith.constant 0 : i32
        %dma_start3A_25 = tpu.memref_slice %arg8[%mul3A_0, %dma_start3A_24] : memref<10000x32xf32, #tpu.memory_space<vmem_shared>> -> memref<1000x32xf32, #tpu.memory_space<vmem_shared>>
        tpu.enqueue_dma source(%arg7 : memref<1000x32xf32, #tpu.memory_space<vmem>>) target(%dma_start3A_25 : memref<1000x32xf32, #tpu.memory_space<vmem_shared>>) target_semaphore(%run_scoped3A : memref<!tpu.dma_semaphore, #tpu.memory_space<semaphore_mem>>)
        %dma_wait3A = arith.constant 0 : i32
        %dma_wait3A_26 = tpu.memref_slice %arg8[%mul3A_0, %dma_wait3A] : memref<10000x32xf32, #tpu.memory_space<vmem_shared>> -> memref<1000x32xf32, #tpu.memory_space<vmem_shared>>
        %dma_wait3A_27 = arith.constant 0 : i32
        %dma_wait3A_28 = tpu.memref_slice %arg8[%mul3A_0, %dma_wait3A_27] : memref<10000x32xf32, #tpu.memory_space<vmem_shared>> -> memref<1000x32xf32, #tpu.memory_space<vmem_shared>>
        tpu.wait_dma2 semaphore(%run_scoped3A : memref<!tpu.dma_semaphore, #tpu.memory_space<semaphore_mem>>) src(%arg7 : memref<1000x32xf32, #tpu.memory_space<vmem>>) dst(%dma_wait3A_28 : memref<1000x32xf32, #tpu.memory_space<vmem_shared>>)
        tpu.yield
      }) : () -> ()
    } else {
    }
    %barrier3A = arith.constant 0 : index
    tpu.barrier barrier_id(%barrier3A)
    %mul3A_3 = arith.constant 2 : i32
    %mul3A_4 = arith.muli %arg1, %mul3A_3 : i32
    %add3A = arith.addi %mul3A_4, %arg0 : i32
    %mul3A_5 = arith.constant 5000 : i32
    %mul3A_6 = arith.muli %add3A, %mul3A_5 : i32
    %while3A = arith.constant 0 : i32
    %while3A_7 = arith.constant 0 : i32
    %while3A_8 = arith.constant 5 : i32
    %while3A_9 = arith.subi %while3A_8, %while3A_7 : i32
    %while3A_10 = arith.addi %while3A_7, %while3A_9 : i32
    %while3A_11 = arith.constant 1 : i32
    %while3A_12 = arith.divsi %while3A_9, %while3A_11 : i32
    %while3A_13 = arith.muli %while3A_12, %while3A_11 : i32
    %while3A_14 = arith.addi %while3A_7, %while3A_13 : i32
    %while3A_15 = arith.constant 1 : i32
    scf.for %while3A_23 = %while3A_7 to %while3A_14 step %while3A_15  : i32 {
      %mul3A_24 = arith.constant 1000 : i32
      %mul3A_25 = arith.muli %while3A_23, %mul3A_24 : i32
      %add3A_26 = arith.addi %mul3A_6, %mul3A_25 : i32
      "tpu.region"() ({
        %run_scoped3A = tpu.sem_alloc : memref<!tpu.dma_semaphore, #tpu.memory_space<semaphore_mem>>
        %dma_start3A = tpu.memref_slice %arg4[%add3A_26] : memref<160000xi32, #tpu.memory_space<hbm>> -> memref<1000xi32, #tpu.memory_space<hbm>>
        %dma_start3A_27 = tpu.memref_slice %arg4[%add3A_26] : memref<160000xi32, #tpu.memory_space<hbm>> -> memref<1000xi32, #tpu.memory_space<hbm>>
        tpu.enqueue_dma source(%dma_start3A_27 : memref<1000xi32, #tpu.memory_space<hbm>>) target(%arg6 : memref<1000xi32, #tpu.memory_space<vmem>>) target_semaphore(%run_scoped3A : memref<!tpu.dma_semaphore, #tpu.memory_space<semaphore_mem>>)
        %dma_wait3A = tpu.memref_slice %arg4[%add3A_26] : memref<160000xi32, #tpu.memory_space<hbm>> -> memref<1000xi32, #tpu.memory_space<hbm>>
        %dma_wait3A_28 = tpu.memref_slice %arg4[%add3A_26] : memref<160000xi32, #tpu.memory_space<hbm>> -> memref<1000xi32, #tpu.memory_space<hbm>>
        tpu.wait_dma2 semaphore(%run_scoped3A : memref<!tpu.dma_semaphore, #tpu.memory_space<semaphore_mem>>) src(%dma_wait3A_28 : memref<1000xi32, #tpu.memory_space<hbm>>) dst(%arg6 : memref<1000xi32, #tpu.memory_space<vmem>>)
        tpu.yield
      }) : () -> ()
      "tpu.region"() ({
        %run_scoped3A = tpu.sem_alloc : memref<!tpu.dma_semaphore, #tpu.memory_space<semaphore_mem>>
        %dma_start3A = arith.constant 0 : i32
        %dma_start3A_27 = tpu.memref_slice %arg3[%add3A_26, %dma_start3A] : memref<160000x32xf32, #tpu.memory_space<hbm>> -> memref<1000x32xf32, #tpu.memory_space<hbm>>
        %dma_start3A_28 = arith.constant 0 : i32
        %dma_start3A_29 = tpu.memref_slice %arg3[%add3A_26, %dma_start3A_28] : memref<160000x32xf32, #tpu.memory_space<hbm>> -> memref<1000x32xf32, #tpu.memory_space<hbm>>
        tpu.enqueue_dma source(%dma_start3A_29 : memref<1000x32xf32, #tpu.memory_space<hbm>>) target(%arg7 : memref<1000x32xf32, #tpu.memory_space<vmem>>) target_semaphore(%run_scoped3A : memref<!tpu.dma_semaphore, #tpu.memory_space<semaphore_mem>>)
        %dma_wait3A = arith.constant 0 : i32
        %dma_wait3A_30 = tpu.memref_slice %arg3[%add3A_26, %dma_wait3A] : memref<160000x32xf32, #tpu.memory_space<hbm>> -> memref<1000x32xf32, #tpu.memory_space<hbm>>
        %dma_wait3A_31 = arith.constant 0 : i32
        %dma_wait3A_32 = tpu.memref_slice %arg3[%add3A_26, %dma_wait3A_31] : memref<160000x32xf32, #tpu.memory_space<hbm>> -> memref<1000x32xf32, #tpu.memory_space<hbm>>
        tpu.wait_dma2 semaphore(%run_scoped3A : memref<!tpu.dma_semaphore, #tpu.memory_space<semaphore_mem>>) src(%dma_wait3A_32 : memref<1000x32xf32, #tpu.memory_space<hbm>>) dst(%arg7 : memref<1000x32xf32, #tpu.memory_space<vmem>>)
        tpu.yield
      }) : () -> ()
      "tpu.region"() ({
        %run_scoped3A = tpu.sem_alloc : memref<!tpu.dma_semaphore, #tpu.memory_space<semaphore_mem>>
        %dma_start3A = arith.constant 0 : i32
        %dma_start3A_27 = arith.constant 0 : i32
        %dma_start3A_28 = tpu.memref_slice %arg8[%dma_start3A, %dma_start3A_27] : memref<10000x32xf32, #tpu.memory_space<vmem_shared>> -> memref<10000x32xf32, #tpu.memory_space<vmem_shared>>
        tpu.enqueue_indirect_dma source(%arg7 : memref<1000x32xf32, #tpu.memory_space<vmem>>) target(%dma_start3A_28 : memref<10000x32xf32, #tpu.memory_space<vmem_shared>>) offsets(%arg6 : memref<1000xi32, #tpu.memory_space<vmem>>) semaphore(%run_scoped3A : memref<!tpu.dma_semaphore, #tpu.memory_space<semaphore_mem>>) {add = true}
        %dma_wait3A = arith.constant 0 : i32
        %dma_wait3A_29 = arith.constant 0 : i32
        %dma_wait3A_30 = tpu.memref_slice %arg8[%dma_wait3A, %dma_wait3A_29] : memref<10000x32xf32, #tpu.memory_space<vmem_shared>> -> memref<10000x32xf32, #tpu.memory_space<vmem_shared>>
        tpu.wait_indirect_dma semaphore(%run_scoped3A : memref<!tpu.dma_semaphore, #tpu.memory_space<semaphore_mem>>) src(%arg7 : memref<1000x32xf32, #tpu.memory_space<vmem>>) dst(%dma_wait3A_30 : memref<10000x32xf32, #tpu.memory_space<vmem_shared>>)
        tpu.yield
      }) : () -> ()
    }
    %while3A_16 = arith.constant 1 : i32
    scf.for %while3A_23 = %while3A_14 to %while3A_10 step %while3A_16  : i32 {
      %mul3A_24 = arith.constant 1000 : i32
      %mul3A_25 = arith.muli %while3A_23, %mul3A_24 : i32
      %add3A_26 = arith.addi %mul3A_6, %mul3A_25 : i32
      "tpu.region"() ({
        %run_scoped3A = tpu.sem_alloc : memref<!tpu.dma_semaphore, #tpu.memory_space<semaphore_mem>>
        %dma_start3A = tpu.memref_slice %arg4[%add3A_26] : memref<160000xi32, #tpu.memory_space<hbm>> -> memref<1000xi32, #tpu.memory_space<hbm>>
        %dma_start3A_27 = tpu.memref_slice %arg4[%add3A_26] : memref<160000xi32, #tpu.memory_space<hbm>> -> memref<1000xi32, #tpu.memory_space<hbm>>
        tpu.enqueue_dma source(%dma_start3A_27 : memref<1000xi32, #tpu.memory_space<hbm>>) target(%arg6 : memref<1000xi32, #tpu.memory_space<vmem>>) target_semaphore(%run_scoped3A : memref<!tpu.dma_semaphore, #tpu.memory_space<semaphore_mem>>)
        %dma_wait3A = tpu.memref_slice %arg4[%add3A_26] : memref<160000xi32, #tpu.memory_space<hbm>> -> memref<1000xi32, #tpu.memory_space<hbm>>
        %dma_wait3A_28 = tpu.memref_slice %arg4[%add3A_26] : memref<160000xi32, #tpu.memory_space<hbm>> -> memref<1000xi32, #tpu.memory_space<hbm>>
        tpu.wait_dma2 semaphore(%run_scoped3A : memref<!tpu.dma_semaphore, #tpu.memory_space<semaphore_mem>>) src(%dma_wait3A_28 : memref<1000xi32, #tpu.memory_space<hbm>>) dst(%arg6 : memref<1000xi32, #tpu.memory_space<vmem>>)
        tpu.yield
      }) : () -> ()
      "tpu.region"() ({
        %run_scoped3A = tpu.sem_alloc : memref<!tpu.dma_semaphore, #tpu.memory_space<semaphore_mem>>
        %dma_start3A = arith.constant 0 : i32
        %dma_start3A_27 = tpu.memref_slice %arg3[%add3A_26, %dma_start3A] : memref<160000x32xf32, #tpu.memory_space<hbm>> -> memref<1000x32xf32, #tpu.memory_space<hbm>>
        %dma_start3A_28 = arith.constant 0 : i32
        %dma_start3A_29 = tpu.memref_slice %arg3[%add3A_26, %dma_start3A_28] : memref<160000x32xf32, #tpu.memory_space<hbm>> -> memref<1000x32xf32, #tpu.memory_space<hbm>>
        tpu.enqueue_dma source(%dma_start3A_29 : memref<1000x32xf32, #tpu.memory_space<hbm>>) target(%arg7 : memref<1000x32xf32, #tpu.memory_space<vmem>>) target_semaphore(%run_scoped3A : memref<!tpu.dma_semaphore, #tpu.memory_space<semaphore_mem>>)
        %dma_wait3A = arith.constant 0 : i32
        %dma_wait3A_30 = tpu.memref_slice %arg3[%add3A_26, %dma_wait3A] : memref<160000x32xf32, #tpu.memory_space<hbm>> -> memref<1000x32xf32, #tpu.memory_space<hbm>>
        %dma_wait3A_31 = arith.constant 0 : i32
        %dma_wait3A_32 = tpu.memref_slice %arg3[%add3A_26, %dma_wait3A_31] : memref<160000x32xf32, #tpu.memory_space<hbm>> -> memref<1000x32xf32, #tpu.memory_space<hbm>>
        tpu.wait_dma2 semaphore(%run_scoped3A : memref<!tpu.dma_semaphore, #tpu.memory_space<semaphore_mem>>) src(%dma_wait3A_32 : memref<1000x32xf32, #tpu.memory_space<hbm>>) dst(%arg7 : memref<1000x32xf32, #tpu.memory_space<vmem>>)
        tpu.yield
      }) : () -> ()
      "tpu.region"() ({
        %run_scoped3A = tpu.sem_alloc : memref<!tpu.dma_semaphore, #tpu.memory_space<semaphore_mem>>
        %dma_start3A = arith.constant 0 : i32
        %dma_start3A_27 = arith.constant 0 : i32
        %dma_start3A_28 = tpu.memref_slice %arg8[%dma_start3A, %dma_start3A_27] : memref<10000x32xf32, #tpu.memory_space<vmem_shared>> -> memref<10000x32xf32, #tpu.memory_space<vmem_shared>>
        tpu.enqueue_indirect_dma source(%arg7 : memref<1000x32xf32, #tpu.memory_space<vmem>>) target(%dma_start3A_28 : memref<10000x32xf32, #tpu.memory_space<vmem_shared>>) offsets(%arg6 : memref<1000xi32, #tpu.memory_space<vmem>>) semaphore(%run_scoped3A : memref<!tpu.dma_semaphore, #tpu.memory_space<semaphore_mem>>) {add = true}
        %dma_wait3A = arith.constant 0 : i32
        %dma_wait3A_29 = arith.constant 0 : i32
        %dma_wait3A_30 = tpu.memref_slice %arg8[%dma_wait3A, %dma_wait3A_29] : memref<10000x32xf32, #tpu.memory_space<vmem_shared>> -> memref<10000x32xf32, #tpu.memory_space<vmem_shared>>
        tpu.wait_indirect_dma semaphore(%run_scoped3A : memref<!tpu.dma_semaphore, #tpu.memory_space<semaphore_mem>>) src(%arg7 : memref<1000x32xf32, #tpu.memory_space<vmem>>) dst(%dma_wait3A_30 : memref<10000x32xf32, #tpu.memory_space<vmem_shared>>)
        tpu.yield
      }) : () -> ()
    }
    %barrier3A_17 = arith.constant 0 : index
    tpu.barrier barrier_id(%barrier3A_17)
    %lt3A_18 = arith.constant 10 : i32
    %lt3A_19 = arith.cmpi slt, %arg1, %lt3A_18 : i32
    %convert_element_type3A_20 = arith.extui %lt3A_19 : i1 to i32
    %cond3A_21 = arith.constant 0 : i32
    %cond3A_22 = arith.cmpi ne, %convert_element_type3A_20, %cond3A_21 : i32
    scf.if %cond3A_22 {
      "tpu.region"() ({
        %run_scoped3A = tpu.sem_alloc : memref<!tpu.dma_semaphore, #tpu.memory_space<semaphore_mem>>
        %dma_start3A = arith.constant 0 : i32
        %dma_start3A_23 = tpu.memref_slice %arg8[%mul3A_0, %dma_start3A] : memref<10000x32xf32, #tpu.memory_space<vmem_shared>> -> memref<1000x32xf32, #tpu.memory_space<vmem_shared>>
        %dma_start3A_24 = arith.constant 0 : i32
        %dma_start3A_25 = tpu.memref_slice %arg8[%mul3A_0, %dma_start3A_24] : memref<10000x32xf32, #tpu.memory_space<vmem_shared>> -> memref<1000x32xf32, #tpu.memory_space<vmem_shared>>
        tpu.enqueue_dma source(%dma_start3A_25 : memref<1000x32xf32, #tpu.memory_space<vmem_shared>>) target(%arg7 : memref<1000x32xf32, #tpu.memory_space<vmem>>) target_semaphore(%run_scoped3A : memref<!tpu.dma_semaphore, #tpu.memory_space<semaphore_mem>>)
        %dma_wait3A = arith.constant 0 : i32
        %dma_wait3A_26 = tpu.memref_slice %arg8[%mul3A_0, %dma_wait3A] : memref<10000x32xf32, #tpu.memory_space<vmem_shared>> -> memref<1000x32xf32, #tpu.memory_space<vmem_shared>>
        %dma_wait3A_27 = arith.constant 0 : i32
        %dma_wait3A_28 = tpu.memref_slice %arg8[%mul3A_0, %dma_wait3A_27] : memref<10000x32xf32, #tpu.memory_space<vmem_shared>> -> memref<1000x32xf32, #tpu.memory_space<vmem_shared>>
        tpu.wait_dma2 semaphore(%run_scoped3A : memref<!tpu.dma_semaphore, #tpu.memory_space<semaphore_mem>>) src(%dma_wait3A_28 : memref<1000x32xf32, #tpu.memory_space<vmem_shared>>) dst(%arg7 : memref<1000x32xf32, #tpu.memory_space<vmem>>)
        tpu.yield
      }) : () -> ()
      "tpu.region"() ({
        %run_scoped3A = tpu.sem_alloc : memref<!tpu.dma_semaphore, #tpu.memory_space<semaphore_mem>>
        %dma_start3A = arith.constant 0 : i32
        %dma_start3A_23 = arith.constant 0 : i32
        %dma_start3A_24 = tpu.memref_slice %arg5[%arg0, %dma_start3A, %dma_start3A_23] : memref<2x10000x32xf32, #tpu.memory_space<hbm>> -> memref<1x10000x32xf32, #tpu.memory_space<hbm>>
        %dma_start3A_25 = tpu.memref_squeeze %dma_start3A_24 : memref<1x10000x32xf32, #tpu.memory_space<hbm>> -> memref<10000x32xf32, #tpu.memory_space<hbm>>
        %dma_start3A_26 = arith.constant 0 : i32
        %dma_start3A_27 = tpu.memref_slice %dma_start3A_25[%mul3A_0, %dma_start3A_26] : memref<10000x32xf32, #tpu.memory_space<hbm>> -> memref<1000x32xf32, #tpu.memory_space<hbm>>
        %dma_start3A_28 = arith.constant 0 : i32
        %dma_start3A_29 = arith.constant 0 : i32
        %dma_start3A_30 = tpu.memref_slice %arg5[%arg0, %dma_start3A_28, %dma_start3A_29] : memref<2x10000x32xf32, #tpu.memory_space<hbm>> -> memref<1x10000x32xf32, #tpu.memory_space<hbm>>
        %dma_start3A_31 = tpu.memref_squeeze %dma_start3A_30 : memref<1x10000x32xf32, #tpu.memory_space<hbm>> -> memref<10000x32xf32, #tpu.memory_space<hbm>>
        %dma_start3A_32 = arith.constant 0 : i32
        %dma_start3A_33 = tpu.memref_slice %dma_start3A_31[%mul3A_0, %dma_start3A_32] : memref<10000x32xf32, #tpu.memory_space<hbm>> -> memref<1000x32xf32, #tpu.memory_space<hbm>>
        tpu.enqueue_dma source(%arg7 : memref<1000x32xf32, #tpu.memory_space<vmem>>) target(%dma_start3A_33 : memref<1000x32xf32, #tpu.memory_space<hbm>>) target_semaphore(%run_scoped3A : memref<!tpu.dma_semaphore, #tpu.memory_space<semaphore_mem>>)
        %dma_wait3A = arith.constant 0 : i32
        %dma_wait3A_34 = arith.constant 0 : i32
        %dma_wait3A_35 = tpu.memref_slice %arg5[%arg0, %dma_wait3A, %dma_wait3A_34] : memref<2x10000x32xf32, #tpu.memory_space<hbm>> -> memref<1x10000x32xf32, #tpu.memory_space<hbm>>
        %dma_wait3A_36 = tpu.memref_squeeze %dma_wait3A_35 : memref<1x10000x32xf32, #tpu.memory_space<hbm>> -> memref<10000x32xf32, #tpu.memory_space<hbm>>
        %dma_wait3A_37 = arith.constant 0 : i32
        %dma_wait3A_38 = tpu.memref_slice %dma_wait3A_36[%mul3A_0, %dma_wait3A_37] : memref<10000x32xf32, #tpu.memory_space<hbm>> -> memref<1000x32xf32, #tpu.memory_space<hbm>>
        %dma_wait3A_39 = arith.constant 0 : i32
        %dma_wait3A_40 = arith.constant 0 : i32
        %dma_wait3A_41 = tpu.memref_slice %arg5[%arg0, %dma_wait3A_39, %dma_wait3A_40] : memref<2x10000x32xf32, #tpu.memory_space<hbm>> -> memref<1x10000x32xf32, #tpu.memory_space<hbm>>
        %dma_wait3A_42 = tpu.memref_squeeze %dma_wait3A_41 : memref<1x10000x32xf32, #tpu.memory_space<hbm>> -> memref<10000x32xf32, #tpu.memory_space<hbm>>
        %dma_wait3A_43 = arith.constant 0 : i32
        %dma_wait3A_44 = tpu.memref_slice %dma_wait3A_42[%mul3A_0, %dma_wait3A_43] : memref<10000x32xf32, #tpu.memory_space<hbm>> -> memref<1000x32xf32, #tpu.memory_space<hbm>>
        tpu.wait_dma2 semaphore(%run_scoped3A : memref<!tpu.dma_semaphore, #tpu.memory_space<semaphore_mem>>) src(%arg7 : memref<1000x32xf32, #tpu.memory_space<vmem>>) dst(%dma_wait3A_44 : memref<1000x32xf32, #tpu.memory_space<hbm>>)
        tpu.yield
      }) : () -> ()
    } else {
    }
    return
  }
}

#map = affine_map<(d0, d1) -> (0, 0, 0)>
#map1 = affine_map<(d0, d1) -> (0)>
#map2 = affine_map<(d0, d1) -> (0, 0)>
module attributes {stable_mosaic.version = 14 : i64} {
  func.func @sc_gather(%arg0: i32, %arg1: i32, %arg2: memref<2x10000x32xf32, #tpu.memory_space<hbm>>, %arg3: memref<160000xi32, #tpu.memory_space<hbm>>, %arg4: memref<160000x32xf32, #tpu.memory_space<hbm>>, %arg5: memref<160000x32xf32, #tpu.memory_space<hbm>>, %arg6: memref<1000xi32, #tpu.memory_space<vmem>>, %arg7: memref<1000x32xf32, #tpu.memory_space<vmem>>, %arg8: memref<1000x32xf32, #tpu.memory_space<vmem>>, %arg9: memref<!tpu.dma_semaphore, #tpu.memory_space<semaphore_mem>>) attributes {dimension_semantics = [#tpu.dimension_semantics<core_parallel>, #tpu.dimension_semantics<subcore_parallel>], iteration_bounds = array<i64: 2, 16>, scalar_prefetch = 0 : i64, scratch_operands = 4 : i64, tpu.core_type = #tpu.core_type<sc_vector_subcore>, window_params = [{transform_indices = #map}, {transform_indices = #map1}, {transform_indices = #map2}, {transform_indices = #map2}]} {
    %mul3A = arith.constant 2 : i32
    %mul3A_0 = arith.muli %arg1, %mul3A : i32
    %add3A = arith.addi %mul3A_0, %arg0 : i32
    %mul3A_1 = arith.constant 5000 : i32
    %mul3A_2 = arith.muli %add3A, %mul3A_1 : i32
    %while3A = arith.constant 0 : i32
    %while3A_3 = arith.constant 0 : i32
    %while3A_4 = arith.constant 5 : i32
    %while3A_5 = arith.subi %while3A_4, %while3A_3 : i32
    %while3A_6 = arith.addi %while3A_3, %while3A_5 : i32
    %while3A_7 = arith.constant 1 : i32
    %while3A_8 = arith.divsi %while3A_5, %while3A_7 : i32
    %while3A_9 = arith.muli %while3A_8, %while3A_7 : i32
    %while3A_10 = arith.addi %while3A_3, %while3A_9 : i32
    %while3A_11 = arith.constant 1 : i32
    scf.for %while3A_13 = %while3A_3 to %while3A_10 step %while3A_11  : i32 {
      %mul3A_14 = arith.constant 1000 : i32
      %mul3A_15 = arith.muli %while3A_13, %mul3A_14 : i32
      %add3A_16 = arith.addi %mul3A_2, %mul3A_15 : i32
      "tpu.region"() ({
        %run_scoped3A = tpu.sem_alloc : memref<!tpu.dma_semaphore, #tpu.memory_space<semaphore_mem>>
        %dma_start3A_47 = tpu.memref_slice %arg3[%add3A_16] : memref<160000xi32, #tpu.memory_space<hbm>> -> memref<1000xi32, #tpu.memory_space<hbm>>
        %dma_start3A_48 = tpu.memref_slice %arg3[%add3A_16] : memref<160000xi32, #tpu.memory_space<hbm>> -> memref<1000xi32, #tpu.memory_space<hbm>>
        tpu.enqueue_dma source(%dma_start3A_48 : memref<1000xi32, #tpu.memory_space<hbm>>) target(%arg6 : memref<1000xi32, #tpu.memory_space<vmem>>) target_semaphore(%run_scoped3A : memref<!tpu.dma_semaphore, #tpu.memory_space<semaphore_mem>>)
        %dma_wait3A_49 = tpu.memref_slice %arg3[%add3A_16] : memref<160000xi32, #tpu.memory_space<hbm>> -> memref<1000xi32, #tpu.memory_space<hbm>>
        %dma_wait3A_50 = tpu.memref_slice %arg3[%add3A_16] : memref<160000xi32, #tpu.memory_space<hbm>> -> memref<1000xi32, #tpu.memory_space<hbm>>
        tpu.wait_dma2 semaphore(%run_scoped3A : memref<!tpu.dma_semaphore, #tpu.memory_space<semaphore_mem>>) src(%dma_wait3A_50 : memref<1000xi32, #tpu.memory_space<hbm>>) dst(%arg6 : memref<1000xi32, #tpu.memory_space<vmem>>)
        tpu.yield
      }) : () -> ()
      %dma_start3A = arith.constant 0 : i32
      %dma_start3A_17 = arith.constant 0 : i32
      %dma_start3A_18 = arith.constant 0 : i32
      %dma_start3A_19 = tpu.memref_slice %arg2[%dma_start3A, %dma_start3A_17, %dma_start3A_18] : memref<2x10000x32xf32, #tpu.memory_space<hbm>> -> memref<1x10000x32xf32, #tpu.memory_space<hbm>>
      %dma_start3A_20 = tpu.memref_squeeze %dma_start3A_19 : memref<1x10000x32xf32, #tpu.memory_space<hbm>> -> memref<10000x32xf32, #tpu.memory_space<hbm>>
      %dma_start3A_21 = arith.constant 0 : i32
      %dma_start3A_22 = arith.constant 0 : i32
      %dma_start3A_23 = tpu.memref_slice %dma_start3A_20[%dma_start3A_21, %dma_start3A_22] : memref<10000x32xf32, #tpu.memory_space<hbm>> -> memref<10000x32xf32, #tpu.memory_space<hbm>>
      tpu.enqueue_indirect_dma source(%dma_start3A_23 : memref<10000x32xf32, #tpu.memory_space<hbm>>) target(%arg7 : memref<1000x32xf32, #tpu.memory_space<vmem>>) offsets(%arg6 : memref<1000xi32, #tpu.memory_space<vmem>>) semaphore(%arg9 : memref<!tpu.dma_semaphore, #tpu.memory_space<semaphore_mem>>)
      %dma_start3A_24 = arith.constant 1 : i32
      %dma_start3A_25 = arith.constant 0 : i32
      %dma_start3A_26 = arith.constant 0 : i32
      %dma_start3A_27 = tpu.memref_slice %arg2[%dma_start3A_24, %dma_start3A_25, %dma_start3A_26] : memref<2x10000x32xf32, #tpu.memory_space<hbm>> -> memref<1x10000x32xf32, #tpu.memory_space<hbm>>
      %dma_start3A_28 = tpu.memref_squeeze %dma_start3A_27 : memref<1x10000x32xf32, #tpu.memory_space<hbm>> -> memref<10000x32xf32, #tpu.memory_space<hbm>>
      %dma_start3A_29 = arith.constant 0 : i32
      %dma_start3A_30 = arith.constant 0 : i32
      %dma_start3A_31 = tpu.memref_slice %dma_start3A_28[%dma_start3A_29, %dma_start3A_30] : memref<10000x32xf32, #tpu.memory_space<hbm>> -> memref<10000x32xf32, #tpu.memory_space<hbm>>
      tpu.enqueue_indirect_dma source(%dma_start3A_31 : memref<10000x32xf32, #tpu.memory_space<hbm>>) target(%arg8 : memref<1000x32xf32, #tpu.memory_space<vmem>>) offsets(%arg6 : memref<1000xi32, #tpu.memory_space<vmem>>) semaphore(%arg9 : memref<!tpu.dma_semaphore, #tpu.memory_space<semaphore_mem>>)
      %dma_wait3A = arith.constant 0 : i32
      %dma_wait3A_32 = arith.constant 0 : i32
      %dma_wait3A_33 = arith.constant 0 : i32
      %dma_wait3A_34 = tpu.memref_slice %arg2[%dma_wait3A, %dma_wait3A_32, %dma_wait3A_33] : memref<2x10000x32xf32, #tpu.memory_space<hbm>> -> memref<1x10000x32xf32, #tpu.memory_space<hbm>>
      %dma_wait3A_35 = tpu.memref_squeeze %dma_wait3A_34 : memref<1x10000x32xf32, #tpu.memory_space<hbm>> -> memref<10000x32xf32, #tpu.memory_space<hbm>>
      %dma_wait3A_36 = arith.constant 0 : i32
      %dma_wait3A_37 = arith.constant 0 : i32
      %dma_wait3A_38 = tpu.memref_slice %dma_wait3A_35[%dma_wait3A_36, %dma_wait3A_37] : memref<10000x32xf32, #tpu.memory_space<hbm>> -> memref<10000x32xf32, #tpu.memory_space<hbm>>
      tpu.wait_indirect_dma semaphore(%arg9 : memref<!tpu.dma_semaphore, #tpu.memory_space<semaphore_mem>>) src(%dma_wait3A_38 : memref<10000x32xf32, #tpu.memory_space<hbm>>) dst(%arg7 : memref<1000x32xf32, #tpu.memory_space<vmem>>)
      %dma_wait3A_39 = arith.constant 1 : i32
      %dma_wait3A_40 = arith.constant 0 : i32
      %dma_wait3A_41 = arith.constant 0 : i32
      %dma_wait3A_42 = tpu.memref_slice %arg2[%dma_wait3A_39, %dma_wait3A_40, %dma_wait3A_41] : memref<2x10000x32xf32, #tpu.memory_space<hbm>> -> memref<1x10000x32xf32, #tpu.memory_space<hbm>>
      %dma_wait3A_43 = tpu.memref_squeeze %dma_wait3A_42 : memref<1x10000x32xf32, #tpu.memory_space<hbm>> -> memref<10000x32xf32, #tpu.memory_space<hbm>>
      %dma_wait3A_44 = arith.constant 0 : i32
      %dma_wait3A_45 = arith.constant 0 : i32
      %dma_wait3A_46 = tpu.memref_slice %dma_wait3A_43[%dma_wait3A_44, %dma_wait3A_45] : memref<10000x32xf32, #tpu.memory_space<hbm>> -> memref<10000x32xf32, #tpu.memory_space<hbm>>
      tpu.wait_indirect_dma semaphore(%arg9 : memref<!tpu.dma_semaphore, #tpu.memory_space<semaphore_mem>>) src(%dma_wait3A_46 : memref<10000x32xf32, #tpu.memory_space<hbm>>) dst(%arg8 : memref<1000x32xf32, #tpu.memory_space<vmem>>)
      "tpu.region"() ({
        %run_scoped3A = tpu.sem_alloc : memref<!tpu.dma_semaphore, #tpu.memory_space<semaphore_mem>>
        %dma_start3A_47 = arith.constant 0 : i32
        %dma_start3A_48 = tpu.memref_slice %arg4[%add3A_16, %dma_start3A_47] : memref<160000x32xf32, #tpu.memory_space<hbm>> -> memref<1000x32xf32, #tpu.memory_space<hbm>>
        %dma_start3A_49 = arith.constant 0 : i32
        %dma_start3A_50 = tpu.memref_slice %arg4[%add3A_16, %dma_start3A_49] : memref<160000x32xf32, #tpu.memory_space<hbm>> -> memref<1000x32xf32, #tpu.memory_space<hbm>>
        tpu.enqueue_dma source(%arg7 : memref<1000x32xf32, #tpu.memory_space<vmem>>) target(%dma_start3A_50 : memref<1000x32xf32, #tpu.memory_space<hbm>>) target_semaphore(%run_scoped3A : memref<!tpu.dma_semaphore, #tpu.memory_space<semaphore_mem>>)
        %dma_wait3A_51 = arith.constant 0 : i32
        %dma_wait3A_52 = tpu.memref_slice %arg4[%add3A_16, %dma_wait3A_51] : memref<160000x32xf32, #tpu.memory_space<hbm>> -> memref<1000x32xf32, #tpu.memory_space<hbm>>
        %dma_wait3A_53 = arith.constant 0 : i32
        %dma_wait3A_54 = tpu.memref_slice %arg4[%add3A_16, %dma_wait3A_53] : memref<160000x32xf32, #tpu.memory_space<hbm>> -> memref<1000x32xf32, #tpu.memory_space<hbm>>
        tpu.wait_dma2 semaphore(%run_scoped3A : memref<!tpu.dma_semaphore, #tpu.memory_space<semaphore_mem>>) src(%arg7 : memref<1000x32xf32, #tpu.memory_space<vmem>>) dst(%dma_wait3A_54 : memref<1000x32xf32, #tpu.memory_space<hbm>>)
        tpu.yield
      }) : () -> ()
      "tpu.region"() ({
        %run_scoped3A = tpu.sem_alloc : memref<!tpu.dma_semaphore, #tpu.memory_space<semaphore_mem>>
        %dma_start3A_47 = arith.constant 0 : i32
        %dma_start3A_48 = tpu.memref_slice %arg5[%add3A_16, %dma_start3A_47] : memref<160000x32xf32, #tpu.memory_space<hbm>> -> memref<1000x32xf32, #tpu.memory_space<hbm>>
        %dma_start3A_49 = arith.constant 0 : i32
        %dma_start3A_50 = tpu.memref_slice %arg5[%add3A_16, %dma_start3A_49] : memref<160000x32xf32, #tpu.memory_space<hbm>> -> memref<1000x32xf32, #tpu.memory_space<hbm>>
        tpu.enqueue_dma source(%arg8 : memref<1000x32xf32, #tpu.memory_space<vmem>>) target(%dma_start3A_50 : memref<1000x32xf32, #tpu.memory_space<hbm>>) target_semaphore(%run_scoped3A : memref<!tpu.dma_semaphore, #tpu.memory_space<semaphore_mem>>)
        %dma_wait3A_51 = arith.constant 0 : i32
        %dma_wait3A_52 = tpu.memref_slice %arg5[%add3A_16, %dma_wait3A_51] : memref<160000x32xf32, #tpu.memory_space<hbm>> -> memref<1000x32xf32, #tpu.memory_space<hbm>>
        %dma_wait3A_53 = arith.constant 0 : i32
        %dma_wait3A_54 = tpu.memref_slice %arg5[%add3A_16, %dma_wait3A_53] : memref<160000x32xf32, #tpu.memory_space<hbm>> -> memref<1000x32xf32, #tpu.memory_space<hbm>>
        tpu.wait_dma2 semaphore(%run_scoped3A : memref<!tpu.dma_semaphore, #tpu.memory_space<semaphore_mem>>) src(%arg8 : memref<1000x32xf32, #tpu.memory_space<vmem>>) dst(%dma_wait3A_54 : memref<1000x32xf32, #tpu.memory_space<hbm>>)
        tpu.yield
      }) : () -> ()
    }
    %while3A_12 = arith.constant 1 : i32
    scf.for %while3A_13 = %while3A_10 to %while3A_6 step %while3A_12  : i32 {
      %mul3A_14 = arith.constant 1000 : i32
      %mul3A_15 = arith.muli %while3A_13, %mul3A_14 : i32
      %add3A_16 = arith.addi %mul3A_2, %mul3A_15 : i32
      "tpu.region"() ({
        %run_scoped3A = tpu.sem_alloc : memref<!tpu.dma_semaphore, #tpu.memory_space<semaphore_mem>>
        %dma_start3A_47 = tpu.memref_slice %arg3[%add3A_16] : memref<160000xi32, #tpu.memory_space<hbm>> -> memref<1000xi32, #tpu.memory_space<hbm>>
        %dma_start3A_48 = tpu.memref_slice %arg3[%add3A_16] : memref<160000xi32, #tpu.memory_space<hbm>> -> memref<1000xi32, #tpu.memory_space<hbm>>
        tpu.enqueue_dma source(%dma_start3A_48 : memref<1000xi32, #tpu.memory_space<hbm>>) target(%arg6 : memref<1000xi32, #tpu.memory_space<vmem>>) target_semaphore(%run_scoped3A : memref<!tpu.dma_semaphore, #tpu.memory_space<semaphore_mem>>)
        %dma_wait3A_49 = tpu.memref_slice %arg3[%add3A_16] : memref<160000xi32, #tpu.memory_space<hbm>> -> memref<1000xi32, #tpu.memory_space<hbm>>
        %dma_wait3A_50 = tpu.memref_slice %arg3[%add3A_16] : memref<160000xi32, #tpu.memory_space<hbm>> -> memref<1000xi32, #tpu.memory_space<hbm>>
        tpu.wait_dma2 semaphore(%run_scoped3A : memref<!tpu.dma_semaphore, #tpu.memory_space<semaphore_mem>>) src(%dma_wait3A_50 : memref<1000xi32, #tpu.memory_space<hbm>>) dst(%arg6 : memref<1000xi32, #tpu.memory_space<vmem>>)
        tpu.yield
      }) : () -> ()
      %dma_start3A = arith.constant 0 : i32
      %dma_start3A_17 = arith.constant 0 : i32
      %dma_start3A_18 = arith.constant 0 : i32
      %dma_start3A_19 = tpu.memref_slice %arg2[%dma_start3A, %dma_start3A_17, %dma_start3A_18] : memref<2x10000x32xf32, #tpu.memory_space<hbm>> -> memref<1x10000x32xf32, #tpu.memory_space<hbm>>
      %dma_start3A_20 = tpu.memref_squeeze %dma_start3A_19 : memref<1x10000x32xf32, #tpu.memory_space<hbm>> -> memref<10000x32xf32, #tpu.memory_space<hbm>>
      %dma_start3A_21 = arith.constant 0 : i32
      %dma_start3A_22 = arith.constant 0 : i32
      %dma_start3A_23 = tpu.memref_slice %dma_start3A_20[%dma_start3A_21, %dma_start3A_22] : memref<10000x32xf32, #tpu.memory_space<hbm>> -> memref<10000x32xf32, #tpu.memory_space<hbm>>
      tpu.enqueue_indirect_dma source(%dma_start3A_23 : memref<10000x32xf32, #tpu.memory_space<hbm>>) target(%arg7 : memref<1000x32xf32, #tpu.memory_space<vmem>>) offsets(%arg6 : memref<1000xi32, #tpu.memory_space<vmem>>) semaphore(%arg9 : memref<!tpu.dma_semaphore, #tpu.memory_space<semaphore_mem>>)
      %dma_start3A_24 = arith.constant 1 : i32
      %dma_start3A_25 = arith.constant 0 : i32
      %dma_start3A_26 = arith.constant 0 : i32
      %dma_start3A_27 = tpu.memref_slice %arg2[%dma_start3A_24, %dma_start3A_25, %dma_start3A_26] : memref<2x10000x32xf32, #tpu.memory_space<hbm>> -> memref<1x10000x32xf32, #tpu.memory_space<hbm>>
      %dma_start3A_28 = tpu.memref_squeeze %dma_start3A_27 : memref<1x10000x32xf32, #tpu.memory_space<hbm>> -> memref<10000x32xf32, #tpu.memory_space<hbm>>
      %dma_start3A_29 = arith.constant 0 : i32
      %dma_start3A_30 = arith.constant 0 : i32
      %dma_start3A_31 = tpu.memref_slice %dma_start3A_28[%dma_start3A_29, %dma_start3A_30] : memref<10000x32xf32, #tpu.memory_space<hbm>> -> memref<10000x32xf32, #tpu.memory_space<hbm>>
      tpu.enqueue_indirect_dma source(%dma_start3A_31 : memref<10000x32xf32, #tpu.memory_space<hbm>>) target(%arg8 : memref<1000x32xf32, #tpu.memory_space<vmem>>) offsets(%arg6 : memref<1000xi32, #tpu.memory_space<vmem>>) semaphore(%arg9 : memref<!tpu.dma_semaphore, #tpu.memory_space<semaphore_mem>>)
      %dma_wait3A = arith.constant 0 : i32
      %dma_wait3A_32 = arith.constant 0 : i32
      %dma_wait3A_33 = arith.constant 0 : i32
      %dma_wait3A_34 = tpu.memref_slice %arg2[%dma_wait3A, %dma_wait3A_32, %dma_wait3A_33] : memref<2x10000x32xf32, #tpu.memory_space<hbm>> -> memref<1x10000x32xf32, #tpu.memory_space<hbm>>
      %dma_wait3A_35 = tpu.memref_squeeze %dma_wait3A_34 : memref<1x10000x32xf32, #tpu.memory_space<hbm>> -> memref<10000x32xf32, #tpu.memory_space<hbm>>
      %dma_wait3A_36 = arith.constant 0 : i32
      %dma_wait3A_37 = arith.constant 0 : i32
      %dma_wait3A_38 = tpu.memref_slice %dma_wait3A_35[%dma_wait3A_36, %dma_wait3A_37] : memref<10000x32xf32, #tpu.memory_space<hbm>> -> memref<10000x32xf32, #tpu.memory_space<hbm>>
      tpu.wait_indirect_dma semaphore(%arg9 : memref<!tpu.dma_semaphore, #tpu.memory_space<semaphore_mem>>) src(%dma_wait3A_38 : memref<10000x32xf32, #tpu.memory_space<hbm>>) dst(%arg7 : memref<1000x32xf32, #tpu.memory_space<vmem>>)
      %dma_wait3A_39 = arith.constant 1 : i32
      %dma_wait3A_40 = arith.constant 0 : i32
      %dma_wait3A_41 = arith.constant 0 : i32
      %dma_wait3A_42 = tpu.memref_slice %arg2[%dma_wait3A_39, %dma_wait3A_40, %dma_wait3A_41] : memref<2x10000x32xf32, #tpu.memory_space<hbm>> -> memref<1x10000x32xf32, #tpu.memory_space<hbm>>
      %dma_wait3A_43 = tpu.memref_squeeze %dma_wait3A_42 : memref<1x10000x32xf32, #tpu.memory_space<hbm>> -> memref<10000x32xf32, #tpu.memory_space<hbm>>
      %dma_wait3A_44 = arith.constant 0 : i32
      %dma_wait3A_45 = arith.constant 0 : i32
      %dma_wait3A_46 = tpu.memref_slice %dma_wait3A_43[%dma_wait3A_44, %dma_wait3A_45] : memref<10000x32xf32, #tpu.memory_space<hbm>> -> memref<10000x32xf32, #tpu.memory_space<hbm>>
      tpu.wait_indirect_dma semaphore(%arg9 : memref<!tpu.dma_semaphore, #tpu.memory_space<semaphore_mem>>) src(%dma_wait3A_46 : memref<10000x32xf32, #tpu.memory_space<hbm>>) dst(%arg8 : memref<1000x32xf32, #tpu.memory_space<vmem>>)
      "tpu.region"() ({
        %run_scoped3A = tpu.sem_alloc : memref<!tpu.dma_semaphore, #tpu.memory_space<semaphore_mem>>
        %dma_start3A_47 = arith.constant 0 : i32
        %dma_start3A_48 = tpu.memref_slice %arg4[%add3A_16, %dma_start3A_47] : memref<160000x32xf32, #tpu.memory_space<hbm>> -> memref<1000x32xf32, #tpu.memory_space<hbm>>
        %dma_start3A_49 = arith.constant 0 : i32
        %dma_start3A_50 = tpu.memref_slice %arg4[%add3A_16, %dma_start3A_49] : memref<160000x32xf32, #tpu.memory_space<hbm>> -> memref<1000x32xf32, #tpu.memory_space<hbm>>
        tpu.enqueue_dma source(%arg7 : memref<1000x32xf32, #tpu.memory_space<vmem>>) target(%dma_start3A_50 : memref<1000x32xf32, #tpu.memory_space<hbm>>) target_semaphore(%run_scoped3A : memref<!tpu.dma_semaphore, #tpu.memory_space<semaphore_mem>>)
        %dma_wait3A_51 = arith.constant 0 : i32
        %dma_wait3A_52 = tpu.memref_slice %arg4[%add3A_16, %dma_wait3A_51] : memref<160000x32xf32, #tpu.memory_space<hbm>> -> memref<1000x32xf32, #tpu.memory_space<hbm>>
        %dma_wait3A_53 = arith.constant 0 : i32
        %dma_wait3A_54 = tpu.memref_slice %arg4[%add3A_16, %dma_wait3A_53] : memref<160000x32xf32, #tpu.memory_space<hbm>> -> memref<1000x32xf32, #tpu.memory_space<hbm>>
        tpu.wait_dma2 semaphore(%run_scoped3A : memref<!tpu.dma_semaphore, #tpu.memory_space<semaphore_mem>>) src(%arg7 : memref<1000x32xf32, #tpu.memory_space<vmem>>) dst(%dma_wait3A_54 : memref<1000x32xf32, #tpu.memory_space<hbm>>)
        tpu.yield
      }) : () -> ()
      "tpu.region"() ({
        %run_scoped3A = tpu.sem_alloc : memref<!tpu.dma_semaphore, #tpu.memory_space<semaphore_mem>>
        %dma_start3A_47 = arith.constant 0 : i32
        %dma_start3A_48 = tpu.memref_slice %arg5[%add3A_16, %dma_start3A_47] : memref<160000x32xf32, #tpu.memory_space<hbm>> -> memref<1000x32xf32, #tpu.memory_space<hbm>>
        %dma_start3A_49 = arith.constant 0 : i32
        %dma_start3A_50 = tpu.memref_slice %arg5[%add3A_16, %dma_start3A_49] : memref<160000x32xf32, #tpu.memory_space<hbm>> -> memref<1000x32xf32, #tpu.memory_space<hbm>>
        tpu.enqueue_dma source(%arg8 : memref<1000x32xf32, #tpu.memory_space<vmem>>) target(%dma_start3A_50 : memref<1000x32xf32, #tpu.memory_space<hbm>>) target_semaphore(%run_scoped3A : memref<!tpu.dma_semaphore, #tpu.memory_space<semaphore_mem>>)
        %dma_wait3A_51 = arith.constant 0 : i32
        %dma_wait3A_52 = tpu.memref_slice %arg5[%add3A_16, %dma_wait3A_51] : memref<160000x32xf32, #tpu.memory_space<hbm>> -> memref<1000x32xf32, #tpu.memory_space<hbm>>
        %dma_wait3A_53 = arith.constant 0 : i32
        %dma_wait3A_54 = tpu.memref_slice %arg5[%add3A_16, %dma_wait3A_53] : memref<160000x32xf32, #tpu.memory_space<hbm>> -> memref<1000x32xf32, #tpu.memory_space<hbm>>
        tpu.wait_dma2 semaphore(%run_scoped3A : memref<!tpu.dma_semaphore, #tpu.memory_space<semaphore_mem>>) src(%arg8 : memref<1000x32xf32, #tpu.memory_space<vmem>>) dst(%dma_wait3A_54 : memref<1000x32xf32, #tpu.memory_space<hbm>>)
        tpu.yield
      }) : () -> ()
    }
    return
  }
}

#map = affine_map<(d0, d1) -> (0, 0, 0)>
#map1 = affine_map<(d0, d1) -> (0, 0)>
#map2 = affine_map<(d0, d1) -> (0)>
module attributes {stable_mosaic.version = 14 : i64} {
  func.func @sc_scatter(%arg0: i32, %arg1: i32, %arg2: memref<2x10000x32xf32, #tpu.memory_space<hbm>>, %arg3: memref<160000x32xf32, #tpu.memory_space<hbm>>, %arg4: memref<160000xi32, #tpu.memory_space<hbm>>, %arg5: memref<2x10000x32xf32, #tpu.memory_space<hbm>>, %arg6: memref<1000xi32, #tpu.memory_space<vmem>>, %arg7: memref<1000x32xf32, #tpu.memory_space<vmem>>, %arg8: memref<10000x32xf32, #tpu.memory_space<vmem_shared>>) attributes {dimension_semantics = [#tpu.dimension_semantics<core_parallel>, #tpu.dimension_semantics<subcore_parallel>], iteration_bounds = array<i64: 2, 16>, scalar_prefetch = 0 : i64, scratch_operands = 3 : i64, tpu.core_type = #tpu.core_type<sc_vector_subcore>, window_params = [{transform_indices = #map}, {transform_indices = #map1}, {transform_indices = #map2}, {transform_indices = #map}]} {
    %mul3A = arith.constant 1000 : i32
    %mul3A_0 = arith.muli %arg1, %mul3A : i32
    %lt3A = arith.constant 10 : i32
    %lt3A_1 = arith.cmpi slt, %arg1, %lt3A : i32
    %convert_element_type3A = arith.extui %lt3A_1 : i1 to i32
    %cond3A = arith.constant 0 : i32
    %cond3A_2 = arith.cmpi ne, %convert_element_type3A, %cond3A : i32
    scf.if %cond3A_2 {
      "tpu.region"() ({
        %run_scoped3A = tpu.sem_alloc : memref<!tpu.dma_semaphore, #tpu.memory_space<semaphore_mem>>
        %dma_start3A = arith.constant 0 : i32
        %dma_start3A_23 = arith.constant 0 : i32
        %dma_start3A_24 = tpu.memref_slice %arg2[%arg0, %dma_start3A, %dma_start3A_23] : memref<2x10000x32xf32, #tpu.memory_space<hbm>> -> memref<1x10000x32xf32, #tpu.memory_space<hbm>>
        %dma_start3A_25 = tpu.memref_squeeze %dma_start3A_24 : memref<1x10000x32xf32, #tpu.memory_space<hbm>> -> memref<10000x32xf32, #tpu.memory_space<hbm>>
        %dma_start3A_26 = arith.constant 0 : i32
        %dma_start3A_27 = tpu.memref_slice %dma_start3A_25[%mul3A_0, %dma_start3A_26] : memref<10000x32xf32, #tpu.memory_space<hbm>> -> memref<1000x32xf32, #tpu.memory_space<hbm>>
        %dma_start3A_28 = arith.constant 0 : i32
        %dma_start3A_29 = arith.constant 0 : i32
        %dma_start3A_30 = tpu.memref_slice %arg2[%arg0, %dma_start3A_28, %dma_start3A_29] : memref<2x10000x32xf32, #tpu.memory_space<hbm>> -> memref<1x10000x32xf32, #tpu.memory_space<hbm>>
        %dma_start3A_31 = tpu.memref_squeeze %dma_start3A_30 : memref<1x10000x32xf32, #tpu.memory_space<hbm>> -> memref<10000x32xf32, #tpu.memory_space<hbm>>
        %dma_start3A_32 = arith.constant 0 : i32
        %dma_start3A_33 = tpu.memref_slice %dma_start3A_31[%mul3A_0, %dma_start3A_32] : memref<10000x32xf32, #tpu.memory_space<hbm>> -> memref<1000x32xf32, #tpu.memory_space<hbm>>
        tpu.enqueue_dma source(%dma_start3A_33 : memref<1000x32xf32, #tpu.memory_space<hbm>>) target(%arg7 : memref<1000x32xf32, #tpu.memory_space<vmem>>) target_semaphore(%run_scoped3A : memref<!tpu.dma_semaphore, #tpu.memory_space<semaphore_mem>>)
        %dma_wait3A = arith.constant 0 : i32
        %dma_wait3A_34 = arith.constant 0 : i32
        %dma_wait3A_35 = tpu.memref_slice %arg2[%arg0, %dma_wait3A, %dma_wait3A_34] : memref<2x10000x32xf32, #tpu.memory_space<hbm>> -> memref<1x10000x32xf32, #tpu.memory_space<hbm>>
        %dma_wait3A_36 = tpu.memref_squeeze %dma_wait3A_35 : memref<1x10000x32xf32, #tpu.memory_space<hbm>> -> memref<10000x32xf32, #tpu.memory_space<hbm>>
        %dma_wait3A_37 = arith.constant 0 : i32
        %dma_wait3A_38 = tpu.memref_slice %dma_wait3A_36[%mul3A_0, %dma_wait3A_37] : memref<10000x32xf32, #tpu.memory_space<hbm>> -> memref<1000x32xf32, #tpu.memory_space<hbm>>
        %dma_wait3A_39 = arith.constant 0 : i32
        %dma_wait3A_40 = arith.constant 0 : i32
        %dma_wait3A_41 = tpu.memref_slice %arg2[%arg0, %dma_wait3A_39, %dma_wait3A_40] : memref<2x10000x32xf32, #tpu.memory_space<hbm>> -> memref<1x10000x32xf32, #tpu.memory_space<hbm>>
        %dma_wait3A_42 = tpu.memref_squeeze %dma_wait3A_41 : memref<1x10000x32xf32, #tpu.memory_space<hbm>> -> memref<10000x32xf32, #tpu.memory_space<hbm>>
        %dma_wait3A_43 = arith.constant 0 : i32
        %dma_wait3A_44 = tpu.memref_slice %dma_wait3A_42[%mul3A_0, %dma_wait3A_43] : memref<10000x32xf32, #tpu.memory_space<hbm>> -> memref<1000x32xf32, #tpu.memory_space<hbm>>
        tpu.wait_dma2 semaphore(%run_scoped3A : memref<!tpu.dma_semaphore, #tpu.memory_space<semaphore_mem>>) src(%dma_wait3A_44 : memref<1000x32xf32, #tpu.memory_space<hbm>>) dst(%arg7 : memref<1000x32xf32, #tpu.memory_space<vmem>>)
        tpu.yield
      }) : () -> ()
      "tpu.region"() ({
        %run_scoped3A = tpu.sem_alloc : memref<!tpu.dma_semaphore, #tpu.memory_space<semaphore_mem>>
        %dma_start3A = arith.constant 0 : i32
        %dma_start3A_23 = tpu.memref_slice %arg8[%mul3A_0, %dma_start3A] : memref<10000x32xf32, #tpu.memory_space<vmem_shared>> -> memref<1000x32xf32, #tpu.memory_space<vmem_shared>>
        %dma_start3A_24 = arith.constant 0 : i32
        %dma_start3A_25 = tpu.memref_slice %arg8[%mul3A_0, %dma_start3A_24] : memref<10000x32xf32, #tpu.memory_space<vmem_shared>> -> memref<1000x32xf32, #tpu.memory_space<vmem_shared>>
        tpu.enqueue_dma source(%arg7 : memref<1000x32xf32, #tpu.memory_space<vmem>>) target(%dma_start3A_25 : memref<1000x32xf32, #tpu.memory_space<vmem_shared>>) target_semaphore(%run_scoped3A : memref<!tpu.dma_semaphore, #tpu.memory_space<semaphore_mem>>)
        %dma_wait3A = arith.constant 0 : i32
        %dma_wait3A_26 = tpu.memref_slice %arg8[%mul3A_0, %dma_wait3A] : memref<10000x32xf32, #tpu.memory_space<vmem_shared>> -> memref<1000x32xf32, #tpu.memory_space<vmem_shared>>
        %dma_wait3A_27 = arith.constant 0 : i32
        %dma_wait3A_28 = tpu.memref_slice %arg8[%mul3A_0, %dma_wait3A_27] : memref<10000x32xf32, #tpu.memory_space<vmem_shared>> -> memref<1000x32xf32, #tpu.memory_space<vmem_shared>>
        tpu.wait_dma2 semaphore(%run_scoped3A : memref<!tpu.dma_semaphore, #tpu.memory_space<semaphore_mem>>) src(%arg7 : memref<1000x32xf32, #tpu.memory_space<vmem>>) dst(%dma_wait3A_28 : memref<1000x32xf32, #tpu.memory_space<vmem_shared>>)
        tpu.yield
      }) : () -> ()
    } else {
    }
    %barrier3A = arith.constant 0 : index
    tpu.barrier barrier_id(%barrier3A)
    %mul3A_3 = arith.constant 2 : i32
    %mul3A_4 = arith.muli %arg1, %mul3A_3 : i32
    %add3A = arith.addi %mul3A_4, %arg0 : i32
    %mul3A_5 = arith.constant 5000 : i32
    %mul3A_6 = arith.muli %add3A, %mul3A_5 : i32
    %while3A = arith.constant 0 : i32
    %while3A_7 = arith.constant 0 : i32
    %while3A_8 = arith.constant 5 : i32
    %while3A_9 = arith.subi %while3A_8, %while3A_7 : i32
    %while3A_10 = arith.addi %while3A_7, %while3A_9 : i32
    %while3A_11 = arith.constant 1 : i32
    %while3A_12 = arith.divsi %while3A_9, %while3A_11 : i32
    %while3A_13 = arith.muli %while3A_12, %while3A_11 : i32
    %while3A_14 = arith.addi %while3A_7, %while3A_13 : i32
    %while3A_15 = arith.constant 1 : i32
    scf.for %while3A_23 = %while3A_7 to %while3A_14 step %while3A_15  : i32 {
      %mul3A_24 = arith.constant 1000 : i32
      %mul3A_25 = arith.muli %while3A_23, %mul3A_24 : i32
      %add3A_26 = arith.addi %mul3A_6, %mul3A_25 : i32
      "tpu.region"() ({
        %run_scoped3A = tpu.sem_alloc : memref<!tpu.dma_semaphore, #tpu.memory_space<semaphore_mem>>
        %dma_start3A = tpu.memref_slice %arg4[%add3A_26] : memref<160000xi32, #tpu.memory_space<hbm>> -> memref<1000xi32, #tpu.memory_space<hbm>>
        %dma_start3A_27 = tpu.memref_slice %arg4[%add3A_26] : memref<160000xi32, #tpu.memory_space<hbm>> -> memref<1000xi32, #tpu.memory_space<hbm>>
        tpu.enqueue_dma source(%dma_start3A_27 : memref<1000xi32, #tpu.memory_space<hbm>>) target(%arg6 : memref<1000xi32, #tpu.memory_space<vmem>>) target_semaphore(%run_scoped3A : memref<!tpu.dma_semaphore, #tpu.memory_space<semaphore_mem>>)
        %dma_wait3A = tpu.memref_slice %arg4[%add3A_26] : memref<160000xi32, #tpu.memory_space<hbm>> -> memref<1000xi32, #tpu.memory_space<hbm>>
        %dma_wait3A_28 = tpu.memref_slice %arg4[%add3A_26] : memref<160000xi32, #tpu.memory_space<hbm>> -> memref<1000xi32, #tpu.memory_space<hbm>>
        tpu.wait_dma2 semaphore(%run_scoped3A : memref<!tpu.dma_semaphore, #tpu.memory_space<semaphore_mem>>) src(%dma_wait3A_28 : memref<1000xi32, #tpu.memory_space<hbm>>) dst(%arg6 : memref<1000xi32, #tpu.memory_space<vmem>>)
        tpu.yield
      }) : () -> ()
      "tpu.region"() ({
        %run_scoped3A = tpu.sem_alloc : memref<!tpu.dma_semaphore, #tpu.memory_space<semaphore_mem>>
        %dma_start3A = arith.constant 0 : i32
        %dma_start3A_27 = tpu.memref_slice %arg3[%add3A_26, %dma_start3A] : memref<160000x32xf32, #tpu.memory_space<hbm>> -> memref<1000x32xf32, #tpu.memory_space<hbm>>
        %dma_start3A_28 = arith.constant 0 : i32
        %dma_start3A_29 = tpu.memref_slice %arg3[%add3A_26, %dma_start3A_28] : memref<160000x32xf32, #tpu.memory_space<hbm>> -> memref<1000x32xf32, #tpu.memory_space<hbm>>
        tpu.enqueue_dma source(%dma_start3A_29 : memref<1000x32xf32, #tpu.memory_space<hbm>>) target(%arg7 : memref<1000x32xf32, #tpu.memory_space<vmem>>) target_semaphore(%run_scoped3A : memref<!tpu.dma_semaphore, #tpu.memory_space<semaphore_mem>>)
        %dma_wait3A = arith.constant 0 : i32
        %dma_wait3A_30 = tpu.memref_slice %arg3[%add3A_26, %dma_wait3A] : memref<160000x32xf32, #tpu.memory_space<hbm>> -> memref<1000x32xf32, #tpu.memory_space<hbm>>
        %dma_wait3A_31 = arith.constant 0 : i32
        %dma_wait3A_32 = tpu.memref_slice %arg3[%add3A_26, %dma_wait3A_31] : memref<160000x32xf32, #tpu.memory_space<hbm>> -> memref<1000x32xf32, #tpu.memory_space<hbm>>
        tpu.wait_dma2 semaphore(%run_scoped3A : memref<!tpu.dma_semaphore, #tpu.memory_space<semaphore_mem>>) src(%dma_wait3A_32 : memref<1000x32xf32, #tpu.memory_space<hbm>>) dst(%arg7 : memref<1000x32xf32, #tpu.memory_space<vmem>>)
        tpu.yield
      }) : () -> ()
      "tpu.region"() ({
        %run_scoped3A = tpu.sem_alloc : memref<!tpu.dma_semaphore, #tpu.memory_space<semaphore_mem>>
        %dma_start3A = arith.constant 0 : i32
        %dma_start3A_27 = arith.constant 0 : i32
        %dma_start3A_28 = tpu.memref_slice %arg8[%dma_start3A, %dma_start3A_27] : memref<10000x32xf32, #tpu.memory_space<vmem_shared>> -> memref<10000x32xf32, #tpu.memory_space<vmem_shared>>
        tpu.enqueue_indirect_dma source(%arg7 : memref<1000x32xf32, #tpu.memory_space<vmem>>) target(%dma_start3A_28 : memref<10000x32xf32, #tpu.memory_space<vmem_shared>>) offsets(%arg6 : memref<1000xi32, #tpu.memory_space<vmem>>) semaphore(%run_scoped3A : memref<!tpu.dma_semaphore, #tpu.memory_space<semaphore_mem>>) {add = true}
        %dma_wait3A = arith.constant 0 : i32
        %dma_wait3A_29 = arith.constant 0 : i32
        %dma_wait3A_30 = tpu.memref_slice %arg8[%dma_wait3A, %dma_wait3A_29] : memref<10000x32xf32, #tpu.memory_space<vmem_shared>> -> memref<10000x32xf32, #tpu.memory_space<vmem_shared>>
        tpu.wait_indirect_dma semaphore(%run_scoped3A : memref<!tpu.dma_semaphore, #tpu.memory_space<semaphore_mem>>) src(%arg7 : memref<1000x32xf32, #tpu.memory_space<vmem>>) dst(%dma_wait3A_30 : memref<10000x32xf32, #tpu.memory_space<vmem_shared>>)
        tpu.yield
      }) : () -> ()
    }
    %while3A_16 = arith.constant 1 : i32
    scf.for %while3A_23 = %while3A_14 to %while3A_10 step %while3A_16  : i32 {
      %mul3A_24 = arith.constant 1000 : i32
      %mul3A_25 = arith.muli %while3A_23, %mul3A_24 : i32
      %add3A_26 = arith.addi %mul3A_6, %mul3A_25 : i32
      "tpu.region"() ({
        %run_scoped3A = tpu.sem_alloc : memref<!tpu.dma_semaphore, #tpu.memory_space<semaphore_mem>>
        %dma_start3A = tpu.memref_slice %arg4[%add3A_26] : memref<160000xi32, #tpu.memory_space<hbm>> -> memref<1000xi32, #tpu.memory_space<hbm>>
        %dma_start3A_27 = tpu.memref_slice %arg4[%add3A_26] : memref<160000xi32, #tpu.memory_space<hbm>> -> memref<1000xi32, #tpu.memory_space<hbm>>
        tpu.enqueue_dma source(%dma_start3A_27 : memref<1000xi32, #tpu.memory_space<hbm>>) target(%arg6 : memref<1000xi32, #tpu.memory_space<vmem>>) target_semaphore(%run_scoped3A : memref<!tpu.dma_semaphore, #tpu.memory_space<semaphore_mem>>)
        %dma_wait3A = tpu.memref_slice %arg4[%add3A_26] : memref<160000xi32, #tpu.memory_space<hbm>> -> memref<1000xi32, #tpu.memory_space<hbm>>
        %dma_wait3A_28 = tpu.memref_slice %arg4[%add3A_26] : memref<160000xi32, #tpu.memory_space<hbm>> -> memref<1000xi32, #tpu.memory_space<hbm>>
        tpu.wait_dma2 semaphore(%run_scoped3A : memref<!tpu.dma_semaphore, #tpu.memory_space<semaphore_mem>>) src(%dma_wait3A_28 : memref<1000xi32, #tpu.memory_space<hbm>>) dst(%arg6 : memref<1000xi32, #tpu.memory_space<vmem>>)
        tpu.yield
      }) : () -> ()
      "tpu.region"() ({
        %run_scoped3A = tpu.sem_alloc : memref<!tpu.dma_semaphore, #tpu.memory_space<semaphore_mem>>
        %dma_start3A = arith.constant 0 : i32
        %dma_start3A_27 = tpu.memref_slice %arg3[%add3A_26, %dma_start3A] : memref<160000x32xf32, #tpu.memory_space<hbm>> -> memref<1000x32xf32, #tpu.memory_space<hbm>>
        %dma_start3A_28 = arith.constant 0 : i32
        %dma_start3A_29 = tpu.memref_slice %arg3[%add3A_26, %dma_start3A_28] : memref<160000x32xf32, #tpu.memory_space<hbm>> -> memref<1000x32xf32, #tpu.memory_space<hbm>>
        tpu.enqueue_dma source(%dma_start3A_29 : memref<1000x32xf32, #tpu.memory_space<hbm>>) target(%arg7 : memref<1000x32xf32, #tpu.memory_space<vmem>>) target_semaphore(%run_scoped3A : memref<!tpu.dma_semaphore, #tpu.memory_space<semaphore_mem>>)
        %dma_wait3A = arith.constant 0 : i32
        %dma_wait3A_30 = tpu.memref_slice %arg3[%add3A_26, %dma_wait3A] : memref<160000x32xf32, #tpu.memory_space<hbm>> -> memref<1000x32xf32, #tpu.memory_space<hbm>>
        %dma_wait3A_31 = arith.constant 0 : i32
        %dma_wait3A_32 = tpu.memref_slice %arg3[%add3A_26, %dma_wait3A_31] : memref<160000x32xf32, #tpu.memory_space<hbm>> -> memref<1000x32xf32, #tpu.memory_space<hbm>>
        tpu.wait_dma2 semaphore(%run_scoped3A : memref<!tpu.dma_semaphore, #tpu.memory_space<semaphore_mem>>) src(%dma_wait3A_32 : memref<1000x32xf32, #tpu.memory_space<hbm>>) dst(%arg7 : memref<1000x32xf32, #tpu.memory_space<vmem>>)
        tpu.yield
      }) : () -> ()
      "tpu.region"() ({
        %run_scoped3A = tpu.sem_alloc : memref<!tpu.dma_semaphore, #tpu.memory_space<semaphore_mem>>
        %dma_start3A = arith.constant 0 : i32
        %dma_start3A_27 = arith.constant 0 : i32
        %dma_start3A_28 = tpu.memref_slice %arg8[%dma_start3A, %dma_start3A_27] : memref<10000x32xf32, #tpu.memory_space<vmem_shared>> -> memref<10000x32xf32, #tpu.memory_space<vmem_shared>>
        tpu.enqueue_indirect_dma source(%arg7 : memref<1000x32xf32, #tpu.memory_space<vmem>>) target(%dma_start3A_28 : memref<10000x32xf32, #tpu.memory_space<vmem_shared>>) offsets(%arg6 : memref<1000xi32, #tpu.memory_space<vmem>>) semaphore(%run_scoped3A : memref<!tpu.dma_semaphore, #tpu.memory_space<semaphore_mem>>) {add = true}
        %dma_wait3A = arith.constant 0 : i32
        %dma_wait3A_29 = arith.constant 0 : i32
        %dma_wait3A_30 = tpu.memref_slice %arg8[%dma_wait3A, %dma_wait3A_29] : memref<10000x32xf32, #tpu.memory_space<vmem_shared>> -> memref<10000x32xf32, #tpu.memory_space<vmem_shared>>
        tpu.wait_indirect_dma semaphore(%run_scoped3A : memref<!tpu.dma_semaphore, #tpu.memory_space<semaphore_mem>>) src(%arg7 : memref<1000x32xf32, #tpu.memory_space<vmem>>) dst(%dma_wait3A_30 : memref<10000x32xf32, #tpu.memory_space<vmem_shared>>)
        tpu.yield
      }) : () -> ()
    }
    %barrier3A_17 = arith.constant 0 : index
    tpu.barrier barrier_id(%barrier3A_17)
    %lt3A_18 = arith.constant 10 : i32
    %lt3A_19 = arith.cmpi slt, %arg1, %lt3A_18 : i32
    %convert_element_type3A_20 = arith.extui %lt3A_19 : i1 to i32
    %cond3A_21 = arith.constant 0 : i32
    %cond3A_22 = arith.cmpi ne, %convert_element_type3A_20, %cond3A_21 : i32
    scf.if %cond3A_22 {
      "tpu.region"() ({
        %run_scoped3A = tpu.sem_alloc : memref<!tpu.dma_semaphore, #tpu.memory_space<semaphore_mem>>
        %dma_start3A = arith.constant 0 : i32
        %dma_start3A_23 = tpu.memref_slice %arg8[%mul3A_0, %dma_start3A] : memref<10000x32xf32, #tpu.memory_space<vmem_shared>> -> memref<1000x32xf32, #tpu.memory_space<vmem_shared>>
        %dma_start3A_24 = arith.constant 0 : i32
        %dma_start3A_25 = tpu.memref_slice %arg8[%mul3A_0, %dma_start3A_24] : memref<10000x32xf32, #tpu.memory_space<vmem_shared>> -> memref<1000x32xf32, #tpu.memory_space<vmem_shared>>
        tpu.enqueue_dma source(%dma_start3A_25 : memref<1000x32xf32, #tpu.memory_space<vmem_shared>>) target(%arg7 : memref<1000x32xf32, #tpu.memory_space<vmem>>) target_semaphore(%run_scoped3A : memref<!tpu.dma_semaphore, #tpu.memory_space<semaphore_mem>>)
        %dma_wait3A = arith.constant 0 : i32
        %dma_wait3A_26 = tpu.memref_slice %arg8[%mul3A_0, %dma_wait3A] : memref<10000x32xf32, #tpu.memory_space<vmem_shared>> -> memref<1000x32xf32, #tpu.memory_space<vmem_shared>>
        %dma_wait3A_27 = arith.constant 0 : i32
        %dma_wait3A_28 = tpu.memref_slice %arg8[%mul3A_0, %dma_wait3A_27] : memref<10000x32xf32, #tpu.memory_space<vmem_shared>> -> memref<1000x32xf32, #tpu.memory_space<vmem_shared>>
        tpu.wait_dma2 semaphore(%run_scoped3A : memref<!tpu.dma_semaphore, #tpu.memory_space<semaphore_mem>>) src(%dma_wait3A_28 : memref<1000x32xf32, #tpu.memory_space<vmem_shared>>) dst(%arg7 : memref<1000x32xf32, #tpu.memory_space<vmem>>)
        tpu.yield
      }) : () -> ()
      "tpu.region"() ({
        %run_scoped3A = tpu.sem_alloc : memref<!tpu.dma_semaphore, #tpu.memory_space<semaphore_mem>>
        %dma_start3A = arith.constant 0 : i32
        %dma_start3A_23 = arith.constant 0 : i32
        %dma_start3A_24 = tpu.memref_slice %arg5[%arg0, %dma_start3A, %dma_start3A_23] : memref<2x10000x32xf32, #tpu.memory_space<hbm>> -> memref<1x10000x32xf32, #tpu.memory_space<hbm>>
        %dma_start3A_25 = tpu.memref_squeeze %dma_start3A_24 : memref<1x10000x32xf32, #tpu.memory_space<hbm>> -> memref<10000x32xf32, #tpu.memory_space<hbm>>
        %dma_start3A_26 = arith.constant 0 : i32
        %dma_start3A_27 = tpu.memref_slice %dma_start3A_25[%mul3A_0, %dma_start3A_26] : memref<10000x32xf32, #tpu.memory_space<hbm>> -> memref<1000x32xf32, #tpu.memory_space<hbm>>
        %dma_start3A_28 = arith.constant 0 : i32
        %dma_start3A_29 = arith.constant 0 : i32
        %dma_start3A_30 = tpu.memref_slice %arg5[%arg0, %dma_start3A_28, %dma_start3A_29] : memref<2x10000x32xf32, #tpu.memory_space<hbm>> -> memref<1x10000x32xf32, #tpu.memory_space<hbm>>
        %dma_start3A_31 = tpu.memref_squeeze %dma_start3A_30 : memref<1x10000x32xf32, #tpu.memory_space<hbm>> -> memref<10000x32xf32, #tpu.memory_space<hbm>>
        %dma_start3A_32 = arith.constant 0 : i32
        %dma_start3A_33 = tpu.memref_slice %dma_start3A_31[%mul3A_0, %dma_start3A_32] : memref<10000x32xf32, #tpu.memory_space<hbm>> -> memref<1000x32xf32, #tpu.memory_space<hbm>>
        tpu.enqueue_dma source(%arg7 : memref<1000x32xf32, #tpu.memory_space<vmem>>) target(%dma_start3A_33 : memref<1000x32xf32, #tpu.memory_space<hbm>>) target_semaphore(%run_scoped3A : memref<!tpu.dma_semaphore, #tpu.memory_space<semaphore_mem>>)
        %dma_wait3A = arith.constant 0 : i32
        %dma_wait3A_34 = arith.constant 0 : i32
        %dma_wait3A_35 = tpu.memref_slice %arg5[%arg0, %dma_wait3A, %dma_wait3A_34] : memref<2x10000x32xf32, #tpu.memory_space<hbm>> -> memref<1x10000x32xf32, #tpu.memory_space<hbm>>
        %dma_wait3A_36 = tpu.memref_squeeze %dma_wait3A_35 : memref<1x10000x32xf32, #tpu.memory_space<hbm>> -> memref<10000x32xf32, #tpu.memory_space<hbm>>
        %dma_wait3A_37 = arith.constant 0 : i32
        %dma_wait3A_38 = tpu.memref_slice %dma_wait3A_36[%mul3A_0, %dma_wait3A_37] : memref<10000x32xf32, #tpu.memory_space<hbm>> -> memref<1000x32xf32, #tpu.memory_space<hbm>>
        %dma_wait3A_39 = arith.constant 0 : i32
        %dma_wait3A_40 = arith.constant 0 : i32
        %dma_wait3A_41 = tpu.memref_slice %arg5[%arg0, %dma_wait3A_39, %dma_wait3A_40] : memref<2x10000x32xf32, #tpu.memory_space<hbm>> -> memref<1x10000x32xf32, #tpu.memory_space<hbm>>
        %dma_wait3A_42 = tpu.memref_squeeze %dma_wait3A_41 : memref<1x10000x32xf32, #tpu.memory_space<hbm>> -> memref<10000x32xf32, #tpu.memory_space<hbm>>
        %dma_wait3A_43 = arith.constant 0 : i32
        %dma_wait3A_44 = tpu.memref_slice %dma_wait3A_42[%mul3A_0, %dma_wait3A_43] : memref<10000x32xf32, #tpu.memory_space<hbm>> -> memref<1000x32xf32, #tpu.memory_space<hbm>>
        tpu.wait_dma2 semaphore(%run_scoped3A : memref<!tpu.dma_semaphore, #tpu.memory_space<semaphore_mem>>) src(%arg7 : memref<1000x32xf32, #tpu.memory_space<vmem>>) dst(%dma_wait3A_44 : memref<1000x32xf32, #tpu.memory_space<hbm>>)
        tpu.yield
      }) : () -> ()
    } else {
    }
    return
  }
}

module attributes {stable_mosaic.version = 14 : i64} {
  func.func @_mlp_body(%arg0: i32, %arg1: memref<1000x4xf32, #tpu.memory_space<vmem>>, %arg2: memref<1x128xf32, #tpu.memory_space<vmem>>, %arg3: memref<1x512xf32, #tpu.memory_space<vmem>>, %arg4: memref<1x512xf32, #tpu.memory_space<vmem>>, %arg5: memref<1x512xf32, #tpu.memory_space<vmem>>, %arg6: memref<512x128xbf16, #tpu.memory_space<vmem>>, %arg7: memref<512x128xbf16, #tpu.memory_space<vmem>>, %arg8: memref<1x128xf32, #tpu.memory_space<vmem>>, %arg9: memref<1x128xf32, #tpu.memory_space<vmem>>, %arg10: memref<1x128xf32, #tpu.memory_space<vmem>>, %arg11: memref<1000x128xf32, #tpu.memory_space<vmem>>) attributes {dimension_semantics = [#tpu.dimension_semantics<arbitrary>], iteration_bounds = array<i64: 40>, scalar_prefetch = 0 : i64, scratch_operands = 0 : i64, tpu.core_type = #tpu.core_type<tc>, window_params = [{transform_indices = @transform_0, window_bounds = array<i64: 1000, 4>}, {pipeline_mode = #tpu.pipeline_mode<synchronous>, transform_indices = @transform_1, window_bounds = array<i64: 1, 128>}, {pipeline_mode = #tpu.pipeline_mode<synchronous>, transform_indices = @transform_2, window_bounds = array<i64: 1, 512>}, {pipeline_mode = #tpu.pipeline_mode<synchronous>, transform_indices = @transform_3, window_bounds = array<i64: 1, 512>}, {pipeline_mode = #tpu.pipeline_mode<synchronous>, transform_indices = @transform_4, window_bounds = array<i64: 1, 512>}, {pipeline_mode = #tpu.pipeline_mode<synchronous>, transform_indices = @transform_5, window_bounds = array<i64: 512, 128>}, {pipeline_mode = #tpu.pipeline_mode<synchronous>, transform_indices = @transform_6, window_bounds = array<i64: 512, 128>}, {pipeline_mode = #tpu.pipeline_mode<synchronous>, transform_indices = @transform_7, window_bounds = array<i64: 1, 128>}, {pipeline_mode = #tpu.pipeline_mode<synchronous>, transform_indices = @transform_8, window_bounds = array<i64: 1, 128>}, {pipeline_mode = #tpu.pipeline_mode<synchronous>, transform_indices = @transform_9, window_bounds = array<i64: 1, 128>}, {transform_indices = @transform_10, window_bounds = array<i64: 1000, 128>}]} {
    %get3A = arith.constant 0 : index
    %get3A_0 = arith.constant 0 : index
    %get3A_1 = vector.load %arg3[%get3A, %get3A_0] : memref<1x512xf32, #tpu.memory_space<vmem>>, vector<1x512xf32>
    %get3A_2 = arith.constant 0 : index
    %get3A_3 = arith.constant 0 : index
    %get3A_4 = vector.load %arg1[%get3A_2, %get3A_3] : memref<1000x4xf32, #tpu.memory_space<vmem>>, vector<1000x4xf32>
    %get3A_5 = arith.constant 0 : index
    %get3A_6 = arith.constant 0 : index
    %get3A_7 = vector.load %arg2[%get3A_5, %get3A_6] : memref<1x128xf32, #tpu.memory_space<vmem>>, vector<1x128xf32>
    %slice3A = vector.extract_strided_slice %get3A_4 {offsets = [0, 0], sizes = [1000, 1], strides = [1, 1]} : vector<1000x4xf32> to vector<1000x1xf32>
    %mul3A = vector.broadcast %slice3A : vector<1000x1xf32> to vector<1000x128xf32>
    %mul3A_8 = vector.broadcast %get3A_7 : vector<1x128xf32> to vector<1000x128xf32>
    %mul3A_9 = arith.mulf %mul3A, %mul3A_8 : vector<1000x128xf32>
    %slice3A_10 = vector.extract_strided_slice %get3A_4 {offsets = [0, 1], sizes = [1000, 1], strides = [1, 1]} : vector<1000x4xf32> to vector<1000x1xf32>
    %mul3A_11 = vector.broadcast %slice3A_10 : vector<1000x1xf32> to vector<1000x128xf32>
    %mul3A_12 = vector.broadcast %get3A_7 : vector<1x128xf32> to vector<1000x128xf32>
    %mul3A_13 = arith.mulf %mul3A_11, %mul3A_12 : vector<1000x128xf32>
    %slice3A_14 = vector.extract_strided_slice %get3A_4 {offsets = [0, 2], sizes = [1000, 1], strides = [1, 1]} : vector<1000x4xf32> to vector<1000x1xf32>
    %mul3A_15 = vector.broadcast %slice3A_14 : vector<1000x1xf32> to vector<1000x128xf32>
    %mul3A_16 = vector.broadcast %get3A_7 : vector<1x128xf32> to vector<1000x128xf32>
    %mul3A_17 = arith.mulf %mul3A_15, %mul3A_16 : vector<1000x128xf32>
    %slice3A_18 = vector.extract_strided_slice %get3A_4 {offsets = [0, 3], sizes = [1000, 1], strides = [1, 1]} : vector<1000x4xf32> to vector<1000x1xf32>
    %mul3A_19 = vector.broadcast %slice3A_18 : vector<1000x1xf32> to vector<1000x128xf32>
    %mul3A_20 = vector.broadcast %get3A_7 : vector<1x128xf32> to vector<1000x128xf32>
    %mul3A_21 = arith.mulf %mul3A_19, %mul3A_20 : vector<1000x128xf32>
    %concatenate3A = tpu.concatenate %mul3A_9, %mul3A_13, %mul3A_17, %mul3A_21 in 1 : vector<1000x128xf32>, vector<1000x128xf32>, vector<1000x128xf32>, vector<1000x128xf32> -> vector<1000x512xf32>
    %add3A = vector.broadcast %get3A_1 : vector<1x512xf32> to vector<1000x512xf32>
    %add3A_22 = arith.addf %add3A, %concatenate3A : vector<1000x512xf32>
    %get3A_23 = arith.constant 0 : index
    %get3A_24 = arith.constant 0 : index
    %get3A_25 = vector.load %arg4[%get3A_23, %get3A_24] : memref<1x512xf32, #tpu.memory_space<vmem>>, vector<1x512xf32>
    %get3A_26 = arith.constant 0 : index
    %get3A_27 = arith.constant 0 : index
    %get3A_28 = vector.load %arg5[%get3A_26, %get3A_27] : memref<1x512xf32, #tpu.memory_space<vmem>>, vector<1x512xf32>
    %slice3A_29 = vector.extract_strided_slice %add3A_22 {offsets = [0, 0], sizes = [1000, 128], strides = [1, 1]} : vector<1000x512xf32> to vector<1000x128xf32>
    %reduce_sum3A = arith.constant dense<0.000000e+00> : vector<1000xf32>
    %reduce_sum3A_30 = vector.multi_reduction <add>, %slice3A_29, %reduce_sum3A [1] : vector<1000x128xf32> to vector<1000xf32>
    %broadcast_in_dim3A = vector.shape_cast %reduce_sum3A_30 : vector<1000xf32> to vector<1000x1xf32>
    %div3A = arith.constant 1.280000e+02 : f32
    %div3A_31 = vector.broadcast %div3A : f32 to vector<1000x1xf32>
    %div3A_32 = arith.divf %broadcast_in_dim3A, %div3A_31 : vector<1000x1xf32>
    %sub3A = vector.broadcast %div3A_32 : vector<1000x1xf32> to vector<1000x128xf32>
    %sub3A_33 = arith.subf %slice3A_29, %sub3A : vector<1000x128xf32>
    %mul3A_34 = arith.mulf %sub3A_33, %sub3A_33 : vector<1000x128xf32>
    %reduce_sum3A_35 = arith.constant dense<0.000000e+00> : vector<1000xf32>
    %reduce_sum3A_36 = vector.multi_reduction <add>, %mul3A_34, %reduce_sum3A_35 [1] : vector<1000x128xf32> to vector<1000xf32>
    %broadcast_in_dim3A_37 = vector.shape_cast %reduce_sum3A_36 : vector<1000xf32> to vector<1000x1xf32>
    %div3A_38 = arith.constant 1.280000e+02 : f32
    %div3A_39 = vector.broadcast %div3A_38 : f32 to vector<1000x1xf32>
    %div3A_40 = arith.divf %broadcast_in_dim3A_37, %div3A_39 : vector<1000x1xf32>
    %add3A_41 = arith.constant 9.99999974E-6 : f32
    %add3A_42 = vector.broadcast %add3A_41 : f32 to vector<1000x1xf32>
    %add3A_43 = arith.addf %div3A_40, %add3A_42 : vector<1000x1xf32>
    %rsqrt3A = math.rsqrt %add3A_43 : vector<1000x1xf32>
    %mul3A_44 = vector.broadcast %rsqrt3A : vector<1000x1xf32> to vector<1000x128xf32>
    %mul3A_45 = arith.mulf %sub3A_33, %mul3A_44 : vector<1000x128xf32>
    %slice3A_46 = vector.extract_strided_slice %add3A_22 {offsets = [0, 128], sizes = [1000, 128], strides = [1, 1]} : vector<1000x512xf32> to vector<1000x128xf32>
    %reduce_sum3A_47 = arith.constant dense<0.000000e+00> : vector<1000xf32>
    %reduce_sum3A_48 = vector.multi_reduction <add>, %slice3A_46, %reduce_sum3A_47 [1] : vector<1000x128xf32> to vector<1000xf32>
    %broadcast_in_dim3A_49 = vector.shape_cast %reduce_sum3A_48 : vector<1000xf32> to vector<1000x1xf32>
    %div3A_50 = arith.constant 1.280000e+02 : f32
    %div3A_51 = vector.broadcast %div3A_50 : f32 to vector<1000x1xf32>
    %div3A_52 = arith.divf %broadcast_in_dim3A_49, %div3A_51 : vector<1000x1xf32>
    %sub3A_53 = vector.broadcast %div3A_52 : vector<1000x1xf32> to vector<1000x128xf32>
    %sub3A_54 = arith.subf %slice3A_46, %sub3A_53 : vector<1000x128xf32>
    %mul3A_55 = arith.mulf %sub3A_54, %sub3A_54 : vector<1000x128xf32>
    %reduce_sum3A_56 = arith.constant dense<0.000000e+00> : vector<1000xf32>
    %reduce_sum3A_57 = vector.multi_reduction <add>, %mul3A_55, %reduce_sum3A_56 [1] : vector<1000x128xf32> to vector<1000xf32>
    %broadcast_in_dim3A_58 = vector.shape_cast %reduce_sum3A_57 : vector<1000xf32> to vector<1000x1xf32>
    %div3A_59 = arith.constant 1.280000e+02 : f32
    %div3A_60 = vector.broadcast %div3A_59 : f32 to vector<1000x1xf32>
    %div3A_61 = arith.divf %broadcast_in_dim3A_58, %div3A_60 : vector<1000x1xf32>
    %add3A_62 = arith.constant 9.99999974E-6 : f32
    %add3A_63 = vector.broadcast %add3A_62 : f32 to vector<1000x1xf32>
    %add3A_64 = arith.addf %div3A_61, %add3A_63 : vector<1000x1xf32>
    %rsqrt3A_65 = math.rsqrt %add3A_64 : vector<1000x1xf32>
    %mul3A_66 = vector.broadcast %rsqrt3A_65 : vector<1000x1xf32> to vector<1000x128xf32>
    %mul3A_67 = arith.mulf %sub3A_54, %mul3A_66 : vector<1000x128xf32>
    %slice3A_68 = vector.extract_strided_slice %add3A_22 {offsets = [0, 256], sizes = [1000, 128], strides = [1, 1]} : vector<1000x512xf32> to vector<1000x128xf32>
    %reduce_sum3A_69 = arith.constant dense<0.000000e+00> : vector<1000xf32>
    %reduce_sum3A_70 = vector.multi_reduction <add>, %slice3A_68, %reduce_sum3A_69 [1] : vector<1000x128xf32> to vector<1000xf32>
    %broadcast_in_dim3A_71 = vector.shape_cast %reduce_sum3A_70 : vector<1000xf32> to vector<1000x1xf32>
    %div3A_72 = arith.constant 1.280000e+02 : f32
    %div3A_73 = vector.broadcast %div3A_72 : f32 to vector<1000x1xf32>
    %div3A_74 = arith.divf %broadcast_in_dim3A_71, %div3A_73 : vector<1000x1xf32>
    %sub3A_75 = vector.broadcast %div3A_74 : vector<1000x1xf32> to vector<1000x128xf32>
    %sub3A_76 = arith.subf %slice3A_68, %sub3A_75 : vector<1000x128xf32>
    %mul3A_77 = arith.mulf %sub3A_76, %sub3A_76 : vector<1000x128xf32>
    %reduce_sum3A_78 = arith.constant dense<0.000000e+00> : vector<1000xf32>
    %reduce_sum3A_79 = vector.multi_reduction <add>, %mul3A_77, %reduce_sum3A_78 [1] : vector<1000x128xf32> to vector<1000xf32>
    %broadcast_in_dim3A_80 = vector.shape_cast %reduce_sum3A_79 : vector<1000xf32> to vector<1000x1xf32>
    %div3A_81 = arith.constant 1.280000e+02 : f32
    %div3A_82 = vector.broadcast %div3A_81 : f32 to vector<1000x1xf32>
    %div3A_83 = arith.divf %broadcast_in_dim3A_80, %div3A_82 : vector<1000x1xf32>
    %add3A_84 = arith.constant 9.99999974E-6 : f32
    %add3A_85 = vector.broadcast %add3A_84 : f32 to vector<1000x1xf32>
    %add3A_86 = arith.addf %div3A_83, %add3A_85 : vector<1000x1xf32>
    %rsqrt3A_87 = math.rsqrt %add3A_86 : vector<1000x1xf32>
    %mul3A_88 = vector.broadcast %rsqrt3A_87 : vector<1000x1xf32> to vector<1000x128xf32>
    %mul3A_89 = arith.mulf %sub3A_76, %mul3A_88 : vector<1000x128xf32>
    %slice3A_90 = vector.extract_strided_slice %add3A_22 {offsets = [0, 384], sizes = [1000, 128], strides = [1, 1]} : vector<1000x512xf32> to vector<1000x128xf32>
    %reduce_sum3A_91 = arith.constant dense<0.000000e+00> : vector<1000xf32>
    %reduce_sum3A_92 = vector.multi_reduction <add>, %slice3A_90, %reduce_sum3A_91 [1] : vector<1000x128xf32> to vector<1000xf32>
    %broadcast_in_dim3A_93 = vector.shape_cast %reduce_sum3A_92 : vector<1000xf32> to vector<1000x1xf32>
    %div3A_94 = arith.constant 1.280000e+02 : f32
    %div3A_95 = vector.broadcast %div3A_94 : f32 to vector<1000x1xf32>
    %div3A_96 = arith.divf %broadcast_in_dim3A_93, %div3A_95 : vector<1000x1xf32>
    %sub3A_97 = vector.broadcast %div3A_96 : vector<1000x1xf32> to vector<1000x128xf32>
    %sub3A_98 = arith.subf %slice3A_90, %sub3A_97 : vector<1000x128xf32>
    %mul3A_99 = arith.mulf %sub3A_98, %sub3A_98 : vector<1000x128xf32>
    %reduce_sum3A_100 = arith.constant dense<0.000000e+00> : vector<1000xf32>
    %reduce_sum3A_101 = vector.multi_reduction <add>, %mul3A_99, %reduce_sum3A_100 [1] : vector<1000x128xf32> to vector<1000xf32>
    %broadcast_in_dim3A_102 = vector.shape_cast %reduce_sum3A_101 : vector<1000xf32> to vector<1000x1xf32>
    %div3A_103 = arith.constant 1.280000e+02 : f32
    %div3A_104 = vector.broadcast %div3A_103 : f32 to vector<1000x1xf32>
    %div3A_105 = arith.divf %broadcast_in_dim3A_102, %div3A_104 : vector<1000x1xf32>
    %add3A_106 = arith.constant 9.99999974E-6 : f32
    %add3A_107 = vector.broadcast %add3A_106 : f32 to vector<1000x1xf32>
    %add3A_108 = arith.addf %div3A_105, %add3A_107 : vector<1000x1xf32>
    %rsqrt3A_109 = math.rsqrt %add3A_108 : vector<1000x1xf32>
    %mul3A_110 = vector.broadcast %rsqrt3A_109 : vector<1000x1xf32> to vector<1000x128xf32>
    %mul3A_111 = arith.mulf %sub3A_98, %mul3A_110 : vector<1000x128xf32>
    %concatenate3A_112 = tpu.concatenate %mul3A_45, %mul3A_67, %mul3A_89, %mul3A_111 in 1 : vector<1000x128xf32>, vector<1000x128xf32>, vector<1000x128xf32>, vector<1000x128xf32> -> vector<1000x512xf32>
    %mul3A_113 = vector.broadcast %get3A_25 : vector<1x512xf32> to vector<1000x512xf32>
    %mul3A_114 = arith.mulf %concatenate3A_112, %mul3A_113 : vector<1000x512xf32>
    %add3A_115 = vector.broadcast %get3A_28 : vector<1x512xf32> to vector<1000x512xf32>
    %add3A_116 = arith.addf %mul3A_114, %add3A_115 : vector<1000x512xf32>
    %ge3A = arith.constant 0.000000e+00 : f32
    %ge3A_117 = vector.broadcast %ge3A : f32 to vector<1000x512xf32>
    %ge3A_118 = arith.cmpf oge, %add3A_116, %ge3A_117 : vector<1000x512xf32>
    %mul3A_119 = arith.constant 0.00999999977 : f32
    %mul3A_120 = vector.broadcast %mul3A_119 : f32 to vector<1000x512xf32>
    %mul3A_121 = arith.mulf %mul3A_120, %add3A_116 : vector<1000x512xf32>
    %select_n3A = arith.select %ge3A_118, %add3A_116, %mul3A_121 : vector<1000x512xi1>, vector<1000x512xf32>
    %get3A_122 = arith.constant 0 : index
    %get3A_123 = arith.constant 0 : index
    %get3A_124 = vector.load %arg6[%get3A_122, %get3A_123] : memref<512x128xbf16, #tpu.memory_space<vmem>>, vector<512x128xbf16>
    %get3A_125 = arith.constant 0 : index
    %get3A_126 = arith.constant 0 : index
    %get3A_127 = vector.load %arg7[%get3A_125, %get3A_126] : memref<512x128xbf16, #tpu.memory_space<vmem>>, vector<512x128xbf16>
    %convert_element_type3A = arith.truncf %select_n3A : vector<1000x512xf32> to vector<1000x512xbf16>
    %convert_element_type3A_128 = arith.extf %convert_element_type3A : vector<1000x512xbf16> to vector<1000x512xf32>
    %sub3A_129 = arith.subf %select_n3A, %convert_element_type3A_128 : vector<1000x512xf32>
    %convert_element_type3A_130 = arith.truncf %sub3A_129 : vector<1000x512xf32> to vector<1000x512xbf16>
    %dot_general3A = arith.constant dense<0.000000e+00> : vector<1000x128xf32>
    %dot_general3A_131 = tpu.matmul %convert_element_type3A_130, %get3A_127, %dot_general3A {dimension_numbers = #tpu.dot_dimension_numbers<[1], [0], [0], [1], [0, 0, 1, 1], [], []>, transpose_lhs_hint = false} : vector<1000x512xbf16>, vector<512x128xbf16>, vector<1000x128xf32> -> vector<1000x128xf32>
    %dot_general3A_132 = arith.constant dense<0.000000e+00> : vector<1000x128xf32>
    %dot_general3A_133 = tpu.matmul %convert_element_type3A, %get3A_127, %dot_general3A_132 {dimension_numbers = #tpu.dot_dimension_numbers<[1], [0], [0], [1], [0, 0, 1, 1], [], []>, transpose_lhs_hint = false} : vector<1000x512xbf16>, vector<512x128xbf16>, vector<1000x128xf32> -> vector<1000x128xf32>
    %add3A_134 = arith.addf %dot_general3A_131, %dot_general3A_133 : vector<1000x128xf32>
    %dot_general3A_135 = arith.constant dense<0.000000e+00> : vector<1000x128xf32>
    %dot_general3A_136 = tpu.matmul %convert_element_type3A_130, %get3A_124, %dot_general3A_135 {dimension_numbers = #tpu.dot_dimension_numbers<[1], [0], [0], [1], [0, 0, 1, 1], [], []>, transpose_lhs_hint = false} : vector<1000x512xbf16>, vector<512x128xbf16>, vector<1000x128xf32> -> vector<1000x128xf32>
    %add3A_137 = arith.addf %add3A_134, %dot_general3A_136 : vector<1000x128xf32>
    %dot_general3A_138 = arith.constant dense<0.000000e+00> : vector<1000x128xf32>
    %dot_general3A_139 = tpu.matmul %convert_element_type3A, %get3A_124, %dot_general3A_138 {dimension_numbers = #tpu.dot_dimension_numbers<[1], [0], [0], [1], [0, 0, 1, 1], [], []>, transpose_lhs_hint = false} : vector<1000x512xbf16>, vector<512x128xbf16>, vector<1000x128xf32> -> vector<1000x128xf32>
    %add3A_140 = arith.addf %add3A_137, %dot_general3A_139 : vector<1000x128xf32>
    %get3A_141 = arith.constant 0 : index
    %get3A_142 = arith.constant 0 : index
    %get3A_143 = vector.load %arg8[%get3A_141, %get3A_142] : memref<1x128xf32, #tpu.memory_space<vmem>>, vector<1x128xf32>
    %add3A_144 = vector.broadcast %get3A_143 : vector<1x128xf32> to vector<1000x128xf32>
    %add3A_145 = arith.addf %add3A_140, %add3A_144 : vector<1000x128xf32>
    %get3A_146 = arith.constant 0 : index
    %get3A_147 = arith.constant 0 : index
    %get3A_148 = vector.load %arg9[%get3A_146, %get3A_147] : memref<1x128xf32, #tpu.memory_space<vmem>>, vector<1x128xf32>
    %get3A_149 = arith.constant 0 : index
    %get3A_150 = arith.constant 0 : index
    %get3A_151 = vector.load %arg10[%get3A_149, %get3A_150] : memref<1x128xf32, #tpu.memory_space<vmem>>, vector<1x128xf32>
    %slice3A_152 = vector.extract_strided_slice %add3A_145 {offsets = [0, 0], sizes = [1000, 32], strides = [1, 1]} : vector<1000x128xf32> to vector<1000x32xf32>
    %reduce_sum3A_153 = arith.constant dense<0.000000e+00> : vector<1000xf32>
    %reduce_sum3A_154 = vector.multi_reduction <add>, %slice3A_152, %reduce_sum3A_153 [1] : vector<1000x32xf32> to vector<1000xf32>
    %broadcast_in_dim3A_155 = vector.shape_cast %reduce_sum3A_154 : vector<1000xf32> to vector<1000x1xf32>
    %div3A_156 = arith.constant 3.200000e+01 : f32
    %div3A_157 = vector.broadcast %div3A_156 : f32 to vector<1000x1xf32>
    %div3A_158 = arith.divf %broadcast_in_dim3A_155, %div3A_157 : vector<1000x1xf32>
    %sub3A_159 = vector.broadcast %div3A_158 : vector<1000x1xf32> to vector<1000x32xf32>
    %sub3A_160 = arith.subf %slice3A_152, %sub3A_159 : vector<1000x32xf32>
    %mul3A_161 = arith.mulf %sub3A_160, %sub3A_160 : vector<1000x32xf32>
    %reduce_sum3A_162 = arith.constant dense<0.000000e+00> : vector<1000xf32>
    %reduce_sum3A_163 = vector.multi_reduction <add>, %mul3A_161, %reduce_sum3A_162 [1] : vector<1000x32xf32> to vector<1000xf32>
    %broadcast_in_dim3A_164 = vector.shape_cast %reduce_sum3A_163 : vector<1000xf32> to vector<1000x1xf32>
    %div3A_165 = arith.constant 3.200000e+01 : f32
    %div3A_166 = vector.broadcast %div3A_165 : f32 to vector<1000x1xf32>
    %div3A_167 = arith.divf %broadcast_in_dim3A_164, %div3A_166 : vector<1000x1xf32>
    %add3A_168 = arith.constant 9.99999974E-6 : f32
    %add3A_169 = vector.broadcast %add3A_168 : f32 to vector<1000x1xf32>
    %add3A_170 = arith.addf %div3A_167, %add3A_169 : vector<1000x1xf32>
    %rsqrt3A_171 = math.rsqrt %add3A_170 : vector<1000x1xf32>
    %mul3A_172 = vector.broadcast %rsqrt3A_171 : vector<1000x1xf32> to vector<1000x32xf32>
    %mul3A_173 = arith.mulf %sub3A_160, %mul3A_172 : vector<1000x32xf32>
    %slice3A_174 = vector.extract_strided_slice %add3A_145 {offsets = [0, 32], sizes = [1000, 32], strides = [1, 1]} : vector<1000x128xf32> to vector<1000x32xf32>
    %reduce_sum3A_175 = arith.constant dense<0.000000e+00> : vector<1000xf32>
    %reduce_sum3A_176 = vector.multi_reduction <add>, %slice3A_174, %reduce_sum3A_175 [1] : vector<1000x32xf32> to vector<1000xf32>
    %broadcast_in_dim3A_177 = vector.shape_cast %reduce_sum3A_176 : vector<1000xf32> to vector<1000x1xf32>
    %div3A_178 = arith.constant 3.200000e+01 : f32
    %div3A_179 = vector.broadcast %div3A_178 : f32 to vector<1000x1xf32>
    %div3A_180 = arith.divf %broadcast_in_dim3A_177, %div3A_179 : vector<1000x1xf32>
    %sub3A_181 = vector.broadcast %div3A_180 : vector<1000x1xf32> to vector<1000x32xf32>
    %sub3A_182 = arith.subf %slice3A_174, %sub3A_181 : vector<1000x32xf32>
    %mul3A_183 = arith.mulf %sub3A_182, %sub3A_182 : vector<1000x32xf32>
    %reduce_sum3A_184 = arith.constant dense<0.000000e+00> : vector<1000xf32>
    %reduce_sum3A_185 = vector.multi_reduction <add>, %mul3A_183, %reduce_sum3A_184 [1] : vector<1000x32xf32> to vector<1000xf32>
    %broadcast_in_dim3A_186 = vector.shape_cast %reduce_sum3A_185 : vector<1000xf32> to vector<1000x1xf32>
    %div3A_187 = arith.constant 3.200000e+01 : f32
    %div3A_188 = vector.broadcast %div3A_187 : f32 to vector<1000x1xf32>
    %div3A_189 = arith.divf %broadcast_in_dim3A_186, %div3A_188 : vector<1000x1xf32>
    %add3A_190 = arith.constant 9.99999974E-6 : f32
    %add3A_191 = vector.broadcast %add3A_190 : f32 to vector<1000x1xf32>
    %add3A_192 = arith.addf %div3A_189, %add3A_191 : vector<1000x1xf32>
    %rsqrt3A_193 = math.rsqrt %add3A_192 : vector<1000x1xf32>
    %mul3A_194 = vector.broadcast %rsqrt3A_193 : vector<1000x1xf32> to vector<1000x32xf32>
    %mul3A_195 = arith.mulf %sub3A_182, %mul3A_194 : vector<1000x32xf32>
    %slice3A_196 = vector.extract_strided_slice %add3A_145 {offsets = [0, 64], sizes = [1000, 32], strides = [1, 1]} : vector<1000x128xf32> to vector<1000x32xf32>
    %reduce_sum3A_197 = arith.constant dense<0.000000e+00> : vector<1000xf32>
    %reduce_sum3A_198 = vector.multi_reduction <add>, %slice3A_196, %reduce_sum3A_197 [1] : vector<1000x32xf32> to vector<1000xf32>
    %broadcast_in_dim3A_199 = vector.shape_cast %reduce_sum3A_198 : vector<1000xf32> to vector<1000x1xf32>
    %div3A_200 = arith.constant 3.200000e+01 : f32
    %div3A_201 = vector.broadcast %div3A_200 : f32 to vector<1000x1xf32>
    %div3A_202 = arith.divf %broadcast_in_dim3A_199, %div3A_201 : vector<1000x1xf32>
    %sub3A_203 = vector.broadcast %div3A_202 : vector<1000x1xf32> to vector<1000x32xf32>
    %sub3A_204 = arith.subf %slice3A_196, %sub3A_203 : vector<1000x32xf32>
    %mul3A_205 = arith.mulf %sub3A_204, %sub3A_204 : vector<1000x32xf32>
    %reduce_sum3A_206 = arith.constant dense<0.000000e+00> : vector<1000xf32>
    %reduce_sum3A_207 = vector.multi_reduction <add>, %mul3A_205, %reduce_sum3A_206 [1] : vector<1000x32xf32> to vector<1000xf32>
    %broadcast_in_dim3A_208 = vector.shape_cast %reduce_sum3A_207 : vector<1000xf32> to vector<1000x1xf32>
    %div3A_209 = arith.constant 3.200000e+01 : f32
    %div3A_210 = vector.broadcast %div3A_209 : f32 to vector<1000x1xf32>
    %div3A_211 = arith.divf %broadcast_in_dim3A_208, %div3A_210 : vector<1000x1xf32>
    %add3A_212 = arith.constant 9.99999974E-6 : f32
    %add3A_213 = vector.broadcast %add3A_212 : f32 to vector<1000x1xf32>
    %add3A_214 = arith.addf %div3A_211, %add3A_213 : vector<1000x1xf32>
    %rsqrt3A_215 = math.rsqrt %add3A_214 : vector<1000x1xf32>
    %mul3A_216 = vector.broadcast %rsqrt3A_215 : vector<1000x1xf32> to vector<1000x32xf32>
    %mul3A_217 = arith.mulf %sub3A_204, %mul3A_216 : vector<1000x32xf32>
    %slice3A_218 = vector.extract_strided_slice %add3A_145 {offsets = [0, 96], sizes = [1000, 32], strides = [1, 1]} : vector<1000x128xf32> to vector<1000x32xf32>
    %reduce_sum3A_219 = arith.constant dense<0.000000e+00> : vector<1000xf32>
    %reduce_sum3A_220 = vector.multi_reduction <add>, %slice3A_218, %reduce_sum3A_219 [1] : vector<1000x32xf32> to vector<1000xf32>
    %broadcast_in_dim3A_221 = vector.shape_cast %reduce_sum3A_220 : vector<1000xf32> to vector<1000x1xf32>
    %div3A_222 = arith.constant 3.200000e+01 : f32
    %div3A_223 = vector.broadcast %div3A_222 : f32 to vector<1000x1xf32>
    %div3A_224 = arith.divf %broadcast_in_dim3A_221, %div3A_223 : vector<1000x1xf32>
    %sub3A_225 = vector.broadcast %div3A_224 : vector<1000x1xf32> to vector<1000x32xf32>
    %sub3A_226 = arith.subf %slice3A_218, %sub3A_225 : vector<1000x32xf32>
    %mul3A_227 = arith.mulf %sub3A_226, %sub3A_226 : vector<1000x32xf32>
    %reduce_sum3A_228 = arith.constant dense<0.000000e+00> : vector<1000xf32>
    %reduce_sum3A_229 = vector.multi_reduction <add>, %mul3A_227, %reduce_sum3A_228 [1] : vector<1000x32xf32> to vector<1000xf32>
    %broadcast_in_dim3A_230 = vector.shape_cast %reduce_sum3A_229 : vector<1000xf32> to vector<1000x1xf32>
    %div3A_231 = arith.constant 3.200000e+01 : f32
    %div3A_232 = vector.broadcast %div3A_231 : f32 to vector<1000x1xf32>
    %div3A_233 = arith.divf %broadcast_in_dim3A_230, %div3A_232 : vector<1000x1xf32>
    %add3A_234 = arith.constant 9.99999974E-6 : f32
    %add3A_235 = vector.broadcast %add3A_234 : f32 to vector<1000x1xf32>
    %add3A_236 = arith.addf %div3A_233, %add3A_235 : vector<1000x1xf32>
    %rsqrt3A_237 = math.rsqrt %add3A_236 : vector<1000x1xf32>
    %mul3A_238 = vector.broadcast %rsqrt3A_237 : vector<1000x1xf32> to vector<1000x32xf32>
    %mul3A_239 = arith.mulf %sub3A_226, %mul3A_238 : vector<1000x32xf32>
    %concatenate3A_240 = tpu.concatenate %mul3A_173, %mul3A_195, %mul3A_217, %mul3A_239 in 1 : vector<1000x32xf32>, vector<1000x32xf32>, vector<1000x32xf32>, vector<1000x32xf32> -> vector<1000x128xf32>
    %mul3A_241 = vector.broadcast %get3A_148 : vector<1x128xf32> to vector<1000x128xf32>
    %mul3A_242 = arith.mulf %concatenate3A_240, %mul3A_241 : vector<1000x128xf32>
    %add3A_243 = vector.broadcast %get3A_151 : vector<1x128xf32> to vector<1000x128xf32>
    %add3A_244 = arith.addf %mul3A_242, %add3A_243 : vector<1000x128xf32>
    %ge3A_245 = arith.constant 0.000000e+00 : f32
    %ge3A_246 = vector.broadcast %ge3A_245 : f32 to vector<1000x128xf32>
    %ge3A_247 = arith.cmpf oge, %add3A_244, %ge3A_246 : vector<1000x128xf32>
    %mul3A_248 = arith.constant 0.00999999977 : f32
    %mul3A_249 = vector.broadcast %mul3A_248 : f32 to vector<1000x128xf32>
    %mul3A_250 = arith.mulf %mul3A_249, %add3A_244 : vector<1000x128xf32>
    %select_n3A_251 = arith.select %ge3A_247, %add3A_244, %mul3A_250 : vector<1000x128xi1>, vector<1000x128xf32>
    %swap3A = arith.constant 0 : index
    %swap3A_252 = arith.constant 0 : index
    %swap3A_253 = vector.load %arg11[%swap3A, %swap3A_252] : memref<1000x128xf32, #tpu.memory_space<vmem>>, vector<1000x128xf32>
    tpu.vector_store %arg11[%swap3A, %swap3A_252], %select_n3A_251 {strides = array<i32>} : memref<1000x128xf32, #tpu.memory_space<vmem>>, vector<1000x128xf32>,
    return
  }
  func.func @transform_0(%arg0: i32) -> (i32, i32) {
    %c0_i32 = arith.constant 0 : i32
    %c0_i32_0 = arith.constant 0 : i32
    return %arg0, %c0_i32 : i32, i32
  }
  func.func @transform_1(%arg0: i32) -> (i32, i32) {
    %c0_i32 = arith.constant 0 : i32
    %c0_i32_0 = arith.constant 0 : i32
    %c0_i32_1 = arith.constant 0 : i32
    return %c0_i32, %c0_i32_0 : i32, i32
  }
  func.func @transform_2(%arg0: i32) -> (i32, i32) {
    %c0_i32 = arith.constant 0 : i32
    %c0_i32_0 = arith.constant 0 : i32
    %c0_i32_1 = arith.constant 0 : i32
    return %c0_i32, %c0_i32_0 : i32, i32
  }
  func.func @transform_3(%arg0: i32) -> (i32, i32) {
    %c0_i32 = arith.constant 0 : i32
    %c0_i32_0 = arith.constant 0 : i32
    %c0_i32_1 = arith.constant 0 : i32
    return %c0_i32, %c0_i32_0 : i32, i32
  }
  func.func @transform_4(%arg0: i32) -> (i32, i32) {
    %c0_i32 = arith.constant 0 : i32
    %c0_i32_0 = arith.constant 0 : i32
    %c0_i32_1 = arith.constant 0 : i32
    return %c0_i32, %c0_i32_0 : i32, i32
  }
  func.func @transform_5(%arg0: i32) -> (i32, i32) {
    %c0_i32 = arith.constant 0 : i32
    %c0_i32_0 = arith.constant 0 : i32
    %c0_i32_1 = arith.constant 0 : i32
    return %c0_i32, %c0_i32_0 : i32, i32
  }
  func.func @transform_6(%arg0: i32) -> (i32, i32) {
    %c0_i32 = arith.constant 0 : i32
    %c0_i32_0 = arith.constant 0 : i32
    %c0_i32_1 = arith.constant 0 : i32
    return %c0_i32, %c0_i32_0 : i32, i32
  }
  func.func @transform_7(%arg0: i32) -> (i32, i32) {
    %c0_i32 = arith.constant 0 : i32
    %c0_i32_0 = arith.constant 0 : i32
    %c0_i32_1 = arith.constant 0 : i32
    return %c0_i32, %c0_i32_0 : i32, i32
  }
  func.func @transform_8(%arg0: i32) -> (i32, i32) {
    %c0_i32 = arith.constant 0 : i32
    %c0_i32_0 = arith.constant 0 : i32
    %c0_i32_1 = arith.constant 0 : i32
    return %c0_i32, %c0_i32_0 : i32, i32
  }
  func.func @transform_9(%arg0: i32) -> (i32, i32) {
    %c0_i32 = arith.constant 0 : i32
    %c0_i32_0 = arith.constant 0 : i32
    %c0_i32_1 = arith.constant 0 : i32
    return %c0_i32, %c0_i32_0 : i32, i32
  }
  func.func @transform_10(%arg0: i32) -> (i32, i32) {
    %c0_i32 = arith.constant 0 : i32
    %c0_i32_0 = arith.constant 0 : i32
    return %arg0, %c0_i32 : i32, i32
  }
}

module attributes {stable_mosaic.version = 14 : i64} {
  func.func @_mlp_body(%arg0: i32, %arg1: memref<1000x128xf32, #tpu.memory_space<vmem>>, %arg2: memref<1000x128xf32, #tpu.memory_space<vmem>>, %arg3: memref<1000x4xf32, #tpu.memory_space<vmem>>, %arg4: memref<128x512xbf16, #tpu.memory_space<vmem>>, %arg5: memref<128x512xbf16, #tpu.memory_space<vmem>>, %arg6: memref<1x128xf32, #tpu.memory_space<vmem>>, %arg7: memref<1x512xf32, #tpu.memory_space<vmem>>, %arg8: memref<1x512xf32, #tpu.memory_space<vmem>>, %arg9: memref<1x512xf32, #tpu.memory_space<vmem>>, %arg10: memref<512x128xbf16, #tpu.memory_space<vmem>>, %arg11: memref<512x128xbf16, #tpu.memory_space<vmem>>, %arg12: memref<1x128xf32, #tpu.memory_space<vmem>>, %arg13: memref<1x128xf32, #tpu.memory_space<vmem>>, %arg14: memref<1x128xf32, #tpu.memory_space<vmem>>, %arg15: memref<1000x128xf32, #tpu.memory_space<vmem>>) attributes {dimension_semantics = [#tpu.dimension_semantics<arbitrary>], iteration_bounds = array<i64: 40>, scalar_prefetch = 0 : i64, scratch_operands = 0 : i64, tpu.core_type = #tpu.core_type<tc>, window_params = [{transform_indices = @transform_0, window_bounds = array<i64: 1000, 128>}, {transform_indices = @transform_1, window_bounds = array<i64: 1000, 128>}, {transform_indices = @transform_2, window_bounds = array<i64: 1000, 4>}, {pipeline_mode = #tpu.pipeline_mode<synchronous>, transform_indices = @transform_3, window_bounds = array<i64: 128, 512>}, {pipeline_mode = #tpu.pipeline_mode<synchronous>, transform_indices = @transform_4, window_bounds = array<i64: 128, 512>}, {pipeline_mode = #tpu.pipeline_mode<synchronous>, transform_indices = @transform_5, window_bounds = array<i64: 1, 128>}, {pipeline_mode = #tpu.pipeline_mode<synchronous>, transform_indices = @transform_6, window_bounds = array<i64: 1, 512>}, {pipeline_mode = #tpu.pipeline_mode<synchronous>, transform_indices = @transform_7, window_bounds = array<i64: 1, 512>}, {pipeline_mode = #tpu.pipeline_mode<synchronous>, transform_indices = @transform_8, window_bounds = array<i64: 1, 512>}, {pipeline_mode = #tpu.pipeline_mode<synchronous>, transform_indices = @transform_9, window_bounds = array<i64: 512, 128>}, {pipeline_mode = #tpu.pipeline_mode<synchronous>, transform_indices = @transform_10, window_bounds = array<i64: 512, 128>}, {pipeline_mode = #tpu.pipeline_mode<synchronous>, transform_indices = @transform_11, window_bounds = array<i64: 1, 128>}, {pipeline_mode = #tpu.pipeline_mode<synchronous>, transform_indices = @transform_12, window_bounds = array<i64: 1, 128>}, {pipeline_mode = #tpu.pipeline_mode<synchronous>, transform_indices = @transform_13, window_bounds = array<i64: 1, 128>}, {transform_indices = @transform_14, window_bounds = array<i64: 1000, 128>}]} {
    %get3A = arith.constant 0 : index
    %get3A_0 = arith.constant 0 : index
    %get3A_1 = vector.load %arg1[%get3A, %get3A_0] : memref<1000x128xf32, #tpu.memory_space<vmem>>, vector<1000x128xf32>
    %get3A_2 = arith.constant 0 : index
    %get3A_3 = arith.constant 0 : index
    %get3A_4 = vector.load %arg2[%get3A_2, %get3A_3] : memref<1000x128xf32, #tpu.memory_space<vmem>>, vector<1000x128xf32>
    %add3A = arith.addf %get3A_1, %get3A_4 : vector<1000x128xf32>
    %get3A_5 = arith.constant 0 : index
    %get3A_6 = arith.constant 0 : index
    %get3A_7 = vector.load %arg4[%get3A_5, %get3A_6] : memref<128x512xbf16, #tpu.memory_space<vmem>>, vector<128x512xbf16>
    %get3A_8 = arith.constant 0 : index
    %get3A_9 = arith.constant 0 : index
    %get3A_10 = vector.load %arg5[%get3A_8, %get3A_9] : memref<128x512xbf16, #tpu.memory_space<vmem>>, vector<128x512xbf16>
    %convert_element_type3A = arith.truncf %add3A : vector<1000x128xf32> to vector<1000x128xbf16>
    %convert_element_type3A_11 = arith.extf %convert_element_type3A : vector<1000x128xbf16> to vector<1000x128xf32>
    %sub3A = arith.subf %add3A, %convert_element_type3A_11 : vector<1000x128xf32>
    %convert_element_type3A_12 = arith.truncf %sub3A : vector<1000x128xf32> to vector<1000x128xbf16>
    %dot_general3A = arith.constant dense<0.000000e+00> : vector<1000x512xf32>
    %dot_general3A_13 = tpu.matmul %convert_element_type3A_12, %get3A_10, %dot_general3A {dimension_numbers = #tpu.dot_dimension_numbers<[1], [0], [0], [1], [0, 0, 1, 1], [], []>, transpose_lhs_hint = false} : vector<1000x128xbf16>, vector<128x512xbf16>, vector<1000x512xf32> -> vector<1000x512xf32>
    %dot_general3A_14 = arith.constant dense<0.000000e+00> : vector<1000x512xf32>
    %dot_general3A_15 = tpu.matmul %convert_element_type3A, %get3A_10, %dot_general3A_14 {dimension_numbers = #tpu.dot_dimension_numbers<[1], [0], [0], [1], [0, 0, 1, 1], [], []>, transpose_lhs_hint = false} : vector<1000x128xbf16>, vector<128x512xbf16>, vector<1000x512xf32> -> vector<1000x512xf32>
    %add3A_16 = arith.addf %dot_general3A_13, %dot_general3A_15 : vector<1000x512xf32>
    %dot_general3A_17 = arith.constant dense<0.000000e+00> : vector<1000x512xf32>
    %dot_general3A_18 = tpu.matmul %convert_element_type3A_12, %get3A_7, %dot_general3A_17 {dimension_numbers = #tpu.dot_dimension_numbers<[1], [0], [0], [1], [0, 0, 1, 1], [], []>, transpose_lhs_hint = false} : vector<1000x128xbf16>, vector<128x512xbf16>, vector<1000x512xf32> -> vector<1000x512xf32>
    %add3A_19 = arith.addf %add3A_16, %dot_general3A_18 : vector<1000x512xf32>
    %dot_general3A_20 = arith.constant dense<0.000000e+00> : vector<1000x512xf32>
    %dot_general3A_21 = tpu.matmul %convert_element_type3A, %get3A_7, %dot_general3A_20 {dimension_numbers = #tpu.dot_dimension_numbers<[1], [0], [0], [1], [0, 0, 1, 1], [], []>, transpose_lhs_hint = false} : vector<1000x128xbf16>, vector<128x512xbf16>, vector<1000x512xf32> -> vector<1000x512xf32>
    %add3A_22 = arith.addf %add3A_19, %dot_general3A_21 : vector<1000x512xf32>
    %get3A_23 = arith.constant 0 : index
    %get3A_24 = arith.constant 0 : index
    %get3A_25 = vector.load %arg7[%get3A_23, %get3A_24] : memref<1x512xf32, #tpu.memory_space<vmem>>, vector<1x512xf32>
    %add3A_26 = vector.broadcast %get3A_25 : vector<1x512xf32> to vector<1000x512xf32>
    %add3A_27 = arith.addf %add3A_22, %add3A_26 : vector<1000x512xf32>
    %get3A_28 = arith.constant 0 : index
    %get3A_29 = arith.constant 0 : index
    %get3A_30 = vector.load %arg3[%get3A_28, %get3A_29] : memref<1000x4xf32, #tpu.memory_space<vmem>>, vector<1000x4xf32>
    %get3A_31 = arith.constant 0 : index
    %get3A_32 = arith.constant 0 : index
    %get3A_33 = vector.load %arg6[%get3A_31, %get3A_32] : memref<1x128xf32, #tpu.memory_space<vmem>>, vector<1x128xf32>
    %slice3A = vector.extract_strided_slice %get3A_30 {offsets = [0, 0], sizes = [1000, 1], strides = [1, 1]} : vector<1000x4xf32> to vector<1000x1xf32>
    %mul3A = vector.broadcast %slice3A : vector<1000x1xf32> to vector<1000x128xf32>
    %mul3A_34 = vector.broadcast %get3A_33 : vector<1x128xf32> to vector<1000x128xf32>
    %mul3A_35 = arith.mulf %mul3A, %mul3A_34 : vector<1000x128xf32>
    %slice3A_36 = vector.extract_strided_slice %get3A_30 {offsets = [0, 1], sizes = [1000, 1], strides = [1, 1]} : vector<1000x4xf32> to vector<1000x1xf32>
    %mul3A_37 = vector.broadcast %slice3A_36 : vector<1000x1xf32> to vector<1000x128xf32>
    %mul3A_38 = vector.broadcast %get3A_33 : vector<1x128xf32> to vector<1000x128xf32>
    %mul3A_39 = arith.mulf %mul3A_37, %mul3A_38 : vector<1000x128xf32>
    %slice3A_40 = vector.extract_strided_slice %get3A_30 {offsets = [0, 2], sizes = [1000, 1], strides = [1, 1]} : vector<1000x4xf32> to vector<1000x1xf32>
    %mul3A_41 = vector.broadcast %slice3A_40 : vector<1000x1xf32> to vector<1000x128xf32>
    %mul3A_42 = vector.broadcast %get3A_33 : vector<1x128xf32> to vector<1000x128xf32>
    %mul3A_43 = arith.mulf %mul3A_41, %mul3A_42 : vector<1000x128xf32>
    %slice3A_44 = vector.extract_strided_slice %get3A_30 {offsets = [0, 3], sizes = [1000, 1], strides = [1, 1]} : vector<1000x4xf32> to vector<1000x1xf32>
    %mul3A_45 = vector.broadcast %slice3A_44 : vector<1000x1xf32> to vector<1000x128xf32>
    %mul3A_46 = vector.broadcast %get3A_33 : vector<1x128xf32> to vector<1000x128xf32>
    %mul3A_47 = arith.mulf %mul3A_45, %mul3A_46 : vector<1000x128xf32>
    %concatenate3A = tpu.concatenate %mul3A_35, %mul3A_39, %mul3A_43, %mul3A_47 in 1 : vector<1000x128xf32>, vector<1000x128xf32>, vector<1000x128xf32>, vector<1000x128xf32> -> vector<1000x512xf32>
    %add3A_48 = arith.addf %add3A_27, %concatenate3A : vector<1000x512xf32>
    %get3A_49 = arith.constant 0 : index
    %get3A_50 = arith.constant 0 : index
    %get3A_51 = vector.load %arg8[%get3A_49, %get3A_50] : memref<1x512xf32, #tpu.memory_space<vmem>>, vector<1x512xf32>
    %get3A_52 = arith.constant 0 : index
    %get3A_53 = arith.constant 0 : index
    %get3A_54 = vector.load %arg9[%get3A_52, %get3A_53] : memref<1x512xf32, #tpu.memory_space<vmem>>, vector<1x512xf32>
    %slice3A_55 = vector.extract_strided_slice %add3A_48 {offsets = [0, 0], sizes = [1000, 128], strides = [1, 1]} : vector<1000x512xf32> to vector<1000x128xf32>
    %reduce_sum3A = arith.constant dense<0.000000e+00> : vector<1000xf32>
    %reduce_sum3A_56 = vector.multi_reduction <add>, %slice3A_55, %reduce_sum3A [1] : vector<1000x128xf32> to vector<1000xf32>
    %broadcast_in_dim3A = vector.shape_cast %reduce_sum3A_56 : vector<1000xf32> to vector<1000x1xf32>
    %div3A = arith.constant 1.280000e+02 : f32
    %div3A_57 = vector.broadcast %div3A : f32 to vector<1000x1xf32>
    %div3A_58 = arith.divf %broadcast_in_dim3A, %div3A_57 : vector<1000x1xf32>
    %sub3A_59 = vector.broadcast %div3A_58 : vector<1000x1xf32> to vector<1000x128xf32>
    %sub3A_60 = arith.subf %slice3A_55, %sub3A_59 : vector<1000x128xf32>
    %mul3A_61 = arith.mulf %sub3A_60, %sub3A_60 : vector<1000x128xf32>
    %reduce_sum3A_62 = arith.constant dense<0.000000e+00> : vector<1000xf32>
    %reduce_sum3A_63 = vector.multi_reduction <add>, %mul3A_61, %reduce_sum3A_62 [1] : vector<1000x128xf32> to vector<1000xf32>
    %broadcast_in_dim3A_64 = vector.shape_cast %reduce_sum3A_63 : vector<1000xf32> to vector<1000x1xf32>
    %div3A_65 = arith.constant 1.280000e+02 : f32
    %div3A_66 = vector.broadcast %div3A_65 : f32 to vector<1000x1xf32>
    %div3A_67 = arith.divf %broadcast_in_dim3A_64, %div3A_66 : vector<1000x1xf32>
    %add3A_68 = arith.constant 9.99999974E-6 : f32
    %add3A_69 = vector.broadcast %add3A_68 : f32 to vector<1000x1xf32>
    %add3A_70 = arith.addf %div3A_67, %add3A_69 : vector<1000x1xf32>
    %rsqrt3A = math.rsqrt %add3A_70 : vector<1000x1xf32>
    %mul3A_71 = vector.broadcast %rsqrt3A : vector<1000x1xf32> to vector<1000x128xf32>
    %mul3A_72 = arith.mulf %sub3A_60, %mul3A_71 : vector<1000x128xf32>
    %slice3A_73 = vector.extract_strided_slice %add3A_48 {offsets = [0, 128], sizes = [1000, 128], strides = [1, 1]} : vector<1000x512xf32> to vector<1000x128xf32>
    %reduce_sum3A_74 = arith.constant dense<0.000000e+00> : vector<1000xf32>
    %reduce_sum3A_75 = vector.multi_reduction <add>, %slice3A_73, %reduce_sum3A_74 [1] : vector<1000x128xf32> to vector<1000xf32>
    %broadcast_in_dim3A_76 = vector.shape_cast %reduce_sum3A_75 : vector<1000xf32> to vector<1000x1xf32>
    %div3A_77 = arith.constant 1.280000e+02 : f32
    %div3A_78 = vector.broadcast %div3A_77 : f32 to vector<1000x1xf32>
    %div3A_79 = arith.divf %broadcast_in_dim3A_76, %div3A_78 : vector<1000x1xf32>
    %sub3A_80 = vector.broadcast %div3A_79 : vector<1000x1xf32> to vector<1000x128xf32>
    %sub3A_81 = arith.subf %slice3A_73, %sub3A_80 : vector<1000x128xf32>
    %mul3A_82 = arith.mulf %sub3A_81, %sub3A_81 : vector<1000x128xf32>
    %reduce_sum3A_83 = arith.constant dense<0.000000e+00> : vector<1000xf32>
    %reduce_sum3A_84 = vector.multi_reduction <add>, %mul3A_82, %reduce_sum3A_83 [1] : vector<1000x128xf32> to vector<1000xf32>
    %broadcast_in_dim3A_85 = vector.shape_cast %reduce_sum3A_84 : vector<1000xf32> to vector<1000x1xf32>
    %div3A_86 = arith.constant 1.280000e+02 : f32
    %div3A_87 = vector.broadcast %div3A_86 : f32 to vector<1000x1xf32>
    %div3A_88 = arith.divf %broadcast_in_dim3A_85, %div3A_87 : vector<1000x1xf32>
    %add3A_89 = arith.constant 9.99999974E-6 : f32
    %add3A_90 = vector.broadcast %add3A_89 : f32 to vector<1000x1xf32>
    %add3A_91 = arith.addf %div3A_88, %add3A_90 : vector<1000x1xf32>
    %rsqrt3A_92 = math.rsqrt %add3A_91 : vector<1000x1xf32>
    %mul3A_93 = vector.broadcast %rsqrt3A_92 : vector<1000x1xf32> to vector<1000x128xf32>
    %mul3A_94 = arith.mulf %sub3A_81, %mul3A_93 : vector<1000x128xf32>
    %slice3A_95 = vector.extract_strided_slice %add3A_48 {offsets = [0, 256], sizes = [1000, 128], strides = [1, 1]} : vector<1000x512xf32> to vector<1000x128xf32>
    %reduce_sum3A_96 = arith.constant dense<0.000000e+00> : vector<1000xf32>
    %reduce_sum3A_97 = vector.multi_reduction <add>, %slice3A_95, %reduce_sum3A_96 [1] : vector<1000x128xf32> to vector<1000xf32>
    %broadcast_in_dim3A_98 = vector.shape_cast %reduce_sum3A_97 : vector<1000xf32> to vector<1000x1xf32>
    %div3A_99 = arith.constant 1.280000e+02 : f32
    %div3A_100 = vector.broadcast %div3A_99 : f32 to vector<1000x1xf32>
    %div3A_101 = arith.divf %broadcast_in_dim3A_98, %div3A_100 : vector<1000x1xf32>
    %sub3A_102 = vector.broadcast %div3A_101 : vector<1000x1xf32> to vector<1000x128xf32>
    %sub3A_103 = arith.subf %slice3A_95, %sub3A_102 : vector<1000x128xf32>
    %mul3A_104 = arith.mulf %sub3A_103, %sub3A_103 : vector<1000x128xf32>
    %reduce_sum3A_105 = arith.constant dense<0.000000e+00> : vector<1000xf32>
    %reduce_sum3A_106 = vector.multi_reduction <add>, %mul3A_104, %reduce_sum3A_105 [1] : vector<1000x128xf32> to vector<1000xf32>
    %broadcast_in_dim3A_107 = vector.shape_cast %reduce_sum3A_106 : vector<1000xf32> to vector<1000x1xf32>
    %div3A_108 = arith.constant 1.280000e+02 : f32
    %div3A_109 = vector.broadcast %div3A_108 : f32 to vector<1000x1xf32>
    %div3A_110 = arith.divf %broadcast_in_dim3A_107, %div3A_109 : vector<1000x1xf32>
    %add3A_111 = arith.constant 9.99999974E-6 : f32
    %add3A_112 = vector.broadcast %add3A_111 : f32 to vector<1000x1xf32>
    %add3A_113 = arith.addf %div3A_110, %add3A_112 : vector<1000x1xf32>
    %rsqrt3A_114 = math.rsqrt %add3A_113 : vector<1000x1xf32>
    %mul3A_115 = vector.broadcast %rsqrt3A_114 : vector<1000x1xf32> to vector<1000x128xf32>
    %mul3A_116 = arith.mulf %sub3A_103, %mul3A_115 : vector<1000x128xf32>
    %slice3A_117 = vector.extract_strided_slice %add3A_48 {offsets = [0, 384], sizes = [1000, 128], strides = [1, 1]} : vector<1000x512xf32> to vector<1000x128xf32>
    %reduce_sum3A_118 = arith.constant dense<0.000000e+00> : vector<1000xf32>
    %reduce_sum3A_119 = vector.multi_reduction <add>, %slice3A_117, %reduce_sum3A_118 [1] : vector<1000x128xf32> to vector<1000xf32>
    %broadcast_in_dim3A_120 = vector.shape_cast %reduce_sum3A_119 : vector<1000xf32> to vector<1000x1xf32>
    %div3A_121 = arith.constant 1.280000e+02 : f32
    %div3A_122 = vector.broadcast %div3A_121 : f32 to vector<1000x1xf32>
    %div3A_123 = arith.divf %broadcast_in_dim3A_120, %div3A_122 : vector<1000x1xf32>
    %sub3A_124 = vector.broadcast %div3A_123 : vector<1000x1xf32> to vector<1000x128xf32>
    %sub3A_125 = arith.subf %slice3A_117, %sub3A_124 : vector<1000x128xf32>
    %mul3A_126 = arith.mulf %sub3A_125, %sub3A_125 : vector<1000x128xf32>
    %reduce_sum3A_127 = arith.constant dense<0.000000e+00> : vector<1000xf32>
    %reduce_sum3A_128 = vector.multi_reduction <add>, %mul3A_126, %reduce_sum3A_127 [1] : vector<1000x128xf32> to vector<1000xf32>
    %broadcast_in_dim3A_129 = vector.shape_cast %reduce_sum3A_128 : vector<1000xf32> to vector<1000x1xf32>
    %div3A_130 = arith.constant 1.280000e+02 : f32
    %div3A_131 = vector.broadcast %div3A_130 : f32 to vector<1000x1xf32>
    %div3A_132 = arith.divf %broadcast_in_dim3A_129, %div3A_131 : vector<1000x1xf32>
    %add3A_133 = arith.constant 9.99999974E-6 : f32
    %add3A_134 = vector.broadcast %add3A_133 : f32 to vector<1000x1xf32>
    %add3A_135 = arith.addf %div3A_132, %add3A_134 : vector<1000x1xf32>
    %rsqrt3A_136 = math.rsqrt %add3A_135 : vector<1000x1xf32>
    %mul3A_137 = vector.broadcast %rsqrt3A_136 : vector<1000x1xf32> to vector<1000x128xf32>
    %mul3A_138 = arith.mulf %sub3A_125, %mul3A_137 : vector<1000x128xf32>
    %concatenate3A_139 = tpu.concatenate %mul3A_72, %mul3A_94, %mul3A_116, %mul3A_138 in 1 : vector<1000x128xf32>, vector<1000x128xf32>, vector<1000x128xf32>, vector<1000x128xf32> -> vector<1000x512xf32>
    %mul3A_140 = vector.broadcast %get3A_51 : vector<1x512xf32> to vector<1000x512xf32>
    %mul3A_141 = arith.mulf %concatenate3A_139, %mul3A_140 : vector<1000x512xf32>
    %add3A_142 = vector.broadcast %get3A_54 : vector<1x512xf32> to vector<1000x512xf32>
    %add3A_143 = arith.addf %mul3A_141, %add3A_142 : vector<1000x512xf32>
    %ge3A = arith.constant 0.000000e+00 : f32
    %ge3A_144 = vector.broadcast %ge3A : f32 to vector<1000x512xf32>
    %ge3A_145 = arith.cmpf oge, %add3A_143, %ge3A_144 : vector<1000x512xf32>
    %mul3A_146 = arith.constant 0.00999999977 : f32
    %mul3A_147 = vector.broadcast %mul3A_146 : f32 to vector<1000x512xf32>
    %mul3A_148 = arith.mulf %mul3A_147, %add3A_143 : vector<1000x512xf32>
    %select_n3A = arith.select %ge3A_145, %add3A_143, %mul3A_148 : vector<1000x512xi1>, vector<1000x512xf32>
    %get3A_149 = arith.constant 0 : index
    %get3A_150 = arith.constant 0 : index
    %get3A_151 = vector.load %arg10[%get3A_149, %get3A_150] : memref<512x128xbf16, #tpu.memory_space<vmem>>, vector<512x128xbf16>
    %get3A_152 = arith.constant 0 : index
    %get3A_153 = arith.constant 0 : index
    %get3A_154 = vector.load %arg11[%get3A_152, %get3A_153] : memref<512x128xbf16, #tpu.memory_space<vmem>>, vector<512x128xbf16>
    %convert_element_type3A_155 = arith.truncf %select_n3A : vector<1000x512xf32> to vector<1000x512xbf16>
    %convert_element_type3A_156 = arith.extf %convert_element_type3A_155 : vector<1000x512xbf16> to vector<1000x512xf32>
    %sub3A_157 = arith.subf %select_n3A, %convert_element_type3A_156 : vector<1000x512xf32>
    %convert_element_type3A_158 = arith.truncf %sub3A_157 : vector<1000x512xf32> to vector<1000x512xbf16>
    %dot_general3A_159 = arith.constant dense<0.000000e+00> : vector<1000x128xf32>
    %dot_general3A_160 = tpu.matmul %convert_element_type3A_158, %get3A_154, %dot_general3A_159 {dimension_numbers = #tpu.dot_dimension_numbers<[1], [0], [0], [1], [0, 0, 1, 1], [], []>, transpose_lhs_hint = false} : vector<1000x512xbf16>, vector<512x128xbf16>, vector<1000x128xf32> -> vector<1000x128xf32>
    %dot_general3A_161 = arith.constant dense<0.000000e+00> : vector<1000x128xf32>
    %dot_general3A_162 = tpu.matmul %convert_element_type3A_155, %get3A_154, %dot_general3A_161 {dimension_numbers = #tpu.dot_dimension_numbers<[1], [0], [0], [1], [0, 0, 1, 1], [], []>, transpose_lhs_hint = false} : vector<1000x512xbf16>, vector<512x128xbf16>, vector<1000x128xf32> -> vector<1000x128xf32>
    %add3A_163 = arith.addf %dot_general3A_160, %dot_general3A_162 : vector<1000x128xf32>
    %dot_general3A_164 = arith.constant dense<0.000000e+00> : vector<1000x128xf32>
    %dot_general3A_165 = tpu.matmul %convert_element_type3A_158, %get3A_151, %dot_general3A_164 {dimension_numbers = #tpu.dot_dimension_numbers<[1], [0], [0], [1], [0, 0, 1, 1], [], []>, transpose_lhs_hint = false} : vector<1000x512xbf16>, vector<512x128xbf16>, vector<1000x128xf32> -> vector<1000x128xf32>
    %add3A_166 = arith.addf %add3A_163, %dot_general3A_165 : vector<1000x128xf32>
    %dot_general3A_167 = arith.constant dense<0.000000e+00> : vector<1000x128xf32>
    %dot_general3A_168 = tpu.matmul %convert_element_type3A_155, %get3A_151, %dot_general3A_167 {dimension_numbers = #tpu.dot_dimension_numbers<[1], [0], [0], [1], [0, 0, 1, 1], [], []>, transpose_lhs_hint = false} : vector<1000x512xbf16>, vector<512x128xbf16>, vector<1000x128xf32> -> vector<1000x128xf32>
    %add3A_169 = arith.addf %add3A_166, %dot_general3A_168 : vector<1000x128xf32>
    %get3A_170 = arith.constant 0 : index
    %get3A_171 = arith.constant 0 : index
    %get3A_172 = vector.load %arg12[%get3A_170, %get3A_171] : memref<1x128xf32, #tpu.memory_space<vmem>>, vector<1x128xf32>
    %add3A_173 = vector.broadcast %get3A_172 : vector<1x128xf32> to vector<1000x128xf32>
    %add3A_174 = arith.addf %add3A_169, %add3A_173 : vector<1000x128xf32>
    %get3A_175 = arith.constant 0 : index
    %get3A_176 = arith.constant 0 : index
    %get3A_177 = vector.load %arg13[%get3A_175, %get3A_176] : memref<1x128xf32, #tpu.memory_space<vmem>>, vector<1x128xf32>
    %get3A_178 = arith.constant 0 : index
    %get3A_179 = arith.constant 0 : index
    %get3A_180 = vector.load %arg14[%get3A_178, %get3A_179] : memref<1x128xf32, #tpu.memory_space<vmem>>, vector<1x128xf32>
    %slice3A_181 = vector.extract_strided_slice %add3A_174 {offsets = [0, 0], sizes = [1000, 32], strides = [1, 1]} : vector<1000x128xf32> to vector<1000x32xf32>
    %reduce_sum3A_182 = arith.constant dense<0.000000e+00> : vector<1000xf32>
    %reduce_sum3A_183 = vector.multi_reduction <add>, %slice3A_181, %reduce_sum3A_182 [1] : vector<1000x32xf32> to vector<1000xf32>
    %broadcast_in_dim3A_184 = vector.shape_cast %reduce_sum3A_183 : vector<1000xf32> to vector<1000x1xf32>
    %div3A_185 = arith.constant 3.200000e+01 : f32
    %div3A_186 = vector.broadcast %div3A_185 : f32 to vector<1000x1xf32>
    %div3A_187 = arith.divf %broadcast_in_dim3A_184, %div3A_186 : vector<1000x1xf32>
    %sub3A_188 = vector.broadcast %div3A_187 : vector<1000x1xf32> to vector<1000x32xf32>
    %sub3A_189 = arith.subf %slice3A_181, %sub3A_188 : vector<1000x32xf32>
    %mul3A_190 = arith.mulf %sub3A_189, %sub3A_189 : vector<1000x32xf32>
    %reduce_sum3A_191 = arith.constant dense<0.000000e+00> : vector<1000xf32>
    %reduce_sum3A_192 = vector.multi_reduction <add>, %mul3A_190, %reduce_sum3A_191 [1] : vector<1000x32xf32> to vector<1000xf32>
    %broadcast_in_dim3A_193 = vector.shape_cast %reduce_sum3A_192 : vector<1000xf32> to vector<1000x1xf32>
    %div3A_194 = arith.constant 3.200000e+01 : f32
    %div3A_195 = vector.broadcast %div3A_194 : f32 to vector<1000x1xf32>
    %div3A_196 = arith.divf %broadcast_in_dim3A_193, %div3A_195 : vector<1000x1xf32>
    %add3A_197 = arith.constant 9.99999974E-6 : f32
    %add3A_198 = vector.broadcast %add3A_197 : f32 to vector<1000x1xf32>
    %add3A_199 = arith.addf %div3A_196, %add3A_198 : vector<1000x1xf32>
    %rsqrt3A_200 = math.rsqrt %add3A_199 : vector<1000x1xf32>
    %mul3A_201 = vector.broadcast %rsqrt3A_200 : vector<1000x1xf32> to vector<1000x32xf32>
    %mul3A_202 = arith.mulf %sub3A_189, %mul3A_201 : vector<1000x32xf32>
    %slice3A_203 = vector.extract_strided_slice %add3A_174 {offsets = [0, 32], sizes = [1000, 32], strides = [1, 1]} : vector<1000x128xf32> to vector<1000x32xf32>
    %reduce_sum3A_204 = arith.constant dense<0.000000e+00> : vector<1000xf32>
    %reduce_sum3A_205 = vector.multi_reduction <add>, %slice3A_203, %reduce_sum3A_204 [1] : vector<1000x32xf32> to vector<1000xf32>
    %broadcast_in_dim3A_206 = vector.shape_cast %reduce_sum3A_205 : vector<1000xf32> to vector<1000x1xf32>
    %div3A_207 = arith.constant 3.200000e+01 : f32
    %div3A_208 = vector.broadcast %div3A_207 : f32 to vector<1000x1xf32>
    %div3A_209 = arith.divf %broadcast_in_dim3A_206, %div3A_208 : vector<1000x1xf32>
    %sub3A_210 = vector.broadcast %div3A_209 : vector<1000x1xf32> to vector<1000x32xf32>
    %sub3A_211 = arith.subf %slice3A_203, %sub3A_210 : vector<1000x32xf32>
    %mul3A_212 = arith.mulf %sub3A_211, %sub3A_211 : vector<1000x32xf32>
    %reduce_sum3A_213 = arith.constant dense<0.000000e+00> : vector<1000xf32>
    %reduce_sum3A_214 = vector.multi_reduction <add>, %mul3A_212, %reduce_sum3A_213 [1] : vector<1000x32xf32> to vector<1000xf32>
    %broadcast_in_dim3A_215 = vector.shape_cast %reduce_sum3A_214 : vector<1000xf32> to vector<1000x1xf32>
    %div3A_216 = arith.constant 3.200000e+01 : f32
    %div3A_217 = vector.broadcast %div3A_216 : f32 to vector<1000x1xf32>
    %div3A_218 = arith.divf %broadcast_in_dim3A_215, %div3A_217 : vector<1000x1xf32>
    %add3A_219 = arith.constant 9.99999974E-6 : f32
    %add3A_220 = vector.broadcast %add3A_219 : f32 to vector<1000x1xf32>
    %add3A_221 = arith.addf %div3A_218, %add3A_220 : vector<1000x1xf32>
    %rsqrt3A_222 = math.rsqrt %add3A_221 : vector<1000x1xf32>
    %mul3A_223 = vector.broadcast %rsqrt3A_222 : vector<1000x1xf32> to vector<1000x32xf32>
    %mul3A_224 = arith.mulf %sub3A_211, %mul3A_223 : vector<1000x32xf32>
    %slice3A_225 = vector.extract_strided_slice %add3A_174 {offsets = [0, 64], sizes = [1000, 32], strides = [1, 1]} : vector<1000x128xf32> to vector<1000x32xf32>
    %reduce_sum3A_226 = arith.constant dense<0.000000e+00> : vector<1000xf32>
    %reduce_sum3A_227 = vector.multi_reduction <add>, %slice3A_225, %reduce_sum3A_226 [1] : vector<1000x32xf32> to vector<1000xf32>
    %broadcast_in_dim3A_228 = vector.shape_cast %reduce_sum3A_227 : vector<1000xf32> to vector<1000x1xf32>
    %div3A_229 = arith.constant 3.200000e+01 : f32
    %div3A_230 = vector.broadcast %div3A_229 : f32 to vector<1000x1xf32>
    %div3A_231 = arith.divf %broadcast_in_dim3A_228, %div3A_230 : vector<1000x1xf32>
    %sub3A_232 = vector.broadcast %div3A_231 : vector<1000x1xf32> to vector<1000x32xf32>
    %sub3A_233 = arith.subf %slice3A_225, %sub3A_232 : vector<1000x32xf32>
    %mul3A_234 = arith.mulf %sub3A_233, %sub3A_233 : vector<1000x32xf32>
    %reduce_sum3A_235 = arith.constant dense<0.000000e+00> : vector<1000xf32>
    %reduce_sum3A_236 = vector.multi_reduction <add>, %mul3A_234, %reduce_sum3A_235 [1] : vector<1000x32xf32> to vector<1000xf32>
    %broadcast_in_dim3A_237 = vector.shape_cast %reduce_sum3A_236 : vector<1000xf32> to vector<1000x1xf32>
    %div3A_238 = arith.constant 3.200000e+01 : f32
    %div3A_239 = vector.broadcast %div3A_238 : f32 to vector<1000x1xf32>
    %div3A_240 = arith.divf %broadcast_in_dim3A_237, %div3A_239 : vector<1000x1xf32>
    %add3A_241 = arith.constant 9.99999974E-6 : f32
    %add3A_242 = vector.broadcast %add3A_241 : f32 to vector<1000x1xf32>
    %add3A_243 = arith.addf %div3A_240, %add3A_242 : vector<1000x1xf32>
    %rsqrt3A_244 = math.rsqrt %add3A_243 : vector<1000x1xf32>
    %mul3A_245 = vector.broadcast %rsqrt3A_244 : vector<1000x1xf32> to vector<1000x32xf32>
    %mul3A_246 = arith.mulf %sub3A_233, %mul3A_245 : vector<1000x32xf32>
    %slice3A_247 = vector.extract_strided_slice %add3A_174 {offsets = [0, 96], sizes = [1000, 32], strides = [1, 1]} : vector<1000x128xf32> to vector<1000x32xf32>
    %reduce_sum3A_248 = arith.constant dense<0.000000e+00> : vector<1000xf32>
    %reduce_sum3A_249 = vector.multi_reduction <add>, %slice3A_247, %reduce_sum3A_248 [1] : vector<1000x32xf32> to vector<1000xf32>
    %broadcast_in_dim3A_250 = vector.shape_cast %reduce_sum3A_249 : vector<1000xf32> to vector<1000x1xf32>
    %div3A_251 = arith.constant 3.200000e+01 : f32
    %div3A_252 = vector.broadcast %div3A_251 : f32 to vector<1000x1xf32>
    %div3A_253 = arith.divf %broadcast_in_dim3A_250, %div3A_252 : vector<1000x1xf32>
    %sub3A_254 = vector.broadcast %div3A_253 : vector<1000x1xf32> to vector<1000x32xf32>
    %sub3A_255 = arith.subf %slice3A_247, %sub3A_254 : vector<1000x32xf32>
    %mul3A_256 = arith.mulf %sub3A_255, %sub3A_255 : vector<1000x32xf32>
    %reduce_sum3A_257 = arith.constant dense<0.000000e+00> : vector<1000xf32>
    %reduce_sum3A_258 = vector.multi_reduction <add>, %mul3A_256, %reduce_sum3A_257 [1] : vector<1000x32xf32> to vector<1000xf32>
    %broadcast_in_dim3A_259 = vector.shape_cast %reduce_sum3A_258 : vector<1000xf32> to vector<1000x1xf32>
    %div3A_260 = arith.constant 3.200000e+01 : f32
    %div3A_261 = vector.broadcast %div3A_260 : f32 to vector<1000x1xf32>
    %div3A_262 = arith.divf %broadcast_in_dim3A_259, %div3A_261 : vector<1000x1xf32>
    %add3A_263 = arith.constant 9.99999974E-6 : f32
    %add3A_264 = vector.broadcast %add3A_263 : f32 to vector<1000x1xf32>
    %add3A_265 = arith.addf %div3A_262, %add3A_264 : vector<1000x1xf32>
    %rsqrt3A_266 = math.rsqrt %add3A_265 : vector<1000x1xf32>
    %mul3A_267 = vector.broadcast %rsqrt3A_266 : vector<1000x1xf32> to vector<1000x32xf32>
    %mul3A_268 = arith.mulf %sub3A_255, %mul3A_267 : vector<1000x32xf32>
    %concatenate3A_269 = tpu.concatenate %mul3A_202, %mul3A_224, %mul3A_246, %mul3A_268 in 1 : vector<1000x32xf32>, vector<1000x32xf32>, vector<1000x32xf32>, vector<1000x32xf32> -> vector<1000x128xf32>
    %mul3A_270 = vector.broadcast %get3A_177 : vector<1x128xf32> to vector<1000x128xf32>
    %mul3A_271 = arith.mulf %concatenate3A_269, %mul3A_270 : vector<1000x128xf32>
    %add3A_272 = vector.broadcast %get3A_180 : vector<1x128xf32> to vector<1000x128xf32>
    %add3A_273 = arith.addf %mul3A_271, %add3A_272 : vector<1000x128xf32>
    %ge3A_274 = arith.constant 0.000000e+00 : f32
    %ge3A_275 = vector.broadcast %ge3A_274 : f32 to vector<1000x128xf32>
    %ge3A_276 = arith.cmpf oge, %add3A_273, %ge3A_275 : vector<1000x128xf32>
    %mul3A_277 = arith.constant 0.00999999977 : f32
    %mul3A_278 = vector.broadcast %mul3A_277 : f32 to vector<1000x128xf32>
    %mul3A_279 = arith.mulf %mul3A_278, %add3A_273 : vector<1000x128xf32>
    %select_n3A_280 = arith.select %ge3A_276, %add3A_273, %mul3A_279 : vector<1000x128xi1>, vector<1000x128xf32>
    %swap3A = arith.constant 0 : index
    %swap3A_281 = arith.constant 0 : index
    %swap3A_282 = vector.load %arg15[%swap3A, %swap3A_281] : memref<1000x128xf32, #tpu.memory_space<vmem>>, vector<1000x128xf32>
    tpu.vector_store %arg15[%swap3A, %swap3A_281], %select_n3A_280 {strides = array<i32>} : memref<1000x128xf32, #tpu.memory_space<vmem>>, vector<1000x128xf32>,
    return
  }
  func.func @transform_0(%arg0: i32) -> (i32, i32) {
    %c0_i32 = arith.constant 0 : i32
    %c0_i32_0 = arith.constant 0 : i32
    return %arg0, %c0_i32 : i32, i32
  }
  func.func @transform_1(%arg0: i32) -> (i32, i32) {
    %c0_i32 = arith.constant 0 : i32
    %c0_i32_0 = arith.constant 0 : i32
    return %arg0, %c0_i32 : i32, i32
  }
  func.func @transform_2(%arg0: i32) -> (i32, i32) {
    %c0_i32 = arith.constant 0 : i32
    %c0_i32_0 = arith.constant 0 : i32
    return %arg0, %c0_i32 : i32, i32
  }
  func.func @transform_3(%arg0: i32) -> (i32, i32) {
    %c0_i32 = arith.constant 0 : i32
    %c0_i32_0 = arith.constant 0 : i32
    %c0_i32_1 = arith.constant 0 : i32
    return %c0_i32, %c0_i32_0 : i32, i32
  }
  func.func @transform_4(%arg0: i32) -> (i32, i32) {
    %c0_i32 = arith.constant 0 : i32
    %c0_i32_0 = arith.constant 0 : i32
    %c0_i32_1 = arith.constant 0 : i32
    return %c0_i32, %c0_i32_0 : i32, i32
  }
  func.func @transform_5(%arg0: i32) -> (i32, i32) {
    %c0_i32 = arith.constant 0 : i32
    %c0_i32_0 = arith.constant 0 : i32
    %c0_i32_1 = arith.constant 0 : i32
    return %c0_i32, %c0_i32_0 : i32, i32
  }
  func.func @transform_6(%arg0: i32) -> (i32, i32) {
    %c0_i32 = arith.constant 0 : i32
    %c0_i32_0 = arith.constant 0 : i32
    %c0_i32_1 = arith.constant 0 : i32
    return %c0_i32, %c0_i32_0 : i32, i32
  }
  func.func @transform_7(%arg0: i32) -> (i32, i32) {
    %c0_i32 = arith.constant 0 : i32
    %c0_i32_0 = arith.constant 0 : i32
    %c0_i32_1 = arith.constant 0 : i32
    return %c0_i32, %c0_i32_0 : i32, i32
  }
  func.func @transform_8(%arg0: i32) -> (i32, i32) {
    %c0_i32 = arith.constant 0 : i32
    %c0_i32_0 = arith.constant 0 : i32
    %c0_i32_1 = arith.constant 0 : i32
    return %c0_i32, %c0_i32_0 : i32, i32
  }
  func.func @transform_9(%arg0: i32) -> (i32, i32) {
    %c0_i32 = arith.constant 0 : i32
    %c0_i32_0 = arith.constant 0 : i32
    %c0_i32_1 = arith.constant 0 : i32
    return %c0_i32, %c0_i32_0 : i32, i32
  }
  func.func @transform_10(%arg0: i32) -> (i32, i32) {
    %c0_i32 = arith.constant 0 : i32
    %c0_i32_0 = arith.constant 0 : i32
    %c0_i32_1 = arith.constant 0 : i32
    return %c0_i32, %c0_i32_0 : i32, i32
  }
  func.func @transform_11(%arg0: i32) -> (i32, i32) {
    %c0_i32 = arith.constant 0 : i32
    %c0_i32_0 = arith.constant 0 : i32
    %c0_i32_1 = arith.constant 0 : i32
    return %c0_i32, %c0_i32_0 : i32, i32
  }
  func.func @transform_12(%arg0: i32) -> (i32, i32) {
    %c0_i32 = arith.constant 0 : i32
    %c0_i32_0 = arith.constant 0 : i32
    %c0_i32_1 = arith.constant 0 : i32
    return %c0_i32, %c0_i32_0 : i32, i32
  }
  func.func @transform_13(%arg0: i32) -> (i32, i32) {
    %c0_i32 = arith.constant 0 : i32
    %c0_i32_0 = arith.constant 0 : i32
    %c0_i32_1 = arith.constant 0 : i32
    return %c0_i32, %c0_i32_0 : i32, i32
  }
  func.func @transform_14(%arg0: i32) -> (i32, i32) {
    %c0_i32 = arith.constant 0 : i32
    %c0_i32_0 = arith.constant 0 : i32
    return %arg0, %c0_i32 : i32, i32
  }
}

module attributes {stable_mosaic.version = 14 : i64} {
  func.func @_pool_body(%arg0: i32, %arg1: memref<1x1x2000xi32, #tpu.memory_space<vmem>>, %arg2: memref<2000x32xf32, #tpu.memory_space<vmem>>, %arg3: memref<2000x32xf32, #tpu.memory_space<vmem>>, %arg4: memref<32x128xf32, #tpu.memory_space<vmem>>, %arg5: memref<1x128xf32, #tpu.memory_space<vmem>>, %arg6: memref<128x4xf32, #tpu.memory_space<vmem>>, %arg7: memref<1x4xf32, #tpu.memory_space<vmem>>, %arg8: memref<100x4xf32, #tpu.memory_space<vmem>>, %arg9: memref<100x32xf32, #tpu.memory_space<vmem>>) attributes {dimension_semantics = [#tpu.dimension_semantics<arbitrary>], iteration_bounds = array<i64: 5>, scalar_prefetch = 0 : i64, scratch_operands = 1 : i64, tpu.core_type = #tpu.core_type<tc>, window_params = [{transform_indices = @transform_0, window_bounds = array<i64: 1, 1, 2000>}, {transform_indices = @transform_1, window_bounds = array<i64: 2000, 32>}, {transform_indices = @transform_2, window_bounds = array<i64: 2000, 32>}, {pipeline_mode = #tpu.pipeline_mode<synchronous>, transform_indices = @transform_3, window_bounds = array<i64: 32, 128>}, {pipeline_mode = #tpu.pipeline_mode<synchronous>, transform_indices = @transform_4, window_bounds = array<i64: 1, 128>}, {pipeline_mode = #tpu.pipeline_mode<synchronous>, transform_indices = @transform_5, window_bounds = array<i64: 128, 4>}, {pipeline_mode = #tpu.pipeline_mode<synchronous>, transform_indices = @transform_6, window_bounds = array<i64: 1, 4>}, {pipeline_mode = #tpu.pipeline_mode<synchronous>, transform_indices = @transform_7, window_bounds = array<i64: 100, 4>}]} {
    %eq3A = arith.constant 0 : i32
    %eq3A_0 = arith.cmpi eq, %arg0, %eq3A : i32
    %convert_element_type3A = arith.extui %eq3A_0 : i1 to i32
    %cond3A = arith.constant 0 : i32
    %cond3A_1 = arith.cmpi ne, %convert_element_type3A, %cond3A : i32
    scf.if %cond3A_1 {
      %broadcast_in_dim3A = arith.constant 0.000000e+00 : f32
      %broadcast_in_dim3A_28 = vector.broadcast %broadcast_in_dim3A : f32 to vector<100x32xf32>
      %swap3A_29 = arith.constant 0 : index
      %swap3A_30 = arith.constant 0 : index
      %swap3A_31 = vector.load %arg9[%swap3A_29, %swap3A_30] : memref<100x32xf32, #tpu.memory_space<vmem>>, vector<100x32xf32>
      tpu.vector_store %arg9[%swap3A_29, %swap3A_30], %broadcast_in_dim3A_28 {strides = array<i32>} : memref<100x32xf32, #tpu.memory_space<vmem>>, vector<100x32xf32>,
    } else {
    }
    %get3A = arith.constant 0 : index
    %get3A_2 = arith.constant 0 : index
    %get3A_3 = vector.load %arg2[%get3A, %get3A_2] : memref<2000x32xf32, #tpu.memory_space<vmem>>, vector<2000x32xf32>
    %get3A_4 = arith.constant 0 : index
    %get3A_5 = arith.constant 0 : index
    %get3A_6 = vector.load %arg3[%get3A_4, %get3A_5] : memref<2000x32xf32, #tpu.memory_space<vmem>>, vector<2000x32xf32>
    %add3A = arith.addf %get3A_3, %get3A_6 : vector<2000x32xf32>
    %get3A_7 = arith.constant 0 : index
    %get3A_8 = arith.constant 0 : index
    %get3A_9 = arith.constant 0 : index
    %get3A_10 = vector.load %arg1[%get3A_7, %get3A_8, %get3A_9] : memref<1x1x2000xi32, #tpu.memory_space<vmem>>, vector<1x1x2000xi32>
    %get3A_11 = vector.shape_cast %get3A_10 : vector<1x1x2000xi32> to vector<1x2000xi32>
    %iota3A = tpu.iota {dimensions = array<i32: 0>} : vector<100x2000xi32>
    %eq3A_12 = vector.broadcast %get3A_11 : vector<1x2000xi32> to vector<100x2000xi32>
    %eq3A_13 = arith.cmpi eq, %iota3A, %eq3A_12 : vector<100x2000xi32>
    %convert_element_type3A_14 = arith.extui %eq3A_13 : vector<100x2000xi1> to vector<100x2000xi32>
    %convert_element_type3A_15 = arith.sitofp %convert_element_type3A_14 : vector<100x2000xi32> to vector<100x2000xf32>
    %get3A_16 = arith.constant 0 : index
    %get3A_17 = arith.constant 0 : index
    %get3A_18 = vector.load %arg9[%get3A_16, %get3A_17] : memref<100x32xf32, #tpu.memory_space<vmem>>, vector<100x32xf32>
    %dot_general3A = arith.constant dense<0.000000e+00> : vector<100x32xf32>
    %dot_general3A_19 = tpu.matmul %convert_element_type3A_15, %add3A, %dot_general3A {dimension_numbers = #tpu.dot_dimension_numbers<[1], [0], [0], [1], [0, 0, 1, 1], [], []>, precision = #tpu.contract_precision<fp32>, transpose_lhs_hint = false} : vector<100x2000xf32>, vector<2000x32xf32>, vector<100x32xf32> -> vector<100x32xf32>
    %add3A_20 = arith.addf %get3A_18, %dot_general3A_19 : vector<100x32xf32>
    %swap3A = arith.constant 0 : index
    %swap3A_21 = arith.constant 0 : index
    %swap3A_22 = vector.load %arg9[%swap3A, %swap3A_21] : memref<100x32xf32, #tpu.memory_space<vmem>>, vector<100x32xf32>
    tpu.vector_store %arg9[%swap3A, %swap3A_21], %add3A_20 {strides = array<i32>} : memref<100x32xf32, #tpu.memory_space<vmem>>, vector<100x32xf32>,
    %eq3A_23 = arith.constant 4 : i32
    %eq3A_24 = arith.cmpi eq, %arg0, %eq3A_23 : i32
    %convert_element_type3A_25 = arith.extui %eq3A_24 : i1 to i32
    %cond3A_26 = arith.constant 0 : i32
    %cond3A_27 = arith.cmpi ne, %convert_element_type3A_25, %cond3A_26 : i32
    scf.if %cond3A_27 {
      %get3A_28 = arith.constant 0 : index
      %get3A_29 = arith.constant 0 : index
      %get3A_30 = vector.load %arg9[%get3A_28, %get3A_29] : memref<100x32xf32, #tpu.memory_space<vmem>>, vector<100x32xf32>
      %get3A_31 = arith.constant 0 : index
      %get3A_32 = arith.constant 0 : index
      %get3A_33 = vector.load %arg4[%get3A_31, %get3A_32] : memref<32x128xf32, #tpu.memory_space<vmem>>, vector<32x128xf32>
      %dot_general3A_34 = arith.constant dense<0.000000e+00> : vector<100x128xf32>
      %dot_general3A_35 = tpu.matmul %get3A_30, %get3A_33, %dot_general3A_34 {dimension_numbers = #tpu.dot_dimension_numbers<[1], [0], [0], [1], [0, 0, 1, 1], [], []>, precision = #tpu.contract_precision<fp32>, transpose_lhs_hint = false} : vector<100x32xf32>, vector<32x128xf32>, vector<100x128xf32> -> vector<100x128xf32>
      %get3A_36 = arith.constant 0 : index
      %get3A_37 = arith.constant 0 : index
      %get3A_38 = vector.load %arg5[%get3A_36, %get3A_37] : memref<1x128xf32, #tpu.memory_space<vmem>>, vector<1x128xf32>
      %add3A_39 = vector.broadcast %get3A_38 : vector<1x128xf32> to vector<100x128xf32>
      %add3A_40 = arith.addf %dot_general3A_35, %add3A_39 : vector<100x128xf32>
      %get3A_41 = arith.constant 0 : index
      %get3A_42 = arith.constant 0 : index
      %get3A_43 = vector.load %arg6[%get3A_41, %get3A_42] : memref<128x4xf32, #tpu.memory_space<vmem>>, vector<128x4xf32>
      %dot_general3A_44 = arith.constant dense<0.000000e+00> : vector<100x4xf32>
      %dot_general3A_45 = tpu.matmul %add3A_40, %get3A_43, %dot_general3A_44 {dimension_numbers = #tpu.dot_dimension_numbers<[1], [0], [0], [1], [0, 0, 1, 1], [], []>, precision = #tpu.contract_precision<fp32>, transpose_lhs_hint = false} : vector<100x128xf32>, vector<128x4xf32>, vector<100x4xf32> -> vector<100x4xf32>
      %get3A_46 = arith.constant 0 : index
      %get3A_47 = arith.constant 0 : index
      %get3A_48 = vector.load %arg7[%get3A_46, %get3A_47] : memref<1x4xf32, #tpu.memory_space<vmem>>, vector<1x4xf32>
      %add3A_49 = vector.broadcast %get3A_48 : vector<1x4xf32> to vector<100x4xf32>
      %add3A_50 = arith.addf %dot_general3A_45, %add3A_49 : vector<100x4xf32>
      %max3A = arith.constant 0.000000e+00 : f32
      %max3A_51 = vector.broadcast %max3A : f32 to vector<100x4xf32>
      %max3A_52 = arith.maximumf %add3A_50, %max3A_51 : vector<100x4xf32>
      %abs3A = math.absf %add3A_50 : vector<100x4xf32>
      %neg3A = arith.constant 0.000000e+00 : f32
      %neg3A_53 = vector.broadcast %neg3A : f32 to vector<100x4xf32>
      %neg3A_54 = arith.subf %neg3A_53, %abs3A : vector<100x4xf32>
      %exp3A = math.exp %neg3A_54 : vector<100x4xf32>
      %log1p3A = math.log1p %exp3A : vector<100x4xf32>
      %add3A_55 = arith.addf %max3A_52, %log1p3A : vector<100x4xf32>
      %iota3A_56 = tpu.iota {dimensions = array<i32: 1>} : vector<100x4xi32>
      %eq3A_57 = arith.constant 0 : i32
      %eq3A_58 = vector.broadcast %eq3A_57 : i32 to vector<100x4xi32>
      %eq3A_59 = arith.cmpi eq, %iota3A_56, %eq3A_58 : vector<100x4xi32>
      %add3A_60 = arith.constant 1.000000e-10 : f32
      %add3A_61 = vector.broadcast %add3A_60 : f32 to vector<100x4xf32>
      %add3A_62 = arith.addf %add3A_55, %add3A_61 : vector<100x4xf32>
      %eq3A_63 = arith.constant 2 : i32
      %eq3A_64 = vector.broadcast %eq3A_63 : i32 to vector<100x4xi32>
      %eq3A_65 = arith.cmpi eq, %iota3A_56, %eq3A_64 : vector<100x4xi32>
      %convert_element_type3A_66 = arith.extui %eq3A_65 : vector<100x4xi1> to vector<100x4xi32>
      %convert_element_type3A_67 = arith.sitofp %convert_element_type3A_66 : vector<100x4xi32> to vector<100x4xf32>
      %add3A_68 = arith.addf %add3A_62, %convert_element_type3A_67 : vector<100x4xf32>
      %select_n3A = arith.select %eq3A_59, %add3A_50, %add3A_68 : vector<100x4xi1>, vector<100x4xf32>
      %swap3A_69 = arith.constant 0 : index
      %swap3A_70 = arith.constant 0 : index
      %swap3A_71 = vector.load %arg8[%swap3A_69, %swap3A_70] : memref<100x4xf32, #tpu.memory_space<vmem>>, vector<100x4xf32>
      tpu.vector_store %arg8[%swap3A_69, %swap3A_70], %select_n3A {strides = array<i32>} : memref<100x4xf32, #tpu.memory_space<vmem>>, vector<100x4xf32>,
    } else {
    }
    return
  }
  func.func @transform_0(%arg0: i32) -> (i32, i32, i32) {
    %c0_i32 = arith.constant 0 : i32
    %c0_i32_0 = arith.constant 0 : i32
    %c0_i32_1 = arith.constant 0 : i32
    return %arg0, %c0_i32, %c0_i32_0 : i32, i32, i32
  }
  func.func @transform_1(%arg0: i32) -> (i32, i32) {
    %c0_i32 = arith.constant 0 : i32
    %c0_i32_0 = arith.constant 0 : i32
    return %arg0, %c0_i32 : i32, i32
  }
  func.func @transform_2(%arg0: i32) -> (i32, i32) {
    %c0_i32 = arith.constant 0 : i32
    %c0_i32_0 = arith.constant 0 : i32
    return %arg0, %c0_i32 : i32, i32
  }
  func.func @transform_3(%arg0: i32) -> (i32, i32) {
    %c0_i32 = arith.constant 0 : i32
    %c0_i32_0 = arith.constant 0 : i32
    %c0_i32_1 = arith.constant 0 : i32
    return %c0_i32, %c0_i32_0 : i32, i32
  }
  func.func @transform_4(%arg0: i32) -> (i32, i32) {
    %c0_i32 = arith.constant 0 : i32
    %c0_i32_0 = arith.constant 0 : i32
    %c0_i32_1 = arith.constant 0 : i32
    return %c0_i32, %c0_i32_0 : i32, i32
  }
  func.func @transform_5(%arg0: i32) -> (i32, i32) {
    %c0_i32 = arith.constant 0 : i32
    %c0_i32_0 = arith.constant 0 : i32
    %c0_i32_1 = arith.constant 0 : i32
    return %c0_i32, %c0_i32_0 : i32, i32
  }
  func.func @transform_6(%arg0: i32) -> (i32, i32) {
    %c0_i32 = arith.constant 0 : i32
    %c0_i32_0 = arith.constant 0 : i32
    %c0_i32_1 = arith.constant 0 : i32
    return %c0_i32, %c0_i32_0 : i32, i32
  }
  func.func @transform_7(%arg0: i32) -> (i32, i32) {
    %c0_i32 = arith.constant 0 : i32
    %c0_i32_0 = arith.constant 0 : i32
    %c0_i32_1 = arith.constant 0 : i32
    return %c0_i32, %c0_i32_0 : i32, i32
  }
}

</mosaic_0001>

<sc_bundles>
// kernel: kernel.17.cloned.1.call-start
scs
__scs_entry_jumppad:
0x0: {  	(pc) =	sbr.rel $0x88, $3  }
0x1: {  	(tag) =	ssettag $0x0;
	lr =	simm.s32 $0x1  }
0x2: {  	[smem:$0x3F91] =	sst lr;
	_ =	strace $0xD0000000  }
0x3: {  	_ = 	snop  }
0x4: {  	_ = 	snop  }
0x5: {  	_ = 	snop  }
0x6: {  	_ = 	snop  }
0x7: {  	_ = 	snop  }
__scs_overlays_trampoline_lowered:
0x8: {  	[smem:$0x3FA0] =	sst s0  }
0x9: {  	[smem:$0x3FA1] =	sst s1  }
0xa: {  	[smem:$0x3FA2] =	sst s2  }
0xb: {  	[smem:$0x3FA3] =	sst s3  }
0xc: {  	[smem:$0x3FA4] =	sst s4  }
0xd: {  	[smem:$0x3FA5] =	sst s5  }
0xe: {  	[smem:$0x3FA6] =	sst s6  }
0xf: {  	[smem:$0x3FA7] =	sst s7  }
0x10: {  	[smem:$0x3FA8] =	sst s8  }
0x11: {  	[smem:$0x3FA9] =	sst s9;
	s0 =	simm.s32 @!p0 $0x0  }
0x12: {  	s1 =	sld [smem:$0x3F8F];
	s0 =	simm.s32 @p0 $0x1  }
0x13: {  	[smem:$0x3FAA] =	sst s0;
	s0 =	simm.s32 @!p1 $0x0  }
0x14: {  	s2 =	sld [smem:$0x3F8E];
	s0 =	simm.s32 @p1 $0x1  }
0x15: {  	[smem:$0x3FAB] =	sst s0;
	s0 =	simm.s32 @!p2 $0x0  }
0x16: {  	s3 =	sld [smem:$0x3FDB];
	s0 =	simm.s32 @p2 $0x1  }
0x17: {  	s4 =	simm.s32 $0x1BF5;
	[smem:$0x3FAD] =	sst s0  }
0x18: {  	s0 =	sld [smem:$0x3F90];
	_ =	swait.ge [sflag:s4], $0x0  }
0x19: {  	s7 =	sld [smem:$0x3F91]  }
0x1a: {  	s8 =	sadd.s32 $0xFFFFE003, lr  }
0x1b: {  	s9 =	sadd.s32 $0xFFFFFEF7, lr;
	s5 =	simm.s32 $0xFFFFFFFF;
	p2 =	slt.u32 s8, $0xFFFFF086  }
0x1c: {  	p1 =	slt.u32 s9, $0xF7A;
	s5 =	simm.s32 @!p2 $0x0  }
0x1d: {  	s5 =	simm.s32 @p1 $0x1;
	p0 =	seq.s32 s7, s2  }
0x1e: {  	s7 =	smul.u32 @!p0 $0xF7A, s2;
	p2 =	seq.s32 @!p0 s5, $0x0  }
0x1f: {  	s9 =	smul.u32 $0xF7A, s1;
	s8 =	simm.s32 @!p0 $0x1BF5;
	p2 =	por !p2, p0  }
0x20: {  	[sflag:s8] =	ssyncset.s32 @!p0 $0xFFFFF086;
	s6 =	sadd.s32 @!p0 s3, s7;
	s7 =	simm.s32 @!p0 $0x108  }
0x21: {  	s3 =	sadd.s32 s3, s9;
	s6 =	sadd.s32 @!p0 $0x88, s6;
	s7 =	simm.s32 @p2 $0x1082  }
0x22: {  	[simem:s7], [sflag:s8] =	dma.local @!p0 [hbm:s6], $0xF7A  }
0x23: {  	s9 =	sor.u32 $0xD0000000, s2;
	s6 =	simm.s32 $0x108;
	_ =	swait.ge @!p0 [sflag:s8], $0x0  }
0x24: {  	s3 =	sadd.s32 $0x88, s3;
	s6 =	simm.s32 @!p1 $0x1082;
	[sflag:s4] =	ssyncset.s32 $0xFFFFF086  }
0x25: {  	[simem:s6], [sflag:s4] =	dma.local [hbm:s3], $0xF7A  }
0x26: {  	[smem:$0x3F91] =	sst s1;
	(tag) =	ssettag s2;
	_ =	strace s9  }
0x27: {  	s1 =	sld [smem:$0x3FA1]  }
0x28: {  	s2 =	sld [smem:$0x3FA2]  }
0x29: {  	s4 =	sld [smem:$0x3FA4]  }
0x2a: {  	p0 =	seq.s32 s5, $0x0;
	s5 =	sld [smem:$0x3FA5]  }
0x2b: {  	s6 =	sld [smem:$0x3FA6]  }
0x2c: {  	s7 =	sld [smem:$0x3FA7]  }
0x2d: {  	s3 =	simm.s32 $0x108;
	s8 =	sld [smem:$0x3FA8]  }
0x2e: {  	s3 =	simm.s32 @!p0 $0x1082;
	s9 =	sld [smem:$0x3FA9]  }
0x2f: {  	lr =	sadd.s32 s0, s3;
	s0 =	sld [smem:$0x3FA0]  }
0x30: {  	s3 =	sld [smem:$0x3FA3]  }
0x31: {  	[smem:$0x3FAC] =	sst s10  }
0x32: {  	s10 =	sld [smem:$0x3FAA];
	_ =	sdelay $0x3  }
0x33: {  	p0 =	seq.s32 s10, $0x1;
	s10 =	sld [smem:$0x3FAC];
	_ =	sdelay $0x3  }
0x34: {  	[smem:$0x3FAC] =	sst s10  }
0x35: {  	s10 =	sld [smem:$0x3FAB];
	_ =	sdelay $0x3  }
0x36: {  	p1 =	seq.s32 s10, $0x1;
	s10 =	sld [smem:$0x3FAC];
	_ =	sdelay $0x3  }
0x37: {  	[smem:$0x3FAC] =	sst s10  }
0x38: {  	s10 =	sld [smem:$0x3FAD]  }
0x39: {  	_ = 	snop;
	(pc) =	sbr.ind lr, $3  }
0x3a: {  	_ = 	snop  }
0x3b: {  	_ = 	snop  }
0x3c: {  	p2 =	seq.s32 s10, $0x1;
	s10 =	sld [smem:$0x3FAC]  }
0x3d: {  	_ =	shalt  }
0x3e: {  	_ =	shalt  }
0x3f: {  	_ =	shalt  }
0x40: {  	_ =	shalt  }
0x41: {  	_ =	shalt  }
0x42: {  	_ =	shalt  }
0x43: {  	_ =	shalt  }
0x44: {  	_ =	shalt  }
0x45: {  	_ =	shalt  }
0x46: {  	_ =	shalt  }
0x47: {  	_ =	shalt  }
0x48: {  	_ =	shalt  }
0x49: {  	_ =	shalt  }
0x4a: {  	_ =	shalt  }
0x4b: {  	_ =	shalt  }
0x4c: {  	_ =	shalt  }
0x4d: {  	_ =	shalt  }
0x4e: {  	_ =	shalt  }
0x4f: {  	_ =	shalt  }
0x50: {  	_ =	shalt  }
0x51: {  	_ =	shalt  }
0x52: {  	_ =	shalt  }
0x53: {  	_ =	shalt  }
0x54: {  	_ =	shalt  }
0x55: {  	_ =	shalt  }
0x56: {  	_ =	shalt  }
0x57: {  	_ =	shalt  }
0x58: {  	_ =	shalt  }
0x59: {  	_ =	shalt  }
0x5a: {  	_ =	shalt  }
0x5b: {  	_ =	shalt  }
0x5c: {  	_ =	shalt  }
0x5d: {  	_ =	shalt  }
0x5e: {  	_ =	shalt  }
0x5f: {  	_ =	shalt  }
0x60: {  	_ =	shalt  }
0x61: {  	_ =	shalt  }
0x62: {  	_ =	shalt  }
0x63: {  	_ =	shalt  }
0x64: {  	_ =	shalt  }
0x65: {  	_ =	shalt  }
0x66: {  	_ =	shalt  }
0x67: {  	_ =	shalt  }
0x68: {  	_ =	shalt  }
0x69: {  	_ =	shalt  }
0x6a: {  	_ =	shalt  }
0x6b: {  	_ =	shalt  }
0x6c: {  	_ =	shalt  }
0x6d: {  	_ =	shalt  }
0x6e: {  	_ =	shalt  }
0x6f: {  	_ =	shalt  }
0x70: {  	_ =	shalt  }
0x71: {  	_ =	shalt  }
0x72: {  	_ =	shalt  }
0x73: {  	_ =	shalt  }
0x74: {  	_ =	shalt  }
0x75: {  	_ =	shalt  }
0x76: {  	_ =	shalt  }
0x77: {  	_ =	shalt  }
0x78: {  	_ =	shalt  }
0x79: {  	_ =	shalt  }
0x7a: {  	_ =	shalt  }
0x7b: {  	_ =	shalt  }
0x7c: {  	_ =	shalt  }
0x7d: {  	_ =	shalt  }
0x7e: {  	_ =	shalt  }
0x7f: {  	_ =	shalt  }
0x80: {  	_ =	shalt  }
0x81: {  	_ =	shalt  }
0x82: {  	_ =	shalt  }
0x83: {  	_ =	shalt  }
0x84: {  	_ =	shalt  }
0x85: {  	_ =	shalt  }
0x86: {  	_ =	shalt  }
0x87: {  	_ =	shalt  }
.Lfunc_end0:
.L_simem_size_0:
called_computation_lowered:
.L_overlay_start_0:
0x88: {  	s2 =	sld [smem:$0x3FD9]  }
0x89: {  	s3 =	sld [smem:$0x3FFE];
	_ =	sdelay $0x1  }
0x8a: {  	s1 =	srdreg.scid  }
0x8b: {  	s0 =	sand.u32 $0x1, s1  }
0x8c: {  	s16 =	sshll.u32 s0, $0xA;
	s2 =	sadd.s32 s3, s2  }
0x8d: {  	s2 =	sadd.s32 s2, s16  }
0x8e: {  	[smem:$0x3FB8] =	sst s2  }
0x8f: {  	_ = 	snop  }
0x90: {  	(tm) =	ssettm $0x1  }
0x91: {  	s17 =	sld [smem:$0x3FFB];
	_ =	sdelay $0x3  }
0x92: {  	_ =	strace s17  }
0x93: {  	s2 =	sld [smem:$0x3FFC];
	_ =	sdelay $0x3  }
0x94: {  	_ =	strace s2  }
0x95: {  	s2 =	sld [smem:$0x3FFD];
	_ =	sdelay $0x3  }
0x96: {  	_ =	strace s2  }
0x97: {  	_ =	strace $0x8FFFFFFF  }
0x98: {  	s18 =	sld [smem:$0x3FDB];
	_ =	sdelay $0x1  }
0x99: {  	s19 =	simm.s32 $_scs_section_size  }
0x9a: {  	s4 =	simm.s32 $_size__tile_overlayer_lowered;
	s5 =	simm.s32 $_tile_overlayer_lowered  }
0x9b: {  	s22 =	simm.s32 $0x1BFF;
	s21 =	sshll.u32 s5, $0x1;
	s2 =	sadd.s32 s19, s18  }
0x9c: {  	s6 =	simm.s32 $0x0;
	s20 =	sshll.u32 s4, $0x1;
	s4 =	sadd.s32 s21, s2  }
0x9d: {  	[timem:s6], [sflag:s22] =	dma.local [hbm:s4], s20  }
0x9e: {  	_ =	swait.ge [sflag:s22], s20  }
0x9f: {  	s3 =	ssub.s32 $0x0, s20;
	[sflag:s22] =	ssyncset.done $0x0  }
0xa0: {  	[sflag:s22] =	ssyncadd.s32 s3;
	_ =	sdelay $0x1  }
0xa1: {  	s23 =	simm.s32 $0x1B8B  }
0xa2: {  	_ =	swait.ge [sflag:s23], $0x1  }
0xa3: {  	[sflag:s23] =	ssyncset.done $0x0  }
0xa4: {  	s25 =	simm.s32 $0x1B8E;
	s24 =	sld [smem:$0x3FFE];
	[sflag:s23] =	ssyncadd.s32 $0xFFFFFFFF  }
0xa5: {  	s26 =	simm.s32 $execute0_lowered;
	[smem:$0x3FD2] =	sst s25  }
0xa6: {  	s4 =	sshll.u32 s26, $0x1;
	_ =	strace $0x80000046;
	[dreg:$0x1] =	wrdreg $0xFFFFFFFF  }
0xa7: {  	s28 =	simm.s32 $_size_execute0_lowered;
	s2 =	sadd.s32 s2, s4;
	[dreg:$0x0] =	wrdreg $0x0  }
0xa8: {  	s4 =	sshll.u32 s28, $0x1;
	[dreg:$0x2] =	wrdreg s2  }
0xa9: {  	[dreg:$0x3] =	wrdreg s4  }
0xaa: {  	[dreg:$0x4] =	wrdreg $0xC0  }
0xab: {  	_ =	task [dreg:s6], $0x5FFFF  }
0xac: {  	[dreg:$0x1] =	wrdreg $0xFFFFFFFF  }
0xad: {  	[dreg:$0x0] =	wrdreg $0x60  }
0xae: {  	[dreg:$0x2] =	wrdreg s24  }
0xaf: {  	[dreg:$0x3] =	wrdreg $0x80E80  }
0xb0: {  	[dreg:$0x4] =	wrdreg $0x9  }
0xb1: {  	_ =	task.clear_ibuf [dreg:s6], $0x5FFFF;
	_ =	strace $0x90000046  }
0xb2: {  	s29 =	simm.s32 $0x9;
	_ =	strace $0x80000048  }
0xb3: {  	_ =	swait.ge [sflag:s29], $0x1  }
0xb4: {  	[sflag:s29] =	ssyncadd.s32 $0xFFFFFFFF  }
0xb5: {  	_ =	strace $0x90000048  }
0xb6: {  	_ =	sfence  }
0xb7: {  	s30 =	sld [smem:$0x0];
	_ =	sdelay $0x2  }
0xb8: {  	s31 =	sshll.u32 s1, $0xD;
	s1 =	sshrl.u32 s1, $0x2  }
0xb9: {  	s3 =	sand.u32 $0x4000, s31;
	s1 =	sadd.s32 s1, s30  }
0xba: {  	s0 =	sor.u32 s3, s0;
	s1 =	sshll.u32 s1, $0x11  }
0xbb: {  	s0 =	sor.u32 s1, s0  }
0xbc: {  	s0 =	sadd.s32 $0x8F2B, s0  }
0xbd: {  	[sflag:s0] =	ssyncadd.remote.s32 $0x1  }
0xbe: {  	_ =	sfence.sel $0xFFFF  }
0xbf: {  	[dreg:$0x0] =	wrdreg $0xFFFFFFFF;
	(pc) =	sbr.abs _section_cstart, $3  }
0xc0: {  	[dreg:$0x1] =	wrdreg $0xFFFFFFFF  }
0xc1: {  	_ =	task.clear_ibuf [dreg:s6], $0x2FFFF;
	_ =	strace $0x9FFFFFFF  }
0xc2: {  	(tm) =	ssettm $0x7FFFFFFF  }
0xc3: {  	_ =	shalt  }
tec
execute0_lowered:
.L_overlay_start_1:
0x0: {  	(tag) =	ssettag $0x1  }
0x1: {  	s4 =	rddreg [dreg:$0x0]  }
0x2: {  	s2 =	rddreg [dreg:$0x1]  }
0x3: {  	s0 =	rddreg [dreg:$0x2]  }
0x4: {  	s3 =	simm.s32 $0x0;
	s1 =	srdreg.scid;
	p1 =	por $0x0, $0x0  }
0x5: {  	[smem:$0x7FF] =	sst s3;
	s5 =	sadd.s32 $0xA5600, s4;
	s6 =	sadd.s32 $0xA0600, s4  }
0x6: {  	s7 =	sand.u32 $0x1, s1;
	s1 =	stileid.u32;
	_ =	strace $0x80000047  }
0x7: {  	s8 =	smul.u32 $0x9C40, s7;
	s9 =	ssub.s32 $0x2, s7;
	s10 =	sshll.u32 s1, $0x1  }
0x8: {  	s12 =	smul.u32 $0x7D00, s1;
	p0 =	sgt.u32 s1, $0x9;
	s7 =	sor.u32 s7, s10  }
0x9: {  	s11 =	sshrl.u32 s9, $0x1;
	s8 =	sadd.s32 s8, s4;
	s10 =	smul.u32 $0x1388, s7  }
0xa: {  	s9 =	ssub.s32 s9, s11;
	s21 =	sshrl.u32 s12, $0x3;
	s7 =	smul.u32 $0x4E20, s7  }
0xb: {  	s4 =	sadd.s32 s12, s2;
	s20 =	sadd.s32 $0x141A00, s8;
	s8 =	sadd.s32 $0x155400, s8  }
0xc: {  	s22 =	smax.u32 s9, $0x1;
	s16 =	sshrl.u32 s10, $0x3;
	s17 =	sadd.s32 $0x3E8, s10  }
0xd: {  	s18 =	sadd.s32 s5, s7;
	s24 =	sadd.s32 $0x7D0, s10;
	s26 =	sadd.s32 $0xBB8, s10  }
0xe: {  	s30 =	sadd.s32 $0xFA0, s10;
	s20 =	sadd.s32 @!p0 s21, s20;
	s22 =	sadd.s32 $0xFFFFFFFF, s22  }
0xf: {  	s10 =	simm.s32 $0x3E8;
	s19 =	sadd.s32 s6, s16;
	s23 =	sshrl.u32 s17, $0x3  }
0x10: {  	s9 =	sshll.u32 s17, $0x2;
	s25 =	sshrl.u32 s24, $0x3;
	s7 =	sshll.u32 s24, $0x2  }
0x11: {  	s28 =	sshrl.u32 s26, $0x3;
	s29 =	sshll.u32 s26, $0x2;
	p2 =	sne.s32 s22, $0x0  }
.Ltmp0:
0x12: {  	s31 =	sshrl.u32 s30, $0x3;
	s17 =	sadd.s32 s6, s23;
	(pc) =	sbr.rel @!p2 .LBB2_1-.Ltmp0, $4  }
0x13: {  	s16 =	sadd.s32 s5, s9;
	s15 =	sadd.s32 s6, s25;
	s14 =	sadd.s32 s5, s7  }
0x14: {  	s13 =	sadd.s32 s6, s28;
	s12 =	sadd.s32 s5, s29;
	s9 =	sshll.u32 s30, $0x2  }
0x15: {  	s11 =	sadd.s32 s6, s31;
	s7 =	simm.s32 $0x1;
	s6 =	simm.s32 @!p0 $0x1  }
0x16: {  	s9 =	sadd.s32 s5, s9;
	s5 =	sadd.s32 @!p0 s21, s8;
	s8 =	simm.s32 @!p0 $0x0  }
0x17: {  	s21 =	simm.s32 @!p0 $0x3E8  }
0x18: {  	[tilespmem:s21], [sflag:$0x1] =	stream.linear.gather @!p0 [hbm4b:s20+s8], $0x7D00, $0x38;
	[tilespmem:$0xCF08] =	vst v63  }
0x19: {  	_ =	swait.ge @!p0 [sflag:s6], $0x7D00  }
0x1a: {  	[sflag:s6] =	ssyncset.done @!p0 $0x0  }
0x1b: {  	[sflag:s6] =	ssyncadd.s32 @!p0 $0xFFFF8300  }
0x1c: {  	[spmem:s4] =	stream.linear.scatter @!p0 [tilespmem:s21], [sflag:$0x1], $0x7D00, $0x38;
	[tilespmem:$0xCF08] =	vst v63  }
0x1d: {  	_ =	swait.ge @!p0 [sflag:s6], $0x7D00  }
0x1e: {  	[sflag:s6] =	ssyncset.done @!p0 $0x0  }
0x1f: {  	[sflag:s6] =	ssyncadd.s32 @!p0 $0xFFFF8300  }
0x20: {  	[bflag:$0x0] =	sbarrier.arrive $0xFFFF  }
0x21: {  	[tilespmem:s3], [sflag:$0x1] =	stream.linear.gather [hbm4b:s19+s3], $0x3E8, $0x38;
	[tilespmem:$0xCF08] =	vst v63  }
0x22: {  	_ =	swait.ge [sflag:s7], $0x3E8  }
0x23: {  	[sflag:s7] =	ssyncset.done $0x0  }
0x24: {  	[sflag:s7] =	ssyncadd.s32 $0xFFFFFC18  }
0x25: {  	[tilespmem:s10], [sflag:$0x1] =	stream.linear.gather [hbm4b:s18+s3], $0x7D00, $0x38;
	[tilespmem:$0xCF08] =	vst v63  }
0x26: {  	_ =	swait.ge [sflag:s7], $0x7D00  }
0x27: {  	[sflag:s7] =	ssyncset.done $0x0  }
0x28: {  	[sflag:s7] =	ssyncadd.s32 $0xFFFF8300  }
0x29: {  	[spmem:s2] =	stream.indirect.scatter.add.f32 [tilespmem:s10], [sflag:$0x1], $0x20, s3, s10, $0xb8;
	[tilespmem:$0xCF08] =	vst v63  }
0x2a: {  	_ =	swait.ge [sflag:s7], $0x7D00  }
0x2b: {  	[sflag:s7] =	ssyncset.done $0x0  }
0x2c: {  	[sflag:s7] =	ssyncadd.s32 $0xFFFF8300  }
0x2d: {  	[tilespmem:s3], [sflag:$0x1] =	stream.linear.gather [hbm4b:s17+s3], $0x3E8, $0x38;
	[tilespmem:$0xCF08] =	vst v63  }
0x2e: {  	_ =	swait.ge [sflag:s7], $0x3E8  }
0x2f: {  	[sflag:s7] =	ssyncset.done $0x0  }
0x30: {  	[sflag:s7] =	ssyncadd.s32 $0xFFFFFC18  }
0x31: {  	[tilespmem:s10], [sflag:$0x1] =	stream.linear.gather [hbm4b:s16+s3], $0x7D00, $0x38;
	[tilespmem:$0xCF08] =	vst v63  }
0x32: {  	_ =	swait.ge [sflag:s7], $0x7D00  }
0x33: {  	[sflag:s7] =	ssyncset.done $0x0  }
0x34: {  	[sflag:s7] =	ssyncadd.s32 $0xFFFF8300  }
0x35: {  	[spmem:s2] =	stream.indirect.scatter.add.f32 [tilespmem:s10], [sflag:$0x1], $0x20, s3, s10, $0xb8;
	[tilespmem:$0xCF08] =	vst v63  }
0x36: {  	_ =	swait.ge [sflag:s7], $0x7D00  }
0x37: {  	[sflag:s7] =	ssyncset.done $0x0  }
0x38: {  	[sflag:s7] =	ssyncadd.s32 $0xFFFF8300  }
0x39: {  	[tilespmem:s3], [sflag:$0x1] =	stream.linear.gather [hbm4b:s15+s3], $0x3E8, $0x38;
	[tilespmem:$0xCF08] =	vst v63  }
0x3a: {  	_ =	swait.ge [sflag:s7], $0x3E8  }
0x3b: {  	[sflag:s7] =	ssyncset.done $0x0  }
0x3c: {  	[sflag:s7] =	ssyncadd.s32 $0xFFFFFC18  }
0x3d: {  	[tilespmem:s10], [sflag:$0x1] =	stream.linear.gather [hbm4b:s14+s3], $0x7D00, $0x38;
	[tilespmem:$0xCF08] =	vst v63  }
0x3e: {  	_ =	swait.ge [sflag:s7], $0x7D00  }
0x3f: {  	[sflag:s7] =	ssyncset.done $0x0  }
0x40: {  	[sflag:s7] =	ssyncadd.s32 $0xFFFF8300  }
0x41: {  	[spmem:s2] =	stream.indirect.scatter.add.f32 [tilespmem:s10], [sflag:$0x1], $0x20, s3, s10, $0xb8;
	[tilespmem:$0xCF08] =	vst v63  }
0x42: {  	_ =	swait.ge [sflag:s7], $0x7D00  }
0x43: {  	[sflag:s7] =	ssyncset.done $0x0  }
0x44: {  	[sflag:s7] =	ssyncadd.s32 $0xFFFF8300  }
0x45: {  	[tilespmem:s3], [sflag:$0x1] =	stream.linear.gather [hbm4b:s13+s3], $0x3E8, $0x38;
	[tilespmem:$0xCF08] =	vst v63  }
0x46: {  	_ =	swait.ge [sflag:s7], $0x3E8  }
0x47: {  	[sflag:s7] =	ssyncset.done $0x0  }
0x48: {  	[sflag:s7] =	ssyncadd.s32 $0xFFFFFC18  }
0x49: {  	[tilespmem:s10], [sflag:$0x1] =	stream.linear.gather [hbm4b:s12+s3], $0x7D00, $0x38;
	[tilespmem:$0xCF08] =	vst v63  }
0x4a: {  	_ =	swait.ge [sflag:s7], $0x7D00  }
0x4b: {  	[sflag:s7] =	ssyncset.done $0x0  }
0x4c: {  	[sflag:s7] =	ssyncadd.s32 $0xFFFF8300  }
0x4d: {  	[spmem:s2] =	stream.indirect.scatter.add.f32 [tilespmem:s10], [sflag:$0x1], $0x20, s3, s10, $0xb8;
	[tilespmem:$0xCF08] =	vst v63  }
0x4e: {  	_ =	swait.ge [sflag:s7], $0x7D00  }
0x4f: {  	[sflag:s7] =	ssyncset.done $0x0  }
0x50: {  	[sflag:s7] =	ssyncadd.s32 $0xFFFF8300  }
0x51: {  	[tilespmem:s3], [sflag:$0x1] =	stream.linear.gather [hbm4b:s11+s3], $0x3E8, $0x38;
	[tilespmem:$0xCF08] =	vst v63  }
0x52: {  	_ =	swait.ge [sflag:s7], $0x3E8  }
0x53: {  	[sflag:s7] =	ssyncset.done $0x0  }
0x54: {  	[sflag:s7] =	ssyncadd.s32 $0xFFFFFC18  }
0x55: {  	[tilespmem:s10], [sflag:$0x1] =	stream.linear.gather [hbm4b:s9+s3], $0x7D00, $0x38;
	[tilespmem:$0xCF08] =	vst v63  }
0x56: {  	_ =	swait.ge [sflag:s7], $0x7D00  }
0x57: {  	[sflag:s7] =	ssyncset.done $0x0  }
0x58: {  	[sflag:s7] =	ssyncadd.s32 $0xFFFF8300  }
0x59: {  	[spmem:s2] =	stream.indirect.scatter.add.f32 [tilespmem:s10], [sflag:$0x1], $0x20, s3, s10, $0xb8;
	[tilespmem:$0xCF08] =	vst v63  }
0x5a: {  	_ =	swait.ge [sflag:s7], $0x7D00  }
0x5b: {  	[sflag:s7] =	ssyncset.done $0x0  }
0x5c: {  	[sflag:s7] =	ssyncadd.s32 $0xFFFF8300  }
0x5d: {  	s22 =	sadd.s32 $0xFFFFFFFF, s22;
	[bflag:$0x0] =	sbarrier.arrive $0xFFFF  }
0x5e: {  	[tilespmem:s21], [sflag:$0x1] =	stream.linear.gather @!p0 [spmem:s4], $0x7D00, $0x38;
	[tilespmem:$0xCF08] =	vst v63  }
0x5f: {  	p2 =	sne.s32 s22, $0x0;
	_ =	swait.ge @!p0 [sflag:s6], $0x7D00  }
.Ltmp1:
0x60: {  	[sflag:s6] =	ssyncset.done @!p0 $0x0;
	(pc) =	sbr.rel @!p2 .LBB2_3-.Ltmp1, $4  }
0x61: {  	[sflag:s6] =	ssyncadd.s32 @!p0 $0xFFFF8300  }
0x62: {  	[hbm4b:s5+s8] =	stream.linear.scatter @!p0 [tilespmem:s21], [sflag:$0x1], $0x7D00, $0x38;
	[tilespmem:$0xCF08] =	vst v63  }
0x63: {  	_ =	swait.ge @!p0 [sflag:s6], $0x7D00  }
0x64: {  	p1 =	por $0x1, $0x1;
	s23 =	simm.s32 @!p0 $0x1;
	[sflag:s6] =	ssyncset.done @!p0 $0x0  }
.LBB2_4:
0x65: {  	s24 =	simm.s32 @!p0 $0x0;
	[sflag:s23] =	ssyncadd.s32 @!p0 $0xFFFF8300  }
0x66: {  	[tilespmem:s21], [sflag:$0x1] =	stream.linear.gather @!p0 [hbm4b:s20+s8], $0x7D00, $0x38;
	[tilespmem:$0xCF08] =	vst v63  }
0x67: {  	s22 =	sadd.s32 $0xFFFFFFFF, s22;
	s23 =	smov.u32 s6;
	_ =	swait.ge @!p0 [sflag:s6], $0x7D00  }
0x68: {  	p2 =	sne.s32 s22, $0x0;
	[sflag:s23] =	ssyncset.done @!p0 $0x0  }
0x69: {  	[sflag:s23] =	ssyncadd.s32 @!p0 $0xFFFF8300  }
0x6a: {  	[spmem:s4] =	stream.linear.scatter @!p0 [tilespmem:s21], [sflag:$0x1], $0x7D00, $0x38;
	[tilespmem:$0xCF08] =	vst v63  }
0x6b: {  	_ =	swait.ge @!p0 [sflag:s23], $0x7D00  }
0x6c: {  	[sflag:s23] =	ssyncset.done @!p0 $0x0  }
0x6d: {  	[sflag:s23] =	ssyncadd.s32 @!p0 $0xFFFF8300  }
0x6e: {  	[bflag:$0x0] =	sbarrier.arrive $0xFFFF  }
0x6f: {  	[tilespmem:s3], [sflag:$0x1] =	stream.linear.gather [hbm4b:s19+s3], $0x3E8, $0x38;
	[tilespmem:$0xCF08] =	vst v63  }
0x70: {  	_ =	swait.ge [sflag:s7], $0x3E8  }
0x71: {  	[sflag:s7] =	ssyncset.done $0x0  }
0x72: {  	[sflag:s7] =	ssyncadd.s32 $0xFFFFFC18  }
0x73: {  	[tilespmem:s10], [sflag:$0x1] =	stream.linear.gather [hbm4b:s18+s3], $0x7D00, $0x38;
	[tilespmem:$0xCF08] =	vst v63  }
0x74: {  	_ =	swait.ge [sflag:s7], $0x7D00  }
0x75: {  	[sflag:s7] =	ssyncset.done $0x0  }
0x76: {  	[sflag:s7] =	ssyncadd.s32 $0xFFFF8300  }
0x77: {  	[spmem:s2] =	stream.indirect.scatter.add.f32 [tilespmem:s10], [sflag:$0x1], $0x20, s3, s10, $0xb8;
	[tilespmem:$0xCF08] =	vst v63  }
0x78: {  	_ =	swait.ge [sflag:s7], $0x7D00  }
0x79: {  	[sflag:s7] =	ssyncset.done $0x0  }
0x7a: {  	[sflag:s7] =	ssyncadd.s32 $0xFFFF8300  }
0x7b: {  	[tilespmem:s3], [sflag:$0x1] =	stream.linear.gather [hbm4b:s17+s3], $0x3E8, $0x38;
	[tilespmem:$0xCF08] =	vst v63  }
0x7c: {  	_ =	swait.ge [sflag:s7], $0x3E8  }
0x7d: {  	[sflag:s7] =	ssyncset.done $0x0  }
0x7e: {  	[sflag:s7] =	ssyncadd.s32 $0xFFFFFC18  }
0x7f: {  	[tilespmem:s10], [sflag:$0x1] =	stream.linear.gather [hbm4b:s16+s3], $0x7D00, $0x38;
	[tilespmem:$0xCF08] =	vst v63  }
0x80: {  	_ =	swait.ge [sflag:s7], $0x7D00  }
0x81: {  	[sflag:s7] =	ssyncset.done $0x0  }
0x82: {  	[sflag:s7] =	ssyncadd.s32 $0xFFFF8300  }
0x83: {  	[spmem:s2] =	stream.indirect.scatter.add.f32 [tilespmem:s10], [sflag:$0x1], $0x20, s3, s10, $0xb8;
	[tilespmem:$0xCF08] =	vst v63  }
0x84: {  	_ =	swait.ge [sflag:s7], $0x7D00  }
0x85: {  	[sflag:s7] =	ssyncset.done $0x0  }
0x86: {  	[sflag:s7] =	ssyncadd.s32 $0xFFFF8300  }
0x87: {  	[tilespmem:s3], [sflag:$0x1] =	stream.linear.gather [hbm4b:s15+s3], $0x3E8, $0x38;
	[tilespmem:$0xCF08] =	vst v63  }
0x88: {  	_ =	swait.ge [sflag:s7], $0x3E8  }
0x89: {  	[sflag:s7] =	ssyncset.done $0x0  }
0x8a: {  	[sflag:s7] =	ssyncadd.s32 $0xFFFFFC18  }
0x8b: {  	[tilespmem:s10], [sflag:$0x1] =	stream.linear.gather [hbm4b:s14+s3], $0x7D00, $0x38;
	[tilespmem:$0xCF08] =	vst v63  }
0x8c: {  	_ =	swait.ge [sflag:s7], $0x7D00  }
0x8d: {  	[sflag:s7] =	ssyncset.done $0x0  }
0x8e: {  	[sflag:s7] =	ssyncadd.s32 $0xFFFF8300  }
0x8f: {  	[spmem:s2] =	stream.indirect.scatter.add.f32 [tilespmem:s10], [sflag:$0x1], $0x20, s3, s10, $0xb8;
	[tilespmem:$0xCF08] =	vst v63  }
0x90: {  	_ =	swait.ge [sflag:s7], $0x7D00  }
0x91: {  	[sflag:s7] =	ssyncset.done $0x0  }
0x92: {  	[sflag:s7] =	ssyncadd.s32 $0xFFFF8300  }
0x93: {  	[tilespmem:s3], [sflag:$0x1] =	stream.linear.gather [hbm4b:s13+s3], $0x3E8, $0x38;
	[tilespmem:$0xCF08] =	vst v63  }
0x94: {  	_ =	swait.ge [sflag:s7], $0x3E8  }
0x95: {  	[sflag:s7] =	ssyncset.done $0x0  }
0x96: {  	[sflag:s7] =	ssyncadd.s32 $0xFFFFFC18  }
0x97: {  	[tilespmem:s10], [sflag:$0x1] =	stream.linear.gather [hbm4b:s12+s3], $0x7D00, $0x38;
	[tilespmem:$0xCF08] =	vst v63  }
0x98: {  	_ =	swait.ge [sflag:s7], $0x7D00  }
0x99: {  	[sflag:s7] =	ssyncset.done $0x0  }
0x9a: {  	[sflag:s7] =	ssyncadd.s32 $0xFFFF8300  }
0x9b: {  	[spmem:s2] =	stream.indirect.scatter.add.f32 [tilespmem:s10], [sflag:$0x1], $0x20, s3, s10, $0xb8;
	[tilespmem:$0xCF08] =	vst v63  }
0x9c: {  	_ =	swait.ge [sflag:s7], $0x7D00  }
0x9d: {  	[sflag:s7] =	ssyncset.done $0x0  }
0x9e: {  	[sflag:s7] =	ssyncadd.s32 $0xFFFF8300  }
0x9f: {  	[tilespmem:s3], [sflag:$0x1] =	stream.linear.gather [hbm4b:s11+s3], $0x3E8, $0x38;
	[tilespmem:$0xCF08] =	vst v63  }
0xa0: {  	_ =	swait.ge [sflag:s7], $0x3E8  }
0xa1: {  	[sflag:s7] =	ssyncset.done $0x0  }
0xa2: {  	[sflag:s7] =	ssyncadd.s32 $0xFFFFFC18  }
0xa3: {  	[tilespmem:s10], [sflag:$0x1] =	stream.linear.gather [hbm4b:s9+s3], $0x7D00, $0x38;
	[tilespmem:$0xCF08] =	vst v63  }
0xa4: {  	_ =	swait.ge [sflag:s7], $0x7D00  }
0xa5: {  	[sflag:s7] =	ssyncset.done $0x0  }
0xa6: {  	[sflag:s7] =	ssyncadd.s32 $0xFFFF8300  }
0xa7: {  	[spmem:s2] =	stream.indirect.scatter.add.f32 [tilespmem:s10], [sflag:$0x1], $0x20, s3, s10, $0xb8;
	[tilespmem:$0xCF08] =	vst v63  }
0xa8: {  	_ =	swait.ge [sflag:s7], $0x7D00  }
0xa9: {  	[sflag:s7] =	ssyncset.done $0x0  }
0xaa: {  	[sflag:s7] =	ssyncadd.s32 $0xFFFF8300  }
0xab: {  	[bflag:$0x0] =	sbarrier.arrive $0xFFFF  }
0xac: {  	[tilespmem:s21], [sflag:$0x1] =	stream.linear.gather @!p0 [spmem:s4], $0x7D00, $0x38;
	[tilespmem:$0xCF08] =	vst v63  }
0xad: {  	_ =	swait.ge @!p0 [sflag:s23], $0x7D00  }
.Ltmp2:
0xae: {  	[sflag:s23] =	ssyncset.done @!p0 $0x0;
	(pc) =	sbr.rel @p2 .LBB2_4-.Ltmp2, $4  }
0xaf: {  	[sflag:s23] =	ssyncadd.s32 @!p0 $0xFFFF8300  }
0xb0: {  	[hbm4b:s5+s8] =	stream.linear.scatter @!p0 [tilespmem:s21], [sflag:$0x1], $0x7D00, $0x38;
	[tilespmem:$0xCF08] =	vst v63  }
0xb1: {  	s8 =	smov.u32 s24;
	_ =	swait.ge @!p0 [sflag:s23], $0x7D00  }
0xb2: {  	[sflag:s23] =	ssyncset.done @!p0 $0x0  }
.LBB2_5:
0xb3: {  	p1 =	por p0, !p1  }
0xb4: {  	s21 =	simm.s32 @!p0 $0x3E8;
	[sflag:s23] =	ssyncadd.s32 @!p1 $0xFFFF8300  }
0xb5: {  	[tilespmem:s21], [sflag:$0x1] =	stream.linear.gather @!p0 [hbm4b:s20+s8], $0x7D00, $0x38;
	[tilespmem:$0xCF08] =	vst v63  }
0xb6: {  	_ =	swait.ge @!p0 [sflag:s6], $0x7D00  }
0xb7: {  	[sflag:s6] =	ssyncset.done @!p0 $0x0  }
0xb8: {  	[sflag:s6] =	ssyncadd.s32 @!p0 $0xFFFF8300  }
0xb9: {  	[spmem:s4] =	stream.linear.scatter @!p0 [tilespmem:s21], [sflag:$0x1], $0x7D00, $0x38;
	[tilespmem:$0xCF08] =	vst v63  }
0xba: {  	_ =	swait.ge @!p0 [sflag:s6], $0x7D00  }
0xbb: {  	[sflag:s6] =	ssyncset.done @!p0 $0x0  }
0xbc: {  	[sflag:s6] =	ssyncadd.s32 @!p0 $0xFFFF8300  }
0xbd: {  	[bflag:$0x0] =	sbarrier.arrive $0xFFFF  }
0xbe: {  	[tilespmem:s3], [sflag:$0x1] =	stream.linear.gather [hbm4b:s19+s3], $0x3E8, $0x38;
	[tilespmem:$0xCF08] =	vst v63  }
0xbf: {  	_ =	swait.ge [sflag:s7], $0x3E8  }
0xc0: {  	[sflag:s7] =	ssyncset.done $0x0  }
0xc1: {  	[sflag:s7] =	ssyncadd.s32 $0xFFFFFC18  }
0xc2: {  	[tilespmem:s10], [sflag:$0x1] =	stream.linear.gather [hbm4b:s18+s3], $0x7D00, $0x38;
	[tilespmem:$0xCF08] =	vst v63  }
0xc3: {  	_ =	swait.ge [sflag:s7], $0x7D00  }
0xc4: {  	[sflag:s7] =	ssyncset.done $0x0  }
0xc5: {  	[sflag:s7] =	ssyncadd.s32 $0xFFFF8300  }
0xc6: {  	[spmem:s2] =	stream.indirect.scatter.add.f32 [tilespmem:s10], [sflag:$0x1], $0x20, s3, s10, $0xb8;
	[tilespmem:$0xCF08] =	vst v63  }
0xc7: {  	_ =	swait.ge [sflag:s7], $0x7D00  }
0xc8: {  	[sflag:s7] =	ssyncset.done $0x0  }
0xc9: {  	[sflag:s7] =	ssyncadd.s32 $0xFFFF8300  }
0xca: {  	[tilespmem:s3], [sflag:$0x1] =	stream.linear.gather [hbm4b:s17+s3], $0x3E8, $0x38;
	[tilespmem:$0xCF08] =	vst v63  }
0xcb: {  	_ =	swait.ge [sflag:s7], $0x3E8  }
0xcc: {  	[sflag:s7] =	ssyncset.done $0x0  }
0xcd: {  	[sflag:s7] =	ssyncadd.s32 $0xFFFFFC18  }
0xce: {  	[tilespmem:s10], [sflag:$0x1] =	stream.linear.gather [hbm4b:s16+s3], $0x7D00, $0x38;
	[tilespmem:$0xCF08] =	vst v63  }
0xcf: {  	_ =	swait.ge [sflag:s7], $0x7D00  }
0xd0: {  	[sflag:s7] =	ssyncset.done $0x0  }
0xd1: {  	[sflag:s7] =	ssyncadd.s32 $0xFFFF8300  }
0xd2: {  	[spmem:s2] =	stream.indirect.scatter.add.f32 [tilespmem:s10], [sflag:$0x1], $0x20, s3, s10, $0xb8;
	[tilespmem:$0xCF08] =	vst v63  }
0xd3: {  	_ =	swait.ge [sflag:s7], $0x7D00  }
0xd4: {  	[sflag:s7] =	ssyncset.done $0x0  }
0xd5: {  	[sflag:s7] =	ssyncadd.s32 $0xFFFF8300  }
0xd6: {  	[tilespmem:s3], [sflag:$0x1] =	stream.linear.gather [hbm4b:s15+s3], $0x3E8, $0x38;
	[tilespmem:$0xCF08] =	vst v63  }
0xd7: {  	_ =	swait.ge [sflag:s7], $0x3E8  }
0xd8: {  	[sflag:s7] =	ssyncset.done $0x0  }
0xd9: {  	[sflag:s7] =	ssyncadd.s32 $0xFFFFFC18  }
0xda: {  	[tilespmem:s10], [sflag:$0x1] =	stream.linear.gather [hbm4b:s14+s3], $0x7D00, $0x38;
	[tilespmem:$0xCF08] =	vst v63  }
0xdb: {  	_ =	swait.ge [sflag:s7], $0x7D00  }
0xdc: {  	[sflag:s7] =	ssyncset.done $0x0  }
0xdd: {  	[sflag:s7] =	ssyncadd.s32 $0xFFFF8300  }
0xde: {  	[spmem:s2] =	stream.indirect.scatter.add.f32 [tilespmem:s10], [sflag:$0x1], $0x20, s3, s10, $0xb8;
	[tilespmem:$0xCF08] =	vst v63  }
0xdf: {  	_ =	swait.ge [sflag:s7], $0x7D00  }
0xe0: {  	[sflag:s7] =	ssyncset.done $0x0  }
0xe1: {  	[sflag:s7] =	ssyncadd.s32 $0xFFFF8300  }
0xe2: {  	[tilespmem:s3], [sflag:$0x1] =	stream.linear.gather [hbm4b:s13+s3], $0x3E8, $0x38;
	[tilespmem:$0xCF08] =	vst v63  }
0xe3: {  	_ =	swait.ge [sflag:s7], $0x3E8  }
0xe4: {  	[sflag:s7] =	ssyncset.done $0x0  }
0xe5: {  	[sflag:s7] =	ssyncadd.s32 $0xFFFFFC18  }
0xe6: {  	[tilespmem:s10], [sflag:$0x1] =	stream.linear.gather [hbm4b:s12+s3], $0x7D00, $0x38;
	[tilespmem:$0xCF08] =	vst v63  }
0xe7: {  	_ =	swait.ge [sflag:s7], $0x7D00  }
0xe8: {  	[sflag:s7] =	ssyncset.done $0x0  }
0xe9: {  	[sflag:s7] =	ssyncadd.s32 $0xFFFF8300  }
0xea: {  	[spmem:s2] =	stream.indirect.scatter.add.f32 [tilespmem:s10], [sflag:$0x1], $0x20, s3, s10, $0xb8;
	[tilespmem:$0xCF08] =	vst v63  }
0xeb: {  	_ =	swait.ge [sflag:s7], $0x7D00  }
0xec: {  	[sflag:s7] =	ssyncset.done $0x0  }
0xed: {  	[sflag:s7] =	ssyncadd.s32 $0xFFFF8300  }
0xee: {  	[tilespmem:s3], [sflag:$0x1] =	stream.linear.gather [hbm4b:s11+s3], $0x3E8, $0x38;
	[tilespmem:$0xCF08] =	vst v63  }
0xef: {  	_ =	swait.ge [sflag:s7], $0x3E8  }
0xf0: {  	[sflag:s7] =	ssyncset.done $0x0  }
0xf1: {  	[sflag:s7] =	ssyncadd.s32 $0xFFFFFC18  }
0xf2: {  	[tilespmem:s10], [sflag:$0x1] =	stream.linear.gather [hbm4b:s9+s3], $0x7D00, $0x38;
	[tilespmem:$0xCF08] =	vst v63  }
0xf3: {  	_ =	swait.ge [sflag:s7], $0x7D00  }
0xf4: {  	[sflag:s7] =	ssyncset.done $0x0  }
0xf5: {  	[sflag:s7] =	ssyncadd.s32 $0xFFFF8300  }
0xf6: {  	[spmem:s2] =	stream.indirect.scatter.add.f32 [tilespmem:s10], [sflag:$0x1], $0x20, s3, s10, $0xb8;
	[tilespmem:$0xCF08] =	vst v63  }
0xf7: {  	_ =	swait.ge [sflag:s7], $0x7D00  }
0xf8: {  	[sflag:s7] =	ssyncset.done $0x0  }
0xf9: {  	[sflag:s7] =	ssyncadd.s32 $0xFFFF8300  }
0xfa: {  	[bflag:$0x0] =	sbarrier.arrive $0xFFFF  }
0xfb: {  	[tilespmem:s21], [sflag:$0x1] =	stream.linear.gather @!p0 [spmem:s4], $0x7D00, $0x38;
	[tilespmem:$0xCF08] =	vst v63  }
0xfc: {  	_ =	swait.ge @!p0 [sflag:s6], $0x7D00  }
0xfd: {  	[sflag:s6] =	ssyncset.done @!p0 $0x0  }
0xfe: {  	[sflag:s6] =	ssyncadd.s32 @!p0 $0xFFFF8300  }
0xff: {  	[hbm4b:s5+s8] =	stream.linear.scatter @!p0 [tilespmem:s21], [sflag:$0x1], $0x7D00, $0x38;
	[tilespmem:$0xCF08] =	vst v63  }
0x100: {  	_ =	swait.ge @!p0 [sflag:s6], $0x7D00  }
0x101: {  	[sflag:s6] =	ssyncset.done @!p0 $0x0  }
0x102: {  	[sflag:s6] =	ssyncadd.s32 @!p0 $0xFFFF8300  }
0x103: {  	_ =	sfence.sel $0x180000  }
0x104: {  	[bflag:$0x0] =	sbarrier.arrive $0xFFFF  }
0x105: {  	p0 =	sne.s32 s1, $0x0;
	_ =	strace $0x90000047  }
0x106: {  	s0 =	sadd.s32 @!p0 $0x100000, s0;
	[bflag:$0x2] =	sbarrier.arrive $0xFFFF  }
0x107: {  	[sflag:s0] =	ssyncadd.tile.s32 @!p0 $0x1;
	_ =	shalt  }
.LBB2_1:
.Ltmp3:
0x108: {  	(pc) =	sbr.rel .LBB2_5-.Ltmp3, $2  }
0x109: {  	_ =	sdelay $0x2  }
0x10a: {  	_ = 	snop  }
.LBB2_3:
.Ltmp4:
0x10b: {  	(pc) =	sbr.rel .LBB2_5-.Ltmp4, $2  }
0x10c: {  	_ =	sdelay $0x2  }
0x10d: {  	s23 =	simm.s32 @!p0 $0x1  }
.Lfunc_end2:
_tile_overlayer_lowered:
.L_overlay_start_2:
0x10e: {  	(tag) =	ssettag $0x2  }
0x10f: {  	s0 =	rddreg [dreg:$0x0];
	s2 =	stileid.u32  }
0x110: {  	s1 =	rddreg [dreg:$0x1];
	p0 =	sne.s32 s2, $0x0  }
0x111: {  	s3 =	rddreg [dreg:$0x2];
	[bflag:$0x3] =	sbarrier.arrive $0xFFFF;
	s2 =	simm.s32 @!p0 $0x1C01  }
0x112: {  	[timem:s3], [sflag:s2] =	dma.local @!p0 [hbm:s0], s1  }
0x113: {  	s0 =	simm.s32 @!p0 $0x1  }
0x114: {  	_ =	swait.ge @!p0 [sflag:s0], s1  }
0x115: {  	s1 =	ssub.s32 @!p0 $0x0, s1;
	[sflag:s0] =	ssyncset.done @!p0 $0x0  }
0x116: {  	[sflag:s0] =	ssyncadd.s32 @!p0 s1  }
0x117: {  	[bflag:$0x3] =	sbarrier.arrive $0xFFFF  }
0x118: {  	_ =	shalt  }

// kernel: kernel.20.cloned.1.call-start
scs
__scs_entry_jumppad:
0x0: {  	(pc) =	sbr.rel $0x88, $3  }
0x1: {  	(tag) =	ssettag $0x0;
	lr =	simm.s32 $0x1  }
0x2: {  	[smem:$0x3F91] =	sst lr;
	_ =	strace $0xD0000000  }
0x3: {  	_ = 	snop  }
0x4: {  	_ = 	snop  }
0x5: {  	_ = 	snop  }
0x6: {  	_ = 	snop  }
0x7: {  	_ = 	snop  }
__scs_overlays_trampoline_lowered:
0x8: {  	[smem:$0x3FA0] =	sst s0  }
0x9: {  	[smem:$0x3FA1] =	sst s1  }
0xa: {  	[smem:$0x3FA2] =	sst s2  }
0xb: {  	[smem:$0x3FA3] =	sst s3  }
0xc: {  	[smem:$0x3FA4] =	sst s4  }
0xd: {  	[smem:$0x3FA5] =	sst s5  }
0xe: {  	[smem:$0x3FA6] =	sst s6  }
0xf: {  	[smem:$0x3FA7] =	sst s7  }
0x10: {  	[smem:$0x3FA8] =	sst s8  }
0x11: {  	[smem:$0x3FA9] =	sst s9;
	s0 =	simm.s32 @!p0 $0x0  }
0x12: {  	s1 =	sld [smem:$0x3F8F];
	s0 =	simm.s32 @p0 $0x1  }
0x13: {  	[smem:$0x3FAA] =	sst s0;
	s0 =	simm.s32 @!p1 $0x0  }
0x14: {  	s2 =	sld [smem:$0x3F8E];
	s0 =	simm.s32 @p1 $0x1  }
0x15: {  	[smem:$0x3FAB] =	sst s0;
	s0 =	simm.s32 @!p2 $0x0  }
0x16: {  	s3 =	sld [smem:$0x3FDB];
	s0 =	simm.s32 @p2 $0x1  }
0x17: {  	s4 =	simm.s32 $0x1BF5;
	[smem:$0x3FAD] =	sst s0  }
0x18: {  	s0 =	sld [smem:$0x3F90];
	_ =	swait.ge [sflag:s4], $0x0  }
0x19: {  	s7 =	sld [smem:$0x3F91]  }
0x1a: {  	s8 =	sadd.s32 $0xFFFFE003, lr  }
0x1b: {  	s9 =	sadd.s32 $0xFFFFFEF7, lr;
	s5 =	simm.s32 $0xFFFFFFFF;
	p2 =	slt.u32 s8, $0xFFFFF086  }
0x1c: {  	p1 =	slt.u32 s9, $0xF7A;
	s5 =	simm.s32 @!p2 $0x0  }
0x1d: {  	s5 =	simm.s32 @p1 $0x1;
	p0 =	seq.s32 s7, s2  }
0x1e: {  	s7 =	smul.u32 @!p0 $0xF7A, s2;
	p2 =	seq.s32 @!p0 s5, $0x0  }
0x1f: {  	s9 =	smul.u32 $0xF7A, s1;
	s8 =	simm.s32 @!p0 $0x1BF5;
	p2 =	por !p2, p0  }
0x20: {  	[sflag:s8] =	ssyncset.s32 @!p0 $0xFFFFF086;
	s6 =	sadd.s32 @!p0 s3, s7;
	s7 =	simm.s32 @!p0 $0x108  }
0x21: {  	s3 =	sadd.s32 s3, s9;
	s6 =	sadd.s32 @!p0 $0x88, s6;
	s7 =	simm.s32 @p2 $0x1082  }
0x22: {  	[simem:s7], [sflag:s8] =	dma.local @!p0 [hbm:s6], $0xF7A  }
0x23: {  	s9 =	sor.u32 $0xD0000000, s2;
	s6 =	simm.s32 $0x108;
	_ =	swait.ge @!p0 [sflag:s8], $0x0  }
0x24: {  	s3 =	sadd.s32 $0x88, s3;
	s6 =	simm.s32 @!p1 $0x1082;
	[sflag:s4] =	ssyncset.s32 $0xFFFFF086  }
0x25: {  	[simem:s6], [sflag:s4] =	dma.local [hbm:s3], $0xF7A  }
0x26: {  	[smem:$0x3F91] =	sst s1;
	(tag) =	ssettag s2;
	_ =	strace s9  }
0x27: {  	s1 =	sld [smem:$0x3FA1]  }
0x28: {  	s2 =	sld [smem:$0x3FA2]  }
0x29: {  	s4 =	sld [smem:$0x3FA4]  }
0x2a: {  	p0 =	seq.s32 s5, $0x0;
	s5 =	sld [smem:$0x3FA5]  }
0x2b: {  	s6 =	sld [smem:$0x3FA6]  }
0x2c: {  	s7 =	sld [smem:$0x3FA7]  }
0x2d: {  	s3 =	simm.s32 $0x108;
	s8 =	sld [smem:$0x3FA8]  }
0x2e: {  	s3 =	simm.s32 @!p0 $0x1082;
	s9 =	sld [smem:$0x3FA9]  }
0x2f: {  	lr =	sadd.s32 s0, s3;
	s0 =	sld [smem:$0x3FA0]  }
0x30: {  	s3 =	sld [smem:$0x3FA3]  }
0x31: {  	[smem:$0x3FAC] =	sst s10  }
0x32: {  	s10 =	sld [smem:$0x3FAA];
	_ =	sdelay $0x3  }
0x33: {  	p0 =	seq.s32 s10, $0x1;
	s10 =	sld [smem:$0x3FAC];
	_ =	sdelay $0x3  }
0x34: {  	[smem:$0x3FAC] =	sst s10  }
0x35: {  	s10 =	sld [smem:$0x3FAB];
	_ =	sdelay $0x3  }
0x36: {  	p1 =	seq.s32 s10, $0x1;
	s10 =	sld [smem:$0x3FAC];
	_ =	sdelay $0x3  }
0x37: {  	[smem:$0x3FAC] =	sst s10  }
0x38: {  	s10 =	sld [smem:$0x3FAD]  }
0x39: {  	_ = 	snop;
	(pc) =	sbr.ind lr, $3  }
0x3a: {  	_ = 	snop  }
0x3b: {  	_ = 	snop  }
0x3c: {  	p2 =	seq.s32 s10, $0x1;
	s10 =	sld [smem:$0x3FAC]  }
0x3d: {  	_ =	shalt  }
0x3e: {  	_ =	shalt  }
0x3f: {  	_ =	shalt  }
0x40: {  	_ =	shalt  }
0x41: {  	_ =	shalt  }
0x42: {  	_ =	shalt  }
0x43: {  	_ =	shalt  }
0x44: {  	_ =	shalt  }
0x45: {  	_ =	shalt  }
0x46: {  	_ =	shalt  }
0x47: {  	_ =	shalt  }
0x48: {  	_ =	shalt  }
0x49: {  	_ =	shalt  }
0x4a: {  	_ =	shalt  }
0x4b: {  	_ =	shalt  }
0x4c: {  	_ =	shalt  }
0x4d: {  	_ =	shalt  }
0x4e: {  	_ =	shalt  }
0x4f: {  	_ =	shalt  }
0x50: {  	_ =	shalt  }
0x51: {  	_ =	shalt  }
0x52: {  	_ =	shalt  }
0x53: {  	_ =	shalt  }
0x54: {  	_ =	shalt  }
0x55: {  	_ =	shalt  }
0x56: {  	_ =	shalt  }
0x57: {  	_ =	shalt  }
0x58: {  	_ =	shalt  }
0x59: {  	_ =	shalt  }
0x5a: {  	_ =	shalt  }
0x5b: {  	_ =	shalt  }
0x5c: {  	_ =	shalt  }
0x5d: {  	_ =	shalt  }
0x5e: {  	_ =	shalt  }
0x5f: {  	_ =	shalt  }
0x60: {  	_ =	shalt  }
0x61: {  	_ =	shalt  }
0x62: {  	_ =	shalt  }
0x63: {  	_ =	shalt  }
0x64: {  	_ =	shalt  }
0x65: {  	_ =	shalt  }
0x66: {  	_ =	shalt  }
0x67: {  	_ =	shalt  }
0x68: {  	_ =	shalt  }
0x69: {  	_ =	shalt  }
0x6a: {  	_ =	shalt  }
0x6b: {  	_ =	shalt  }
0x6c: {  	_ =	shalt  }
0x6d: {  	_ =	shalt  }
0x6e: {  	_ =	shalt  }
0x6f: {  	_ =	shalt  }
0x70: {  	_ =	shalt  }
0x71: {  	_ =	shalt  }
0x72: {  	_ =	shalt  }
0x73: {  	_ =	shalt  }
0x74: {  	_ =	shalt  }
0x75: {  	_ =	shalt  }
0x76: {  	_ =	shalt  }
0x77: {  	_ =	shalt  }
0x78: {  	_ =	shalt  }
0x79: {  	_ =	shalt  }
0x7a: {  	_ =	shalt  }
0x7b: {  	_ =	shalt  }
0x7c: {  	_ =	shalt  }
0x7d: {  	_ =	shalt  }
0x7e: {  	_ =	shalt  }
0x7f: {  	_ =	shalt  }
0x80: {  	_ =	shalt  }
0x81: {  	_ =	shalt  }
0x82: {  	_ =	shalt  }
0x83: {  	_ =	shalt  }
0x84: {  	_ =	shalt  }
0x85: {  	_ =	shalt  }
0x86: {  	_ =	shalt  }
0x87: {  	_ =	shalt  }
.Lfunc_end0:
.L_simem_size_0:
called_computation.1_lowered:
.L_overlay_start_0:
0x88: {  	s2 =	sld [smem:$0x3FD9]  }
0x89: {  	s3 =	sld [smem:$0x3FFE];
	_ =	sdelay $0x1  }
0x8a: {  	s1 =	srdreg.scid  }
0x8b: {  	s0 =	sand.u32 $0x1, s1  }
0x8c: {  	s16 =	sshll.u32 s0, $0xA;
	s2 =	sadd.s32 s3, s2  }
0x8d: {  	s2 =	sadd.s32 s2, s16  }
0x8e: {  	[smem:$0x3FB8] =	sst s2  }
0x8f: {  	_ = 	snop  }
0x90: {  	(tm) =	ssettm $0x1  }
0x91: {  	s17 =	sld [smem:$0x3FFB];
	_ =	sdelay $0x3  }
0x92: {  	_ =	strace s17  }
0x93: {  	s2 =	sld [smem:$0x3FFC];
	_ =	sdelay $0x3  }
0x94: {  	_ =	strace s2  }
0x95: {  	s2 =	sld [smem:$0x3FFD];
	_ =	sdelay $0x3  }
0x96: {  	_ =	strace s2  }
0x97: {  	_ =	strace $0x8FFFFFFF  }
0x98: {  	s18 =	sld [smem:$0x3FDB];
	_ =	sdelay $0x1  }
0x99: {  	s19 =	simm.s32 $_scs_section_size  }
0x9a: {  	s4 =	simm.s32 $_size__tile_overlayer_lowered;
	s5 =	simm.s32 $_tile_overlayer_lowered  }
0x9b: {  	s22 =	simm.s32 $0x1BFF;
	s21 =	sshll.u32 s5, $0x1;
	s2 =	sadd.s32 s19, s18  }
0x9c: {  	s6 =	simm.s32 $0x0;
	s20 =	sshll.u32 s4, $0x1;
	s4 =	sadd.s32 s21, s2  }
0x9d: {  	[timem:s6], [sflag:s22] =	dma.local [hbm:s4], s20  }
0x9e: {  	_ =	swait.ge [sflag:s22], s20  }
0x9f: {  	s3 =	ssub.s32 $0x0, s20;
	[sflag:s22] =	ssyncset.done $0x0  }
0xa0: {  	[sflag:s22] =	ssyncadd.s32 s3;
	_ =	sdelay $0x1  }
0xa1: {  	s23 =	simm.s32 $0x1B8B  }
0xa2: {  	_ =	swait.ge [sflag:s23], $0x1  }
0xa3: {  	[sflag:s23] =	ssyncset.done $0x0  }
0xa4: {  	s25 =	simm.s32 $0x1B8E;
	s24 =	sld [smem:$0x3FFE];
	[sflag:s23] =	ssyncadd.s32 $0xFFFFFFFF  }
0xa5: {  	s26 =	simm.s32 $execute0_lowered;
	[smem:$0x3FD2] =	sst s25  }
0xa6: {  	s4 =	sshll.u32 s26, $0x1;
	_ =	strace $0x80000049;
	[dreg:$0x1] =	wrdreg $0xFFFFFFFF  }
0xa7: {  	s28 =	simm.s32 $_size_execute0_lowered;
	s2 =	sadd.s32 s2, s4;
	[dreg:$0x0] =	wrdreg $0x0  }
0xa8: {  	s4 =	sshll.u32 s28, $0x1;
	[dreg:$0x2] =	wrdreg s2  }
0xa9: {  	[dreg:$0x3] =	wrdreg s4  }
0xaa: {  	[dreg:$0x4] =	wrdreg $0xC0  }
0xab: {  	_ =	task [dreg:s6], $0x5FFFF  }
0xac: {  	[dreg:$0x1] =	wrdreg $0xFFFFFFFF  }
0xad: {  	[dreg:$0x0] =	wrdreg $0x60  }
0xae: {  	[dreg:$0x2] =	wrdreg s24  }
0xaf: {  	[dreg:$0x3] =	wrdreg $0x9  }
0xb0: {  	_ =	task.clear_ibuf [dreg:s6], $0x4FFFF;
	_ =	strace $0x90000049  }
0xb1: {  	s29 =	simm.s32 $0x9;
	_ =	strace $0x8000004B  }
0xb2: {  	_ =	swait.ge [sflag:s29], $0x1  }
0xb3: {  	[sflag:s29] =	ssyncadd.s32 $0xFFFFFFFF  }
0xb4: {  	_ =	strace $0x9000004B  }
0xb5: {  	_ =	sfence  }
0xb6: {  	s30 =	sld [smem:$0x0];
	_ =	sdelay $0x2  }
0xb7: {  	s31 =	sshll.u32 s1, $0xD;
	s1 =	sshrl.u32 s1, $0x2  }
0xb8: {  	s3 =	sand.u32 $0x4000, s31;
	s1 =	sadd.s32 s1, s30  }
0xb9: {  	s0 =	sor.u32 s3, s0;
	s1 =	sshll.u32 s1, $0x11  }
0xba: {  	s0 =	sor.u32 s1, s0  }
0xbb: {  	s0 =	sadd.s32 $0x8F2B, s0  }
0xbc: {  	[sflag:s0] =	ssyncadd.remote.s32 $0x1  }
0xbd: {  	_ =	sfence.sel $0xFFFF  }
0xbe: {  	[dreg:$0x0] =	wrdreg $0xFFFFFFFF;
	(pc) =	sbr.abs _section_cstart, $3  }
0xbf: {  	[dreg:$0x1] =	wrdreg $0xFFFFFFFF  }
0xc0: {  	_ =	task.clear_ibuf [dreg:s6], $0x2FFFF;
	_ =	strace $0x9FFFFFFF  }
0xc1: {  	(tm) =	ssettm $0x7FFFFFFF  }
tec
execute0_lowered:
.L_overlay_start_1:
0x0: {  	(tag) =	ssettag $0x1  }
0x1: {  	s4 =	rddreg [dreg:$0x0]  }
0x2: {  	s0 =	rddreg [dreg:$0x1]  }
0x3: {  	s3 =	srdreg.scid;
	s1 =	stileid.u32  }
0x4: {  	s2 =	simm.s32 $0x0;
	s10 =	simm.s32 $0x3E8;
	s11 =	simm.s32 $0x80E8  }
0x5: {  	s12 =	simm.s32 $0x1;
	s13 =	simm.s32 $0x0;
	s6 =	smul.u32 $0x2710, s1  }
0x6: {  	s5 =	sand.u32 $0x1, s3;
	[smem:$0x7FF] =	sst s2;
	s28 =	smul.u32 $0x9C40, s1  }
0x7: {  	s3 =	sadd.s32 $0x155400, s4;
	s7 =	smul.u32 $0x1388, s5;
	s8 =	ssub.s32 $0x2, s5  }
0x8: {  	_ =	strace $0x8000004A;
	s5 =	smul.u32 $0x4E20, s5;
	s30 =	sshrl.u32 s8, $0x1  }
0x9: {  	s29 =	sadd.s32 s28, s4;
	s6 =	sadd.s32 s7, s6;
	s7 =	ssub.s32 s8, s30  }
0xa: {  	s31 =	sadd.s32 s5, s29;
	s6 =	sshrl.u32 s6, $0x3;
	s5 =	smax.u32 s7, $0x1  }
0xb: {  	s7 =	sadd.s32 $0xA5600, s31;
	s9 =	sadd.s32 s6, s4;
	s4 =	sadd.s32 $0x15F040, s4  }
0xc: {  	s6 =	sadd.s32 $0x16DE00, s31;
	s8 =	sadd.s32 $0x168E00, s9;
	s9 =	simm.s32 $0x2  }
.LBB2_1:
0xd: {  	[tilespmem:s2], [sflag:$0x2] =	stream.linear.gather [hbm4b:s8+s2], $0x3E8, $0x38;
	[tilespmem:$0xFDE8] =	vst v63  }
0xe: {  	_ =	swait.ge [sflag:s9], $0x3E8  }
0xf: {  	[sflag:s9] =	ssyncset.done $0x0  }
0x10: {  	[sflag:s9] =	ssyncadd.s32 $0xFFFFFC18  }
0x11: {  	[tilespmem:s10], [sflag:$0x1] =	stream.indirect.gather [hbm4b:s3+s10], $0x20, s2, s10, $0xb8;
	[tilespmem:$0xFDE8] =	vst v63  }
0x12: {  	_ = 	snop  }
0x13: {  	[tilespmem:s11], [sflag:$0x1] =	stream.indirect.gather [hbm4b:s4+s10], $0x20, s2, s10, $0xb8;
	[tilespmem:$0xFDE8] =	vst v63  }
0x14: {  	_ =	swait.ge [sflag:s12], $0x7D00  }
0x15: {  	[sflag:s12] =	ssyncset.done $0x0  }
0x16: {  	[sflag:s12] =	ssyncadd.s32 $0xFFFF8300  }
0x17: {  	_ =	swait.ge [sflag:s12], $0x7D00  }
0x18: {  	[sflag:s12] =	ssyncset.done $0x0  }
0x19: {  	s14 =	sadd.s32 $0x0, s7;
	[sflag:s12] =	ssyncadd.s32 $0xFFFF8300  }
0x1a: {  	[hbm4b:s14+s2] =	stream.linear.scatter [tilespmem:s10], [sflag:$0x2], $0x7D00, $0x38;
	[tilespmem:$0xFDE8] =	vst v63  }
0x1b: {  	_ =	swait.ge [sflag:s9], $0x7D00  }
0x1c: {  	[sflag:s9] =	ssyncset.done $0x0  }
0x1d: {  	s31 =	sadd.s32 $0x0, s6;
	[sflag:s9] =	ssyncadd.s32 $0xFFFF8300  }
0x1e: {  	[hbm4b:s31+s2] =	stream.linear.scatter [tilespmem:s11], [sflag:$0x2], $0x7D00, $0x38;
	[tilespmem:$0xFDE8] =	vst v63  }
0x1f: {  	_ =	swait.ge [sflag:s9], $0x7D00  }
0x20: {  	s15 =	smov.u32 s8;
	s14 =	simm.s32 $0xFA0;
	[sflag:s9] =	ssyncset.done $0x0  }
.LBB2_2:
0x21: {  	p0 =	sne.s32 s14, $0x3E80;
	[sflag:s9] =	ssyncadd.s32 $0xFFFF8300;
	s15 =	sadd.s32 $0x7D, s15  }
0x22: {  	[tilespmem:s2], [sflag:$0x2] =	stream.linear.gather [hbm4b:s15+s2], $0x3E8, $0x38;
	[tilespmem:$0xFDE8] =	vst v63  }
0x23: {  	s16 =	smov.u32 s14;
	s14 =	sadd.s32 $0xFA0, s14;
	_ =	swait.ge [sflag:s9], $0x3E8  }
0x24: {  	[sflag:s9] =	ssyncset.done $0x0  }
0x25: {  	[sflag:s9] =	ssyncadd.s32 $0xFFFFFC18  }
0x26: {  	[tilespmem:s10], [sflag:$0x1] =	stream.indirect.gather [hbm4b:s3+s10], $0x20, s2, s10, $0xb8;
	[tilespmem:$0xFDE8] =	vst v63  }
0x27: {  	_ = 	snop  }
0x28: {  	[tilespmem:s11], [sflag:$0x1] =	stream.indirect.gather [hbm4b:s4+s10], $0x20, s2, s10, $0xb8;
	[tilespmem:$0xFDE8] =	vst v63  }
0x29: {  	_ =	swait.ge [sflag:s12], $0x7D00  }
0x2a: {  	[sflag:s12] =	ssyncset.done $0x0  }
0x2b: {  	[sflag:s12] =	ssyncadd.s32 $0xFFFF8300  }
0x2c: {  	_ =	swait.ge [sflag:s12], $0x7D00  }
0x2d: {  	[sflag:s12] =	ssyncset.done $0x0  }
0x2e: {  	s17 =	sadd.s32 s16, s7;
	[sflag:s12] =	ssyncadd.s32 $0xFFFF8300  }
0x2f: {  	[hbm4b:s17+s2] =	stream.linear.scatter [tilespmem:s10], [sflag:$0x2], $0x7D00, $0x38;
	[tilespmem:$0xFDE8] =	vst v63  }
0x30: {  	_ =	swait.ge [sflag:s9], $0x7D00  }
.Ltmp0:
0x31: {  	[sflag:s9] =	ssyncset.done $0x0;
	(pc) =	sbr.rel @p0 .LBB2_2-.Ltmp0, $4  }
0x32: {  	s16 =	sadd.s32 s16, s6;
	[sflag:s9] =	ssyncadd.s32 $0xFFFF8300  }
0x33: {  	[hbm4b:s16+s2] =	stream.linear.scatter [tilespmem:s11], [sflag:$0x2], $0x7D00, $0x38;
	[tilespmem:$0xFDE8] =	vst v63  }
0x34: {  	_ =	swait.ge [sflag:s9], $0x7D00  }
0x35: {  	[sflag:s9] =	ssyncset.done $0x0  }
0x36: {  	s13 =	sadd.s32 $0x1, s13  }
0x37: {  	p0 =	sne.s32 s13, s5  }
.Ltmp1:
0x38: {  	_ = 	snop;
	(pc) =	sbr.rel @p0 .LBB2_1-.Ltmp1, $2  }
0x39: {  	_ =	sdelay $0x2  }
0x3a: {  	[sflag:s9] =	ssyncadd.s32 $0xFFFF8300  }
0x3b: {  	_ =	sfence.sel $0x180000  }
0x3c: {  	[bflag:$0x0] =	sbarrier.arrive $0xFFFF  }
0x3d: {  	p0 =	sne.s32 s1, $0x0;
	_ =	strace $0x9000004A  }
0x3e: {  	s0 =	sadd.s32 @!p0 $0x100000, s0;
	[bflag:$0x2] =	sbarrier.arrive $0xFFFF  }
0x3f: {  	[sflag:s0] =	ssyncadd.tile.s32 @!p0 $0x1;
	_ =	shalt  }
.Lfunc_end2:
_tile_overlayer_lowered:
.L_overlay_start_2:
0x40: {  	(tag) =	ssettag $0x2  }
0x41: {  	s0 =	rddreg [dreg:$0x0];
	s2 =	stileid.u32  }
0x42: {  	s1 =	rddreg [dreg:$0x1];
	p0 =	sne.s32 s2, $0x0  }
0x43: {  	s3 =	rddreg [dreg:$0x2];
	[bflag:$0x3] =	sbarrier.arrive $0xFFFF;
	s2 =	simm.s32 @!p0 $0x1C02  }
0x44: {  	[timem:s3], [sflag:s2] =	dma.local @!p0 [hbm:s0], s1  }
0x45: {  	s0 =	simm.s32 @!p0 $0x2  }
0x46: {  	_ =	swait.ge @!p0 [sflag:s0], s1  }
0x47: {  	s1 =	ssub.s32 @!p0 $0x0, s1;
	[sflag:s0] =	ssyncset.done @!p0 $0x0  }
0x48: {  	[sflag:s0] =	ssyncadd.s32 @!p0 s1  }
0x49: {  	[bflag:$0x3] =	sbarrier.arrive $0xFFFF  }
0x4a: {  	_ =	shalt  }

// kernel: kernel.23.cloned.1.call-start
scs
__scs_entry_jumppad:
0x0: {  	(pc) =	sbr.rel $0x88, $3  }
0x1: {  	(tag) =	ssettag $0x0;
	lr =	simm.s32 $0x1  }
0x2: {  	[smem:$0x3F91] =	sst lr;
	_ =	strace $0xD0000000  }
0x3: {  	_ = 	snop  }
0x4: {  	_ = 	snop  }
0x5: {  	_ = 	snop  }
0x6: {  	_ = 	snop  }
0x7: {  	_ = 	snop  }
__scs_overlays_trampoline_lowered:
0x8: {  	[smem:$0x3FA0] =	sst s0  }
0x9: {  	[smem:$0x3FA1] =	sst s1  }
0xa: {  	[smem:$0x3FA2] =	sst s2  }
0xb: {  	[smem:$0x3FA3] =	sst s3  }
0xc: {  	[smem:$0x3FA4] =	sst s4  }
0xd: {  	[smem:$0x3FA5] =	sst s5  }
0xe: {  	[smem:$0x3FA6] =	sst s6  }
0xf: {  	[smem:$0x3FA7] =	sst s7  }
0x10: {  	[smem:$0x3FA8] =	sst s8  }
0x11: {  	[smem:$0x3FA9] =	sst s9;
	s0 =	simm.s32 @!p0 $0x0  }
0x12: {  	s1 =	sld [smem:$0x3F8F];
	s0 =	simm.s32 @p0 $0x1  }
0x13: {  	[smem:$0x3FAA] =	sst s0;
	s0 =	simm.s32 @!p1 $0x0  }
0x14: {  	s2 =	sld [smem:$0x3F8E];
	s0 =	simm.s32 @p1 $0x1  }
0x15: {  	[smem:$0x3FAB] =	sst s0;
	s0 =	simm.s32 @!p2 $0x0  }
0x16: {  	s3 =	sld [smem:$0x3FDB];
	s0 =	simm.s32 @p2 $0x1  }
0x17: {  	s4 =	simm.s32 $0x1BF5;
	[smem:$0x3FAD] =	sst s0  }
0x18: {  	s0 =	sld [smem:$0x3F90];
	_ =	swait.ge [sflag:s4], $0x0  }
0x19: {  	s7 =	sld [smem:$0x3F91]  }
0x1a: {  	s8 =	sadd.s32 $0xFFFFE003, lr  }
0x1b: {  	s9 =	sadd.s32 $0xFFFFFEF7, lr;
	s5 =	simm.s32 $0xFFFFFFFF;
	p2 =	slt.u32 s8, $0xFFFFF086  }
0x1c: {  	p1 =	slt.u32 s9, $0xF7A;
	s5 =	simm.s32 @!p2 $0x0  }
0x1d: {  	s5 =	simm.s32 @p1 $0x1;
	p0 =	seq.s32 s7, s2  }
0x1e: {  	s7 =	smul.u32 @!p0 $0xF7A, s2;
	p2 =	seq.s32 @!p0 s5, $0x0  }
0x1f: {  	s9 =	smul.u32 $0xF7A, s1;
	s8 =	simm.s32 @!p0 $0x1BF5;
	p2 =	por !p2, p0  }
0x20: {  	[sflag:s8] =	ssyncset.s32 @!p0 $0xFFFFF086;
	s6 =	sadd.s32 @!p0 s3, s7;
	s7 =	simm.s32 @!p0 $0x108  }
0x21: {  	s3 =	sadd.s32 s3, s9;
	s6 =	sadd.s32 @!p0 $0x88, s6;
	s7 =	simm.s32 @p2 $0x1082  }
0x22: {  	[simem:s7], [sflag:s8] =	dma.local @!p0 [hbm:s6], $0xF7A  }
0x23: {  	s9 =	sor.u32 $0xD0000000, s2;
	s6 =	simm.s32 $0x108;
	_ =	swait.ge @!p0 [sflag:s8], $0x0  }
0x24: {  	s3 =	sadd.s32 $0x88, s3;
	s6 =	simm.s32 @!p1 $0x1082;
	[sflag:s4] =	ssyncset.s32 $0xFFFFF086  }
0x25: {  	[simem:s6], [sflag:s4] =	dma.local [hbm:s3], $0xF7A  }
0x26: {  	[smem:$0x3F91] =	sst s1;
	(tag) =	ssettag s2;
	_ =	strace s9  }
0x27: {  	s1 =	sld [smem:$0x3FA1]  }
0x28: {  	s2 =	sld [smem:$0x3FA2]  }
0x29: {  	s4 =	sld [smem:$0x3FA4]  }
0x2a: {  	p0 =	seq.s32 s5, $0x0;
	s5 =	sld [smem:$0x3FA5]  }
0x2b: {  	s6 =	sld [smem:$0x3FA6]  }
0x2c: {  	s7 =	sld [smem:$0x3FA7]  }
0x2d: {  	s3 =	simm.s32 $0x108;
	s8 =	sld [smem:$0x3FA8]  }
0x2e: {  	s3 =	simm.s32 @!p0 $0x1082;
	s9 =	sld [smem:$0x3FA9]  }
0x2f: {  	lr =	sadd.s32 s0, s3;
	s0 =	sld [smem:$0x3FA0]  }
0x30: {  	s3 =	sld [smem:$0x3FA3]  }
0x31: {  	[smem:$0x3FAC] =	sst s10  }
0x32: {  	s10 =	sld [smem:$0x3FAA];
	_ =	sdelay $0x3  }
0x33: {  	p0 =	seq.s32 s10, $0x1;
	s10 =	sld [smem:$0x3FAC];
	_ =	sdelay $0x3  }
0x34: {  	[smem:$0x3FAC] =	sst s10  }
0x35: {  	s10 =	sld [smem:$0x3FAB];
	_ =	sdelay $0x3  }
0x36: {  	p1 =	seq.s32 s10, $0x1;
	s10 =	sld [smem:$0x3FAC];
	_ =	sdelay $0x3  }
0x37: {  	[smem:$0x3FAC] =	sst s10  }
0x38: {  	s10 =	sld [smem:$0x3FAD]  }
0x39: {  	_ = 	snop;
	(pc) =	sbr.ind lr, $3  }
0x3a: {  	_ = 	snop  }
0x3b: {  	_ = 	snop  }
0x3c: {  	p2 =	seq.s32 s10, $0x1;
	s10 =	sld [smem:$0x3FAC]  }
0x3d: {  	_ =	shalt  }
0x3e: {  	_ =	shalt  }
0x3f: {  	_ =	shalt  }
0x40: {  	_ =	shalt  }
0x41: {  	_ =	shalt  }
0x42: {  	_ =	shalt  }
0x43: {  	_ =	shalt  }
0x44: {  	_ =	shalt  }
0x45: {  	_ =	shalt  }
0x46: {  	_ =	shalt  }
0x47: {  	_ =	shalt  }
0x48: {  	_ =	shalt  }
0x49: {  	_ =	shalt  }
0x4a: {  	_ =	shalt  }
0x4b: {  	_ =	shalt  }
0x4c: {  	_ =	shalt  }
0x4d: {  	_ =	shalt  }
0x4e: {  	_ =	shalt  }
0x4f: {  	_ =	shalt  }
0x50: {  	_ =	shalt  }
0x51: {  	_ =	shalt  }
0x52: {  	_ =	shalt  }
0x53: {  	_ =	shalt  }
0x54: {  	_ =	shalt  }
0x55: {  	_ =	shalt  }
0x56: {  	_ =	shalt  }
0x57: {  	_ =	shalt  }
0x58: {  	_ =	shalt  }
0x59: {  	_ =	shalt  }
0x5a: {  	_ =	shalt  }
0x5b: {  	_ =	shalt  }
0x5c: {  	_ =	shalt  }
0x5d: {  	_ =	shalt  }
0x5e: {  	_ =	shalt  }
0x5f: {  	_ =	shalt  }
0x60: {  	_ =	shalt  }
0x61: {  	_ =	shalt  }
0x62: {  	_ =	shalt  }
0x63: {  	_ =	shalt  }
0x64: {  	_ =	shalt  }
0x65: {  	_ =	shalt  }
0x66: {  	_ =	shalt  }
0x67: {  	_ =	shalt  }
0x68: {  	_ =	shalt  }
0x69: {  	_ =	shalt  }
0x6a: {  	_ =	shalt  }
0x6b: {  	_ =	shalt  }
0x6c: {  	_ =	shalt  }
0x6d: {  	_ =	shalt  }
0x6e: {  	_ =	shalt  }
0x6f: {  	_ =	shalt  }
0x70: {  	_ =	shalt  }
0x71: {  	_ =	shalt  }
0x72: {  	_ =	shalt  }
0x73: {  	_ =	shalt  }
0x74: {  	_ =	shalt  }
0x75: {  	_ =	shalt  }
0x76: {  	_ =	shalt  }
0x77: {  	_ =	shalt  }
0x78: {  	_ =	shalt  }
0x79: {  	_ =	shalt  }
0x7a: {  	_ =	shalt  }
0x7b: {  	_ =	shalt  }
0x7c: {  	_ =	shalt  }
0x7d: {  	_ =	shalt  }
0x7e: {  	_ =	shalt  }
0x7f: {  	_ =	shalt  }
0x80: {  	_ =	shalt  }
0x81: {  	_ =	shalt  }
0x82: {  	_ =	shalt  }
0x83: {  	_ =	shalt  }
0x84: {  	_ =	shalt  }
0x85: {  	_ =	shalt  }
0x86: {  	_ =	shalt  }
0x87: {  	_ =	shalt  }
.Lfunc_end0:
.L_simem_size_0:
called_computation.2_lowered:
.L_overlay_start_0:
0x88: {  	s2 =	sld [smem:$0x3FD9]  }
0x89: {  	s3 =	sld [smem:$0x3FFE];
	_ =	sdelay $0x1  }
0x8a: {  	s1 =	srdreg.scid  }
0x8b: {  	s0 =	sand.u32 $0x1, s1  }
0x8c: {  	s16 =	sshll.u32 s0, $0xA;
	s2 =	sadd.s32 s3, s2  }
0x8d: {  	s2 =	sadd.s32 s2, s16  }
0x8e: {  	[smem:$0x3FB8] =	sst s2  }
0x8f: {  	_ = 	snop  }
0x90: {  	(tm) =	ssettm $0x1  }
0x91: {  	s17 =	sld [smem:$0x3FFB];
	_ =	sdelay $0x3  }
0x92: {  	_ =	strace s17  }
0x93: {  	s2 =	sld [smem:$0x3FFC];
	_ =	sdelay $0x3  }
0x94: {  	_ =	strace s2  }
0x95: {  	s2 =	sld [smem:$0x3FFD];
	_ =	sdelay $0x3  }
0x96: {  	_ =	strace s2  }
0x97: {  	_ =	strace $0x8FFFFFFF  }
0x98: {  	s18 =	sld [smem:$0x3FDB];
	_ =	sdelay $0x1  }
0x99: {  	s19 =	simm.s32 $_scs_section_size  }
0x9a: {  	s4 =	simm.s32 $_size__tile_overlayer_lowered;
	s5 =	simm.s32 $_tile_overlayer_lowered  }
0x9b: {  	s22 =	simm.s32 $0x1BFF;
	s21 =	sshll.u32 s5, $0x1;
	s2 =	sadd.s32 s19, s18  }
0x9c: {  	s6 =	simm.s32 $0x0;
	s20 =	sshll.u32 s4, $0x1;
	s4 =	sadd.s32 s21, s2  }
0x9d: {  	[timem:s6], [sflag:s22] =	dma.local [hbm:s4], s20  }
0x9e: {  	_ =	swait.ge [sflag:s22], s20  }
0x9f: {  	s3 =	ssub.s32 $0x0, s20;
	[sflag:s22] =	ssyncset.done $0x0  }
0xa0: {  	[sflag:s22] =	ssyncadd.s32 s3;
	_ =	sdelay $0x1  }
0xa1: {  	s23 =	simm.s32 $0x1B8B  }
0xa2: {  	_ =	swait.ge [sflag:s23], $0x1  }
0xa3: {  	[sflag:s23] =	ssyncset.done $0x0  }
0xa4: {  	s25 =	simm.s32 $0x1B8E;
	s24 =	sld [smem:$0x3FFE];
	[sflag:s23] =	ssyncadd.s32 $0xFFFFFFFF  }
0xa5: {  	s26 =	simm.s32 $execute0_lowered;
	[smem:$0x3FD2] =	sst s25  }
0xa6: {  	s4 =	sshll.u32 s26, $0x1;
	_ =	strace $0x8000004C;
	[dreg:$0x1] =	wrdreg $0xFFFFFFFF  }
0xa7: {  	s28 =	simm.s32 $_size_execute0_lowered;
	s2 =	sadd.s32 s2, s4;
	[dreg:$0x0] =	wrdreg $0x0  }
0xa8: {  	s4 =	sshll.u32 s28, $0x1;
	[dreg:$0x2] =	wrdreg s2  }
0xa9: {  	[dreg:$0x3] =	wrdreg s4  }
0xaa: {  	[dreg:$0x4] =	wrdreg $0xC0  }
0xab: {  	_ =	task [dreg:s6], $0x5FFFF  }
0xac: {  	[dreg:$0x1] =	wrdreg $0xFFFFFFFF  }
0xad: {  	[dreg:$0x0] =	wrdreg $0x60  }
0xae: {  	[dreg:$0x2] =	wrdreg s24  }
0xaf: {  	[dreg:$0x3] =	wrdreg $0x80E80  }
0xb0: {  	[dreg:$0x4] =	wrdreg $0x9  }
0xb1: {  	_ =	task.clear_ibuf [dreg:s6], $0x5FFFF;
	_ =	strace $0x9000004C  }
0xb2: {  	s29 =	simm.s32 $0x9;
	_ =	strace $0x8000004E  }
0xb3: {  	_ =	swait.ge [sflag:s29], $0x1  }
0xb4: {  	[sflag:s29] =	ssyncadd.s32 $0xFFFFFFFF  }
0xb5: {  	_ =	strace $0x9000004E  }
0xb6: {  	_ =	sfence  }
0xb7: {  	s30 =	sld [smem:$0x0];
	_ =	sdelay $0x2  }
0xb8: {  	s31 =	sshll.u32 s1, $0xD;
	s1 =	sshrl.u32 s1, $0x2  }
0xb9: {  	s3 =	sand.u32 $0x4000, s31;
	s1 =	sadd.s32 s1, s30  }
0xba: {  	s0 =	sor.u32 s3, s0;
	s1 =	sshll.u32 s1, $0x11  }
0xbb: {  	s0 =	sor.u32 s1, s0  }
0xbc: {  	s0 =	sadd.s32 $0x8F2B, s0  }
0xbd: {  	[sflag:s0] =	ssyncadd.remote.s32 $0x1  }
0xbe: {  	_ =	sfence.sel $0xFFFF  }
0xbf: {  	[dreg:$0x0] =	wrdreg $0xFFFFFFFF;
	(pc) =	sbr.abs _section_cstart, $3  }
0xc0: {  	[dreg:$0x1] =	wrdreg $0xFFFFFFFF  }
0xc1: {  	_ =	task.clear_ibuf [dreg:s6], $0x2FFFF;
	_ =	strace $0x9FFFFFFF  }
0xc2: {  	(tm) =	ssettm $0x7FFFFFFF  }
0xc3: {  	_ =	shalt  }
tec
execute0_lowered:
.L_overlay_start_1:
0x0: {  	(tag) =	ssettag $0x1  }
0x1: {  	s4 =	rddreg [dreg:$0x0]  }
0x2: {  	s2 =	rddreg [dreg:$0x1]  }
0x3: {  	s0 =	rddreg [dreg:$0x2]  }
0x4: {  	s3 =	simm.s32 $0x0;
	s1 =	srdreg.scid;
	p1 =	por $0x0, $0x0  }
0x5: {  	[smem:$0x7FF] =	sst s3;
	s5 =	sadd.s32 $0xA5600, s4;
	s6 =	sadd.s32 $0xA0600, s4  }
0x6: {  	s7 =	sand.u32 $0x1, s1;
	s1 =	stileid.u32;
	_ =	strace $0x8000004D  }
0x7: {  	s8 =	smul.u32 $0x9C40, s7;
	s9 =	ssub.s32 $0x2, s7;
	s10 =	sshll.u32 s1, $0x1  }
0x8: {  	s12 =	smul.u32 $0x7D00, s1;
	p0 =	sgt.u32 s1, $0x9;
	s7 =	sor.u32 s7, s10  }
0x9: {  	s11 =	sshrl.u32 s9, $0x1;
	s8 =	sadd.s32 s8, s4;
	s10 =	smul.u32 $0x1388, s7  }
0xa: {  	s9 =	ssub.s32 s9, s11;
	s21 =	sshrl.u32 s12, $0x3;
	s7 =	smul.u32 $0x4E20, s7  }
0xb: {  	s4 =	sadd.s32 s12, s2;
	s20 =	sadd.s32 $0x155400, s8;
	s8 =	sadd.s32 $0x141A00, s8  }
0xc: {  	s22 =	smax.u32 s9, $0x1;
	s16 =	sshrl.u32 s10, $0x3;
	s17 =	sadd.s32 $0x3E8, s10  }
0xd: {  	s18 =	sadd.s32 s5, s7;
	s24 =	sadd.s32 $0x7D0, s10;
	s26 =	sadd.s32 $0xBB8, s10  }
0xe: {  	s30 =	sadd.s32 $0xFA0, s10;
	s20 =	sadd.s32 @!p0 s21, s20;
	s22 =	sadd.s32 $0xFFFFFFFF, s22  }
0xf: {  	s10 =	simm.s32 $0x3E8;
	s19 =	sadd.s32 s6, s16;
	s23 =	sshrl.u32 s17, $0x3  }
0x10: {  	s9 =	sshll.u32 s17, $0x2;
	s25 =	sshrl.u32 s24, $0x3;
	s7 =	sshll.u32 s24, $0x2  }
0x11: {  	s28 =	sshrl.u32 s26, $0x3;
	s29 =	sshll.u32 s26, $0x2;
	p2 =	sne.s32 s22, $0x0  }
.Ltmp0:
0x12: {  	s31 =	sshrl.u32 s30, $0x3;
	s17 =	sadd.s32 s6, s23;
	(pc) =	sbr.rel @!p2 .LBB2_1-.Ltmp0, $4  }
0x13: {  	s16 =	sadd.s32 s5, s9;
	s15 =	sadd.s32 s6, s25;
	s14 =	sadd.s32 s5, s7  }
0x14: {  	s13 =	sadd.s32 s6, s28;
	s12 =	sadd.s32 s5, s29;
	s9 =	sshll.u32 s30, $0x2  }
0x15: {  	s11 =	sadd.s32 s6, s31;
	s7 =	simm.s32 $0x1;
	s6 =	simm.s32 @!p0 $0x1  }
0x16: {  	s9 =	sadd.s32 s5, s9;
	s5 =	sadd.s32 @!p0 s21, s8;
	s8 =	simm.s32 @!p0 $0x0  }
0x17: {  	s21 =	simm.s32 @!p0 $0x3E8  }
0x18: {  	[tilespmem:s21], [sflag:$0x1] =	stream.linear.gather @!p0 [hbm4b:s20+s8], $0x7D00, $0x38;
	[tilespmem:$0xCF08] =	vst v63  }
0x19: {  	_ =	swait.ge @!p0 [sflag:s6], $0x7D00  }
0x1a: {  	[sflag:s6] =	ssyncset.done @!p0 $0x0  }
0x1b: {  	[sflag:s6] =	ssyncadd.s32 @!p0 $0xFFFF8300  }
0x1c: {  	[spmem:s4] =	stream.linear.scatter @!p0 [tilespmem:s21], [sflag:$0x1], $0x7D00, $0x38;
	[tilespmem:$0xCF08] =	vst v63  }
0x1d: {  	_ =	swait.ge @!p0 [sflag:s6], $0x7D00  }
0x1e: {  	[sflag:s6] =	ssyncset.done @!p0 $0x0  }
0x1f: {  	[sflag:s6] =	ssyncadd.s32 @!p0 $0xFFFF8300  }
0x20: {  	[bflag:$0x0] =	sbarrier.arrive $0xFFFF  }
0x21: {  	[tilespmem:s3], [sflag:$0x1] =	stream.linear.gather [hbm4b:s19+s3], $0x3E8, $0x38;
	[tilespmem:$0xCF08] =	vst v63  }
0x22: {  	_ =	swait.ge [sflag:s7], $0x3E8  }
0x23: {  	[sflag:s7] =	ssyncset.done $0x0  }
0x24: {  	[sflag:s7] =	ssyncadd.s32 $0xFFFFFC18  }
0x25: {  	[tilespmem:s10], [sflag:$0x1] =	stream.linear.gather [hbm4b:s18+s3], $0x7D00, $0x38;
	[tilespmem:$0xCF08] =	vst v63  }
0x26: {  	_ =	swait.ge [sflag:s7], $0x7D00  }
0x27: {  	[sflag:s7] =	ssyncset.done $0x0  }
0x28: {  	[sflag:s7] =	ssyncadd.s32 $0xFFFF8300  }
0x29: {  	[spmem:s2] =	stream.indirect.scatter.add.f32 [tilespmem:s10], [sflag:$0x1], $0x20, s3, s10, $0xb8;
	[tilespmem:$0xCF08] =	vst v63  }
0x2a: {  	_ =	swait.ge [sflag:s7], $0x7D00  }
0x2b: {  	[sflag:s7] =	ssyncset.done $0x0  }
0x2c: {  	[sflag:s7] =	ssyncadd.s32 $0xFFFF8300  }
0x2d: {  	[tilespmem:s3], [sflag:$0x1] =	stream.linear.gather [hbm4b:s17+s3], $0x3E8, $0x38;
	[tilespmem:$0xCF08] =	vst v63  }
0x2e: {  	_ =	swait.ge [sflag:s7], $0x3E8  }
0x2f: {  	[sflag:s7] =	ssyncset.done $0x0  }
0x30: {  	[sflag:s7] =	ssyncadd.s32 $0xFFFFFC18  }
0x31: {  	[tilespmem:s10], [sflag:$0x1] =	stream.linear.gather [hbm4b:s16+s3], $0x7D00, $0x38;
	[tilespmem:$0xCF08] =	vst v63  }
0x32: {  	_ =	swait.ge [sflag:s7], $0x7D00  }
0x33: {  	[sflag:s7] =	ssyncset.done $0x0  }
0x34: {  	[sflag:s7] =	ssyncadd.s32 $0xFFFF8300  }
0x35: {  	[spmem:s2] =	stream.indirect.scatter.add.f32 [tilespmem:s10], [sflag:$0x1], $0x20, s3, s10, $0xb8;
	[tilespmem:$0xCF08] =	vst v63  }
0x36: {  	_ =	swait.ge [sflag:s7], $0x7D00  }
0x37: {  	[sflag:s7] =	ssyncset.done $0x0  }
0x38: {  	[sflag:s7] =	ssyncadd.s32 $0xFFFF8300  }
0x39: {  	[tilespmem:s3], [sflag:$0x1] =	stream.linear.gather [hbm4b:s15+s3], $0x3E8, $0x38;
	[tilespmem:$0xCF08] =	vst v63  }
0x3a: {  	_ =	swait.ge [sflag:s7], $0x3E8  }
0x3b: {  	[sflag:s7] =	ssyncset.done $0x0  }
0x3c: {  	[sflag:s7] =	ssyncadd.s32 $0xFFFFFC18  }
0x3d: {  	[tilespmem:s10], [sflag:$0x1] =	stream.linear.gather [hbm4b:s14+s3], $0x7D00, $0x38;
	[tilespmem:$0xCF08] =	vst v63  }
0x3e: {  	_ =	swait.ge [sflag:s7], $0x7D00  }
0x3f: {  	[sflag:s7] =	ssyncset.done $0x0  }
0x40: {  	[sflag:s7] =	ssyncadd.s32 $0xFFFF8300  }
0x41: {  	[spmem:s2] =	stream.indirect.scatter.add.f32 [tilespmem:s10], [sflag:$0x1], $0x20, s3, s10, $0xb8;
	[tilespmem:$0xCF08] =	vst v63  }
0x42: {  	_ =	swait.ge [sflag:s7], $0x7D00  }
0x43: {  	[sflag:s7] =	ssyncset.done $0x0  }
0x44: {  	[sflag:s7] =	ssyncadd.s32 $0xFFFF8300  }
0x45: {  	[tilespmem:s3], [sflag:$0x1] =	stream.linear.gather [hbm4b:s13+s3], $0x3E8, $0x38;
	[tilespmem:$0xCF08] =	vst v63  }
0x46: {  	_ =	swait.ge [sflag:s7], $0x3E8  }
0x47: {  	[sflag:s7] =	ssyncset.done $0x0  }
0x48: {  	[sflag:s7] =	ssyncadd.s32 $0xFFFFFC18  }
0x49: {  	[tilespmem:s10], [sflag:$0x1] =	stream.linear.gather [hbm4b:s12+s3], $0x7D00, $0x38;
	[tilespmem:$0xCF08] =	vst v63  }
0x4a: {  	_ =	swait.ge [sflag:s7], $0x7D00  }
0x4b: {  	[sflag:s7] =	ssyncset.done $0x0  }
0x4c: {  	[sflag:s7] =	ssyncadd.s32 $0xFFFF8300  }
0x4d: {  	[spmem:s2] =	stream.indirect.scatter.add.f32 [tilespmem:s10], [sflag:$0x1], $0x20, s3, s10, $0xb8;
	[tilespmem:$0xCF08] =	vst v63  }
0x4e: {  	_ =	swait.ge [sflag:s7], $0x7D00  }
0x4f: {  	[sflag:s7] =	ssyncset.done $0x0  }
0x50: {  	[sflag:s7] =	ssyncadd.s32 $0xFFFF8300  }
0x51: {  	[tilespmem:s3], [sflag:$0x1] =	stream.linear.gather [hbm4b:s11+s3], $0x3E8, $0x38;
	[tilespmem:$0xCF08] =	vst v63  }
0x52: {  	_ =	swait.ge [sflag:s7], $0x3E8  }
0x53: {  	[sflag:s7] =	ssyncset.done $0x0  }
0x54: {  	[sflag:s7] =	ssyncadd.s32 $0xFFFFFC18  }
0x55: {  	[tilespmem:s10], [sflag:$0x1] =	stream.linear.gather [hbm4b:s9+s3], $0x7D00, $0x38;
	[tilespmem:$0xCF08] =	vst v63  }
0x56: {  	_ =	swait.ge [sflag:s7], $0x7D00  }
0x57: {  	[sflag:s7] =	ssyncset.done $0x0  }
0x58: {  	[sflag:s7] =	ssyncadd.s32 $0xFFFF8300  }
0x59: {  	[spmem:s2] =	stream.indirect.scatter.add.f32 [tilespmem:s10], [sflag:$0x1], $0x20, s3, s10, $0xb8;
	[tilespmem:$0xCF08] =	vst v63  }
0x5a: {  	_ =	swait.ge [sflag:s7], $0x7D00  }
0x5b: {  	[sflag:s7] =	ssyncset.done $0x0  }
0x5c: {  	[sflag:s7] =	ssyncadd.s32 $0xFFFF8300  }
0x5d: {  	s22 =	sadd.s32 $0xFFFFFFFF, s22;
	[bflag:$0x0] =	sbarrier.arrive $0xFFFF  }
0x5e: {  	[tilespmem:s21], [sflag:$0x1] =	stream.linear.gather @!p0 [spmem:s4], $0x7D00, $0x38;
	[tilespmem:$0xCF08] =	vst v63  }
0x5f: {  	p2 =	sne.s32 s22, $0x0;
	_ =	swait.ge @!p0 [sflag:s6], $0x7D00  }
.Ltmp1:
0x60: {  	[sflag:s6] =	ssyncset.done @!p0 $0x0;
	(pc) =	sbr.rel @!p2 .LBB2_3-.Ltmp1, $4  }
0x61: {  	[sflag:s6] =	ssyncadd.s32 @!p0 $0xFFFF8300  }
0x62: {  	[hbm4b:s5+s8] =	stream.linear.scatter @!p0 [tilespmem:s21], [sflag:$0x1], $0x7D00, $0x38;
	[tilespmem:$0xCF08] =	vst v63  }
0x63: {  	_ =	swait.ge @!p0 [sflag:s6], $0x7D00  }
0x64: {  	p1 =	por $0x1, $0x1;
	s23 =	simm.s32 @!p0 $0x1;
	[sflag:s6] =	ssyncset.done @!p0 $0x0  }
.LBB2_4:
0x65: {  	s24 =	simm.s32 @!p0 $0x0;
	[sflag:s23] =	ssyncadd.s32 @!p0 $0xFFFF8300  }
0x66: {  	[tilespmem:s21], [sflag:$0x1] =	stream.linear.gather @!p0 [hbm4b:s20+s8], $0x7D00, $0x38;
	[tilespmem:$0xCF08] =	vst v63  }
0x67: {  	s22 =	sadd.s32 $0xFFFFFFFF, s22;
	s23 =	smov.u32 s6;
	_ =	swait.ge @!p0 [sflag:s6], $0x7D00  }
0x68: {  	p2 =	sne.s32 s22, $0x0;
	[sflag:s23] =	ssyncset.done @!p0 $0x0  }
0x69: {  	[sflag:s23] =	ssyncadd.s32 @!p0 $0xFFFF8300  }
0x6a: {  	[spmem:s4] =	stream.linear.scatter @!p0 [tilespmem:s21], [sflag:$0x1], $0x7D00, $0x38;
	[tilespmem:$0xCF08] =	vst v63  }
0x6b: {  	_ =	swait.ge @!p0 [sflag:s23], $0x7D00  }
0x6c: {  	[sflag:s23] =	ssyncset.done @!p0 $0x0  }
0x6d: {  	[sflag:s23] =	ssyncadd.s32 @!p0 $0xFFFF8300  }
0x6e: {  	[bflag:$0x0] =	sbarrier.arrive $0xFFFF  }
0x6f: {  	[tilespmem:s3], [sflag:$0x1] =	stream.linear.gather [hbm4b:s19+s3], $0x3E8, $0x38;
	[tilespmem:$0xCF08] =	vst v63  }
0x70: {  	_ =	swait.ge [sflag:s7], $0x3E8  }
0x71: {  	[sflag:s7] =	ssyncset.done $0x0  }
0x72: {  	[sflag:s7] =	ssyncadd.s32 $0xFFFFFC18  }
0x73: {  	[tilespmem:s10], [sflag:$0x1] =	stream.linear.gather [hbm4b:s18+s3], $0x7D00, $0x38;
	[tilespmem:$0xCF08] =	vst v63  }
0x74: {  	_ =	swait.ge [sflag:s7], $0x7D00  }
0x75: {  	[sflag:s7] =	ssyncset.done $0x0  }
0x76: {  	[sflag:s7] =	ssyncadd.s32 $0xFFFF8300  }
0x77: {  	[spmem:s2] =	stream.indirect.scatter.add.f32 [tilespmem:s10], [sflag:$0x1], $0x20, s3, s10, $0xb8;
	[tilespmem:$0xCF08] =	vst v63  }
0x78: {  	_ =	swait.ge [sflag:s7], $0x7D00  }
0x79: {  	[sflag:s7] =	ssyncset.done $0x0  }
0x7a: {  	[sflag:s7] =	ssyncadd.s32 $0xFFFF8300  }
0x7b: {  	[tilespmem:s3], [sflag:$0x1] =	stream.linear.gather [hbm4b:s17+s3], $0x3E8, $0x38;
	[tilespmem:$0xCF08] =	vst v63  }
0x7c: {  	_ =	swait.ge [sflag:s7], $0x3E8  }
0x7d: {  	[sflag:s7] =	ssyncset.done $0x0  }
0x7e: {  	[sflag:s7] =	ssyncadd.s32 $0xFFFFFC18  }
0x7f: {  	[tilespmem:s10], [sflag:$0x1] =	stream.linear.gather [hbm4b:s16+s3], $0x7D00, $0x38;
	[tilespmem:$0xCF08] =	vst v63  }
0x80: {  	_ =	swait.ge [sflag:s7], $0x7D00  }
0x81: {  	[sflag:s7] =	ssyncset.done $0x0  }
0x82: {  	[sflag:s7] =	ssyncadd.s32 $0xFFFF8300  }
0x83: {  	[spmem:s2] =	stream.indirect.scatter.add.f32 [tilespmem:s10], [sflag:$0x1], $0x20, s3, s10, $0xb8;
	[tilespmem:$0xCF08] =	vst v63  }
0x84: {  	_ =	swait.ge [sflag:s7], $0x7D00  }
0x85: {  	[sflag:s7] =	ssyncset.done $0x0  }
0x86: {  	[sflag:s7] =	ssyncadd.s32 $0xFFFF8300  }
0x87: {  	[tilespmem:s3], [sflag:$0x1] =	stream.linear.gather [hbm4b:s15+s3], $0x3E8, $0x38;
	[tilespmem:$0xCF08] =	vst v63  }
0x88: {  	_ =	swait.ge [sflag:s7], $0x3E8  }
0x89: {  	[sflag:s7] =	ssyncset.done $0x0  }
0x8a: {  	[sflag:s7] =	ssyncadd.s32 $0xFFFFFC18  }
0x8b: {  	[tilespmem:s10], [sflag:$0x1] =	stream.linear.gather [hbm4b:s14+s3], $0x7D00, $0x38;
	[tilespmem:$0xCF08] =	vst v63  }
0x8c: {  	_ =	swait.ge [sflag:s7], $0x7D00  }
0x8d: {  	[sflag:s7] =	ssyncset.done $0x0  }
0x8e: {  	[sflag:s7] =	ssyncadd.s32 $0xFFFF8300  }
0x8f: {  	[spmem:s2] =	stream.indirect.scatter.add.f32 [tilespmem:s10], [sflag:$0x1], $0x20, s3, s10, $0xb8;
	[tilespmem:$0xCF08] =	vst v63  }
0x90: {  	_ =	swait.ge [sflag:s7], $0x7D00  }
0x91: {  	[sflag:s7] =	ssyncset.done $0x0  }
0x92: {  	[sflag:s7] =	ssyncadd.s32 $0xFFFF8300  }
0x93: {  	[tilespmem:s3], [sflag:$0x1] =	stream.linear.gather [hbm4b:s13+s3], $0x3E8, $0x38;
	[tilespmem:$0xCF08] =	vst v63  }
0x94: {  	_ =	swait.ge [sflag:s7], $0x3E8  }
0x95: {  	[sflag:s7] =	ssyncset.done $0x0  }
0x96: {  	[sflag:s7] =	ssyncadd.s32 $0xFFFFFC18  }
0x97: {  	[tilespmem:s10], [sflag:$0x1] =	stream.linear.gather [hbm4b:s12+s3], $0x7D00, $0x38;
	[tilespmem:$0xCF08] =	vst v63  }
0x98: {  	_ =	swait.ge [sflag:s7], $0x7D00  }
0x99: {  	[sflag:s7] =	ssyncset.done $0x0  }
0x9a: {  	[sflag:s7] =	ssyncadd.s32 $0xFFFF8300  }
0x9b: {  	[spmem:s2] =	stream.indirect.scatter.add.f32 [tilespmem:s10], [sflag:$0x1], $0x20, s3, s10, $0xb8;
	[tilespmem:$0xCF08] =	vst v63  }
0x9c: {  	_ =	swait.ge [sflag:s7], $0x7D00  }
0x9d: {  	[sflag:s7] =	ssyncset.done $0x0  }
0x9e: {  	[sflag:s7] =	ssyncadd.s32 $0xFFFF8300  }
0x9f: {  	[tilespmem:s3], [sflag:$0x1] =	stream.linear.gather [hbm4b:s11+s3], $0x3E8, $0x38;
	[tilespmem:$0xCF08] =	vst v63  }
0xa0: {  	_ =	swait.ge [sflag:s7], $0x3E8  }
0xa1: {  	[sflag:s7] =	ssyncset.done $0x0  }
0xa2: {  	[sflag:s7] =	ssyncadd.s32 $0xFFFFFC18  }
0xa3: {  	[tilespmem:s10], [sflag:$0x1] =	stream.linear.gather [hbm4b:s9+s3], $0x7D00, $0x38;
	[tilespmem:$0xCF08] =	vst v63  }
0xa4: {  	_ =	swait.ge [sflag:s7], $0x7D00  }
0xa5: {  	[sflag:s7] =	ssyncset.done $0x0  }
0xa6: {  	[sflag:s7] =	ssyncadd.s32 $0xFFFF8300  }
0xa7: {  	[spmem:s2] =	stream.indirect.scatter.add.f32 [tilespmem:s10], [sflag:$0x1], $0x20, s3, s10, $0xb8;
	[tilespmem:$0xCF08] =	vst v63  }
0xa8: {  	_ =	swait.ge [sflag:s7], $0x7D00  }
0xa9: {  	[sflag:s7] =	ssyncset.done $0x0  }
0xaa: {  	[sflag:s7] =	ssyncadd.s32 $0xFFFF8300  }
0xab: {  	[bflag:$0x0] =	sbarrier.arrive $0xFFFF  }
0xac: {  	[tilespmem:s21], [sflag:$0x1] =	stream.linear.gather @!p0 [spmem:s4], $0x7D00, $0x38;
	[tilespmem:$0xCF08] =	vst v63  }
0xad: {  	_ =	swait.ge @!p0 [sflag:s23], $0x7D00  }
.Ltmp2:
0xae: {  	[sflag:s23] =	ssyncset.done @!p0 $0x0;
	(pc) =	sbr.rel @p2 .LBB2_4-.Ltmp2, $4  }
0xaf: {  	[sflag:s23] =	ssyncadd.s32 @!p0 $0xFFFF8300  }
0xb0: {  	[hbm4b:s5+s8] =	stream.linear.scatter @!p0 [tilespmem:s21], [sflag:$0x1], $0x7D00, $0x38;
	[tilespmem:$0xCF08] =	vst v63  }
0xb1: {  	s8 =	smov.u32 s24;
	_ =	swait.ge @!p0 [sflag:s23], $0x7D00  }
0xb2: {  	[sflag:s23] =	ssyncset.done @!p0 $0x0  }
.LBB2_5:
0xb3: {  	p1 =	por p0, !p1  }
0xb4: {  	s21 =	simm.s32 @!p0 $0x3E8;
	[sflag:s23] =	ssyncadd.s32 @!p1 $0xFFFF8300  }
0xb5: {  	[tilespmem:s21], [sflag:$0x1] =	stream.linear.gather @!p0 [hbm4b:s20+s8], $0x7D00, $0x38;
	[tilespmem:$0xCF08] =	vst v63  }
0xb6: {  	_ =	swait.ge @!p0 [sflag:s6], $0x7D00  }
0xb7: {  	[sflag:s6] =	ssyncset.done @!p0 $0x0  }
0xb8: {  	[sflag:s6] =	ssyncadd.s32 @!p0 $0xFFFF8300  }
0xb9: {  	[spmem:s4] =	stream.linear.scatter @!p0 [tilespmem:s21], [sflag:$0x1], $0x7D00, $0x38;
	[tilespmem:$0xCF08] =	vst v63  }
0xba: {  	_ =	swait.ge @!p0 [sflag:s6], $0x7D00  }
0xbb: {  	[sflag:s6] =	ssyncset.done @!p0 $0x0  }
0xbc: {  	[sflag:s6] =	ssyncadd.s32 @!p0 $0xFFFF8300  }
0xbd: {  	[bflag:$0x0] =	sbarrier.arrive $0xFFFF  }
0xbe: {  	[tilespmem:s3], [sflag:$0x1] =	stream.linear.gather [hbm4b:s19+s3], $0x3E8, $0x38;
	[tilespmem:$0xCF08] =	vst v63  }
0xbf: {  	_ =	swait.ge [sflag:s7], $0x3E8  }
0xc0: {  	[sflag:s7] =	ssyncset.done $0x0  }
0xc1: {  	[sflag:s7] =	ssyncadd.s32 $0xFFFFFC18  }
0xc2: {  	[tilespmem:s10], [sflag:$0x1] =	stream.linear.gather [hbm4b:s18+s3], $0x7D00, $0x38;
	[tilespmem:$0xCF08] =	vst v63  }
0xc3: {  	_ =	swait.ge [sflag:s7], $0x7D00  }
0xc4: {  	[sflag:s7] =	ssyncset.done $0x0  }
0xc5: {  	[sflag:s7] =	ssyncadd.s32 $0xFFFF8300  }
0xc6: {  	[spmem:s2] =	stream.indirect.scatter.add.f32 [tilespmem:s10], [sflag:$0x1], $0x20, s3, s10, $0xb8;
	[tilespmem:$0xCF08] =	vst v63  }
0xc7: {  	_ =	swait.ge [sflag:s7], $0x7D00  }
0xc8: {  	[sflag:s7] =	ssyncset.done $0x0  }
0xc9: {  	[sflag:s7] =	ssyncadd.s32 $0xFFFF8300  }
0xca: {  	[tilespmem:s3], [sflag:$0x1] =	stream.linear.gather [hbm4b:s17+s3], $0x3E8, $0x38;
	[tilespmem:$0xCF08] =	vst v63  }
0xcb: {  	_ =	swait.ge [sflag:s7], $0x3E8  }
0xcc: {  	[sflag:s7] =	ssyncset.done $0x0  }
0xcd: {  	[sflag:s7] =	ssyncadd.s32 $0xFFFFFC18  }
0xce: {  	[tilespmem:s10], [sflag:$0x1] =	stream.linear.gather [hbm4b:s16+s3], $0x7D00, $0x38;
	[tilespmem:$0xCF08] =	vst v63  }
0xcf: {  	_ =	swait.ge [sflag:s7], $0x7D00  }
0xd0: {  	[sflag:s7] =	ssyncset.done $0x0  }
0xd1: {  	[sflag:s7] =	ssyncadd.s32 $0xFFFF8300  }
0xd2: {  	[spmem:s2] =	stream.indirect.scatter.add.f32 [tilespmem:s10], [sflag:$0x1], $0x20, s3, s10, $0xb8;
	[tilespmem:$0xCF08] =	vst v63  }
0xd3: {  	_ =	swait.ge [sflag:s7], $0x7D00  }
0xd4: {  	[sflag:s7] =	ssyncset.done $0x0  }
0xd5: {  	[sflag:s7] =	ssyncadd.s32 $0xFFFF8300  }
0xd6: {  	[tilespmem:s3], [sflag:$0x1] =	stream.linear.gather [hbm4b:s15+s3], $0x3E8, $0x38;
	[tilespmem:$0xCF08] =	vst v63  }
0xd7: {  	_ =	swait.ge [sflag:s7], $0x3E8  }
0xd8: {  	[sflag:s7] =	ssyncset.done $0x0  }
0xd9: {  	[sflag:s7] =	ssyncadd.s32 $0xFFFFFC18  }
0xda: {  	[tilespmem:s10], [sflag:$0x1] =	stream.linear.gather [hbm4b:s14+s3], $0x7D00, $0x38;
	[tilespmem:$0xCF08] =	vst v63  }
0xdb: {  	_ =	swait.ge [sflag:s7], $0x7D00  }
0xdc: {  	[sflag:s7] =	ssyncset.done $0x0  }
0xdd: {  	[sflag:s7] =	ssyncadd.s32 $0xFFFF8300  }
0xde: {  	[spmem:s2] =	stream.indirect.scatter.add.f32 [tilespmem:s10], [sflag:$0x1], $0x20, s3, s10, $0xb8;
	[tilespmem:$0xCF08] =	vst v63  }
0xdf: {  	_ =	swait.ge [sflag:s7], $0x7D00  }
0xe0: {  	[sflag:s7] =	ssyncset.done $0x0  }
0xe1: {  	[sflag:s7] =	ssyncadd.s32 $0xFFFF8300  }
0xe2: {  	[tilespmem:s3], [sflag:$0x1] =	stream.linear.gather [hbm4b:s13+s3], $0x3E8, $0x38;
	[tilespmem:$0xCF08] =	vst v63  }
0xe3: {  	_ =	swait.ge [sflag:s7], $0x3E8  }
0xe4: {  	[sflag:s7] =	ssyncset.done $0x0  }
0xe5: {  	[sflag:s7] =	ssyncadd.s32 $0xFFFFFC18  }
0xe6: {  	[tilespmem:s10], [sflag:$0x1] =	stream.linear.gather [hbm4b:s12+s3], $0x7D00, $0x38;
	[tilespmem:$0xCF08] =	vst v63  }
0xe7: {  	_ =	swait.ge [sflag:s7], $0x7D00  }
0xe8: {  	[sflag:s7] =	ssyncset.done $0x0  }
0xe9: {  	[sflag:s7] =	ssyncadd.s32 $0xFFFF8300  }
0xea: {  	[spmem:s2] =	stream.indirect.scatter.add.f32 [tilespmem:s10], [sflag:$0x1], $0x20, s3, s10, $0xb8;
	[tilespmem:$0xCF08] =	vst v63  }
0xeb: {  	_ =	swait.ge [sflag:s7], $0x7D00  }
0xec: {  	[sflag:s7] =	ssyncset.done $0x0  }
0xed: {  	[sflag:s7] =	ssyncadd.s32 $0xFFFF8300  }
0xee: {  	[tilespmem:s3], [sflag:$0x1] =	stream.linear.gather [hbm4b:s11+s3], $0x3E8, $0x38;
	[tilespmem:$0xCF08] =	vst v63  }
0xef: {  	_ =	swait.ge [sflag:s7], $0x3E8  }
0xf0: {  	[sflag:s7] =	ssyncset.done $0x0  }
0xf1: {  	[sflag:s7] =	ssyncadd.s32 $0xFFFFFC18  }
0xf2: {  	[tilespmem:s10], [sflag:$0x1] =	stream.linear.gather [hbm4b:s9+s3], $0x7D00, $0x38;
	[tilespmem:$0xCF08] =	vst v63  }
0xf3: {  	_ =	swait.ge [sflag:s7], $0x7D00  }
0xf4: {  	[sflag:s7] =	ssyncset.done $0x0  }
0xf5: {  	[sflag:s7] =	ssyncadd.s32 $0xFFFF8300  }
0xf6: {  	[spmem:s2] =	stream.indirect.scatter.add.f32 [tilespmem:s10], [sflag:$0x1], $0x20, s3, s10, $0xb8;
	[tilespmem:$0xCF08] =	vst v63  }
0xf7: {  	_ =	swait.ge [sflag:s7], $0x7D00  }
0xf8: {  	[sflag:s7] =	ssyncset.done $0x0  }
0xf9: {  	[sflag:s7] =	ssyncadd.s32 $0xFFFF8300  }
0xfa: {  	[bflag:$0x0] =	sbarrier.arrive $0xFFFF  }
0xfb: {  	[tilespmem:s21], [sflag:$0x1] =	stream.linear.gather @!p0 [spmem:s4], $0x7D00, $0x38;
	[tilespmem:$0xCF08] =	vst v63  }
0xfc: {  	_ =	swait.ge @!p0 [sflag:s6], $0x7D00  }
0xfd: {  	[sflag:s6] =	ssyncset.done @!p0 $0x0  }
0xfe: {  	[sflag:s6] =	ssyncadd.s32 @!p0 $0xFFFF8300  }
0xff: {  	[hbm4b:s5+s8] =	stream.linear.scatter @!p0 [tilespmem:s21], [sflag:$0x1], $0x7D00, $0x38;
	[tilespmem:$0xCF08] =	vst v63  }
0x100: {  	_ =	swait.ge @!p0 [sflag:s6], $0x7D00  }
0x101: {  	[sflag:s6] =	ssyncset.done @!p0 $0x0  }
0x102: {  	[sflag:s6] =	ssyncadd.s32 @!p0 $0xFFFF8300  }
0x103: {  	_ =	sfence.sel $0x180000  }
0x104: {  	[bflag:$0x0] =	sbarrier.arrive $0xFFFF  }
0x105: {  	p0 =	sne.s32 s1, $0x0;
	_ =	strace $0x9000004D  }
0x106: {  	s0 =	sadd.s32 @!p0 $0x100000, s0;
	[bflag:$0x2] =	sbarrier.arrive $0xFFFF  }
0x107: {  	[sflag:s0] =	ssyncadd.tile.s32 @!p0 $0x1;
	_ =	shalt  }
.LBB2_1:
.Ltmp3:
0x108: {  	(pc) =	sbr.rel .LBB2_5-.Ltmp3, $2  }
0x109: {  	_ =	sdelay $0x2  }
0x10a: {  	_ = 	snop  }
.LBB2_3:
.Ltmp4:
0x10b: {  	(pc) =	sbr.rel .LBB2_5-.Ltmp4, $2  }
0x10c: {  	_ =	sdelay $0x2  }
0x10d: {  	s23 =	simm.s32 @!p0 $0x1  }
.Lfunc_end2:
_tile_overlayer_lowered:
.L_overlay_start_2:
0x10e: {  	(tag) =	ssettag $0x2  }
0x10f: {  	s0 =	rddreg [dreg:$0x0];
	s2 =	stileid.u32  }
0x110: {  	s1 =	rddreg [dreg:$0x1];
	p0 =	sne.s32 s2, $0x0  }
0x111: {  	s3 =	rddreg [dreg:$0x2];
	[bflag:$0x3] =	sbarrier.arrive $0xFFFF;
	s2 =	simm.s32 @!p0 $0x1C01  }
0x112: {  	[timem:s3], [sflag:s2] =	dma.local @!p0 [hbm:s0], s1  }
0x113: {  	s0 =	simm.s32 @!p0 $0x1  }
0x114: {  	_ =	swait.ge @!p0 [sflag:s0], s1  }
0x115: {  	s1 =	ssub.s32 @!p0 $0x0, s1;
	[sflag:s0] =	ssyncset.done @!p0 $0x0  }
0x116: {  	[sflag:s0] =	ssyncadd.s32 @!p0 s1  }
0x117: {  	[bflag:$0x3] =	sbarrier.arrive $0xFFFF  }
0x118: {  	_ =	shalt  }

// kernel: kernel.26.cloned.1.call-start
scs
__scs_entry_jumppad:
0x0: {  	(pc) =	sbr.rel $0x88, $3  }
0x1: {  	(tag) =	ssettag $0x0;
	lr =	simm.s32 $0x1  }
0x2: {  	[smem:$0x3F91] =	sst lr;
	_ =	strace $0xD0000000  }
0x3: {  	_ = 	snop  }
0x4: {  	_ = 	snop  }
0x5: {  	_ = 	snop  }
0x6: {  	_ = 	snop  }
0x7: {  	_ = 	snop  }
__scs_overlays_trampoline_lowered:
0x8: {  	[smem:$0x3FA0] =	sst s0  }
0x9: {  	[smem:$0x3FA1] =	sst s1  }
0xa: {  	[smem:$0x3FA2] =	sst s2  }
0xb: {  	[smem:$0x3FA3] =	sst s3  }
0xc: {  	[smem:$0x3FA4] =	sst s4  }
0xd: {  	[smem:$0x3FA5] =	sst s5  }
0xe: {  	[smem:$0x3FA6] =	sst s6  }
0xf: {  	[smem:$0x3FA7] =	sst s7  }
0x10: {  	[smem:$0x3FA8] =	sst s8  }
0x11: {  	[smem:$0x3FA9] =	sst s9;
	s0 =	simm.s32 @!p0 $0x0  }
0x12: {  	s1 =	sld [smem:$0x3F8F];
	s0 =	simm.s32 @p0 $0x1  }
0x13: {  	[smem:$0x3FAA] =	sst s0;
	s0 =	simm.s32 @!p1 $0x0  }
0x14: {  	s2 =	sld [smem:$0x3F8E];
	s0 =	simm.s32 @p1 $0x1  }
0x15: {  	[smem:$0x3FAB] =	sst s0;
	s0 =	simm.s32 @!p2 $0x0  }
0x16: {  	s3 =	sld [smem:$0x3FDB];
	s0 =	simm.s32 @p2 $0x1  }
0x17: {  	s4 =	simm.s32 $0x1BF5;
	[smem:$0x3FAD] =	sst s0  }
0x18: {  	s0 =	sld [smem:$0x3F90];
	_ =	swait.ge [sflag:s4], $0x0  }
0x19: {  	s7 =	sld [smem:$0x3F91]  }
0x1a: {  	s8 =	sadd.s32 $0xFFFFE003, lr  }
0x1b: {  	s9 =	sadd.s32 $0xFFFFFEF7, lr;
	s5 =	simm.s32 $0xFFFFFFFF;
	p2 =	slt.u32 s8, $0xFFFFF086  }
0x1c: {  	p1 =	slt.u32 s9, $0xF7A;
	s5 =	simm.s32 @!p2 $0x0  }
0x1d: {  	s5 =	simm.s32 @p1 $0x1;
	p0 =	seq.s32 s7, s2  }
0x1e: {  	s7 =	smul.u32 @!p0 $0xF7A, s2;
	p2 =	seq.s32 @!p0 s5, $0x0  }
0x1f: {  	s9 =	smul.u32 $0xF7A, s1;
	s8 =	simm.s32 @!p0 $0x1BF5;
	p2 =	por !p2, p0  }
0x20: {  	[sflag:s8] =	ssyncset.s32 @!p0 $0xFFFFF086;
	s6 =	sadd.s32 @!p0 s3, s7;
	s7 =	simm.s32 @!p0 $0x108  }
0x21: {  	s3 =	sadd.s32 s3, s9;
	s6 =	sadd.s32 @!p0 $0x88, s6;
	s7 =	simm.s32 @p2 $0x1082  }
0x22: {  	[simem:s7], [sflag:s8] =	dma.local @!p0 [hbm:s6], $0xF7A  }
0x23: {  	s9 =	sor.u32 $0xD0000000, s2;
	s6 =	simm.s32 $0x108;
	_ =	swait.ge @!p0 [sflag:s8], $0x0  }
0x24: {  	s3 =	sadd.s32 $0x88, s3;
	s6 =	simm.s32 @!p1 $0x1082;
	[sflag:s4] =	ssyncset.s32 $0xFFFFF086  }
0x25: {  	[simem:s6], [sflag:s4] =	dma.local [hbm:s3], $0xF7A  }
0x26: {  	[smem:$0x3F91] =	sst s1;
	(tag) =	ssettag s2;
	_ =	strace s9  }
0x27: {  	s1 =	sld [smem:$0x3FA1]  }
0x28: {  	s2 =	sld [smem:$0x3FA2]  }
0x29: {  	s4 =	sld [smem:$0x3FA4]  }
0x2a: {  	p0 =	seq.s32 s5, $0x0;
	s5 =	sld [smem:$0x3FA5]  }
0x2b: {  	s6 =	sld [smem:$0x3FA6]  }
0x2c: {  	s7 =	sld [smem:$0x3FA7]  }
0x2d: {  	s3 =	simm.s32 $0x108;
	s8 =	sld [smem:$0x3FA8]  }
0x2e: {  	s3 =	simm.s32 @!p0 $0x1082;
	s9 =	sld [smem:$0x3FA9]  }
0x2f: {  	lr =	sadd.s32 s0, s3;
	s0 =	sld [smem:$0x3FA0]  }
0x30: {  	s3 =	sld [smem:$0x3FA3]  }
0x31: {  	[smem:$0x3FAC] =	sst s10  }
0x32: {  	s10 =	sld [smem:$0x3FAA];
	_ =	sdelay $0x3  }
0x33: {  	p0 =	seq.s32 s10, $0x1;
	s10 =	sld [smem:$0x3FAC];
	_ =	sdelay $0x3  }
0x34: {  	[smem:$0x3FAC] =	sst s10  }
0x35: {  	s10 =	sld [smem:$0x3FAB];
	_ =	sdelay $0x3  }
0x36: {  	p1 =	seq.s32 s10, $0x1;
	s10 =	sld [smem:$0x3FAC];
	_ =	sdelay $0x3  }
0x37: {  	[smem:$0x3FAC] =	sst s10  }
0x38: {  	s10 =	sld [smem:$0x3FAD]  }
0x39: {  	_ = 	snop;
	(pc) =	sbr.ind lr, $3  }
0x3a: {  	_ = 	snop  }
0x3b: {  	_ = 	snop  }
0x3c: {  	p2 =	seq.s32 s10, $0x1;
	s10 =	sld [smem:$0x3FAC]  }
0x3d: {  	_ =	shalt  }
0x3e: {  	_ =	shalt  }
0x3f: {  	_ =	shalt  }
0x40: {  	_ =	shalt  }
0x41: {  	_ =	shalt  }
0x42: {  	_ =	shalt  }
0x43: {  	_ =	shalt  }
0x44: {  	_ =	shalt  }
0x45: {  	_ =	shalt  }
0x46: {  	_ =	shalt  }
0x47: {  	_ =	shalt  }
0x48: {  	_ =	shalt  }
0x49: {  	_ =	shalt  }
0x4a: {  	_ =	shalt  }
0x4b: {  	_ =	shalt  }
0x4c: {  	_ =	shalt  }
0x4d: {  	_ =	shalt  }
0x4e: {  	_ =	shalt  }
0x4f: {  	_ =	shalt  }
0x50: {  	_ =	shalt  }
0x51: {  	_ =	shalt  }
0x52: {  	_ =	shalt  }
0x53: {  	_ =	shalt  }
0x54: {  	_ =	shalt  }
0x55: {  	_ =	shalt  }
0x56: {  	_ =	shalt  }
0x57: {  	_ =	shalt  }
0x58: {  	_ =	shalt  }
0x59: {  	_ =	shalt  }
0x5a: {  	_ =	shalt  }
0x5b: {  	_ =	shalt  }
0x5c: {  	_ =	shalt  }
0x5d: {  	_ =	shalt  }
0x5e: {  	_ =	shalt  }
0x5f: {  	_ =	shalt  }
0x60: {  	_ =	shalt  }
0x61: {  	_ =	shalt  }
0x62: {  	_ =	shalt  }
0x63: {  	_ =	shalt  }
0x64: {  	_ =	shalt  }
0x65: {  	_ =	shalt  }
0x66: {  	_ =	shalt  }
0x67: {  	_ =	shalt  }
0x68: {  	_ =	shalt  }
0x69: {  	_ =	shalt  }
0x6a: {  	_ =	shalt  }
0x6b: {  	_ =	shalt  }
0x6c: {  	_ =	shalt  }
0x6d: {  	_ =	shalt  }
0x6e: {  	_ =	shalt  }
0x6f: {  	_ =	shalt  }
0x70: {  	_ =	shalt  }
0x71: {  	_ =	shalt  }
0x72: {  	_ =	shalt  }
0x73: {  	_ =	shalt  }
0x74: {  	_ =	shalt  }
0x75: {  	_ =	shalt  }
0x76: {  	_ =	shalt  }
0x77: {  	_ =	shalt  }
0x78: {  	_ =	shalt  }
0x79: {  	_ =	shalt  }
0x7a: {  	_ =	shalt  }
0x7b: {  	_ =	shalt  }
0x7c: {  	_ =	shalt  }
0x7d: {  	_ =	shalt  }
0x7e: {  	_ =	shalt  }
0x7f: {  	_ =	shalt  }
0x80: {  	_ =	shalt  }
0x81: {  	_ =	shalt  }
0x82: {  	_ =	shalt  }
0x83: {  	_ =	shalt  }
0x84: {  	_ =	shalt  }
0x85: {  	_ =	shalt  }
0x86: {  	_ =	shalt  }
0x87: {  	_ =	shalt  }
.Lfunc_end0:
.L_simem_size_0:
called_computation.3_lowered:
.L_overlay_start_0:
0x88: {  	s2 =	sld [smem:$0x3FD9]  }
0x89: {  	s3 =	sld [smem:$0x3FFE];
	_ =	sdelay $0x1  }
0x8a: {  	s1 =	srdreg.scid  }
0x8b: {  	s0 =	sand.u32 $0x1, s1  }
0x8c: {  	s16 =	sshll.u32 s0, $0xA;
	s2 =	sadd.s32 s3, s2  }
0x8d: {  	s2 =	sadd.s32 s2, s16  }
0x8e: {  	[smem:$0x3FB8] =	sst s2  }
0x8f: {  	_ = 	snop  }
0x90: {  	(tm) =	ssettm $0x1  }
0x91: {  	s17 =	sld [smem:$0x3FFB];
	_ =	sdelay $0x3  }
0x92: {  	_ =	strace s17  }
0x93: {  	s2 =	sld [smem:$0x3FFC];
	_ =	sdelay $0x3  }
0x94: {  	_ =	strace s2  }
0x95: {  	s2 =	sld [smem:$0x3FFD];
	_ =	sdelay $0x3  }
0x96: {  	_ =	strace s2  }
0x97: {  	_ =	strace $0x8FFFFFFF  }
0x98: {  	s18 =	sld [smem:$0x3FDB];
	_ =	sdelay $0x1  }
0x99: {  	s19 =	simm.s32 $_scs_section_size  }
0x9a: {  	s4 =	simm.s32 $_size__tile_overlayer_lowered;
	s5 =	simm.s32 $_tile_overlayer_lowered  }
0x9b: {  	s22 =	simm.s32 $0x1BFF;
	s21 =	sshll.u32 s5, $0x1;
	s2 =	sadd.s32 s19, s18  }
0x9c: {  	s6 =	simm.s32 $0x0;
	s20 =	sshll.u32 s4, $0x1;
	s4 =	sadd.s32 s21, s2  }
0x9d: {  	[timem:s6], [sflag:s22] =	dma.local [hbm:s4], s20  }
0x9e: {  	_ =	swait.ge [sflag:s22], s20  }
0x9f: {  	s3 =	ssub.s32 $0x0, s20;
	[sflag:s22] =	ssyncset.done $0x0  }
0xa0: {  	[sflag:s22] =	ssyncadd.s32 s3;
	_ =	sdelay $0x1  }
0xa1: {  	s23 =	simm.s32 $0x1B8B  }
0xa2: {  	_ =	swait.ge [sflag:s23], $0x1  }
0xa3: {  	[sflag:s23] =	ssyncset.done $0x0  }
0xa4: {  	s25 =	simm.s32 $0x1B8E;
	s24 =	sld [smem:$0x3FFE];
	[sflag:s23] =	ssyncadd.s32 $0xFFFFFFFF  }
0xa5: {  	s26 =	simm.s32 $execute0_lowered;
	[smem:$0x3FD2] =	sst s25  }
0xa6: {  	s4 =	sshll.u32 s26, $0x1;
	_ =	strace $0x8000004F;
	[dreg:$0x1] =	wrdreg $0xFFFFFFFF  }
0xa7: {  	s28 =	simm.s32 $_size_execute0_lowered;
	s2 =	sadd.s32 s2, s4;
	[dreg:$0x0] =	wrdreg $0x0  }
0xa8: {  	s4 =	sshll.u32 s28, $0x1;
	[dreg:$0x2] =	wrdreg s2  }
0xa9: {  	[dreg:$0x3] =	wrdreg s4  }
0xaa: {  	[dreg:$0x4] =	wrdreg $0xC0  }
0xab: {  	_ =	task [dreg:s6], $0x5FFFF  }
0xac: {  	[dreg:$0x1] =	wrdreg $0xFFFFFFFF  }
0xad: {  	[dreg:$0x0] =	wrdreg $0x60  }
0xae: {  	[dreg:$0x2] =	wrdreg s24  }
0xaf: {  	[dreg:$0x3] =	wrdreg $0x9  }
0xb0: {  	_ =	task.clear_ibuf [dreg:s6], $0x4FFFF;
	_ =	strace $0x9000004F  }
0xb1: {  	s29 =	simm.s32 $0x9;
	_ =	strace $0x80000051  }
0xb2: {  	_ =	swait.ge [sflag:s29], $0x1  }
0xb3: {  	[sflag:s29] =	ssyncadd.s32 $0xFFFFFFFF  }
0xb4: {  	_ =	strace $0x90000051  }
0xb5: {  	_ =	sfence  }
0xb6: {  	s30 =	sld [smem:$0x0];
	_ =	sdelay $0x2  }
0xb7: {  	s31 =	sshll.u32 s1, $0xD;
	s1 =	sshrl.u32 s1, $0x2  }
0xb8: {  	s3 =	sand.u32 $0x4000, s31;
	s1 =	sadd.s32 s1, s30  }
0xb9: {  	s0 =	sor.u32 s3, s0;
	s1 =	sshll.u32 s1, $0x11  }
0xba: {  	s0 =	sor.u32 s1, s0  }
0xbb: {  	s0 =	sadd.s32 $0x8F2B, s0  }
0xbc: {  	[sflag:s0] =	ssyncadd.remote.s32 $0x1  }
0xbd: {  	_ =	sfence.sel $0xFFFF  }
0xbe: {  	[dreg:$0x0] =	wrdreg $0xFFFFFFFF;
	(pc) =	sbr.abs _section_cstart, $3  }
0xbf: {  	[dreg:$0x1] =	wrdreg $0xFFFFFFFF  }
0xc0: {  	_ =	task.clear_ibuf [dreg:s6], $0x2FFFF;
	_ =	strace $0x9FFFFFFF  }
0xc1: {  	(tm) =	ssettm $0x7FFFFFFF  }
tec
execute0_lowered:
.L_overlay_start_1:
0x0: {  	(tag) =	ssettag $0x1  }
0x1: {  	s4 =	rddreg [dreg:$0x0]  }
0x2: {  	s0 =	rddreg [dreg:$0x1]  }
0x3: {  	s3 =	srdreg.scid;
	s1 =	stileid.u32  }
0x4: {  	s2 =	simm.s32 $0x0;
	s10 =	simm.s32 $0x3E8;
	s11 =	simm.s32 $0x80E8  }
0x5: {  	s12 =	simm.s32 $0x1;
	s13 =	simm.s32 $0x0;
	s6 =	smul.u32 $0x2710, s1  }
0x6: {  	s5 =	sand.u32 $0x1, s3;
	[smem:$0x7FF] =	sst s2;
	s28 =	smul.u32 $0x9C40, s1  }
0x7: {  	s3 =	sadd.s32 $0x141A00, s4;
	s7 =	smul.u32 $0x1388, s5;
	s8 =	ssub.s32 $0x2, s5  }
0x8: {  	_ =	strace $0x80000050;
	s5 =	smul.u32 $0x4E20, s5;
	s30 =	sshrl.u32 s8, $0x1  }
0x9: {  	s29 =	sadd.s32 s28, s4;
	s6 =	sadd.s32 s7, s6;
	s7 =	ssub.s32 s8, s30  }
0xa: {  	s31 =	sadd.s32 s5, s29;
	s6 =	sshrl.u32 s6, $0x3;
	s5 =	smax.u32 s7, $0x1  }
0xb: {  	s7 =	sadd.s32 $0xA5600, s31;
	s9 =	sadd.s32 s6, s4;
	s4 =	sadd.s32 $0x14B640, s4  }
0xc: {  	s6 =	sadd.s32 $0x16DE00, s31;
	s8 =	sadd.s32 $0x168E00, s9;
	s9 =	simm.s32 $0x2  }
.LBB2_1:
0xd: {  	[tilespmem:s2], [sflag:$0x2] =	stream.linear.gather [hbm4b:s8+s2], $0x3E8, $0x38;
	[tilespmem:$0xFDE8] =	vst v63  }
0xe: {  	_ =	swait.ge [sflag:s9], $0x3E8  }
0xf: {  	[sflag:s9] =	ssyncset.done $0x0  }
0x10: {  	[sflag:s9] =	ssyncadd.s32 $0xFFFFFC18  }
0x11: {  	[tilespmem:s10], [sflag:$0x1] =	stream.indirect.gather [hbm4b:s3+s10], $0x20, s2, s10, $0xb8;
	[tilespmem:$0xFDE8] =	vst v63  }
0x12: {  	_ = 	snop  }
0x13: {  	[tilespmem:s11], [sflag:$0x1] =	stream.indirect.gather [hbm4b:s4+s10], $0x20, s2, s10, $0xb8;
	[tilespmem:$0xFDE8] =	vst v63  }
0x14: {  	_ =	swait.ge [sflag:s12], $0x7D00  }
0x15: {  	[sflag:s12] =	ssyncset.done $0x0  }
0x16: {  	[sflag:s12] =	ssyncadd.s32 $0xFFFF8300  }
0x17: {  	_ =	swait.ge [sflag:s12], $0x7D00  }
0x18: {  	[sflag:s12] =	ssyncset.done $0x0  }
0x19: {  	s14 =	sadd.s32 $0x0, s7;
	[sflag:s12] =	ssyncadd.s32 $0xFFFF8300  }
0x1a: {  	[hbm4b:s14+s2] =	stream.linear.scatter [tilespmem:s10], [sflag:$0x2], $0x7D00, $0x38;
	[tilespmem:$0xFDE8] =	vst v63  }
0x1b: {  	_ =	swait.ge [sflag:s9], $0x7D00  }
0x1c: {  	[sflag:s9] =	ssyncset.done $0x0  }
0x1d: {  	s31 =	sadd.s32 $0x0, s6;
	[sflag:s9] =	ssyncadd.s32 $0xFFFF8300  }
0x1e: {  	[hbm4b:s31+s2] =	stream.linear.scatter [tilespmem:s11], [sflag:$0x2], $0x7D00, $0x38;
	[tilespmem:$0xFDE8] =	vst v63  }
0x1f: {  	_ =	swait.ge [sflag:s9], $0x7D00  }
0x20: {  	s15 =	smov.u32 s8;
	s14 =	simm.s32 $0xFA0;
	[sflag:s9] =	ssyncset.done $0x0  }
.LBB2_2:
0x21: {  	p0 =	sne.s32 s14, $0x3E80;
	[sflag:s9] =	ssyncadd.s32 $0xFFFF8300;
	s15 =	sadd.s32 $0x7D, s15  }
0x22: {  	[tilespmem:s2], [sflag:$0x2] =	stream.linear.gather [hbm4b:s15+s2], $0x3E8, $0x38;
	[tilespmem:$0xFDE8] =	vst v63  }
0x23: {  	s16 =	smov.u32 s14;
	s14 =	sadd.s32 $0xFA0, s14;
	_ =	swait.ge [sflag:s9], $0x3E8  }
0x24: {  	[sflag:s9] =	ssyncset.done $0x0  }
0x25: {  	[sflag:s9] =	ssyncadd.s32 $0xFFFFFC18  }
0x26: {  	[tilespmem:s10], [sflag:$0x1] =	stream.indirect.gather [hbm4b:s3+s10], $0x20, s2, s10, $0xb8;
	[tilespmem:$0xFDE8] =	vst v63  }
0x27: {  	_ = 	snop  }
0x28: {  	[tilespmem:s11], [sflag:$0x1] =	stream.indirect.gather [hbm4b:s4+s10], $0x20, s2, s10, $0xb8;
	[tilespmem:$0xFDE8] =	vst v63  }
0x29: {  	_ =	swait.ge [sflag:s12], $0x7D00  }
0x2a: {  	[sflag:s12] =	ssyncset.done $0x0  }
0x2b: {  	[sflag:s12] =	ssyncadd.s32 $0xFFFF8300  }
0x2c: {  	_ =	swait.ge [sflag:s12], $0x7D00  }
0x2d: {  	[sflag:s12] =	ssyncset.done $0x0  }
0x2e: {  	s17 =	sadd.s32 s16, s7;
	[sflag:s12] =	ssyncadd.s32 $0xFFFF8300  }
0x2f: {  	[hbm4b:s17+s2] =	stream.linear.scatter [tilespmem:s10], [sflag:$0x2], $0x7D00, $0x38;
	[tilespmem:$0xFDE8] =	vst v63  }
0x30: {  	_ =	swait.ge [sflag:s9], $0x7D00  }
.Ltmp0:
0x31: {  	[sflag:s9] =	ssyncset.done $0x0;
	(pc) =	sbr.rel @p0 .LBB2_2-.Ltmp0, $4  }
0x32: {  	s16 =	sadd.s32 s16, s6;
	[sflag:s9] =	ssyncadd.s32 $0xFFFF8300  }
0x33: {  	[hbm4b:s16+s2] =	stream.linear.scatter [tilespmem:s11], [sflag:$0x2], $0x7D00, $0x38;
	[tilespmem:$0xFDE8] =	vst v63  }
0x34: {  	_ =	swait.ge [sflag:s9], $0x7D00  }
0x35: {  	[sflag:s9] =	ssyncset.done $0x0  }
0x36: {  	s13 =	sadd.s32 $0x1, s13  }
0x37: {  	p0 =	sne.s32 s13, s5  }
.Ltmp1:
0x38: {  	_ = 	snop;
	(pc) =	sbr.rel @p0 .LBB2_1-.Ltmp1, $2  }
0x39: {  	_ =	sdelay $0x2  }
0x3a: {  	[sflag:s9] =	ssyncadd.s32 $0xFFFF8300  }
0x3b: {  	_ =	sfence.sel $0x180000  }
0x3c: {  	[bflag:$0x0] =	sbarrier.arrive $0xFFFF  }
0x3d: {  	p0 =	sne.s32 s1, $0x0;
	_ =	strace $0x90000050  }
0x3e: {  	s0 =	sadd.s32 @!p0 $0x100000, s0;
	[bflag:$0x2] =	sbarrier.arrive $0xFFFF  }
0x3f: {  	[sflag:s0] =	ssyncadd.tile.s32 @!p0 $0x1;
	_ =	shalt  }
.Lfunc_end2:
_tile_overlayer_lowered:
.L_overlay_start_2:
0x40: {  	(tag) =	ssettag $0x2  }
0x41: {  	s0 =	rddreg [dreg:$0x0];
	s2 =	stileid.u32  }
0x42: {  	s1 =	rddreg [dreg:$0x1];
	p0 =	sne.s32 s2, $0x0  }
0x43: {  	s3 =	rddreg [dreg:$0x2];
	[bflag:$0x3] =	sbarrier.arrive $0xFFFF;
	s2 =	simm.s32 @!p0 $0x1C02  }
0x44: {  	[timem:s3], [sflag:s2] =	dma.local @!p0 [hbm:s0], s1  }
0x45: {  	s0 =	simm.s32 @!p0 $0x2  }
0x46: {  	_ =	swait.ge @!p0 [sflag:s0], s1  }
0x47: {  	s1 =	ssub.s32 @!p0 $0x0, s1;
	[sflag:s0] =	ssyncset.done @!p0 $0x0  }
0x48: {  	[sflag:s0] =	ssyncadd.s32 @!p0 s1  }
0x49: {  	[bflag:$0x3] =	sbarrier.arrive $0xFFFF  }
0x4a: {  	_ =	shalt  }

// kernel: kernel.29.cloned.1.call-start
scs
__scs_entry_jumppad:
0x0: {  	(pc) =	sbr.rel $0x88, $3  }
0x1: {  	(tag) =	ssettag $0x0;
	lr =	simm.s32 $0x1  }
0x2: {  	[smem:$0x3F91] =	sst lr;
	_ =	strace $0xD0000000  }
0x3: {  	_ = 	snop  }
0x4: {  	_ = 	snop  }
0x5: {  	_ = 	snop  }
0x6: {  	_ = 	snop  }
0x7: {  	_ = 	snop  }
__scs_overlays_trampoline_lowered:
0x8: {  	[smem:$0x3FA0] =	sst s0  }
0x9: {  	[smem:$0x3FA1] =	sst s1  }
0xa: {  	[smem:$0x3FA2] =	sst s2  }
0xb: {  	[smem:$0x3FA3] =	sst s3  }
0xc: {  	[smem:$0x3FA4] =	sst s4  }
0xd: {  	[smem:$0x3FA5] =	sst s5  }
0xe: {  	[smem:$0x3FA6] =	sst s6  }
0xf: {  	[smem:$0x3FA7] =	sst s7  }
0x10: {  	[smem:$0x3FA8] =	sst s8  }
0x11: {  	[smem:$0x3FA9] =	sst s9;
	s0 =	simm.s32 @!p0 $0x0  }
0x12: {  	s1 =	sld [smem:$0x3F8F];
	s0 =	simm.s32 @p0 $0x1  }
0x13: {  	[smem:$0x3FAA] =	sst s0;
	s0 =	simm.s32 @!p1 $0x0  }
0x14: {  	s2 =	sld [smem:$0x3F8E];
	s0 =	simm.s32 @p1 $0x1  }
0x15: {  	[smem:$0x3FAB] =	sst s0;
	s0 =	simm.s32 @!p2 $0x0  }
0x16: {  	s3 =	sld [smem:$0x3FDB];
	s0 =	simm.s32 @p2 $0x1  }
0x17: {  	s4 =	simm.s32 $0x1BF5;
	[smem:$0x3FAD] =	sst s0  }
0x18: {  	s0 =	sld [smem:$0x3F90];
	_ =	swait.ge [sflag:s4], $0x0  }
0x19: {  	s7 =	sld [smem:$0x3F91]  }
0x1a: {  	s8 =	sadd.s32 $0xFFFFE003, lr  }
0x1b: {  	s9 =	sadd.s32 $0xFFFFFEF7, lr;
	s5 =	simm.s32 $0xFFFFFFFF;
	p2 =	slt.u32 s8, $0xFFFFF086  }
0x1c: {  	p1 =	slt.u32 s9, $0xF7A;
	s5 =	simm.s32 @!p2 $0x0  }
0x1d: {  	s5 =	simm.s32 @p1 $0x1;
	p0 =	seq.s32 s7, s2  }
0x1e: {  	s7 =	smul.u32 @!p0 $0xF7A, s2;
	p2 =	seq.s32 @!p0 s5, $0x0  }
0x1f: {  	s9 =	smul.u32 $0xF7A, s1;
	s8 =	simm.s32 @!p0 $0x1BF5;
	p2 =	por !p2, p0  }
0x20: {  	[sflag:s8] =	ssyncset.s32 @!p0 $0xFFFFF086;
	s6 =	sadd.s32 @!p0 s3, s7;
	s7 =	simm.s32 @!p0 $0x108  }
0x21: {  	s3 =	sadd.s32 s3, s9;
	s6 =	sadd.s32 @!p0 $0x88, s6;
	s7 =	simm.s32 @p2 $0x1082  }
0x22: {  	[simem:s7], [sflag:s8] =	dma.local @!p0 [hbm:s6], $0xF7A  }
0x23: {  	s9 =	sor.u32 $0xD0000000, s2;
	s6 =	simm.s32 $0x108;
	_ =	swait.ge @!p0 [sflag:s8], $0x0  }
0x24: {  	s3 =	sadd.s32 $0x88, s3;
	s6 =	simm.s32 @!p1 $0x1082;
	[sflag:s4] =	ssyncset.s32 $0xFFFFF086  }
0x25: {  	[simem:s6], [sflag:s4] =	dma.local [hbm:s3], $0xF7A  }
0x26: {  	[smem:$0x3F91] =	sst s1;
	(tag) =	ssettag s2;
	_ =	strace s9  }
0x27: {  	s1 =	sld [smem:$0x3FA1]  }
0x28: {  	s2 =	sld [smem:$0x3FA2]  }
0x29: {  	s4 =	sld [smem:$0x3FA4]  }
0x2a: {  	p0 =	seq.s32 s5, $0x0;
	s5 =	sld [smem:$0x3FA5]  }
0x2b: {  	s6 =	sld [smem:$0x3FA6]  }
0x2c: {  	s7 =	sld [smem:$0x3FA7]  }
0x2d: {  	s3 =	simm.s32 $0x108;
	s8 =	sld [smem:$0x3FA8]  }
0x2e: {  	s3 =	simm.s32 @!p0 $0x1082;
	s9 =	sld [smem:$0x3FA9]  }
0x2f: {  	lr =	sadd.s32 s0, s3;
	s0 =	sld [smem:$0x3FA0]  }
0x30: {  	s3 =	sld [smem:$0x3FA3]  }
0x31: {  	[smem:$0x3FAC] =	sst s10  }
0x32: {  	s10 =	sld [smem:$0x3FAA];
	_ =	sdelay $0x3  }
0x33: {  	p0 =	seq.s32 s10, $0x1;
	s10 =	sld [smem:$0x3FAC];
	_ =	sdelay $0x3  }
0x34: {  	[smem:$0x3FAC] =	sst s10  }
0x35: {  	s10 =	sld [smem:$0x3FAB];
	_ =	sdelay $0x3  }
0x36: {  	p1 =	seq.s32 s10, $0x1;
	s10 =	sld [smem:$0x3FAC];
	_ =	sdelay $0x3  }
0x37: {  	[smem:$0x3FAC] =	sst s10  }
0x38: {  	s10 =	sld [smem:$0x3FAD]  }
0x39: {  	_ = 	snop;
	(pc) =	sbr.ind lr, $3  }
0x3a: {  	_ = 	snop  }
0x3b: {  	_ = 	snop  }
0x3c: {  	p2 =	seq.s32 s10, $0x1;
	s10 =	sld [smem:$0x3FAC]  }
0x3d: {  	_ =	shalt  }
0x3e: {  	_ =	shalt  }
0x3f: {  	_ =	shalt  }
0x40: {  	_ =	shalt  }
0x41: {  	_ =	shalt  }
0x42: {  	_ =	shalt  }
0x43: {  	_ =	shalt  }
0x44: {  	_ =	shalt  }
0x45: {  	_ =	shalt  }
0x46: {  	_ =	shalt  }
0x47: {  	_ =	shalt  }
0x48: {  	_ =	shalt  }
0x49: {  	_ =	shalt  }
0x4a: {  	_ =	shalt  }
0x4b: {  	_ =	shalt  }
0x4c: {  	_ =	shalt  }
0x4d: {  	_ =	shalt  }
0x4e: {  	_ =	shalt  }
0x4f: {  	_ =	shalt  }
0x50: {  	_ =	shalt  }
0x51: {  	_ =	shalt  }
0x52: {  	_ =	shalt  }
0x53: {  	_ =	shalt  }
0x54: {  	_ =	shalt  }
0x55: {  	_ =	shalt  }
0x56: {  	_ =	shalt  }
0x57: {  	_ =	shalt  }
0x58: {  	_ =	shalt  }
0x59: {  	_ =	shalt  }
0x5a: {  	_ =	shalt  }
0x5b: {  	_ =	shalt  }
0x5c: {  	_ =	shalt  }
0x5d: {  	_ =	shalt  }
0x5e: {  	_ =	shalt  }
0x5f: {  	_ =	shalt  }
0x60: {  	_ =	shalt  }
0x61: {  	_ =	shalt  }
0x62: {  	_ =	shalt  }
0x63: {  	_ =	shalt  }
0x64: {  	_ =	shalt  }
0x65: {  	_ =	shalt  }
0x66: {  	_ =	shalt  }
0x67: {  	_ =	shalt  }
0x68: {  	_ =	shalt  }
0x69: {  	_ =	shalt  }
0x6a: {  	_ =	shalt  }
0x6b: {  	_ =	shalt  }
0x6c: {  	_ =	shalt  }
0x6d: {  	_ =	shalt  }
0x6e: {  	_ =	shalt  }
0x6f: {  	_ =	shalt  }
0x70: {  	_ =	shalt  }
0x71: {  	_ =	shalt  }
0x72: {  	_ =	shalt  }
0x73: {  	_ =	shalt  }
0x74: {  	_ =	shalt  }
0x75: {  	_ =	shalt  }
0x76: {  	_ =	shalt  }
0x77: {  	_ =	shalt  }
0x78: {  	_ =	shalt  }
0x79: {  	_ =	shalt  }
0x7a: {  	_ =	shalt  }
0x7b: {  	_ =	shalt  }
0x7c: {  	_ =	shalt  }
0x7d: {  	_ =	shalt  }
0x7e: {  	_ =	shalt  }
0x7f: {  	_ =	shalt  }
0x80: {  	_ =	shalt  }
0x81: {  	_ =	shalt  }
0x82: {  	_ =	shalt  }
0x83: {  	_ =	shalt  }
0x84: {  	_ =	shalt  }
0x85: {  	_ =	shalt  }
0x86: {  	_ =	shalt  }
0x87: {  	_ =	shalt  }
.Lfunc_end0:
.L_simem_size_0:
called_computation.4_lowered:
.L_overlay_start_0:
0x88: {  	s2 =	sld [smem:$0x3FD9]  }
0x89: {  	s3 =	sld [smem:$0x3FFE];
	_ =	sdelay $0x1  }
0x8a: {  	s1 =	srdreg.scid  }
0x8b: {  	s0 =	sand.u32 $0x1, s1  }
0x8c: {  	s16 =	sshll.u32 s0, $0xA;
	s2 =	sadd.s32 s3, s2  }
0x8d: {  	s2 =	sadd.s32 s2, s16  }
0x8e: {  	[smem:$0x3FB8] =	sst s2  }
0x8f: {  	_ = 	snop  }
0x90: {  	(tm) =	ssettm $0x1  }
0x91: {  	s17 =	sld [smem:$0x3FFB];
	_ =	sdelay $0x3  }
0x92: {  	_ =	strace s17  }
0x93: {  	s2 =	sld [smem:$0x3FFC];
	_ =	sdelay $0x3  }
0x94: {  	_ =	strace s2  }
0x95: {  	s2 =	sld [smem:$0x3FFD];
	_ =	sdelay $0x3  }
0x96: {  	_ =	strace s2  }
0x97: {  	_ =	strace $0x8FFFFFFF  }
0x98: {  	s18 =	sld [smem:$0x3FDB];
	_ =	sdelay $0x1  }
0x99: {  	s19 =	simm.s32 $_scs_section_size  }
0x9a: {  	s4 =	simm.s32 $_size__tile_overlayer_lowered;
	s5 =	simm.s32 $_tile_overlayer_lowered  }
0x9b: {  	s22 =	simm.s32 $0x1BFF;
	s21 =	sshll.u32 s5, $0x1;
	s2 =	sadd.s32 s19, s18  }
0x9c: {  	s6 =	simm.s32 $0x0;
	s20 =	sshll.u32 s4, $0x1;
	s4 =	sadd.s32 s21, s2  }
0x9d: {  	[timem:s6], [sflag:s22] =	dma.local [hbm:s4], s20  }
0x9e: {  	_ =	swait.ge [sflag:s22], s20  }
0x9f: {  	s3 =	ssub.s32 $0x0, s20;
	[sflag:s22] =	ssyncset.done $0x0  }
0xa0: {  	[sflag:s22] =	ssyncadd.s32 s3;
	_ =	sdelay $0x1  }
0xa1: {  	s23 =	simm.s32 $0x1B8B  }
0xa2: {  	_ =	swait.ge [sflag:s23], $0x1  }
0xa3: {  	[sflag:s23] =	ssyncset.done $0x0  }
0xa4: {  	s25 =	simm.s32 $0x1B8E;
	s24 =	sld [smem:$0x3FFE];
	[sflag:s23] =	ssyncadd.s32 $0xFFFFFFFF  }
0xa5: {  	s26 =	simm.s32 $execute0_lowered;
	[smem:$0x3FD2] =	sst s25  }
0xa6: {  	s4 =	sshll.u32 s26, $0x1;
	_ =	strace $0x80000052;
	[dreg:$0x1] =	wrdreg $0xFFFFFFFF  }
0xa7: {  	s28 =	simm.s32 $_size_execute0_lowered;
	s2 =	sadd.s32 s2, s4;
	[dreg:$0x0] =	wrdreg $0x0  }
0xa8: {  	s4 =	sshll.u32 s28, $0x1;
	[dreg:$0x2] =	wrdreg s2  }
0xa9: {  	[dreg:$0x3] =	wrdreg s4  }
0xaa: {  	[dreg:$0x4] =	wrdreg $0xC0  }
0xab: {  	_ =	task [dreg:s6], $0x5FFFF  }
0xac: {  	[dreg:$0x1] =	wrdreg $0xFFFFFFFF  }
0xad: {  	[dreg:$0x0] =	wrdreg $0x60  }
0xae: {  	[dreg:$0x2] =	wrdreg s24  }
0xaf: {  	[dreg:$0x3] =	wrdreg $0x80E80  }
0xb0: {  	[dreg:$0x4] =	wrdreg $0x9  }
0xb1: {  	_ =	task.clear_ibuf [dreg:s6], $0x5FFFF;
	_ =	strace $0x90000052  }
0xb2: {  	s29 =	simm.s32 $0x9;
	_ =	strace $0x80000054  }
0xb3: {  	_ =	swait.ge [sflag:s29], $0x1  }
0xb4: {  	[sflag:s29] =	ssyncadd.s32 $0xFFFFFFFF  }
0xb5: {  	_ =	strace $0x90000054  }
0xb6: {  	_ =	sfence  }
0xb7: {  	s30 =	sld [smem:$0x0];
	_ =	sdelay $0x2  }
0xb8: {  	s31 =	sshll.u32 s1, $0xD;
	s1 =	sshrl.u32 s1, $0x2  }
0xb9: {  	s3 =	sand.u32 $0x4000, s31;
	s1 =	sadd.s32 s1, s30  }
0xba: {  	s0 =	sor.u32 s3, s0;
	s1 =	sshll.u32 s1, $0x11  }
0xbb: {  	s0 =	sor.u32 s1, s0  }
0xbc: {  	s0 =	sadd.s32 $0x8F2B, s0  }
0xbd: {  	[sflag:s0] =	ssyncadd.remote.s32 $0x1  }
0xbe: {  	_ =	sfence.sel $0xFFFF  }
0xbf: {  	[dreg:$0x0] =	wrdreg $0xFFFFFFFF;
	(pc) =	sbr.abs _section_cstart, $3  }
0xc0: {  	[dreg:$0x1] =	wrdreg $0xFFFFFFFF  }
0xc1: {  	_ =	task.clear_ibuf [dreg:s6], $0x2FFFF;
	_ =	strace $0x9FFFFFFF  }
0xc2: {  	(tm) =	ssettm $0x7FFFFFFF  }
0xc3: {  	_ =	shalt  }
tec
execute0_lowered:
.L_overlay_start_1:
0x0: {  	(tag) =	ssettag $0x1  }
0x1: {  	s4 =	rddreg [dreg:$0x0]  }
0x2: {  	s2 =	rddreg [dreg:$0x1]  }
0x3: {  	s0 =	rddreg [dreg:$0x2]  }
0x4: {  	s3 =	simm.s32 $0x0;
	s1 =	srdreg.scid;
	p1 =	por $0x0, $0x0  }
0x5: {  	[smem:$0x7FF] =	sst s3;
	s5 =	sadd.s32 $0xA5600, s4;
	s6 =	sadd.s32 $0xA0600, s4  }
0x6: {  	s7 =	sand.u32 $0x1, s1;
	s1 =	stileid.u32;
	_ =	strace $0x80000053  }
0x7: {  	s8 =	smul.u32 $0x9C40, s7;
	s9 =	ssub.s32 $0x2, s7;
	s10 =	sshll.u32 s1, $0x1  }
0x8: {  	s12 =	smul.u32 $0x7D00, s1;
	p0 =	sgt.u32 s1, $0x9;
	s7 =	sor.u32 s7, s10  }
0x9: {  	s11 =	sshrl.u32 s9, $0x1;
	s8 =	sadd.s32 s8, s4;
	s10 =	smul.u32 $0x1388, s7  }
0xa: {  	s9 =	ssub.s32 s9, s11;
	s21 =	sshrl.u32 s12, $0x3;
	s7 =	smul.u32 $0x4E20, s7  }
0xb: {  	s4 =	sadd.s32 s12, s2;
	s20 =	sadd.s32 $0x141A00, s8;
	s8 =	sadd.s32 $0x155400, s8  }
0xc: {  	s22 =	smax.u32 s9, $0x1;
	s16 =	sshrl.u32 s10, $0x3;
	s17 =	sadd.s32 $0x3E8, s10  }
0xd: {  	s18 =	sadd.s32 s5, s7;
	s24 =	sadd.s32 $0x7D0, s10;
	s26 =	sadd.s32 $0xBB8, s10  }
0xe: {  	s30 =	sadd.s32 $0xFA0, s10;
	s20 =	sadd.s32 @!p0 s21, s20;
	s22 =	sadd.s32 $0xFFFFFFFF, s22  }
0xf: {  	s10 =	simm.s32 $0x3E8;
	s19 =	sadd.s32 s6, s16;
	s23 =	sshrl.u32 s17, $0x3  }
0x10: {  	s9 =	sshll.u32 s17, $0x2;
	s25 =	sshrl.u32 s24, $0x3;
	s7 =	sshll.u32 s24, $0x2  }
0x11: {  	s28 =	sshrl.u32 s26, $0x3;
	s29 =	sshll.u32 s26, $0x2;
	p2 =	sne.s32 s22, $0x0  }
.Ltmp0:
0x12: {  	s31 =	sshrl.u32 s30, $0x3;
	s17 =	sadd.s32 s6, s23;
	(pc) =	sbr.rel @!p2 .LBB2_1-.Ltmp0, $4  }
0x13: {  	s16 =	sadd.s32 s5, s9;
	s15 =	sadd.s32 s6, s25;
	s14 =	sadd.s32 s5, s7  }
0x14: {  	s13 =	sadd.s32 s6, s28;
	s12 =	sadd.s32 s5, s29;
	s9 =	sshll.u32 s30, $0x2  }
0x15: {  	s11 =	sadd.s32 s6, s31;
	s7 =	simm.s32 $0x1;
	s6 =	simm.s32 @!p0 $0x1  }
0x16: {  	s9 =	sadd.s32 s5, s9;
	s5 =	sadd.s32 @!p0 s21, s8;
	s8 =	simm.s32 @!p0 $0x0  }
0x17: {  	s21 =	simm.s32 @!p0 $0x3E8  }
0x18: {  	[tilespmem:s21], [sflag:$0x1] =	stream.linear.gather @!p0 [hbm4b:s20+s8], $0x7D00, $0x38;
	[tilespmem:$0xCF08] =	vst v63  }
0x19: {  	_ =	swait.ge @!p0 [sflag:s6], $0x7D00  }
0x1a: {  	[sflag:s6] =	ssyncset.done @!p0 $0x0  }
0x1b: {  	[sflag:s6] =	ssyncadd.s32 @!p0 $0xFFFF8300  }
0x1c: {  	[spmem:s4] =	stream.linear.scatter @!p0 [tilespmem:s21], [sflag:$0x1], $0x7D00, $0x38;
	[tilespmem:$0xCF08] =	vst v63  }
0x1d: {  	_ =	swait.ge @!p0 [sflag:s6], $0x7D00  }
0x1e: {  	[sflag:s6] =	ssyncset.done @!p0 $0x0  }
0x1f: {  	[sflag:s6] =	ssyncadd.s32 @!p0 $0xFFFF8300  }
0x20: {  	[bflag:$0x0] =	sbarrier.arrive $0xFFFF  }
0x21: {  	[tilespmem:s3], [sflag:$0x1] =	stream.linear.gather [hbm4b:s19+s3], $0x3E8, $0x38;
	[tilespmem:$0xCF08] =	vst v63  }
0x22: {  	_ =	swait.ge [sflag:s7], $0x3E8  }
0x23: {  	[sflag:s7] =	ssyncset.done $0x0  }
0x24: {  	[sflag:s7] =	ssyncadd.s32 $0xFFFFFC18  }
0x25: {  	[tilespmem:s10], [sflag:$0x1] =	stream.linear.gather [hbm4b:s18+s3], $0x7D00, $0x38;
	[tilespmem:$0xCF08] =	vst v63  }
0x26: {  	_ =	swait.ge [sflag:s7], $0x7D00  }
0x27: {  	[sflag:s7] =	ssyncset.done $0x0  }
0x28: {  	[sflag:s7] =	ssyncadd.s32 $0xFFFF8300  }
0x29: {  	[spmem:s2] =	stream.indirect.scatter.add.f32 [tilespmem:s10], [sflag:$0x1], $0x20, s3, s10, $0xb8;
	[tilespmem:$0xCF08] =	vst v63  }
0x2a: {  	_ =	swait.ge [sflag:s7], $0x7D00  }
0x2b: {  	[sflag:s7] =	ssyncset.done $0x0  }
0x2c: {  	[sflag:s7] =	ssyncadd.s32 $0xFFFF8300  }
0x2d: {  	[tilespmem:s3], [sflag:$0x1] =	stream.linear.gather [hbm4b:s17+s3], $0x3E8, $0x38;
	[tilespmem:$0xCF08] =	vst v63  }
0x2e: {  	_ =	swait.ge [sflag:s7], $0x3E8  }
0x2f: {  	[sflag:s7] =	ssyncset.done $0x0  }
0x30: {  	[sflag:s7] =	ssyncadd.s32 $0xFFFFFC18  }
0x31: {  	[tilespmem:s10], [sflag:$0x1] =	stream.linear.gather [hbm4b:s16+s3], $0x7D00, $0x38;
	[tilespmem:$0xCF08] =	vst v63  }
0x32: {  	_ =	swait.ge [sflag:s7], $0x7D00  }
0x33: {  	[sflag:s7] =	ssyncset.done $0x0  }
0x34: {  	[sflag:s7] =	ssyncadd.s32 $0xFFFF8300  }
0x35: {  	[spmem:s2] =	stream.indirect.scatter.add.f32 [tilespmem:s10], [sflag:$0x1], $0x20, s3, s10, $0xb8;
	[tilespmem:$0xCF08] =	vst v63  }
0x36: {  	_ =	swait.ge [sflag:s7], $0x7D00  }
0x37: {  	[sflag:s7] =	ssyncset.done $0x0  }
0x38: {  	[sflag:s7] =	ssyncadd.s32 $0xFFFF8300  }
0x39: {  	[tilespmem:s3], [sflag:$0x1] =	stream.linear.gather [hbm4b:s15+s3], $0x3E8, $0x38;
	[tilespmem:$0xCF08] =	vst v63  }
0x3a: {  	_ =	swait.ge [sflag:s7], $0x3E8  }
0x3b: {  	[sflag:s7] =	ssyncset.done $0x0  }
0x3c: {  	[sflag:s7] =	ssyncadd.s32 $0xFFFFFC18  }
0x3d: {  	[tilespmem:s10], [sflag:$0x1] =	stream.linear.gather [hbm4b:s14+s3], $0x7D00, $0x38;
	[tilespmem:$0xCF08] =	vst v63  }
0x3e: {  	_ =	swait.ge [sflag:s7], $0x7D00  }
0x3f: {  	[sflag:s7] =	ssyncset.done $0x0  }
0x40: {  	[sflag:s7] =	ssyncadd.s32 $0xFFFF8300  }
0x41: {  	[spmem:s2] =	stream.indirect.scatter.add.f32 [tilespmem:s10], [sflag:$0x1], $0x20, s3, s10, $0xb8;
	[tilespmem:$0xCF08] =	vst v63  }
0x42: {  	_ =	swait.ge [sflag:s7], $0x7D00  }
0x43: {  	[sflag:s7] =	ssyncset.done $0x0  }
0x44: {  	[sflag:s7] =	ssyncadd.s32 $0xFFFF8300  }
0x45: {  	[tilespmem:s3], [sflag:$0x1] =	stream.linear.gather [hbm4b:s13+s3], $0x3E8, $0x38;
	[tilespmem:$0xCF08] =	vst v63  }
0x46: {  	_ =	swait.ge [sflag:s7], $0x3E8  }
0x47: {  	[sflag:s7] =	ssyncset.done $0x0  }
0x48: {  	[sflag:s7] =	ssyncadd.s32 $0xFFFFFC18  }
0x49: {  	[tilespmem:s10], [sflag:$0x1] =	stream.linear.gather [hbm4b:s12+s3], $0x7D00, $0x38;
	[tilespmem:$0xCF08] =	vst v63  }
0x4a: {  	_ =	swait.ge [sflag:s7], $0x7D00  }
0x4b: {  	[sflag:s7] =	ssyncset.done $0x0  }
0x4c: {  	[sflag:s7] =	ssyncadd.s32 $0xFFFF8300  }
0x4d: {  	[spmem:s2] =	stream.indirect.scatter.add.f32 [tilespmem:s10], [sflag:$0x1], $0x20, s3, s10, $0xb8;
	[tilespmem:$0xCF08] =	vst v63  }
0x4e: {  	_ =	swait.ge [sflag:s7], $0x7D00  }
0x4f: {  	[sflag:s7] =	ssyncset.done $0x0  }
0x50: {  	[sflag:s7] =	ssyncadd.s32 $0xFFFF8300  }
0x51: {  	[tilespmem:s3], [sflag:$0x1] =	stream.linear.gather [hbm4b:s11+s3], $0x3E8, $0x38;
	[tilespmem:$0xCF08] =	vst v63  }
0x52: {  	_ =	swait.ge [sflag:s7], $0x3E8  }
0x53: {  	[sflag:s7] =	ssyncset.done $0x0  }
0x54: {  	[sflag:s7] =	ssyncadd.s32 $0xFFFFFC18  }
0x55: {  	[tilespmem:s10], [sflag:$0x1] =	stream.linear.gather [hbm4b:s9+s3], $0x7D00, $0x38;
	[tilespmem:$0xCF08] =	vst v63  }
0x56: {  	_ =	swait.ge [sflag:s7], $0x7D00  }
0x57: {  	[sflag:s7] =	ssyncset.done $0x0  }
0x58: {  	[sflag:s7] =	ssyncadd.s32 $0xFFFF8300  }
0x59: {  	[spmem:s2] =	stream.indirect.scatter.add.f32 [tilespmem:s10], [sflag:$0x1], $0x20, s3, s10, $0xb8;
	[tilespmem:$0xCF08] =	vst v63  }
0x5a: {  	_ =	swait.ge [sflag:s7], $0x7D00  }
0x5b: {  	[sflag:s7] =	ssyncset.done $0x0  }
0x5c: {  	[sflag:s7] =	ssyncadd.s32 $0xFFFF8300  }
0x5d: {  	s22 =	sadd.s32 $0xFFFFFFFF, s22;
	[bflag:$0x0] =	sbarrier.arrive $0xFFFF  }
0x5e: {  	[tilespmem:s21], [sflag:$0x1] =	stream.linear.gather @!p0 [spmem:s4], $0x7D00, $0x38;
	[tilespmem:$0xCF08] =	vst v63  }
0x5f: {  	p2 =	sne.s32 s22, $0x0;
	_ =	swait.ge @!p0 [sflag:s6], $0x7D00  }
.Ltmp1:
0x60: {  	[sflag:s6] =	ssyncset.done @!p0 $0x0;
	(pc) =	sbr.rel @!p2 .LBB2_3-.Ltmp1, $4  }
0x61: {  	[sflag:s6] =	ssyncadd.s32 @!p0 $0xFFFF8300  }
0x62: {  	[hbm4b:s5+s8] =	stream.linear.scatter @!p0 [tilespmem:s21], [sflag:$0x1], $0x7D00, $0x38;
	[tilespmem:$0xCF08] =	vst v63  }
0x63: {  	_ =	swait.ge @!p0 [sflag:s6], $0x7D00  }
0x64: {  	p1 =	por $0x1, $0x1;
	s23 =	simm.s32 @!p0 $0x1;
	[sflag:s6] =	ssyncset.done @!p0 $0x0  }
.LBB2_4:
0x65: {  	s24 =	simm.s32 @!p0 $0x0;
	[sflag:s23] =	ssyncadd.s32 @!p0 $0xFFFF8300  }
0x66: {  	[tilespmem:s21], [sflag:$0x1] =	stream.linear.gather @!p0 [hbm4b:s20+s8], $0x7D00, $0x38;
	[tilespmem:$0xCF08] =	vst v63  }
0x67: {  	s22 =	sadd.s32 $0xFFFFFFFF, s22;
	s23 =	smov.u32 s6;
	_ =	swait.ge @!p0 [sflag:s6], $0x7D00  }
0x68: {  	p2 =	sne.s32 s22, $0x0;
	[sflag:s23] =	ssyncset.done @!p0 $0x0  }
0x69: {  	[sflag:s23] =	ssyncadd.s32 @!p0 $0xFFFF8300  }
0x6a: {  	[spmem:s4] =	stream.linear.scatter @!p0 [tilespmem:s21], [sflag:$0x1], $0x7D00, $0x38;
	[tilespmem:$0xCF08] =	vst v63  }
0x6b: {  	_ =	swait.ge @!p0 [sflag:s23], $0x7D00  }
0x6c: {  	[sflag:s23] =	ssyncset.done @!p0 $0x0  }
0x6d: {  	[sflag:s23] =	ssyncadd.s32 @!p0 $0xFFFF8300  }
0x6e: {  	[bflag:$0x0] =	sbarrier.arrive $0xFFFF  }
0x6f: {  	[tilespmem:s3], [sflag:$0x1] =	stream.linear.gather [hbm4b:s19+s3], $0x3E8, $0x38;
	[tilespmem:$0xCF08] =	vst v63  }
0x70: {  	_ =	swait.ge [sflag:s7], $0x3E8  }
0x71: {  	[sflag:s7] =	ssyncset.done $0x0  }
0x72: {  	[sflag:s7] =	ssyncadd.s32 $0xFFFFFC18  }
0x73: {  	[tilespmem:s10], [sflag:$0x1] =	stream.linear.gather [hbm4b:s18+s3], $0x7D00, $0x38;
	[tilespmem:$0xCF08] =	vst v63  }
0x74: {  	_ =	swait.ge [sflag:s7], $0x7D00  }
0x75: {  	[sflag:s7] =	ssyncset.done $0x0  }
0x76: {  	[sflag:s7] =	ssyncadd.s32 $0xFFFF8300  }
0x77: {  	[spmem:s2] =	stream.indirect.scatter.add.f32 [tilespmem:s10], [sflag:$0x1], $0x20, s3, s10, $0xb8;
	[tilespmem:$0xCF08] =	vst v63  }
0x78: {  	_ =	swait.ge [sflag:s7], $0x7D00  }
0x79: {  	[sflag:s7] =	ssyncset.done $0x0  }
0x7a: {  	[sflag:s7] =	ssyncadd.s32 $0xFFFF8300  }
0x7b: {  	[tilespmem:s3], [sflag:$0x1] =	stream.linear.gather [hbm4b:s17+s3], $0x3E8, $0x38;
	[tilespmem:$0xCF08] =	vst v63  }
0x7c: {  	_ =	swait.ge [sflag:s7], $0x3E8  }
0x7d: {  	[sflag:s7] =	ssyncset.done $0x0  }
0x7e: {  	[sflag:s7] =	ssyncadd.s32 $0xFFFFFC18  }
0x7f: {  	[tilespmem:s10], [sflag:$0x1] =	stream.linear.gather [hbm4b:s16+s3], $0x7D00, $0x38;
	[tilespmem:$0xCF08] =	vst v63  }
0x80: {  	_ =	swait.ge [sflag:s7], $0x7D00  }
0x81: {  	[sflag:s7] =	ssyncset.done $0x0  }
0x82: {  	[sflag:s7] =	ssyncadd.s32 $0xFFFF8300  }
0x83: {  	[spmem:s2] =	stream.indirect.scatter.add.f32 [tilespmem:s10], [sflag:$0x1], $0x20, s3, s10, $0xb8;
	[tilespmem:$0xCF08] =	vst v63  }
0x84: {  	_ =	swait.ge [sflag:s7], $0x7D00  }
0x85: {  	[sflag:s7] =	ssyncset.done $0x0  }
0x86: {  	[sflag:s7] =	ssyncadd.s32 $0xFFFF8300  }
0x87: {  	[tilespmem:s3], [sflag:$0x1] =	stream.linear.gather [hbm4b:s15+s3], $0x3E8, $0x38;
	[tilespmem:$0xCF08] =	vst v63  }
0x88: {  	_ =	swait.ge [sflag:s7], $0x3E8  }
0x89: {  	[sflag:s7] =	ssyncset.done $0x0  }
0x8a: {  	[sflag:s7] =	ssyncadd.s32 $0xFFFFFC18  }
0x8b: {  	[tilespmem:s10], [sflag:$0x1] =	stream.linear.gather [hbm4b:s14+s3], $0x7D00, $0x38;
	[tilespmem:$0xCF08] =	vst v63  }
0x8c: {  	_ =	swait.ge [sflag:s7], $0x7D00  }
0x8d: {  	[sflag:s7] =	ssyncset.done $0x0  }
0x8e: {  	[sflag:s7] =	ssyncadd.s32 $0xFFFF8300  }
0x8f: {  	[spmem:s2] =	stream.indirect.scatter.add.f32 [tilespmem:s10], [sflag:$0x1], $0x20, s3, s10, $0xb8;
	[tilespmem:$0xCF08] =	vst v63  }
0x90: {  	_ =	swait.ge [sflag:s7], $0x7D00  }
0x91: {  	[sflag:s7] =	ssyncset.done $0x0  }
0x92: {  	[sflag:s7] =	ssyncadd.s32 $0xFFFF8300  }
0x93: {  	[tilespmem:s3], [sflag:$0x1] =	stream.linear.gather [hbm4b:s13+s3], $0x3E8, $0x38;
	[tilespmem:$0xCF08] =	vst v63  }
0x94: {  	_ =	swait.ge [sflag:s7], $0x3E8  }
0x95: {  	[sflag:s7] =	ssyncset.done $0x0  }
0x96: {  	[sflag:s7] =	ssyncadd.s32 $0xFFFFFC18  }
0x97: {  	[tilespmem:s10], [sflag:$0x1] =	stream.linear.gather [hbm4b:s12+s3], $0x7D00, $0x38;
	[tilespmem:$0xCF08] =	vst v63  }
0x98: {  	_ =	swait.ge [sflag:s7], $0x7D00  }
0x99: {  	[sflag:s7] =	ssyncset.done $0x0  }
0x9a: {  	[sflag:s7] =	ssyncadd.s32 $0xFFFF8300  }
0x9b: {  	[spmem:s2] =	stream.indirect.scatter.add.f32 [tilespmem:s10], [sflag:$0x1], $0x20, s3, s10, $0xb8;
	[tilespmem:$0xCF08] =	vst v63  }
0x9c: {  	_ =	swait.ge [sflag:s7], $0x7D00  }
0x9d: {  	[sflag:s7] =	ssyncset.done $0x0  }
0x9e: {  	[sflag:s7] =	ssyncadd.s32 $0xFFFF8300  }
0x9f: {  	[tilespmem:s3], [sflag:$0x1] =	stream.linear.gather [hbm4b:s11+s3], $0x3E8, $0x38;
	[tilespmem:$0xCF08] =	vst v63  }
0xa0: {  	_ =	swait.ge [sflag:s7], $0x3E8  }
0xa1: {  	[sflag:s7] =	ssyncset.done $0x0  }
0xa2: {  	[sflag:s7] =	ssyncadd.s32 $0xFFFFFC18  }
0xa3: {  	[tilespmem:s10], [sflag:$0x1] =	stream.linear.gather [hbm4b:s9+s3], $0x7D00, $0x38;
	[tilespmem:$0xCF08] =	vst v63  }
0xa4: {  	_ =	swait.ge [sflag:s7], $0x7D00  }
0xa5: {  	[sflag:s7] =	ssyncset.done $0x0  }
0xa6: {  	[sflag:s7] =	ssyncadd.s32 $0xFFFF8300  }
0xa7: {  	[spmem:s2] =	stream.indirect.scatter.add.f32 [tilespmem:s10], [sflag:$0x1], $0x20, s3, s10, $0xb8;
	[tilespmem:$0xCF08] =	vst v63  }
0xa8: {  	_ =	swait.ge [sflag:s7], $0x7D00  }
0xa9: {  	[sflag:s7] =	ssyncset.done $0x0  }
0xaa: {  	[sflag:s7] =	ssyncadd.s32 $0xFFFF8300  }
0xab: {  	[bflag:$0x0] =	sbarrier.arrive $0xFFFF  }
0xac: {  	[tilespmem:s21], [sflag:$0x1] =	stream.linear.gather @!p0 [spmem:s4], $0x7D00, $0x38;
	[tilespmem:$0xCF08] =	vst v63  }
0xad: {  	_ =	swait.ge @!p0 [sflag:s23], $0x7D00  }
.Ltmp2:
0xae: {  	[sflag:s23] =	ssyncset.done @!p0 $0x0;
	(pc) =	sbr.rel @p2 .LBB2_4-.Ltmp2, $4  }
0xaf: {  	[sflag:s23] =	ssyncadd.s32 @!p0 $0xFFFF8300  }
0xb0: {  	[hbm4b:s5+s8] =	stream.linear.scatter @!p0 [tilespmem:s21], [sflag:$0x1], $0x7D00, $0x38;
	[tilespmem:$0xCF08] =	vst v63  }
0xb1: {  	s8 =	smov.u32 s24;
	_ =	swait.ge @!p0 [sflag:s23], $0x7D00  }
0xb2: {  	[sflag:s23] =	ssyncset.done @!p0 $0x0  }
.LBB2_5:
0xb3: {  	p1 =	por p0, !p1  }
0xb4: {  	s21 =	simm.s32 @!p0 $0x3E8;
	[sflag:s23] =	ssyncadd.s32 @!p1 $0xFFFF8300  }
0xb5: {  	[tilespmem:s21], [sflag:$0x1] =	stream.linear.gather @!p0 [hbm4b:s20+s8], $0x7D00, $0x38;
	[tilespmem:$0xCF08] =	vst v63  }
0xb6: {  	_ =	swait.ge @!p0 [sflag:s6], $0x7D00  }
0xb7: {  	[sflag:s6] =	ssyncset.done @!p0 $0x0  }
0xb8: {  	[sflag:s6] =	ssyncadd.s32 @!p0 $0xFFFF8300  }
0xb9: {  	[spmem:s4] =	stream.linear.scatter @!p0 [tilespmem:s21], [sflag:$0x1], $0x7D00, $0x38;
	[tilespmem:$0xCF08] =	vst v63  }
0xba: {  	_ =	swait.ge @!p0 [sflag:s6], $0x7D00  }
0xbb: {  	[sflag:s6] =	ssyncset.done @!p0 $0x0  }
0xbc: {  	[sflag:s6] =	ssyncadd.s32 @!p0 $0xFFFF8300  }
0xbd: {  	[bflag:$0x0] =	sbarrier.arrive $0xFFFF  }
0xbe: {  	[tilespmem:s3], [sflag:$0x1] =	stream.linear.gather [hbm4b:s19+s3], $0x3E8, $0x38;
	[tilespmem:$0xCF08] =	vst v63  }
0xbf: {  	_ =	swait.ge [sflag:s7], $0x3E8  }
0xc0: {  	[sflag:s7] =	ssyncset.done $0x0  }
0xc1: {  	[sflag:s7] =	ssyncadd.s32 $0xFFFFFC18  }
0xc2: {  	[tilespmem:s10], [sflag:$0x1] =	stream.linear.gather [hbm4b:s18+s3], $0x7D00, $0x38;
	[tilespmem:$0xCF08] =	vst v63  }
0xc3: {  	_ =	swait.ge [sflag:s7], $0x7D00  }
0xc4: {  	[sflag:s7] =	ssyncset.done $0x0  }
0xc5: {  	[sflag:s7] =	ssyncadd.s32 $0xFFFF8300  }
0xc6: {  	[spmem:s2] =	stream.indirect.scatter.add.f32 [tilespmem:s10], [sflag:$0x1], $0x20, s3, s10, $0xb8;
	[tilespmem:$0xCF08] =	vst v63  }
0xc7: {  	_ =	swait.ge [sflag:s7], $0x7D00  }
0xc8: {  	[sflag:s7] =	ssyncset.done $0x0  }
0xc9: {  	[sflag:s7] =	ssyncadd.s32 $0xFFFF8300  }
0xca: {  	[tilespmem:s3], [sflag:$0x1] =	stream.linear.gather [hbm4b:s17+s3], $0x3E8, $0x38;
	[tilespmem:$0xCF08] =	vst v63  }
0xcb: {  	_ =	swait.ge [sflag:s7], $0x3E8  }
0xcc: {  	[sflag:s7] =	ssyncset.done $0x0  }
0xcd: {  	[sflag:s7] =	ssyncadd.s32 $0xFFFFFC18  }
0xce: {  	[tilespmem:s10], [sflag:$0x1] =	stream.linear.gather [hbm4b:s16+s3], $0x7D00, $0x38;
	[tilespmem:$0xCF08] =	vst v63  }
0xcf: {  	_ =	swait.ge [sflag:s7], $0x7D00  }
0xd0: {  	[sflag:s7] =	ssyncset.done $0x0  }
0xd1: {  	[sflag:s7] =	ssyncadd.s32 $0xFFFF8300  }
0xd2: {  	[spmem:s2] =	stream.indirect.scatter.add.f32 [tilespmem:s10], [sflag:$0x1], $0x20, s3, s10, $0xb8;
	[tilespmem:$0xCF08] =	vst v63  }
0xd3: {  	_ =	swait.ge [sflag:s7], $0x7D00  }
0xd4: {  	[sflag:s7] =	ssyncset.done $0x0  }
0xd5: {  	[sflag:s7] =	ssyncadd.s32 $0xFFFF8300  }
0xd6: {  	[tilespmem:s3], [sflag:$0x1] =	stream.linear.gather [hbm4b:s15+s3], $0x3E8, $0x38;
	[tilespmem:$0xCF08] =	vst v63  }
0xd7: {  	_ =	swait.ge [sflag:s7], $0x3E8  }
0xd8: {  	[sflag:s7] =	ssyncset.done $0x0  }
0xd9: {  	[sflag:s7] =	ssyncadd.s32 $0xFFFFFC18  }
0xda: {  	[tilespmem:s10], [sflag:$0x1] =	stream.linear.gather [hbm4b:s14+s3], $0x7D00, $0x38;
	[tilespmem:$0xCF08] =	vst v63  }
0xdb: {  	_ =	swait.ge [sflag:s7], $0x7D00  }
0xdc: {  	[sflag:s7] =	ssyncset.done $0x0  }
0xdd: {  	[sflag:s7] =	ssyncadd.s32 $0xFFFF8300  }
0xde: {  	[spmem:s2] =	stream.indirect.scatter.add.f32 [tilespmem:s10], [sflag:$0x1], $0x20, s3, s10, $0xb8;
	[tilespmem:$0xCF08] =	vst v63  }
0xdf: {  	_ =	swait.ge [sflag:s7], $0x7D00  }
0xe0: {  	[sflag:s7] =	ssyncset.done $0x0  }
0xe1: {  	[sflag:s7] =	ssyncadd.s32 $0xFFFF8300  }
0xe2: {  	[tilespmem:s3], [sflag:$0x1] =	stream.linear.gather [hbm4b:s13+s3], $0x3E8, $0x38;
	[tilespmem:$0xCF08] =	vst v63  }
0xe3: {  	_ =	swait.ge [sflag:s7], $0x3E8  }
0xe4: {  	[sflag:s7] =	ssyncset.done $0x0  }
0xe5: {  	[sflag:s7] =	ssyncadd.s32 $0xFFFFFC18  }
0xe6: {  	[tilespmem:s10], [sflag:$0x1] =	stream.linear.gather [hbm4b:s12+s3], $0x7D00, $0x38;
	[tilespmem:$0xCF08] =	vst v63  }
0xe7: {  	_ =	swait.ge [sflag:s7], $0x7D00  }
0xe8: {  	[sflag:s7] =	ssyncset.done $0x0  }
0xe9: {  	[sflag:s7] =	ssyncadd.s32 $0xFFFF8300  }
0xea: {  	[spmem:s2] =	stream.indirect.scatter.add.f32 [tilespmem:s10], [sflag:$0x1], $0x20, s3, s10, $0xb8;
	[tilespmem:$0xCF08] =	vst v63  }
0xeb: {  	_ =	swait.ge [sflag:s7], $0x7D00  }
0xec: {  	[sflag:s7] =	ssyncset.done $0x0  }
0xed: {  	[sflag:s7] =	ssyncadd.s32 $0xFFFF8300  }
0xee: {  	[tilespmem:s3], [sflag:$0x1] =	stream.linear.gather [hbm4b:s11+s3], $0x3E8, $0x38;
	[tilespmem:$0xCF08] =	vst v63  }
0xef: {  	_ =	swait.ge [sflag:s7], $0x3E8  }
0xf0: {  	[sflag:s7] =	ssyncset.done $0x0  }
0xf1: {  	[sflag:s7] =	ssyncadd.s32 $0xFFFFFC18  }
0xf2: {  	[tilespmem:s10], [sflag:$0x1] =	stream.linear.gather [hbm4b:s9+s3], $0x7D00, $0x38;
	[tilespmem:$0xCF08] =	vst v63  }
0xf3: {  	_ =	swait.ge [sflag:s7], $0x7D00  }
0xf4: {  	[sflag:s7] =	ssyncset.done $0x0  }
0xf5: {  	[sflag:s7] =	ssyncadd.s32 $0xFFFF8300  }
0xf6: {  	[spmem:s2] =	stream.indirect.scatter.add.f32 [tilespmem:s10], [sflag:$0x1], $0x20, s3, s10, $0xb8;
	[tilespmem:$0xCF08] =	vst v63  }
0xf7: {  	_ =	swait.ge [sflag:s7], $0x7D00  }
0xf8: {  	[sflag:s7] =	ssyncset.done $0x0  }
0xf9: {  	[sflag:s7] =	ssyncadd.s32 $0xFFFF8300  }
0xfa: {  	[bflag:$0x0] =	sbarrier.arrive $0xFFFF  }
0xfb: {  	[tilespmem:s21], [sflag:$0x1] =	stream.linear.gather @!p0 [spmem:s4], $0x7D00, $0x38;
	[tilespmem:$0xCF08] =	vst v63  }
0xfc: {  	_ =	swait.ge @!p0 [sflag:s6], $0x7D00  }
0xfd: {  	[sflag:s6] =	ssyncset.done @!p0 $0x0  }
0xfe: {  	[sflag:s6] =	ssyncadd.s32 @!p0 $0xFFFF8300  }
0xff: {  	[hbm4b:s5+s8] =	stream.linear.scatter @!p0 [tilespmem:s21], [sflag:$0x1], $0x7D00, $0x38;
	[tilespmem:$0xCF08] =	vst v63  }
0x100: {  	_ =	swait.ge @!p0 [sflag:s6], $0x7D00  }
0x101: {  	[sflag:s6] =	ssyncset.done @!p0 $0x0  }
0x102: {  	[sflag:s6] =	ssyncadd.s32 @!p0 $0xFFFF8300  }
0x103: {  	_ =	sfence.sel $0x180000  }
0x104: {  	[bflag:$0x0] =	sbarrier.arrive $0xFFFF  }
0x105: {  	p0 =	sne.s32 s1, $0x0;
	_ =	strace $0x90000053  }
0x106: {  	s0 =	sadd.s32 @!p0 $0x100000, s0;
	[bflag:$0x2] =	sbarrier.arrive $0xFFFF  }
0x107: {  	[sflag:s0] =	ssyncadd.tile.s32 @!p0 $0x1;
	_ =	shalt  }
.LBB2_1:
.Ltmp3:
0x108: {  	(pc) =	sbr.rel .LBB2_5-.Ltmp3, $2  }
0x109: {  	_ =	sdelay $0x2  }
0x10a: {  	_ = 	snop  }
.LBB2_3:
.Ltmp4:
0x10b: {  	(pc) =	sbr.rel .LBB2_5-.Ltmp4, $2  }
0x10c: {  	_ =	sdelay $0x2  }
0x10d: {  	s23 =	simm.s32 @!p0 $0x1  }
.Lfunc_end2:
_tile_overlayer_lowered:
.L_overlay_start_2:
0x10e: {  	(tag) =	ssettag $0x2  }
0x10f: {  	s0 =	rddreg [dreg:$0x0];
	s2 =	stileid.u32  }
0x110: {  	s1 =	rddreg [dreg:$0x1];
	p0 =	sne.s32 s2, $0x0  }
0x111: {  	s3 =	rddreg [dreg:$0x2];
	[bflag:$0x3] =	sbarrier.arrive $0xFFFF;
	s2 =	simm.s32 @!p0 $0x1C01  }
0x112: {  	[timem:s3], [sflag:s2] =	dma.local @!p0 [hbm:s0], s1  }
0x113: {  	s0 =	simm.s32 @!p0 $0x1  }
0x114: {  	_ =	swait.ge @!p0 [sflag:s0], s1  }
0x115: {  	s1 =	ssub.s32 @!p0 $0x0, s1;
	[sflag:s0] =	ssyncset.done @!p0 $0x0  }
0x116: {  	[sflag:s0] =	ssyncadd.s32 @!p0 s1  }
0x117: {  	[bflag:$0x3] =	sbarrier.arrive $0xFFFF  }
0x118: {  	_ =	shalt  }

// kernel: kernel.32.cloned.1.call-start
scs
__scs_entry_jumppad:
0x0: {  	(pc) =	sbr.rel $0x88, $3  }
0x1: {  	(tag) =	ssettag $0x0;
	lr =	simm.s32 $0x1  }
0x2: {  	[smem:$0x3F91] =	sst lr;
	_ =	strace $0xD0000000  }
0x3: {  	_ = 	snop  }
0x4: {  	_ = 	snop  }
0x5: {  	_ = 	snop  }
0x6: {  	_ = 	snop  }
0x7: {  	_ = 	snop  }
__scs_overlays_trampoline_lowered:
0x8: {  	[smem:$0x3FA0] =	sst s0  }
0x9: {  	[smem:$0x3FA1] =	sst s1  }
0xa: {  	[smem:$0x3FA2] =	sst s2  }
0xb: {  	[smem:$0x3FA3] =	sst s3  }
0xc: {  	[smem:$0x3FA4] =	sst s4  }
0xd: {  	[smem:$0x3FA5] =	sst s5  }
0xe: {  	[smem:$0x3FA6] =	sst s6  }
0xf: {  	[smem:$0x3FA7] =	sst s7  }
0x10: {  	[smem:$0x3FA8] =	sst s8  }
0x11: {  	[smem:$0x3FA9] =	sst s9;
	s0 =	simm.s32 @!p0 $0x0  }
0x12: {  	s1 =	sld [smem:$0x3F8F];
	s0 =	simm.s32 @p0 $0x1  }
0x13: {  	[smem:$0x3FAA] =	sst s0;
	s0 =	simm.s32 @!p1 $0x0  }
0x14: {  	s2 =	sld [smem:$0x3F8E];
	s0 =	simm.s32 @p1 $0x1  }
0x15: {  	[smem:$0x3FAB] =	sst s0;
	s0 =	simm.s32 @!p2 $0x0  }
0x16: {  	s3 =	sld [smem:$0x3FDB];
	s0 =	simm.s32 @p2 $0x1  }
0x17: {  	s4 =	simm.s32 $0x1BF5;
	[smem:$0x3FAD] =	sst s0  }
0x18: {  	s0 =	sld [smem:$0x3F90];
	_ =	swait.ge [sflag:s4], $0x0  }
0x19: {  	s7 =	sld [smem:$0x3F91]  }
0x1a: {  	s8 =	sadd.s32 $0xFFFFE003, lr  }
0x1b: {  	s9 =	sadd.s32 $0xFFFFFEF7, lr;
	s5 =	simm.s32 $0xFFFFFFFF;
	p2 =	slt.u32 s8, $0xFFFFF086  }
0x1c: {  	p1 =	slt.u32 s9, $0xF7A;
	s5 =	simm.s32 @!p2 $0x0  }
0x1d: {  	s5 =	simm.s32 @p1 $0x1;
	p0 =	seq.s32 s7, s2  }
0x1e: {  	s7 =	smul.u32 @!p0 $0xF7A, s2;
	p2 =	seq.s32 @!p0 s5, $0x0  }
0x1f: {  	s9 =	smul.u32 $0xF7A, s1;
	s8 =	simm.s32 @!p0 $0x1BF5;
	p2 =	por !p2, p0  }
0x20: {  	[sflag:s8] =	ssyncset.s32 @!p0 $0xFFFFF086;
	s6 =	sadd.s32 @!p0 s3, s7;
	s7 =	simm.s32 @!p0 $0x108  }
0x21: {  	s3 =	sadd.s32 s3, s9;
	s6 =	sadd.s32 @!p0 $0x88, s6;
	s7 =	simm.s32 @p2 $0x1082  }
0x22: {  	[simem:s7], [sflag:s8] =	dma.local @!p0 [hbm:s6], $0xF7A  }
0x23: {  	s9 =	sor.u32 $0xD0000000, s2;
	s6 =	simm.s32 $0x108;
	_ =	swait.ge @!p0 [sflag:s8], $0x0  }
0x24: {  	s3 =	sadd.s32 $0x88, s3;
	s6 =	simm.s32 @!p1 $0x1082;
	[sflag:s4] =	ssyncset.s32 $0xFFFFF086  }
0x25: {  	[simem:s6], [sflag:s4] =	dma.local [hbm:s3], $0xF7A  }
0x26: {  	[smem:$0x3F91] =	sst s1;
	(tag) =	ssettag s2;
	_ =	strace s9  }
0x27: {  	s1 =	sld [smem:$0x3FA1]  }
0x28: {  	s2 =	sld [smem:$0x3FA2]  }
0x29: {  	s4 =	sld [smem:$0x3FA4]  }
0x2a: {  	p0 =	seq.s32 s5, $0x0;
	s5 =	sld [smem:$0x3FA5]  }
0x2b: {  	s6 =	sld [smem:$0x3FA6]  }
0x2c: {  	s7 =	sld [smem:$0x3FA7]  }
0x2d: {  	s3 =	simm.s32 $0x108;
	s8 =	sld [smem:$0x3FA8]  }
0x2e: {  	s3 =	simm.s32 @!p0 $0x1082;
	s9 =	sld [smem:$0x3FA9]  }
0x2f: {  	lr =	sadd.s32 s0, s3;
	s0 =	sld [smem:$0x3FA0]  }
0x30: {  	s3 =	sld [smem:$0x3FA3]  }
0x31: {  	[smem:$0x3FAC] =	sst s10  }
0x32: {  	s10 =	sld [smem:$0x3FAA];
	_ =	sdelay $0x3  }
0x33: {  	p0 =	seq.s32 s10, $0x1;
	s10 =	sld [smem:$0x3FAC];
	_ =	sdelay $0x3  }
0x34: {  	[smem:$0x3FAC] =	sst s10  }
0x35: {  	s10 =	sld [smem:$0x3FAB];
	_ =	sdelay $0x3  }
0x36: {  	p1 =	seq.s32 s10, $0x1;
	s10 =	sld [smem:$0x3FAC];
	_ =	sdelay $0x3  }
0x37: {  	[smem:$0x3FAC] =	sst s10  }
0x38: {  	s10 =	sld [smem:$0x3FAD]  }
0x39: {  	_ = 	snop;
	(pc) =	sbr.ind lr, $3  }
0x3a: {  	_ = 	snop  }
0x3b: {  	_ = 	snop  }
0x3c: {  	p2 =	seq.s32 s10, $0x1;
	s10 =	sld [smem:$0x3FAC]  }
0x3d: {  	_ =	shalt  }
0x3e: {  	_ =	shalt  }
0x3f: {  	_ =	shalt  }
0x40: {  	_ =	shalt  }
0x41: {  	_ =	shalt  }
0x42: {  	_ =	shalt  }
0x43: {  	_ =	shalt  }
0x44: {  	_ =	shalt  }
0x45: {  	_ =	shalt  }
0x46: {  	_ =	shalt  }
0x47: {  	_ =	shalt  }
0x48: {  	_ =	shalt  }
0x49: {  	_ =	shalt  }
0x4a: {  	_ =	shalt  }
0x4b: {  	_ =	shalt  }
0x4c: {  	_ =	shalt  }
0x4d: {  	_ =	shalt  }
0x4e: {  	_ =	shalt  }
0x4f: {  	_ =	shalt  }
0x50: {  	_ =	shalt  }
0x51: {  	_ =	shalt  }
0x52: {  	_ =	shalt  }
0x53: {  	_ =	shalt  }
0x54: {  	_ =	shalt  }
0x55: {  	_ =	shalt  }
0x56: {  	_ =	shalt  }
0x57: {  	_ =	shalt  }
0x58: {  	_ =	shalt  }
0x59: {  	_ =	shalt  }
0x5a: {  	_ =	shalt  }
0x5b: {  	_ =	shalt  }
0x5c: {  	_ =	shalt  }
0x5d: {  	_ =	shalt  }
0x5e: {  	_ =	shalt  }
0x5f: {  	_ =	shalt  }
0x60: {  	_ =	shalt  }
0x61: {  	_ =	shalt  }
0x62: {  	_ =	shalt  }
0x63: {  	_ =	shalt  }
0x64: {  	_ =	shalt  }
0x65: {  	_ =	shalt  }
0x66: {  	_ =	shalt  }
0x67: {  	_ =	shalt  }
0x68: {  	_ =	shalt  }
0x69: {  	_ =	shalt  }
0x6a: {  	_ =	shalt  }
0x6b: {  	_ =	shalt  }
0x6c: {  	_ =	shalt  }
0x6d: {  	_ =	shalt  }
0x6e: {  	_ =	shalt  }
0x6f: {  	_ =	shalt  }
0x70: {  	_ =	shalt  }
0x71: {  	_ =	shalt  }
0x72: {  	_ =	shalt  }
0x73: {  	_ =	shalt  }
0x74: {  	_ =	shalt  }
0x75: {  	_ =	shalt  }
0x76: {  	_ =	shalt  }
0x77: {  	_ =	shalt  }
0x78: {  	_ =	shalt  }
0x79: {  	_ =	shalt  }
0x7a: {  	_ =	shalt  }
0x7b: {  	_ =	shalt  }
0x7c: {  	_ =	shalt  }
0x7d: {  	_ =	shalt  }
0x7e: {  	_ =	shalt  }
0x7f: {  	_ =	shalt  }
0x80: {  	_ =	shalt  }
0x81: {  	_ =	shalt  }
0x82: {  	_ =	shalt  }
0x83: {  	_ =	shalt  }
0x84: {  	_ =	shalt  }
0x85: {  	_ =	shalt  }
0x86: {  	_ =	shalt  }
0x87: {  	_ =	shalt  }
.Lfunc_end0:
.L_simem_size_0:
called_computation.5_lowered:
.L_overlay_start_0:
0x88: {  	s2 =	sld [smem:$0x3FD9]  }
0x89: {  	s3 =	sld [smem:$0x3FFE];
	_ =	sdelay $0x1  }
0x8a: {  	s1 =	srdreg.scid  }
0x8b: {  	s0 =	sand.u32 $0x1, s1  }
0x8c: {  	s16 =	sshll.u32 s0, $0xA;
	s2 =	sadd.s32 s3, s2  }
0x8d: {  	s2 =	sadd.s32 s2, s16  }
0x8e: {  	[smem:$0x3FB8] =	sst s2  }
0x8f: {  	_ = 	snop  }
0x90: {  	(tm) =	ssettm $0x1  }
0x91: {  	s17 =	sld [smem:$0x3FFB];
	_ =	sdelay $0x3  }
0x92: {  	_ =	strace s17  }
0x93: {  	s2 =	sld [smem:$0x3FFC];
	_ =	sdelay $0x3  }
0x94: {  	_ =	strace s2  }
0x95: {  	s2 =	sld [smem:$0x3FFD];
	_ =	sdelay $0x3  }
0x96: {  	_ =	strace s2  }
0x97: {  	_ =	strace $0x8FFFFFFF  }
0x98: {  	s18 =	sld [smem:$0x3FDB];
	_ =	sdelay $0x1  }
0x99: {  	s19 =	simm.s32 $_scs_section_size  }
0x9a: {  	s4 =	simm.s32 $_size__tile_overlayer_lowered;
	s5 =	simm.s32 $_tile_overlayer_lowered  }
0x9b: {  	s22 =	simm.s32 $0x1BFF;
	s21 =	sshll.u32 s5, $0x1;
	s2 =	sadd.s32 s19, s18  }
0x9c: {  	s6 =	simm.s32 $0x0;
	s20 =	sshll.u32 s4, $0x1;
	s4 =	sadd.s32 s21, s2  }
0x9d: {  	[timem:s6], [sflag:s22] =	dma.local [hbm:s4], s20  }
0x9e: {  	_ =	swait.ge [sflag:s22], s20  }
0x9f: {  	s3 =	ssub.s32 $0x0, s20;
	[sflag:s22] =	ssyncset.done $0x0  }
0xa0: {  	[sflag:s22] =	ssyncadd.s32 s3;
	_ =	sdelay $0x1  }
0xa1: {  	s23 =	simm.s32 $0x1B8B  }
0xa2: {  	_ =	swait.ge [sflag:s23], $0x1  }
0xa3: {  	[sflag:s23] =	ssyncset.done $0x0  }
0xa4: {  	s25 =	simm.s32 $0x1B8E;
	s24 =	sld [smem:$0x3FFE];
	[sflag:s23] =	ssyncadd.s32 $0xFFFFFFFF  }
0xa5: {  	s26 =	simm.s32 $execute0_lowered;
	[smem:$0x3FD2] =	sst s25  }
0xa6: {  	s4 =	sshll.u32 s26, $0x1;
	_ =	strace $0x80000055;
	[dreg:$0x1] =	wrdreg $0xFFFFFFFF  }
0xa7: {  	s28 =	simm.s32 $_size_execute0_lowered;
	s2 =	sadd.s32 s2, s4;
	[dreg:$0x0] =	wrdreg $0x0  }
0xa8: {  	s4 =	sshll.u32 s28, $0x1;
	[dreg:$0x2] =	wrdreg s2  }
0xa9: {  	[dreg:$0x3] =	wrdreg s4  }
0xaa: {  	[dreg:$0x4] =	wrdreg $0xC0  }
0xab: {  	_ =	task [dreg:s6], $0x5FFFF  }
0xac: {  	[dreg:$0x1] =	wrdreg $0xFFFFFFFF  }
0xad: {  	[dreg:$0x0] =	wrdreg $0x60  }
0xae: {  	[dreg:$0x2] =	wrdreg s24  }
0xaf: {  	[dreg:$0x3] =	wrdreg $0x9  }
0xb0: {  	_ =	task.clear_ibuf [dreg:s6], $0x4FFFF;
	_ =	strace $0x90000055  }
0xb1: {  	s29 =	simm.s32 $0x9;
	_ =	strace $0x80000057  }
0xb2: {  	_ =	swait.ge [sflag:s29], $0x1  }
0xb3: {  	[sflag:s29] =	ssyncadd.s32 $0xFFFFFFFF  }
0xb4: {  	_ =	strace $0x90000057  }
0xb5: {  	_ =	sfence  }
0xb6: {  	s30 =	sld [smem:$0x0];
	_ =	sdelay $0x2  }
0xb7: {  	s31 =	sshll.u32 s1, $0xD;
	s1 =	sshrl.u32 s1, $0x2  }
0xb8: {  	s3 =	sand.u32 $0x4000, s31;
	s1 =	sadd.s32 s1, s30  }
0xb9: {  	s0 =	sor.u32 s3, s0;
	s1 =	sshll.u32 s1, $0x11  }
0xba: {  	s0 =	sor.u32 s1, s0  }
0xbb: {  	s0 =	sadd.s32 $0x8F2B, s0  }
0xbc: {  	[sflag:s0] =	ssyncadd.remote.s32 $0x1  }
0xbd: {  	_ =	sfence.sel $0xFFFF  }
0xbe: {  	[dreg:$0x0] =	wrdreg $0xFFFFFFFF;
	(pc) =	sbr.abs _section_cstart, $3  }
0xbf: {  	[dreg:$0x1] =	wrdreg $0xFFFFFFFF  }
0xc0: {  	_ =	task.clear_ibuf [dreg:s6], $0x2FFFF;
	_ =	strace $0x9FFFFFFF  }
0xc1: {  	(tm) =	ssettm $0x7FFFFFFF  }
tec
execute0_lowered:
.L_overlay_start_1:
0x0: {  	(tag) =	ssettag $0x1  }
0x1: {  	s4 =	rddreg [dreg:$0x0]  }
0x2: {  	s0 =	rddreg [dreg:$0x1]  }
0x3: {  	s3 =	srdreg.scid;
	s1 =	stileid.u32  }
0x4: {  	s2 =	simm.s32 $0x0;
	s10 =	simm.s32 $0x3E8;
	s11 =	simm.s32 $0x80E8  }
0x5: {  	s12 =	simm.s32 $0x1;
	s13 =	simm.s32 $0x0;
	s6 =	smul.u32 $0x2710, s1  }
0x6: {  	s5 =	sand.u32 $0x1, s3;
	[smem:$0x7FF] =	sst s2;
	s28 =	smul.u32 $0x9C40, s1  }
0x7: {  	s3 =	sadd.s32 $0x155400, s4;
	s7 =	smul.u32 $0x1388, s5;
	s8 =	ssub.s32 $0x2, s5  }
0x8: {  	_ =	strace $0x80000056;
	s5 =	smul.u32 $0x4E20, s5;
	s30 =	sshrl.u32 s8, $0x1  }
0x9: {  	s29 =	sadd.s32 s28, s4;
	s6 =	sadd.s32 s7, s6;
	s7 =	ssub.s32 s8, s30  }
0xa: {  	s31 =	sadd.s32 s5, s29;
	s6 =	sshrl.u32 s6, $0x3;
	s5 =	smax.u32 s7, $0x1  }
0xb: {  	s7 =	sadd.s32 $0xA5600, s31;
	s9 =	sadd.s32 s6, s4;
	s4 =	sadd.s32 $0x15F040, s4  }
0xc: {  	s6 =	sadd.s32 $0x16DE00, s31;
	s8 =	sadd.s32 $0x168E00, s9;
	s9 =	simm.s32 $0x2  }
.LBB2_1:
0xd: {  	[tilespmem:s2], [sflag:$0x2] =	stream.linear.gather [hbm4b:s8+s2], $0x3E8, $0x38;
	[tilespmem:$0xFDE8] =	vst v63  }
0xe: {  	_ =	swait.ge [sflag:s9], $0x3E8  }
0xf: {  	[sflag:s9] =	ssyncset.done $0x0  }
0x10: {  	[sflag:s9] =	ssyncadd.s32 $0xFFFFFC18  }
0x11: {  	[tilespmem:s10], [sflag:$0x1] =	stream.indirect.gather [hbm4b:s3+s10], $0x20, s2, s10, $0xb8;
	[tilespmem:$0xFDE8] =	vst v63  }
0x12: {  	_ = 	snop  }
0x13: {  	[tilespmem:s11], [sflag:$0x1] =	stream.indirect.gather [hbm4b:s4+s10], $0x20, s2, s10, $0xb8;
	[tilespmem:$0xFDE8] =	vst v63  }
0x14: {  	_ =	swait.ge [sflag:s12], $0x7D00  }
0x15: {  	[sflag:s12] =	ssyncset.done $0x0  }
0x16: {  	[sflag:s12] =	ssyncadd.s32 $0xFFFF8300  }
0x17: {  	_ =	swait.ge [sflag:s12], $0x7D00  }
0x18: {  	[sflag:s12] =	ssyncset.done $0x0  }
0x19: {  	s14 =	sadd.s32 $0x0, s7;
	[sflag:s12] =	ssyncadd.s32 $0xFFFF8300  }
0x1a: {  	[hbm4b:s14+s2] =	stream.linear.scatter [tilespmem:s10], [sflag:$0x2], $0x7D00, $0x38;
	[tilespmem:$0xFDE8] =	vst v63  }
0x1b: {  	_ =	swait.ge [sflag:s9], $0x7D00  }
0x1c: {  	[sflag:s9] =	ssyncset.done $0x0  }
0x1d: {  	s31 =	sadd.s32 $0x0, s6;
	[sflag:s9] =	ssyncadd.s32 $0xFFFF8300  }
0x1e: {  	[hbm4b:s31+s2] =	stream.linear.scatter [tilespmem:s11], [sflag:$0x2], $0x7D00, $0x38;
	[tilespmem:$0xFDE8] =	vst v63  }
0x1f: {  	_ =	swait.ge [sflag:s9], $0x7D00  }
0x20: {  	s15 =	smov.u32 s8;
	s14 =	simm.s32 $0xFA0;
	[sflag:s9] =	ssyncset.done $0x0  }
.LBB2_2:
0x21: {  	p0 =	sne.s32 s14, $0x3E80;
	[sflag:s9] =	ssyncadd.s32 $0xFFFF8300;
	s15 =	sadd.s32 $0x7D, s15  }
0x22: {  	[tilespmem:s2], [sflag:$0x2] =	stream.linear.gather [hbm4b:s15+s2], $0x3E8, $0x38;
	[tilespmem:$0xFDE8] =	vst v63  }
0x23: {  	s16 =	smov.u32 s14;
	s14 =	sadd.s32 $0xFA0, s14;
	_ =	swait.ge [sflag:s9], $0x3E8  }
0x24: {  	[sflag:s9] =	ssyncset.done $0x0  }
0x25: {  	[sflag:s9] =	ssyncadd.s32 $0xFFFFFC18  }
0x26: {  	[tilespmem:s10], [sflag:$0x1] =	stream.indirect.gather [hbm4b:s3+s10], $0x20, s2, s10, $0xb8;
	[tilespmem:$0xFDE8] =	vst v63  }
0x27: {  	_ = 	snop  }
0x28: {  	[tilespmem:s11], [sflag:$0x1] =	stream.indirect.gather [hbm4b:s4+s10], $0x20, s2, s10, $0xb8;
	[tilespmem:$0xFDE8] =	vst v63  }
0x29: {  	_ =	swait.ge [sflag:s12], $0x7D00  }
0x2a: {  	[sflag:s12] =	ssyncset.done $0x0  }
0x2b: {  	[sflag:s12] =	ssyncadd.s32 $0xFFFF8300  }
0x2c: {  	_ =	swait.ge [sflag:s12], $0x7D00  }
0x2d: {  	[sflag:s12] =	ssyncset.done $0x0  }
0x2e: {  	s17 =	sadd.s32 s16, s7;
	[sflag:s12] =	ssyncadd.s32 $0xFFFF8300  }
0x2f: {  	[hbm4b:s17+s2] =	stream.linear.scatter [tilespmem:s10], [sflag:$0x2], $0x7D00, $0x38;
	[tilespmem:$0xFDE8] =	vst v63  }
0x30: {  	_ =	swait.ge [sflag:s9], $0x7D00  }
.Ltmp0:
0x31: {  	[sflag:s9] =	ssyncset.done $0x0;
	(pc) =	sbr.rel @p0 .LBB2_2-.Ltmp0, $4  }
0x32: {  	s16 =	sadd.s32 s16, s6;
	[sflag:s9] =	ssyncadd.s32 $0xFFFF8300  }
0x33: {  	[hbm4b:s16+s2] =	stream.linear.scatter [tilespmem:s11], [sflag:$0x2], $0x7D00, $0x38;
	[tilespmem:$0xFDE8] =	vst v63  }
0x34: {  	_ =	swait.ge [sflag:s9], $0x7D00  }
0x35: {  	[sflag:s9] =	ssyncset.done $0x0  }
0x36: {  	s13 =	sadd.s32 $0x1, s13  }
0x37: {  	p0 =	sne.s32 s13, s5  }
.Ltmp1:
0x38: {  	_ = 	snop;
	(pc) =	sbr.rel @p0 .LBB2_1-.Ltmp1, $2  }
0x39: {  	_ =	sdelay $0x2  }
0x3a: {  	[sflag:s9] =	ssyncadd.s32 $0xFFFF8300  }
0x3b: {  	_ =	sfence.sel $0x180000  }
0x3c: {  	[bflag:$0x0] =	sbarrier.arrive $0xFFFF  }
0x3d: {  	p0 =	sne.s32 s1, $0x0;
	_ =	strace $0x90000056  }
0x3e: {  	s0 =	sadd.s32 @!p0 $0x100000, s0;
	[bflag:$0x2] =	sbarrier.arrive $0xFFFF  }
0x3f: {  	[sflag:s0] =	ssyncadd.tile.s32 @!p0 $0x1;
	_ =	shalt  }
.Lfunc_end2:
_tile_overlayer_lowered:
.L_overlay_start_2:
0x40: {  	(tag) =	ssettag $0x2  }
0x41: {  	s0 =	rddreg [dreg:$0x0];
	s2 =	stileid.u32  }
0x42: {  	s1 =	rddreg [dreg:$0x1];
	p0 =	sne.s32 s2, $0x0  }
0x43: {  	s3 =	rddreg [dreg:$0x2];
	[bflag:$0x3] =	sbarrier.arrive $0xFFFF;
	s2 =	simm.s32 @!p0 $0x1C02  }
0x44: {  	[timem:s3], [sflag:s2] =	dma.local @!p0 [hbm:s0], s1  }
0x45: {  	s0 =	simm.s32 @!p0 $0x2  }
0x46: {  	_ =	swait.ge @!p0 [sflag:s0], s1  }
0x47: {  	s1 =	ssub.s32 @!p0 $0x0, s1;
	[sflag:s0] =	ssyncset.done @!p0 $0x0  }
0x48: {  	[sflag:s0] =	ssyncadd.s32 @!p0 s1  }
0x49: {  	[bflag:$0x3] =	sbarrier.arrive $0xFFFF  }
0x4a: {  	_ =	shalt  }

// kernel: kernel.35.cloned.1.call-start
scs
__scs_entry_jumppad:
0x0: {  	(pc) =	sbr.rel $0x88, $3  }
0x1: {  	(tag) =	ssettag $0x0;
	lr =	simm.s32 $0x1  }
0x2: {  	[smem:$0x3F91] =	sst lr;
	_ =	strace $0xD0000000  }
0x3: {  	_ = 	snop  }
0x4: {  	_ = 	snop  }
0x5: {  	_ = 	snop  }
0x6: {  	_ = 	snop  }
0x7: {  	_ = 	snop  }
__scs_overlays_trampoline_lowered:
0x8: {  	[smem:$0x3FA0] =	sst s0  }
0x9: {  	[smem:$0x3FA1] =	sst s1  }
0xa: {  	[smem:$0x3FA2] =	sst s2  }
0xb: {  	[smem:$0x3FA3] =	sst s3  }
0xc: {  	[smem:$0x3FA4] =	sst s4  }
0xd: {  	[smem:$0x3FA5] =	sst s5  }
0xe: {  	[smem:$0x3FA6] =	sst s6  }
0xf: {  	[smem:$0x3FA7] =	sst s7  }
0x10: {  	[smem:$0x3FA8] =	sst s8  }
0x11: {  	[smem:$0x3FA9] =	sst s9;
	s0 =	simm.s32 @!p0 $0x0  }
0x12: {  	s1 =	sld [smem:$0x3F8F];
	s0 =	simm.s32 @p0 $0x1  }
0x13: {  	[smem:$0x3FAA] =	sst s0;
	s0 =	simm.s32 @!p1 $0x0  }
0x14: {  	s2 =	sld [smem:$0x3F8E];
	s0 =	simm.s32 @p1 $0x1  }
0x15: {  	[smem:$0x3FAB] =	sst s0;
	s0 =	simm.s32 @!p2 $0x0  }
0x16: {  	s3 =	sld [smem:$0x3FDB];
	s0 =	simm.s32 @p2 $0x1  }
0x17: {  	s4 =	simm.s32 $0x1BF5;
	[smem:$0x3FAD] =	sst s0  }
0x18: {  	s0 =	sld [smem:$0x3F90];
	_ =	swait.ge [sflag:s4], $0x0  }
0x19: {  	s7 =	sld [smem:$0x3F91]  }
0x1a: {  	s8 =	sadd.s32 $0xFFFFE003, lr  }
0x1b: {  	s9 =	sadd.s32 $0xFFFFFEF7, lr;
	s5 =	simm.s32 $0xFFFFFFFF;
	p2 =	slt.u32 s8, $0xFFFFF086  }
0x1c: {  	p1 =	slt.u32 s9, $0xF7A;
	s5 =	simm.s32 @!p2 $0x0  }
0x1d: {  	s5 =	simm.s32 @p1 $0x1;
	p0 =	seq.s32 s7, s2  }
0x1e: {  	s7 =	smul.u32 @!p0 $0xF7A, s2;
	p2 =	seq.s32 @!p0 s5, $0x0  }
0x1f: {  	s9 =	smul.u32 $0xF7A, s1;
	s8 =	simm.s32 @!p0 $0x1BF5;
	p2 =	por !p2, p0  }
0x20: {  	[sflag:s8] =	ssyncset.s32 @!p0 $0xFFFFF086;
	s6 =	sadd.s32 @!p0 s3, s7;
	s7 =	simm.s32 @!p0 $0x108  }
0x21: {  	s3 =	sadd.s32 s3, s9;
	s6 =	sadd.s32 @!p0 $0x88, s6;
	s7 =	simm.s32 @p2 $0x1082  }
0x22: {  	[simem:s7], [sflag:s8] =	dma.local @!p0 [hbm:s6], $0xF7A  }
0x23: {  	s9 =	sor.u32 $0xD0000000, s2;
	s6 =	simm.s32 $0x108;
	_ =	swait.ge @!p0 [sflag:s8], $0x0  }
0x24: {  	s3 =	sadd.s32 $0x88, s3;
	s6 =	simm.s32 @!p1 $0x1082;
	[sflag:s4] =	ssyncset.s32 $0xFFFFF086  }
0x25: {  	[simem:s6], [sflag:s4] =	dma.local [hbm:s3], $0xF7A  }
0x26: {  	[smem:$0x3F91] =	sst s1;
	(tag) =	ssettag s2;
	_ =	strace s9  }
0x27: {  	s1 =	sld [smem:$0x3FA1]  }
0x28: {  	s2 =	sld [smem:$0x3FA2]  }
0x29: {  	s4 =	sld [smem:$0x3FA4]  }
0x2a: {  	p0 =	seq.s32 s5, $0x0;
	s5 =	sld [smem:$0x3FA5]  }
0x2b: {  	s6 =	sld [smem:$0x3FA6]  }
0x2c: {  	s7 =	sld [smem:$0x3FA7]  }
0x2d: {  	s3 =	simm.s32 $0x108;
	s8 =	sld [smem:$0x3FA8]  }
0x2e: {  	s3 =	simm.s32 @!p0 $0x1082;
	s9 =	sld [smem:$0x3FA9]  }
0x2f: {  	lr =	sadd.s32 s0, s3;
	s0 =	sld [smem:$0x3FA0]  }
0x30: {  	s3 =	sld [smem:$0x3FA3]  }
0x31: {  	[smem:$0x3FAC] =	sst s10  }
0x32: {  	s10 =	sld [smem:$0x3FAA];
	_ =	sdelay $0x3  }
0x33: {  	p0 =	seq.s32 s10, $0x1;
	s10 =	sld [smem:$0x3FAC];
	_ =	sdelay $0x3  }
0x34: {  	[smem:$0x3FAC] =	sst s10  }
0x35: {  	s10 =	sld [smem:$0x3FAB];
	_ =	sdelay $0x3  }
0x36: {  	p1 =	seq.s32 s10, $0x1;
	s10 =	sld [smem:$0x3FAC];
	_ =	sdelay $0x3  }
0x37: {  	[smem:$0x3FAC] =	sst s10  }
0x38: {  	s10 =	sld [smem:$0x3FAD]  }
0x39: {  	_ = 	snop;
	(pc) =	sbr.ind lr, $3  }
0x3a: {  	_ = 	snop  }
0x3b: {  	_ = 	snop  }
0x3c: {  	p2 =	seq.s32 s10, $0x1;
	s10 =	sld [smem:$0x3FAC]  }
0x3d: {  	_ =	shalt  }
0x3e: {  	_ =	shalt  }
0x3f: {  	_ =	shalt  }
0x40: {  	_ =	shalt  }
0x41: {  	_ =	shalt  }
0x42: {  	_ =	shalt  }
0x43: {  	_ =	shalt  }
0x44: {  	_ =	shalt  }
0x45: {  	_ =	shalt  }
0x46: {  	_ =	shalt  }
0x47: {  	_ =	shalt  }
0x48: {  	_ =	shalt  }
0x49: {  	_ =	shalt  }
0x4a: {  	_ =	shalt  }
0x4b: {  	_ =	shalt  }
0x4c: {  	_ =	shalt  }
0x4d: {  	_ =	shalt  }
0x4e: {  	_ =	shalt  }
0x4f: {  	_ =	shalt  }
0x50: {  	_ =	shalt  }
0x51: {  	_ =	shalt  }
0x52: {  	_ =	shalt  }
0x53: {  	_ =	shalt  }
0x54: {  	_ =	shalt  }
0x55: {  	_ =	shalt  }
0x56: {  	_ =	shalt  }
0x57: {  	_ =	shalt  }
0x58: {  	_ =	shalt  }
0x59: {  	_ =	shalt  }
0x5a: {  	_ =	shalt  }
0x5b: {  	_ =	shalt  }
0x5c: {  	_ =	shalt  }
0x5d: {  	_ =	shalt  }
0x5e: {  	_ =	shalt  }
0x5f: {  	_ =	shalt  }
0x60: {  	_ =	shalt  }
0x61: {  	_ =	shalt  }
0x62: {  	_ =	shalt  }
0x63: {  	_ =	shalt  }
0x64: {  	_ =	shalt  }
0x65: {  	_ =	shalt  }
0x66: {  	_ =	shalt  }
0x67: {  	_ =	shalt  }
0x68: {  	_ =	shalt  }
0x69: {  	_ =	shalt  }
0x6a: {  	_ =	shalt  }
0x6b: {  	_ =	shalt  }
0x6c: {  	_ =	shalt  }
0x6d: {  	_ =	shalt  }
0x6e: {  	_ =	shalt  }
0x6f: {  	_ =	shalt  }
0x70: {  	_ =	shalt  }
0x71: {  	_ =	shalt  }
0x72: {  	_ =	shalt  }
0x73: {  	_ =	shalt  }
0x74: {  	_ =	shalt  }
0x75: {  	_ =	shalt  }
0x76: {  	_ =	shalt  }
0x77: {  	_ =	shalt  }
0x78: {  	_ =	shalt  }
0x79: {  	_ =	shalt  }
0x7a: {  	_ =	shalt  }
0x7b: {  	_ =	shalt  }
0x7c: {  	_ =	shalt  }
0x7d: {  	_ =	shalt  }
0x7e: {  	_ =	shalt  }
0x7f: {  	_ =	shalt  }
0x80: {  	_ =	shalt  }
0x81: {  	_ =	shalt  }
0x82: {  	_ =	shalt  }
0x83: {  	_ =	shalt  }
0x84: {  	_ =	shalt  }
0x85: {  	_ =	shalt  }
0x86: {  	_ =	shalt  }
0x87: {  	_ =	shalt  }
.Lfunc_end0:
.L_simem_size_0:
called_computation.6_lowered:
.L_overlay_start_0:
0x88: {  	s2 =	sld [smem:$0x3FD9]  }
0x89: {  	s3 =	sld [smem:$0x3FFE];
	_ =	sdelay $0x1  }
0x8a: {  	s1 =	srdreg.scid  }
0x8b: {  	s0 =	sand.u32 $0x1, s1  }
0x8c: {  	s16 =	sshll.u32 s0, $0xA;
	s2 =	sadd.s32 s3, s2  }
0x8d: {  	s2 =	sadd.s32 s2, s16  }
0x8e: {  	[smem:$0x3FB8] =	sst s2  }
0x8f: {  	_ = 	snop  }
0x90: {  	(tm) =	ssettm $0x1  }
0x91: {  	s17 =	sld [smem:$0x3FFB];
	_ =	sdelay $0x3  }
0x92: {  	_ =	strace s17  }
0x93: {  	s2 =	sld [smem:$0x3FFC];
	_ =	sdelay $0x3  }
0x94: {  	_ =	strace s2  }
0x95: {  	s2 =	sld [smem:$0x3FFD];
	_ =	sdelay $0x3  }
0x96: {  	_ =	strace s2  }
0x97: {  	_ =	strace $0x8FFFFFFF  }
0x98: {  	s18 =	sld [smem:$0x3FDB];
	_ =	sdelay $0x1  }
0x99: {  	s19 =	simm.s32 $_scs_section_size  }
0x9a: {  	s4 =	simm.s32 $_size__tile_overlayer_lowered;
	s5 =	simm.s32 $_tile_overlayer_lowered  }
0x9b: {  	s22 =	simm.s32 $0x1BFF;
	s21 =	sshll.u32 s5, $0x1;
	s2 =	sadd.s32 s19, s18  }
0x9c: {  	s6 =	simm.s32 $0x0;
	s20 =	sshll.u32 s4, $0x1;
	s4 =	sadd.s32 s21, s2  }
0x9d: {  	[timem:s6], [sflag:s22] =	dma.local [hbm:s4], s20  }
0x9e: {  	_ =	swait.ge [sflag:s22], s20  }
0x9f: {  	s3 =	ssub.s32 $0x0, s20;
	[sflag:s22] =	ssyncset.done $0x0  }
0xa0: {  	[sflag:s22] =	ssyncadd.s32 s3;
	_ =	sdelay $0x1  }
0xa1: {  	s23 =	simm.s32 $0x1B8B  }
0xa2: {  	_ =	swait.ge [sflag:s23], $0x1  }
0xa3: {  	[sflag:s23] =	ssyncset.done $0x0  }
0xa4: {  	s25 =	simm.s32 $0x1B8E;
	s24 =	sld [smem:$0x3FFE];
	[sflag:s23] =	ssyncadd.s32 $0xFFFFFFFF  }
0xa5: {  	s26 =	simm.s32 $execute0_lowered;
	[smem:$0x3FD2] =	sst s25  }
0xa6: {  	s4 =	sshll.u32 s26, $0x1;
	_ =	strace $0x80000058;
	[dreg:$0x1] =	wrdreg $0xFFFFFFFF  }
0xa7: {  	s28 =	simm.s32 $_size_execute0_lowered;
	s2 =	sadd.s32 s2, s4;
	[dreg:$0x0] =	wrdreg $0x0  }
0xa8: {  	s4 =	sshll.u32 s28, $0x1;
	[dreg:$0x2] =	wrdreg s2  }
0xa9: {  	[dreg:$0x3] =	wrdreg s4  }
0xaa: {  	[dreg:$0x4] =	wrdreg $0xC0  }
0xab: {  	_ =	task [dreg:s6], $0x5FFFF  }
0xac: {  	[dreg:$0x1] =	wrdreg $0xFFFFFFFF  }
0xad: {  	[dreg:$0x0] =	wrdreg $0x60  }
0xae: {  	[dreg:$0x2] =	wrdreg s24  }
0xaf: {  	[dreg:$0x3] =	wrdreg $0x80E80  }
0xb0: {  	[dreg:$0x4] =	wrdreg $0x9  }
0xb1: {  	_ =	task.clear_ibuf [dreg:s6], $0x5FFFF;
	_ =	strace $0x90000058  }
0xb2: {  	s29 =	simm.s32 $0x9;
	_ =	strace $0x8000005A  }
0xb3: {  	_ =	swait.ge [sflag:s29], $0x1  }
0xb4: {  	[sflag:s29] =	ssyncadd.s32 $0xFFFFFFFF  }
0xb5: {  	_ =	strace $0x9000005A  }
0xb6: {  	_ =	sfence  }
0xb7: {  	s30 =	sld [smem:$0x0];
	_ =	sdelay $0x2  }
0xb8: {  	s31 =	sshll.u32 s1, $0xD;
	s1 =	sshrl.u32 s1, $0x2  }
0xb9: {  	s3 =	sand.u32 $0x4000, s31;
	s1 =	sadd.s32 s1, s30  }
0xba: {  	s0 =	sor.u32 s3, s0;
	s1 =	sshll.u32 s1, $0x11  }
0xbb: {  	s0 =	sor.u32 s1, s0  }
0xbc: {  	s0 =	sadd.s32 $0x8F2B, s0  }
0xbd: {  	[sflag:s0] =	ssyncadd.remote.s32 $0x1  }
0xbe: {  	_ =	sfence.sel $0xFFFF  }
0xbf: {  	[dreg:$0x0] =	wrdreg $0xFFFFFFFF;
	(pc) =	sbr.abs _section_cstart, $3  }
0xc0: {  	[dreg:$0x1] =	wrdreg $0xFFFFFFFF  }
0xc1: {  	_ =	task.clear_ibuf [dreg:s6], $0x2FFFF;
	_ =	strace $0x9FFFFFFF  }
0xc2: {  	(tm) =	ssettm $0x7FFFFFFF  }
0xc3: {  	_ =	shalt  }
tec
execute0_lowered:
.L_overlay_start_1:
0x0: {  	(tag) =	ssettag $0x1  }
0x1: {  	s4 =	rddreg [dreg:$0x0]  }
0x2: {  	s2 =	rddreg [dreg:$0x1]  }
0x3: {  	s0 =	rddreg [dreg:$0x2]  }
0x4: {  	s3 =	simm.s32 $0x0;
	s1 =	srdreg.scid;
	p1 =	por $0x0, $0x0  }
0x5: {  	[smem:$0x7FF] =	sst s3;
	s5 =	sadd.s32 $0xA5600, s4;
	s6 =	sadd.s32 $0xA0600, s4  }
0x6: {  	s7 =	sand.u32 $0x1, s1;
	s1 =	stileid.u32;
	_ =	strace $0x80000059  }
0x7: {  	s8 =	smul.u32 $0x9C40, s7;
	s9 =	ssub.s32 $0x2, s7;
	s10 =	sshll.u32 s1, $0x1  }
0x8: {  	s12 =	smul.u32 $0x7D00, s1;
	p0 =	sgt.u32 s1, $0x9;
	s7 =	sor.u32 s7, s10  }
0x9: {  	s11 =	sshrl.u32 s9, $0x1;
	s8 =	sadd.s32 s8, s4;
	s10 =	smul.u32 $0x1388, s7  }
0xa: {  	s9 =	ssub.s32 s9, s11;
	s21 =	sshrl.u32 s12, $0x3;
	s7 =	smul.u32 $0x4E20, s7  }
0xb: {  	s4 =	sadd.s32 s12, s2;
	s20 =	sadd.s32 $0x155400, s8;
	s8 =	sadd.s32 $0x141A00, s8  }
0xc: {  	s22 =	smax.u32 s9, $0x1;
	s16 =	sshrl.u32 s10, $0x3;
	s17 =	sadd.s32 $0x3E8, s10  }
0xd: {  	s18 =	sadd.s32 s5, s7;
	s24 =	sadd.s32 $0x7D0, s10;
	s26 =	sadd.s32 $0xBB8, s10  }
0xe: {  	s30 =	sadd.s32 $0xFA0, s10;
	s20 =	sadd.s32 @!p0 s21, s20;
	s22 =	sadd.s32 $0xFFFFFFFF, s22  }
0xf: {  	s10 =	simm.s32 $0x3E8;
	s19 =	sadd.s32 s6, s16;
	s23 =	sshrl.u32 s17, $0x3  }
0x10: {  	s9 =	sshll.u32 s17, $0x2;
	s25 =	sshrl.u32 s24, $0x3;
	s7 =	sshll.u32 s24, $0x2  }
0x11: {  	s28 =	sshrl.u32 s26, $0x3;
	s29 =	sshll.u32 s26, $0x2;
	p2 =	sne.s32 s22, $0x0  }
.Ltmp0:
0x12: {  	s31 =	sshrl.u32 s30, $0x3;
	s17 =	sadd.s32 s6, s23;
	(pc) =	sbr.rel @!p2 .LBB2_1-.Ltmp0, $4  }
0x13: {  	s16 =	sadd.s32 s5, s9;
	s15 =	sadd.s32 s6, s25;
	s14 =	sadd.s32 s5, s7  }
0x14: {  	s13 =	sadd.s32 s6, s28;
	s12 =	sadd.s32 s5, s29;
	s9 =	sshll.u32 s30, $0x2  }
0x15: {  	s11 =	sadd.s32 s6, s31;
	s7 =	simm.s32 $0x1;
	s6 =	simm.s32 @!p0 $0x1  }
0x16: {  	s9 =	sadd.s32 s5, s9;
	s5 =	sadd.s32 @!p0 s21, s8;
	s8 =	simm.s32 @!p0 $0x0  }
0x17: {  	s21 =	simm.s32 @!p0 $0x3E8  }
0x18: {  	[tilespmem:s21], [sflag:$0x1] =	stream.linear.gather @!p0 [hbm4b:s20+s8], $0x7D00, $0x38;
	[tilespmem:$0xCF08] =	vst v63  }
0x19: {  	_ =	swait.ge @!p0 [sflag:s6], $0x7D00  }
0x1a: {  	[sflag:s6] =	ssyncset.done @!p0 $0x0  }
0x1b: {  	[sflag:s6] =	ssyncadd.s32 @!p0 $0xFFFF8300  }
0x1c: {  	[spmem:s4] =	stream.linear.scatter @!p0 [tilespmem:s21], [sflag:$0x1], $0x7D00, $0x38;
	[tilespmem:$0xCF08] =	vst v63  }
0x1d: {  	_ =	swait.ge @!p0 [sflag:s6], $0x7D00  }
0x1e: {  	[sflag:s6] =	ssyncset.done @!p0 $0x0  }
0x1f: {  	[sflag:s6] =	ssyncadd.s32 @!p0 $0xFFFF8300  }
0x20: {  	[bflag:$0x0] =	sbarrier.arrive $0xFFFF  }
0x21: {  	[tilespmem:s3], [sflag:$0x1] =	stream.linear.gather [hbm4b:s19+s3], $0x3E8, $0x38;
	[tilespmem:$0xCF08] =	vst v63  }
0x22: {  	_ =	swait.ge [sflag:s7], $0x3E8  }
0x23: {  	[sflag:s7] =	ssyncset.done $0x0  }
0x24: {  	[sflag:s7] =	ssyncadd.s32 $0xFFFFFC18  }
0x25: {  	[tilespmem:s10], [sflag:$0x1] =	stream.linear.gather [hbm4b:s18+s3], $0x7D00, $0x38;
	[tilespmem:$0xCF08] =	vst v63  }
0x26: {  	_ =	swait.ge [sflag:s7], $0x7D00  }
0x27: {  	[sflag:s7] =	ssyncset.done $0x0  }
0x28: {  	[sflag:s7] =	ssyncadd.s32 $0xFFFF8300  }
0x29: {  	[spmem:s2] =	stream.indirect.scatter.add.f32 [tilespmem:s10], [sflag:$0x1], $0x20, s3, s10, $0xb8;
	[tilespmem:$0xCF08] =	vst v63  }
0x2a: {  	_ =	swait.ge [sflag:s7], $0x7D00  }
0x2b: {  	[sflag:s7] =	ssyncset.done $0x0  }
0x2c: {  	[sflag:s7] =	ssyncadd.s32 $0xFFFF8300  }
0x2d: {  	[tilespmem:s3], [sflag:$0x1] =	stream.linear.gather [hbm4b:s17+s3], $0x3E8, $0x38;
	[tilespmem:$0xCF08] =	vst v63  }
0x2e: {  	_ =	swait.ge [sflag:s7], $0x3E8  }
0x2f: {  	[sflag:s7] =	ssyncset.done $0x0  }
0x30: {  	[sflag:s7] =	ssyncadd.s32 $0xFFFFFC18  }
0x31: {  	[tilespmem:s10], [sflag:$0x1] =	stream.linear.gather [hbm4b:s16+s3], $0x7D00, $0x38;
	[tilespmem:$0xCF08] =	vst v63  }
0x32: {  	_ =	swait.ge [sflag:s7], $0x7D00  }
0x33: {  	[sflag:s7] =	ssyncset.done $0x0  }
0x34: {  	[sflag:s7] =	ssyncadd.s32 $0xFFFF8300  }
0x35: {  	[spmem:s2] =	stream.indirect.scatter.add.f32 [tilespmem:s10], [sflag:$0x1], $0x20, s3, s10, $0xb8;
	[tilespmem:$0xCF08] =	vst v63  }
0x36: {  	_ =	swait.ge [sflag:s7], $0x7D00  }
0x37: {  	[sflag:s7] =	ssyncset.done $0x0  }
0x38: {  	[sflag:s7] =	ssyncadd.s32 $0xFFFF8300  }
0x39: {  	[tilespmem:s3], [sflag:$0x1] =	stream.linear.gather [hbm4b:s15+s3], $0x3E8, $0x38;
	[tilespmem:$0xCF08] =	vst v63  }
0x3a: {  	_ =	swait.ge [sflag:s7], $0x3E8  }
0x3b: {  	[sflag:s7] =	ssyncset.done $0x0  }
0x3c: {  	[sflag:s7] =	ssyncadd.s32 $0xFFFFFC18  }
0x3d: {  	[tilespmem:s10], [sflag:$0x1] =	stream.linear.gather [hbm4b:s14+s3], $0x7D00, $0x38;
	[tilespmem:$0xCF08] =	vst v63  }
0x3e: {  	_ =	swait.ge [sflag:s7], $0x7D00  }
0x3f: {  	[sflag:s7] =	ssyncset.done $0x0  }
0x40: {  	[sflag:s7] =	ssyncadd.s32 $0xFFFF8300  }
0x41: {  	[spmem:s2] =	stream.indirect.scatter.add.f32 [tilespmem:s10], [sflag:$0x1], $0x20, s3, s10, $0xb8;
	[tilespmem:$0xCF08] =	vst v63  }
0x42: {  	_ =	swait.ge [sflag:s7], $0x7D00  }
0x43: {  	[sflag:s7] =	ssyncset.done $0x0  }
0x44: {  	[sflag:s7] =	ssyncadd.s32 $0xFFFF8300  }
0x45: {  	[tilespmem:s3], [sflag:$0x1] =	stream.linear.gather [hbm4b:s13+s3], $0x3E8, $0x38;
	[tilespmem:$0xCF08] =	vst v63  }
0x46: {  	_ =	swait.ge [sflag:s7], $0x3E8  }
0x47: {  	[sflag:s7] =	ssyncset.done $0x0  }
0x48: {  	[sflag:s7] =	ssyncadd.s32 $0xFFFFFC18  }
0x49: {  	[tilespmem:s10], [sflag:$0x1] =	stream.linear.gather [hbm4b:s12+s3], $0x7D00, $0x38;
	[tilespmem:$0xCF08] =	vst v63  }
0x4a: {  	_ =	swait.ge [sflag:s7], $0x7D00  }
0x4b: {  	[sflag:s7] =	ssyncset.done $0x0  }
0x4c: {  	[sflag:s7] =	ssyncadd.s32 $0xFFFF8300  }
0x4d: {  	[spmem:s2] =	stream.indirect.scatter.add.f32 [tilespmem:s10], [sflag:$0x1], $0x20, s3, s10, $0xb8;
	[tilespmem:$0xCF08] =	vst v63  }
0x4e: {  	_ =	swait.ge [sflag:s7], $0x7D00  }
0x4f: {  	[sflag:s7] =	ssyncset.done $0x0  }
0x50: {  	[sflag:s7] =	ssyncadd.s32 $0xFFFF8300  }
0x51: {  	[tilespmem:s3], [sflag:$0x1] =	stream.linear.gather [hbm4b:s11+s3], $0x3E8, $0x38;
	[tilespmem:$0xCF08] =	vst v63  }
0x52: {  	_ =	swait.ge [sflag:s7], $0x3E8  }
0x53: {  	[sflag:s7] =	ssyncset.done $0x0  }
0x54: {  	[sflag:s7] =	ssyncadd.s32 $0xFFFFFC18  }
0x55: {  	[tilespmem:s10], [sflag:$0x1] =	stream.linear.gather [hbm4b:s9+s3], $0x7D00, $0x38;
	[tilespmem:$0xCF08] =	vst v63  }
0x56: {  	_ =	swait.ge [sflag:s7], $0x7D00  }
0x57: {  	[sflag:s7] =	ssyncset.done $0x0  }
0x58: {  	[sflag:s7] =	ssyncadd.s32 $0xFFFF8300  }
0x59: {  	[spmem:s2] =	stream.indirect.scatter.add.f32 [tilespmem:s10], [sflag:$0x1], $0x20, s3, s10, $0xb8;
	[tilespmem:$0xCF08] =	vst v63  }
0x5a: {  	_ =	swait.ge [sflag:s7], $0x7D00  }
0x5b: {  	[sflag:s7] =	ssyncset.done $0x0  }
0x5c: {  	[sflag:s7] =	ssyncadd.s32 $0xFFFF8300  }
0x5d: {  	s22 =	sadd.s32 $0xFFFFFFFF, s22;
	[bflag:$0x0] =	sbarrier.arrive $0xFFFF  }
0x5e: {  	[tilespmem:s21], [sflag:$0x1] =	stream.linear.gather @!p0 [spmem:s4], $0x7D00, $0x38;
	[tilespmem:$0xCF08] =	vst v63  }
0x5f: {  	p2 =	sne.s32 s22, $0x0;
	_ =	swait.ge @!p0 [sflag:s6], $0x7D00  }
.Ltmp1:
0x60: {  	[sflag:s6] =	ssyncset.done @!p0 $0x0;
	(pc) =	sbr.rel @!p2 .LBB2_3-.Ltmp1, $4  }
0x61: {  	[sflag:s6] =	ssyncadd.s32 @!p0 $0xFFFF8300  }
0x62: {  	[hbm4b:s5+s8] =	stream.linear.scatter @!p0 [tilespmem:s21], [sflag:$0x1], $0x7D00, $0x38;
	[tilespmem:$0xCF08] =	vst v63  }
0x63: {  	_ =	swait.ge @!p0 [sflag:s6], $0x7D00  }
0x64: {  	p1 =	por $0x1, $0x1;
	s23 =	simm.s32 @!p0 $0x1;
	[sflag:s6] =	ssyncset.done @!p0 $0x0  }
.LBB2_4:
0x65: {  	s24 =	simm.s32 @!p0 $0x0;
	[sflag:s23] =	ssyncadd.s32 @!p0 $0xFFFF8300  }
0x66: {  	[tilespmem:s21], [sflag:$0x1] =	stream.linear.gather @!p0 [hbm4b:s20+s8], $0x7D00, $0x38;
	[tilespmem:$0xCF08] =	vst v63  }
0x67: {  	s22 =	sadd.s32 $0xFFFFFFFF, s22;
	s23 =	smov.u32 s6;
	_ =	swait.ge @!p0 [sflag:s6], $0x7D00  }
0x68: {  	p2 =	sne.s32 s22, $0x0;
	[sflag:s23] =	ssyncset.done @!p0 $0x0  }
0x69: {  	[sflag:s23] =	ssyncadd.s32 @!p0 $0xFFFF8300  }
0x6a: {  	[spmem:s4] =	stream.linear.scatter @!p0 [tilespmem:s21], [sflag:$0x1], $0x7D00, $0x38;
	[tilespmem:$0xCF08] =	vst v63  }
0x6b: {  	_ =	swait.ge @!p0 [sflag:s23], $0x7D00  }
0x6c: {  	[sflag:s23] =	ssyncset.done @!p0 $0x0  }
0x6d: {  	[sflag:s23] =	ssyncadd.s32 @!p0 $0xFFFF8300  }
0x6e: {  	[bflag:$0x0] =	sbarrier.arrive $0xFFFF  }
0x6f: {  	[tilespmem:s3], [sflag:$0x1] =	stream.linear.gather [hbm4b:s19+s3], $0x3E8, $0x38;
	[tilespmem:$0xCF08] =	vst v63  }
0x70: {  	_ =	swait.ge [sflag:s7], $0x3E8  }
0x71: {  	[sflag:s7] =	ssyncset.done $0x0  }
0x72: {  	[sflag:s7] =	ssyncadd.s32 $0xFFFFFC18  }
0x73: {  	[tilespmem:s10], [sflag:$0x1] =	stream.linear.gather [hbm4b:s18+s3], $0x7D00, $0x38;
	[tilespmem:$0xCF08] =	vst v63  }
0x74: {  	_ =	swait.ge [sflag:s7], $0x7D00  }
0x75: {  	[sflag:s7] =	ssyncset.done $0x0  }
0x76: {  	[sflag:s7] =	ssyncadd.s32 $0xFFFF8300  }
0x77: {  	[spmem:s2] =	stream.indirect.scatter.add.f32 [tilespmem:s10], [sflag:$0x1], $0x20, s3, s10, $0xb8;
	[tilespmem:$0xCF08] =	vst v63  }
0x78: {  	_ =	swait.ge [sflag:s7], $0x7D00  }
0x79: {  	[sflag:s7] =	ssyncset.done $0x0  }
0x7a: {  	[sflag:s7] =	ssyncadd.s32 $0xFFFF8300  }
0x7b: {  	[tilespmem:s3], [sflag:$0x1] =	stream.linear.gather [hbm4b:s17+s3], $0x3E8, $0x38;
	[tilespmem:$0xCF08] =	vst v63  }
0x7c: {  	_ =	swait.ge [sflag:s7], $0x3E8  }
0x7d: {  	[sflag:s7] =	ssyncset.done $0x0  }
0x7e: {  	[sflag:s7] =	ssyncadd.s32 $0xFFFFFC18  }
0x7f: {  	[tilespmem:s10], [sflag:$0x1] =	stream.linear.gather [hbm4b:s16+s3], $0x7D00, $0x38;
	[tilespmem:$0xCF08] =	vst v63  }
0x80: {  	_ =	swait.ge [sflag:s7], $0x7D00  }
0x81: {  	[sflag:s7] =	ssyncset.done $0x0  }
0x82: {  	[sflag:s7] =	ssyncadd.s32 $0xFFFF8300  }
0x83: {  	[spmem:s2] =	stream.indirect.scatter.add.f32 [tilespmem:s10], [sflag:$0x1], $0x20, s3, s10, $0xb8;
	[tilespmem:$0xCF08] =	vst v63  }
0x84: {  	_ =	swait.ge [sflag:s7], $0x7D00  }
0x85: {  	[sflag:s7] =	ssyncset.done $0x0  }
0x86: {  	[sflag:s7] =	ssyncadd.s32 $0xFFFF8300  }
0x87: {  	[tilespmem:s3], [sflag:$0x1] =	stream.linear.gather [hbm4b:s15+s3], $0x3E8, $0x38;
	[tilespmem:$0xCF08] =	vst v63  }
0x88: {  	_ =	swait.ge [sflag:s7], $0x3E8  }
0x89: {  	[sflag:s7] =	ssyncset.done $0x0  }
0x8a: {  	[sflag:s7] =	ssyncadd.s32 $0xFFFFFC18  }
0x8b: {  	[tilespmem:s10], [sflag:$0x1] =	stream.linear.gather [hbm4b:s14+s3], $0x7D00, $0x38;
	[tilespmem:$0xCF08] =	vst v63  }
0x8c: {  	_ =	swait.ge [sflag:s7], $0x7D00  }
0x8d: {  	[sflag:s7] =	ssyncset.done $0x0  }
0x8e: {  	[sflag:s7] =	ssyncadd.s32 $0xFFFF8300  }
0x8f: {  	[spmem:s2] =	stream.indirect.scatter.add.f32 [tilespmem:s10], [sflag:$0x1], $0x20, s3, s10, $0xb8;
	[tilespmem:$0xCF08] =	vst v63  }
0x90: {  	_ =	swait.ge [sflag:s7], $0x7D00  }
0x91: {  	[sflag:s7] =	ssyncset.done $0x0  }
0x92: {  	[sflag:s7] =	ssyncadd.s32 $0xFFFF8300  }
0x93: {  	[tilespmem:s3], [sflag:$0x1] =	stream.linear.gather [hbm4b:s13+s3], $0x3E8, $0x38;
	[tilespmem:$0xCF08] =	vst v63  }
0x94: {  	_ =	swait.ge [sflag:s7], $0x3E8  }
0x95: {  	[sflag:s7] =	ssyncset.done $0x0  }
0x96: {  	[sflag:s7] =	ssyncadd.s32 $0xFFFFFC18  }
0x97: {  	[tilespmem:s10], [sflag:$0x1] =	stream.linear.gather [hbm4b:s12+s3], $0x7D00, $0x38;
	[tilespmem:$0xCF08] =	vst v63  }
0x98: {  	_ =	swait.ge [sflag:s7], $0x7D00  }
0x99: {  	[sflag:s7] =	ssyncset.done $0x0  }
0x9a: {  	[sflag:s7] =	ssyncadd.s32 $0xFFFF8300  }
0x9b: {  	[spmem:s2] =	stream.indirect.scatter.add.f32 [tilespmem:s10], [sflag:$0x1], $0x20, s3, s10, $0xb8;
	[tilespmem:$0xCF08] =	vst v63  }
0x9c: {  	_ =	swait.ge [sflag:s7], $0x7D00  }
0x9d: {  	[sflag:s7] =	ssyncset.done $0x0  }
0x9e: {  	[sflag:s7] =	ssyncadd.s32 $0xFFFF8300  }
0x9f: {  	[tilespmem:s3], [sflag:$0x1] =	stream.linear.gather [hbm4b:s11+s3], $0x3E8, $0x38;
	[tilespmem:$0xCF08] =	vst v63  }
0xa0: {  	_ =	swait.ge [sflag:s7], $0x3E8  }
0xa1: {  	[sflag:s7] =	ssyncset.done $0x0  }
0xa2: {  	[sflag:s7] =	ssyncadd.s32 $0xFFFFFC18  }
0xa3: {  	[tilespmem:s10], [sflag:$0x1] =	stream.linear.gather [hbm4b:s9+s3], $0x7D00, $0x38;
	[tilespmem:$0xCF08] =	vst v63  }
0xa4: {  	_ =	swait.ge [sflag:s7], $0x7D00  }
0xa5: {  	[sflag:s7] =	ssyncset.done $0x0  }
0xa6: {  	[sflag:s7] =	ssyncadd.s32 $0xFFFF8300  }
0xa7: {  	[spmem:s2] =	stream.indirect.scatter.add.f32 [tilespmem:s10], [sflag:$0x1], $0x20, s3, s10, $0xb8;
	[tilespmem:$0xCF08] =	vst v63  }
0xa8: {  	_ =	swait.ge [sflag:s7], $0x7D00  }
0xa9: {  	[sflag:s7] =	ssyncset.done $0x0  }
0xaa: {  	[sflag:s7] =	ssyncadd.s32 $0xFFFF8300  }
0xab: {  	[bflag:$0x0] =	sbarrier.arrive $0xFFFF  }
0xac: {  	[tilespmem:s21], [sflag:$0x1] =	stream.linear.gather @!p0 [spmem:s4], $0x7D00, $0x38;
	[tilespmem:$0xCF08] =	vst v63  }
0xad: {  	_ =	swait.ge @!p0 [sflag:s23], $0x7D00  }
.Ltmp2:
0xae: {  	[sflag:s23] =	ssyncset.done @!p0 $0x0;
	(pc) =	sbr.rel @p2 .LBB2_4-.Ltmp2, $4  }
0xaf: {  	[sflag:s23] =	ssyncadd.s32 @!p0 $0xFFFF8300  }
0xb0: {  	[hbm4b:s5+s8] =	stream.linear.scatter @!p0 [tilespmem:s21], [sflag:$0x1], $0x7D00, $0x38;
	[tilespmem:$0xCF08] =	vst v63  }
0xb1: {  	s8 =	smov.u32 s24;
	_ =	swait.ge @!p0 [sflag:s23], $0x7D00  }
0xb2: {  	[sflag:s23] =	ssyncset.done @!p0 $0x0  }
.LBB2_5:
0xb3: {  	p1 =	por p0, !p1  }
0xb4: {  	s21 =	simm.s32 @!p0 $0x3E8;
	[sflag:s23] =	ssyncadd.s32 @!p1 $0xFFFF8300  }
0xb5: {  	[tilespmem:s21], [sflag:$0x1] =	stream.linear.gather @!p0 [hbm4b:s20+s8], $0x7D00, $0x38;
	[tilespmem:$0xCF08] =	vst v63  }
0xb6: {  	_ =	swait.ge @!p0 [sflag:s6], $0x7D00  }
0xb7: {  	[sflag:s6] =	ssyncset.done @!p0 $0x0  }
0xb8: {  	[sflag:s6] =	ssyncadd.s32 @!p0 $0xFFFF8300  }
0xb9: {  	[spmem:s4] =	stream.linear.scatter @!p0 [tilespmem:s21], [sflag:$0x1], $0x7D00, $0x38;
	[tilespmem:$0xCF08] =	vst v63  }
0xba: {  	_ =	swait.ge @!p0 [sflag:s6], $0x7D00  }
0xbb: {  	[sflag:s6] =	ssyncset.done @!p0 $0x0  }
0xbc: {  	[sflag:s6] =	ssyncadd.s32 @!p0 $0xFFFF8300  }
0xbd: {  	[bflag:$0x0] =	sbarrier.arrive $0xFFFF  }
0xbe: {  	[tilespmem:s3], [sflag:$0x1] =	stream.linear.gather [hbm4b:s19+s3], $0x3E8, $0x38;
	[tilespmem:$0xCF08] =	vst v63  }
0xbf: {  	_ =	swait.ge [sflag:s7], $0x3E8  }
0xc0: {  	[sflag:s7] =	ssyncset.done $0x0  }
0xc1: {  	[sflag:s7] =	ssyncadd.s32 $0xFFFFFC18  }
0xc2: {  	[tilespmem:s10], [sflag:$0x1] =	stream.linear.gather [hbm4b:s18+s3], $0x7D00, $0x38;
	[tilespmem:$0xCF08] =	vst v63  }
0xc3: {  	_ =	swait.ge [sflag:s7], $0x7D00  }
0xc4: {  	[sflag:s7] =	ssyncset.done $0x0  }
0xc5: {  	[sflag:s7] =	ssyncadd.s32 $0xFFFF8300  }
0xc6: {  	[spmem:s2] =	stream.indirect.scatter.add.f32 [tilespmem:s10], [sflag:$0x1], $0x20, s3, s10, $0xb8;
	[tilespmem:$0xCF08] =	vst v63  }
0xc7: {  	_ =	swait.ge [sflag:s7], $0x7D00  }
0xc8: {  	[sflag:s7] =	ssyncset.done $0x0  }
0xc9: {  	[sflag:s7] =	ssyncadd.s32 $0xFFFF8300  }
0xca: {  	[tilespmem:s3], [sflag:$0x1] =	stream.linear.gather [hbm4b:s17+s3], $0x3E8, $0x38;
	[tilespmem:$0xCF08] =	vst v63  }
0xcb: {  	_ =	swait.ge [sflag:s7], $0x3E8  }
0xcc: {  	[sflag:s7] =	ssyncset.done $0x0  }
0xcd: {  	[sflag:s7] =	ssyncadd.s32 $0xFFFFFC18  }
0xce: {  	[tilespmem:s10], [sflag:$0x1] =	stream.linear.gather [hbm4b:s16+s3], $0x7D00, $0x38;
	[tilespmem:$0xCF08] =	vst v63  }
0xcf: {  	_ =	swait.ge [sflag:s7], $0x7D00  }
0xd0: {  	[sflag:s7] =	ssyncset.done $0x0  }
0xd1: {  	[sflag:s7] =	ssyncadd.s32 $0xFFFF8300  }
0xd2: {  	[spmem:s2] =	stream.indirect.scatter.add.f32 [tilespmem:s10], [sflag:$0x1], $0x20, s3, s10, $0xb8;
	[tilespmem:$0xCF08] =	vst v63  }
0xd3: {  	_ =	swait.ge [sflag:s7], $0x7D00  }
0xd4: {  	[sflag:s7] =	ssyncset.done $0x0  }
0xd5: {  	[sflag:s7] =	ssyncadd.s32 $0xFFFF8300  }
0xd6: {  	[tilespmem:s3], [sflag:$0x1] =	stream.linear.gather [hbm4b:s15+s3], $0x3E8, $0x38;
	[tilespmem:$0xCF08] =	vst v63  }
0xd7: {  	_ =	swait.ge [sflag:s7], $0x3E8  }
0xd8: {  	[sflag:s7] =	ssyncset.done $0x0  }
0xd9: {  	[sflag:s7] =	ssyncadd.s32 $0xFFFFFC18  }
0xda: {  	[tilespmem:s10], [sflag:$0x1] =	stream.linear.gather [hbm4b:s14+s3], $0x7D00, $0x38;
	[tilespmem:$0xCF08] =	vst v63  }
0xdb: {  	_ =	swait.ge [sflag:s7], $0x7D00  }
0xdc: {  	[sflag:s7] =	ssyncset.done $0x0  }
0xdd: {  	[sflag:s7] =	ssyncadd.s32 $0xFFFF8300  }
0xde: {  	[spmem:s2] =	stream.indirect.scatter.add.f32 [tilespmem:s10], [sflag:$0x1], $0x20, s3, s10, $0xb8;
	[tilespmem:$0xCF08] =	vst v63  }
0xdf: {  	_ =	swait.ge [sflag:s7], $0x7D00  }
0xe0: {  	[sflag:s7] =	ssyncset.done $0x0  }
0xe1: {  	[sflag:s7] =	ssyncadd.s32 $0xFFFF8300  }
0xe2: {  	[tilespmem:s3], [sflag:$0x1] =	stream.linear.gather [hbm4b:s13+s3], $0x3E8, $0x38;
	[tilespmem:$0xCF08] =	vst v63  }
0xe3: {  	_ =	swait.ge [sflag:s7], $0x3E8  }
0xe4: {  	[sflag:s7] =	ssyncset.done $0x0  }
0xe5: {  	[sflag:s7] =	ssyncadd.s32 $0xFFFFFC18  }
0xe6: {  	[tilespmem:s10], [sflag:$0x1] =	stream.linear.gather [hbm4b:s12+s3], $0x7D00, $0x38;
	[tilespmem:$0xCF08] =	vst v63  }
0xe7: {  	_ =	swait.ge [sflag:s7], $0x7D00  }
0xe8: {  	[sflag:s7] =	ssyncset.done $0x0  }
0xe9: {  	[sflag:s7] =	ssyncadd.s32 $0xFFFF8300  }
0xea: {  	[spmem:s2] =	stream.indirect.scatter.add.f32 [tilespmem:s10], [sflag:$0x1], $0x20, s3, s10, $0xb8;
	[tilespmem:$0xCF08] =	vst v63  }
0xeb: {  	_ =	swait.ge [sflag:s7], $0x7D00  }
0xec: {  	[sflag:s7] =	ssyncset.done $0x0  }
0xed: {  	[sflag:s7] =	ssyncadd.s32 $0xFFFF8300  }
0xee: {  	[tilespmem:s3], [sflag:$0x1] =	stream.linear.gather [hbm4b:s11+s3], $0x3E8, $0x38;
	[tilespmem:$0xCF08] =	vst v63  }
0xef: {  	_ =	swait.ge [sflag:s7], $0x3E8  }
0xf0: {  	[sflag:s7] =	ssyncset.done $0x0  }
0xf1: {  	[sflag:s7] =	ssyncadd.s32 $0xFFFFFC18  }
0xf2: {  	[tilespmem:s10], [sflag:$0x1] =	stream.linear.gather [hbm4b:s9+s3], $0x7D00, $0x38;
	[tilespmem:$0xCF08] =	vst v63  }
0xf3: {  	_ =	swait.ge [sflag:s7], $0x7D00  }
0xf4: {  	[sflag:s7] =	ssyncset.done $0x0  }
0xf5: {  	[sflag:s7] =	ssyncadd.s32 $0xFFFF8300  }
0xf6: {  	[spmem:s2] =	stream.indirect.scatter.add.f32 [tilespmem:s10], [sflag:$0x1], $0x20, s3, s10, $0xb8;
	[tilespmem:$0xCF08] =	vst v63  }
0xf7: {  	_ =	swait.ge [sflag:s7], $0x7D00  }
0xf8: {  	[sflag:s7] =	ssyncset.done $0x0  }
0xf9: {  	[sflag:s7] =	ssyncadd.s32 $0xFFFF8300  }
0xfa: {  	[bflag:$0x0] =	sbarrier.arrive $0xFFFF  }
0xfb: {  	[tilespmem:s21], [sflag:$0x1] =	stream.linear.gather @!p0 [spmem:s4], $0x7D00, $0x38;
	[tilespmem:$0xCF08] =	vst v63  }
0xfc: {  	_ =	swait.ge @!p0 [sflag:s6], $0x7D00  }
0xfd: {  	[sflag:s6] =	ssyncset.done @!p0 $0x0  }
0xfe: {  	[sflag:s6] =	ssyncadd.s32 @!p0 $0xFFFF8300  }
0xff: {  	[hbm4b:s5+s8] =	stream.linear.scatter @!p0 [tilespmem:s21], [sflag:$0x1], $0x7D00, $0x38;
	[tilespmem:$0xCF08] =	vst v63  }
0x100: {  	_ =	swait.ge @!p0 [sflag:s6], $0x7D00  }
0x101: {  	[sflag:s6] =	ssyncset.done @!p0 $0x0  }
0x102: {  	[sflag:s6] =	ssyncadd.s32 @!p0 $0xFFFF8300  }
0x103: {  	_ =	sfence.sel $0x180000  }
0x104: {  	[bflag:$0x0] =	sbarrier.arrive $0xFFFF  }
0x105: {  	p0 =	sne.s32 s1, $0x0;
	_ =	strace $0x90000059  }
0x106: {  	s0 =	sadd.s32 @!p0 $0x100000, s0;
	[bflag:$0x2] =	sbarrier.arrive $0xFFFF  }
0x107: {  	[sflag:s0] =	ssyncadd.tile.s32 @!p0 $0x1;
	_ =	shalt  }
.LBB2_1:
.Ltmp3:
0x108: {  	(pc) =	sbr.rel .LBB2_5-.Ltmp3, $2  }
0x109: {  	_ =	sdelay $0x2  }
0x10a: {  	_ = 	snop  }
.LBB2_3:
.Ltmp4:
0x10b: {  	(pc) =	sbr.rel .LBB2_5-.Ltmp4, $2  }
0x10c: {  	_ =	sdelay $0x2  }
0x10d: {  	s23 =	simm.s32 @!p0 $0x1  }
.Lfunc_end2:
_tile_overlayer_lowered:
.L_overlay_start_2:
0x10e: {  	(tag) =	ssettag $0x2  }
0x10f: {  	s0 =	rddreg [dreg:$0x0];
	s2 =	stileid.u32  }
0x110: {  	s1 =	rddreg [dreg:$0x1];
	p0 =	sne.s32 s2, $0x0  }
0x111: {  	s3 =	rddreg [dreg:$0x2];
	[bflag:$0x3] =	sbarrier.arrive $0xFFFF;
	s2 =	simm.s32 @!p0 $0x1C01  }
0x112: {  	[timem:s3], [sflag:s2] =	dma.local @!p0 [hbm:s0], s1  }
0x113: {  	s0 =	simm.s32 @!p0 $0x1  }
0x114: {  	_ =	swait.ge @!p0 [sflag:s0], s1  }
0x115: {  	s1 =	ssub.s32 @!p0 $0x0, s1;
	[sflag:s0] =	ssyncset.done @!p0 $0x0  }
0x116: {  	[sflag:s0] =	ssyncadd.s32 @!p0 s1  }
0x117: {  	[bflag:$0x3] =	sbarrier.arrive $0xFFFF  }
0x118: {  	_ =	shalt  }

// kernel: kernel.38.cloned.1.call-start
scs
__scs_entry_jumppad:
0x0: {  	(pc) =	sbr.rel $0x88, $3  }
0x1: {  	(tag) =	ssettag $0x0;
	lr =	simm.s32 $0x1  }
0x2: {  	[smem:$0x3F91] =	sst lr;
	_ =	strace $0xD0000000  }
0x3: {  	_ = 	snop  }
0x4: {  	_ = 	snop  }
0x5: {  	_ = 	snop  }
0x6: {  	_ = 	snop  }
0x7: {  	_ = 	snop  }
__scs_overlays_trampoline_lowered:
0x8: {  	[smem:$0x3FA0] =	sst s0  }
0x9: {  	[smem:$0x3FA1] =	sst s1  }
0xa: {  	[smem:$0x3FA2] =	sst s2  }
0xb: {  	[smem:$0x3FA3] =	sst s3  }
0xc: {  	[smem:$0x3FA4] =	sst s4  }
0xd: {  	[smem:$0x3FA5] =	sst s5  }
0xe: {  	[smem:$0x3FA6] =	sst s6  }
0xf: {  	[smem:$0x3FA7] =	sst s7  }
0x10: {  	[smem:$0x3FA8] =	sst s8  }
0x11: {  	[smem:$0x3FA9] =	sst s9;
	s0 =	simm.s32 @!p0 $0x0  }
0x12: {  	s1 =	sld [smem:$0x3F8F];
	s0 =	simm.s32 @p0 $0x1  }
0x13: {  	[smem:$0x3FAA] =	sst s0;
	s0 =	simm.s32 @!p1 $0x0  }
0x14: {  	s2 =	sld [smem:$0x3F8E];
	s0 =	simm.s32 @p1 $0x1  }
0x15: {  	[smem:$0x3FAB] =	sst s0;
	s0 =	simm.s32 @!p2 $0x0  }
0x16: {  	s3 =	sld [smem:$0x3FDB];
	s0 =	simm.s32 @p2 $0x1  }
0x17: {  	s4 =	simm.s32 $0x1BF5;
	[smem:$0x3FAD] =	sst s0  }
0x18: {  	s0 =	sld [smem:$0x3F90];
	_ =	swait.ge [sflag:s4], $0x0  }
0x19: {  	s7 =	sld [smem:$0x3F91]  }
0x1a: {  	s8 =	sadd.s32 $0xFFFFE003, lr  }
0x1b: {  	s9 =	sadd.s32 $0xFFFFFEF7, lr;
	s5 =	simm.s32 $0xFFFFFFFF;
	p2 =	slt.u32 s8, $0xFFFFF086  }
0x1c: {  	p1 =	slt.u32 s9, $0xF7A;
	s5 =	simm.s32 @!p2 $0x0  }
0x1d: {  	s5 =	simm.s32 @p1 $0x1;
	p0 =	seq.s32 s7, s2  }
0x1e: {  	s7 =	smul.u32 @!p0 $0xF7A, s2;
	p2 =	seq.s32 @!p0 s5, $0x0  }
0x1f: {  	s9 =	smul.u32 $0xF7A, s1;
	s8 =	simm.s32 @!p0 $0x1BF5;
	p2 =	por !p2, p0  }
0x20: {  	[sflag:s8] =	ssyncset.s32 @!p0 $0xFFFFF086;
	s6 =	sadd.s32 @!p0 s3, s7;
	s7 =	simm.s32 @!p0 $0x108  }
0x21: {  	s3 =	sadd.s32 s3, s9;
	s6 =	sadd.s32 @!p0 $0x88, s6;
	s7 =	simm.s32 @p2 $0x1082  }
0x22: {  	[simem:s7], [sflag:s8] =	dma.local @!p0 [hbm:s6], $0xF7A  }
0x23: {  	s9 =	sor.u32 $0xD0000000, s2;
	s6 =	simm.s32 $0x108;
	_ =	swait.ge @!p0 [sflag:s8], $0x0  }
0x24: {  	s3 =	sadd.s32 $0x88, s3;
	s6 =	simm.s32 @!p1 $0x1082;
	[sflag:s4] =	ssyncset.s32 $0xFFFFF086  }
0x25: {  	[simem:s6], [sflag:s4] =	dma.local [hbm:s3], $0xF7A  }
0x26: {  	[smem:$0x3F91] =	sst s1;
	(tag) =	ssettag s2;
	_ =	strace s9  }
0x27: {  	s1 =	sld [smem:$0x3FA1]  }
0x28: {  	s2 =	sld [smem:$0x3FA2]  }
0x29: {  	s4 =	sld [smem:$0x3FA4]  }
0x2a: {  	p0 =	seq.s32 s5, $0x0;
	s5 =	sld [smem:$0x3FA5]  }
0x2b: {  	s6 =	sld [smem:$0x3FA6]  }
0x2c: {  	s7 =	sld [smem:$0x3FA7]  }
0x2d: {  	s3 =	simm.s32 $0x108;
	s8 =	sld [smem:$0x3FA8]  }
0x2e: {  	s3 =	simm.s32 @!p0 $0x1082;
	s9 =	sld [smem:$0x3FA9]  }
0x2f: {  	lr =	sadd.s32 s0, s3;
	s0 =	sld [smem:$0x3FA0]  }
0x30: {  	s3 =	sld [smem:$0x3FA3]  }
0x31: {  	[smem:$0x3FAC] =	sst s10  }
0x32: {  	s10 =	sld [smem:$0x3FAA];
	_ =	sdelay $0x3  }
0x33: {  	p0 =	seq.s32 s10, $0x1;
	s10 =	sld [smem:$0x3FAC];
	_ =	sdelay $0x3  }
0x34: {  	[smem:$0x3FAC] =	sst s10  }
0x35: {  	s10 =	sld [smem:$0x3FAB];
	_ =	sdelay $0x3  }
0x36: {  	p1 =	seq.s32 s10, $0x1;
	s10 =	sld [smem:$0x3FAC];
	_ =	sdelay $0x3  }
0x37: {  	[smem:$0x3FAC] =	sst s10  }
0x38: {  	s10 =	sld [smem:$0x3FAD]  }
0x39: {  	_ = 	snop;
	(pc) =	sbr.ind lr, $3  }
0x3a: {  	_ = 	snop  }
0x3b: {  	_ = 	snop  }
0x3c: {  	p2 =	seq.s32 s10, $0x1;
	s10 =	sld [smem:$0x3FAC]  }
0x3d: {  	_ =	shalt  }
0x3e: {  	_ =	shalt  }
0x3f: {  	_ =	shalt  }
0x40: {  	_ =	shalt  }
0x41: {  	_ =	shalt  }
0x42: {  	_ =	shalt  }
0x43: {  	_ =	shalt  }
0x44: {  	_ =	shalt  }
0x45: {  	_ =	shalt  }
0x46: {  	_ =	shalt  }
0x47: {  	_ =	shalt  }
0x48: {  	_ =	shalt  }
0x49: {  	_ =	shalt  }
0x4a: {  	_ =	shalt  }
0x4b: {  	_ =	shalt  }
0x4c: {  	_ =	shalt  }
0x4d: {  	_ =	shalt  }
0x4e: {  	_ =	shalt  }
0x4f: {  	_ =	shalt  }
0x50: {  	_ =	shalt  }
0x51: {  	_ =	shalt  }
0x52: {  	_ =	shalt  }
0x53: {  	_ =	shalt  }
0x54: {  	_ =	shalt  }
0x55: {  	_ =	shalt  }
0x56: {  	_ =	shalt  }
0x57: {  	_ =	shalt  }
0x58: {  	_ =	shalt  }
0x59: {  	_ =	shalt  }
0x5a: {  	_ =	shalt  }
0x5b: {  	_ =	shalt  }
0x5c: {  	_ =	shalt  }
0x5d: {  	_ =	shalt  }
0x5e: {  	_ =	shalt  }
0x5f: {  	_ =	shalt  }
0x60: {  	_ =	shalt  }
0x61: {  	_ =	shalt  }
0x62: {  	_ =	shalt  }
0x63: {  	_ =	shalt  }
0x64: {  	_ =	shalt  }
0x65: {  	_ =	shalt  }
0x66: {  	_ =	shalt  }
0x67: {  	_ =	shalt  }
0x68: {  	_ =	shalt  }
0x69: {  	_ =	shalt  }
0x6a: {  	_ =	shalt  }
0x6b: {  	_ =	shalt  }
0x6c: {  	_ =	shalt  }
0x6d: {  	_ =	shalt  }
0x6e: {  	_ =	shalt  }
0x6f: {  	_ =	shalt  }
0x70: {  	_ =	shalt  }
0x71: {  	_ =	shalt  }
0x72: {  	_ =	shalt  }
0x73: {  	_ =	shalt  }
0x74: {  	_ =	shalt  }
0x75: {  	_ =	shalt  }
0x76: {  	_ =	shalt  }
0x77: {  	_ =	shalt  }
0x78: {  	_ =	shalt  }
0x79: {  	_ =	shalt  }
0x7a: {  	_ =	shalt  }
0x7b: {  	_ =	shalt  }
0x7c: {  	_ =	shalt  }
0x7d: {  	_ =	shalt  }
0x7e: {  	_ =	shalt  }
0x7f: {  	_ =	shalt  }
0x80: {  	_ =	shalt  }
0x81: {  	_ =	shalt  }
0x82: {  	_ =	shalt  }
0x83: {  	_ =	shalt  }
0x84: {  	_ =	shalt  }
0x85: {  	_ =	shalt  }
0x86: {  	_ =	shalt  }
0x87: {  	_ =	shalt  }
.Lfunc_end0:
.L_simem_size_0:
called_computation.7_lowered:
.L_overlay_start_0:
0x88: {  	s2 =	sld [smem:$0x3FD9]  }
0x89: {  	s3 =	sld [smem:$0x3FFE];
	_ =	sdelay $0x1  }
0x8a: {  	s1 =	srdreg.scid  }
0x8b: {  	s0 =	sand.u32 $0x1, s1  }
0x8c: {  	s16 =	sshll.u32 s0, $0xA;
	s2 =	sadd.s32 s3, s2  }
0x8d: {  	s2 =	sadd.s32 s2, s16  }
0x8e: {  	[smem:$0x3FB8] =	sst s2  }
0x8f: {  	_ = 	snop  }
0x90: {  	(tm) =	ssettm $0x1  }
0x91: {  	s17 =	sld [smem:$0x3FFB];
	_ =	sdelay $0x3  }
0x92: {  	_ =	strace s17  }
0x93: {  	s2 =	sld [smem:$0x3FFC];
	_ =	sdelay $0x3  }
0x94: {  	_ =	strace s2  }
0x95: {  	s2 =	sld [smem:$0x3FFD];
	_ =	sdelay $0x3  }
0x96: {  	_ =	strace s2  }
0x97: {  	_ =	strace $0x8FFFFFFF  }
0x98: {  	s18 =	sld [smem:$0x3FDB];
	_ =	sdelay $0x1  }
0x99: {  	s19 =	simm.s32 $_scs_section_size  }
0x9a: {  	s4 =	simm.s32 $_size__tile_overlayer_lowered;
	s5 =	simm.s32 $_tile_overlayer_lowered  }
0x9b: {  	s22 =	simm.s32 $0x1BFF;
	s21 =	sshll.u32 s5, $0x1;
	s2 =	sadd.s32 s19, s18  }
0x9c: {  	s6 =	simm.s32 $0x0;
	s20 =	sshll.u32 s4, $0x1;
	s4 =	sadd.s32 s21, s2  }
0x9d: {  	[timem:s6], [sflag:s22] =	dma.local [hbm:s4], s20  }
0x9e: {  	_ =	swait.ge [sflag:s22], s20  }
0x9f: {  	s3 =	ssub.s32 $0x0, s20;
	[sflag:s22] =	ssyncset.done $0x0  }
0xa0: {  	[sflag:s22] =	ssyncadd.s32 s3;
	_ =	sdelay $0x1  }
0xa1: {  	s23 =	simm.s32 $0x1B8B  }
0xa2: {  	_ =	swait.ge [sflag:s23], $0x1  }
0xa3: {  	[sflag:s23] =	ssyncset.done $0x0  }
0xa4: {  	s25 =	simm.s32 $0x1B8E;
	s24 =	sld [smem:$0x3FFE];
	[sflag:s23] =	ssyncadd.s32 $0xFFFFFFFF  }
0xa5: {  	s26 =	simm.s32 $execute0_lowered;
	[smem:$0x3FD2] =	sst s25  }
0xa6: {  	s4 =	sshll.u32 s26, $0x1;
	_ =	strace $0x8000005B;
	[dreg:$0x1] =	wrdreg $0xFFFFFFFF  }
0xa7: {  	s28 =	simm.s32 $_size_execute0_lowered;
	s2 =	sadd.s32 s2, s4;
	[dreg:$0x0] =	wrdreg $0x0  }
0xa8: {  	s4 =	sshll.u32 s28, $0x1;
	[dreg:$0x2] =	wrdreg s2  }
0xa9: {  	[dreg:$0x3] =	wrdreg s4  }
0xaa: {  	[dreg:$0x4] =	wrdreg $0xC0  }
0xab: {  	_ =	task [dreg:s6], $0x5FFFF  }
0xac: {  	[dreg:$0x1] =	wrdreg $0xFFFFFFFF  }
0xad: {  	[dreg:$0x0] =	wrdreg $0x60  }
0xae: {  	[dreg:$0x2] =	wrdreg s24  }
0xaf: {  	[dreg:$0x3] =	wrdreg $0x9  }
0xb0: {  	_ =	task.clear_ibuf [dreg:s6], $0x4FFFF;
	_ =	strace $0x9000005B  }
0xb1: {  	s29 =	simm.s32 $0x9;
	_ =	strace $0x8000005D  }
0xb2: {  	_ =	swait.ge [sflag:s29], $0x1  }
0xb3: {  	[sflag:s29] =	ssyncadd.s32 $0xFFFFFFFF  }
0xb4: {  	_ =	strace $0x9000005D  }
0xb5: {  	_ =	sfence  }
0xb6: {  	s30 =	sld [smem:$0x0];
	_ =	sdelay $0x2  }
0xb7: {  	s31 =	sshll.u32 s1, $0xD;
	s1 =	sshrl.u32 s1, $0x2  }
0xb8: {  	s3 =	sand.u32 $0x4000, s31;
	s1 =	sadd.s32 s1, s30  }
0xb9: {  	s0 =	sor.u32 s3, s0;
	s1 =	sshll.u32 s1, $0x11  }
0xba: {  	s0 =	sor.u32 s1, s0  }
0xbb: {  	s0 =	sadd.s32 $0x8F2B, s0  }
0xbc: {  	[sflag:s0] =	ssyncadd.remote.s32 $0x1  }
0xbd: {  	_ =	sfence.sel $0xFFFF  }
0xbe: {  	[dreg:$0x0] =	wrdreg $0xFFFFFFFF;
	(pc) =	sbr.abs _section_cstart, $3  }
0xbf: {  	[dreg:$0x1] =	wrdreg $0xFFFFFFFF  }
0xc0: {  	_ =	task.clear_ibuf [dreg:s6], $0x2FFFF;
	_ =	strace $0x9FFFFFFF  }
0xc1: {  	(tm) =	ssettm $0x7FFFFFFF  }
tec
execute0_lowered:
.L_overlay_start_1:
0x0: {  	(tag) =	ssettag $0x1  }
0x1: {  	s4 =	rddreg [dreg:$0x0]  }
0x2: {  	s0 =	rddreg [dreg:$0x1]  }
0x3: {  	s3 =	srdreg.scid;
	s1 =	stileid.u32  }
0x4: {  	s2 =	simm.s32 $0x0;
	s10 =	simm.s32 $0x3E8;
	s11 =	simm.s32 $0x80E8  }
0x5: {  	s12 =	simm.s32 $0x1;
	s13 =	simm.s32 $0x0;
	s6 =	smul.u32 $0x2710, s1  }
0x6: {  	s5 =	sand.u32 $0x1, s3;
	[smem:$0x7FF] =	sst s2;
	s28 =	smul.u32 $0x9C40, s1  }
0x7: {  	s3 =	sadd.s32 $0x141A00, s4;
	s7 =	smul.u32 $0x1388, s5;
	s8 =	ssub.s32 $0x2, s5  }
0x8: {  	_ =	strace $0x8000005C;
	s5 =	smul.u32 $0x4E20, s5;
	s30 =	sshrl.u32 s8, $0x1  }
0x9: {  	s29 =	sadd.s32 s28, s4;
	s6 =	sadd.s32 s7, s6;
	s7 =	ssub.s32 s8, s30  }
0xa: {  	s31 =	sadd.s32 s5, s29;
	s6 =	sshrl.u32 s6, $0x3;
	s5 =	smax.u32 s7, $0x1  }
0xb: {  	s7 =	sadd.s32 $0xA5600, s31;
	s9 =	sadd.s32 s6, s4;
	s4 =	sadd.s32 $0x14B640, s4  }
0xc: {  	s6 =	sadd.s32 $0x16DE00, s31;
	s8 =	sadd.s32 $0x168E00, s9;
	s9 =	simm.s32 $0x2  }
.LBB2_1:
0xd: {  	[tilespmem:s2], [sflag:$0x2] =	stream.linear.gather [hbm4b:s8+s2], $0x3E8, $0x38;
	[tilespmem:$0xFDE8] =	vst v63  }
0xe: {  	_ =	swait.ge [sflag:s9], $0x3E8  }
0xf: {  	[sflag:s9] =	ssyncset.done $0x0  }
0x10: {  	[sflag:s9] =	ssyncadd.s32 $0xFFFFFC18  }
0x11: {  	[tilespmem:s10], [sflag:$0x1] =	stream.indirect.gather [hbm4b:s3+s10], $0x20, s2, s10, $0xb8;
	[tilespmem:$0xFDE8] =	vst v63  }
0x12: {  	_ = 	snop  }
0x13: {  	[tilespmem:s11], [sflag:$0x1] =	stream.indirect.gather [hbm4b:s4+s10], $0x20, s2, s10, $0xb8;
	[tilespmem:$0xFDE8] =	vst v63  }
0x14: {  	_ =	swait.ge [sflag:s12], $0x7D00  }
0x15: {  	[sflag:s12] =	ssyncset.done $0x0  }
0x16: {  	[sflag:s12] =	ssyncadd.s32 $0xFFFF8300  }
0x17: {  	_ =	swait.ge [sflag:s12], $0x7D00  }
0x18: {  	[sflag:s12] =	ssyncset.done $0x0  }
0x19: {  	s14 =	sadd.s32 $0x0, s7;
	[sflag:s12] =	ssyncadd.s32 $0xFFFF8300  }
0x1a: {  	[hbm4b:s14+s2] =	stream.linear.scatter [tilespmem:s10], [sflag:$0x2], $0x7D00, $0x38;
	[tilespmem:$0xFDE8] =	vst v63  }
0x1b: {  	_ =	swait.ge [sflag:s9], $0x7D00  }
0x1c: {  	[sflag:s9] =	ssyncset.done $0x0  }
0x1d: {  	s31 =	sadd.s32 $0x0, s6;
	[sflag:s9] =	ssyncadd.s32 $0xFFFF8300  }
0x1e: {  	[hbm4b:s31+s2] =	stream.linear.scatter [tilespmem:s11], [sflag:$0x2], $0x7D00, $0x38;
	[tilespmem:$0xFDE8] =	vst v63  }
0x1f: {  	_ =	swait.ge [sflag:s9], $0x7D00  }
0x20: {  	s15 =	smov.u32 s8;
	s14 =	simm.s32 $0xFA0;
	[sflag:s9] =	ssyncset.done $0x0  }
.LBB2_2:
0x21: {  	p0 =	sne.s32 s14, $0x3E80;
	[sflag:s9] =	ssyncadd.s32 $0xFFFF8300;
	s15 =	sadd.s32 $0x7D, s15  }
0x22: {  	[tilespmem:s2], [sflag:$0x2] =	stream.linear.gather [hbm4b:s15+s2], $0x3E8, $0x38;
	[tilespmem:$0xFDE8] =	vst v63  }
0x23: {  	s16 =	smov.u32 s14;
	s14 =	sadd.s32 $0xFA0, s14;
	_ =	swait.ge [sflag:s9], $0x3E8  }
0x24: {  	[sflag:s9] =	ssyncset.done $0x0  }
0x25: {  	[sflag:s9] =	ssyncadd.s32 $0xFFFFFC18  }
0x26: {  	[tilespmem:s10], [sflag:$0x1] =	stream.indirect.gather [hbm4b:s3+s10], $0x20, s2, s10, $0xb8;
	[tilespmem:$0xFDE8] =	vst v63  }
0x27: {  	_ = 	snop  }
0x28: {  	[tilespmem:s11], [sflag:$0x1] =	stream.indirect.gather [hbm4b:s4+s10], $0x20, s2, s10, $0xb8;
	[tilespmem:$0xFDE8] =	vst v63  }
0x29: {  	_ =	swait.ge [sflag:s12], $0x7D00  }
0x2a: {  	[sflag:s12] =	ssyncset.done $0x0  }
0x2b: {  	[sflag:s12] =	ssyncadd.s32 $0xFFFF8300  }
0x2c: {  	_ =	swait.ge [sflag:s12], $0x7D00  }
0x2d: {  	[sflag:s12] =	ssyncset.done $0x0  }
0x2e: {  	s17 =	sadd.s32 s16, s7;
	[sflag:s12] =	ssyncadd.s32 $0xFFFF8300  }
0x2f: {  	[hbm4b:s17+s2] =	stream.linear.scatter [tilespmem:s10], [sflag:$0x2], $0x7D00, $0x38;
	[tilespmem:$0xFDE8] =	vst v63  }
0x30: {  	_ =	swait.ge [sflag:s9], $0x7D00  }
.Ltmp0:
0x31: {  	[sflag:s9] =	ssyncset.done $0x0;
	(pc) =	sbr.rel @p0 .LBB2_2-.Ltmp0, $4  }
0x32: {  	s16 =	sadd.s32 s16, s6;
	[sflag:s9] =	ssyncadd.s32 $0xFFFF8300  }
0x33: {  	[hbm4b:s16+s2] =	stream.linear.scatter [tilespmem:s11], [sflag:$0x2], $0x7D00, $0x38;
	[tilespmem:$0xFDE8] =	vst v63  }
0x34: {  	_ =	swait.ge [sflag:s9], $0x7D00  }
0x35: {  	[sflag:s9] =	ssyncset.done $0x0  }
0x36: {  	s13 =	sadd.s32 $0x1, s13  }
0x37: {  	p0 =	sne.s32 s13, s5  }
.Ltmp1:
0x38: {  	_ = 	snop;
	(pc) =	sbr.rel @p0 .LBB2_1-.Ltmp1, $2  }
0x39: {  	_ =	sdelay $0x2  }
0x3a: {  	[sflag:s9] =	ssyncadd.s32 $0xFFFF8300  }
0x3b: {  	_ =	sfence.sel $0x180000  }
0x3c: {  	[bflag:$0x0] =	sbarrier.arrive $0xFFFF  }
0x3d: {  	p0 =	sne.s32 s1, $0x0;
	_ =	strace $0x9000005C  }
0x3e: {  	s0 =	sadd.s32 @!p0 $0x100000, s0;
	[bflag:$0x2] =	sbarrier.arrive $0xFFFF  }
0x3f: {  	[sflag:s0] =	ssyncadd.tile.s32 @!p0 $0x1;
	_ =	shalt  }
.Lfunc_end2:
_tile_overlayer_lowered:
.L_overlay_start_2:
0x40: {  	(tag) =	ssettag $0x2  }
0x41: {  	s0 =	rddreg [dreg:$0x0];
	s2 =	stileid.u32  }
0x42: {  	s1 =	rddreg [dreg:$0x1];
	p0 =	sne.s32 s2, $0x0  }
0x43: {  	s3 =	rddreg [dreg:$0x2];
	[bflag:$0x3] =	sbarrier.arrive $0xFFFF;
	s2 =	simm.s32 @!p0 $0x1C02  }
0x44: {  	[timem:s3], [sflag:s2] =	dma.local @!p0 [hbm:s0], s1  }
0x45: {  	s0 =	simm.s32 @!p0 $0x2  }
0x46: {  	_ =	swait.ge @!p0 [sflag:s0], s1  }
0x47: {  	s1 =	ssub.s32 @!p0 $0x0, s1;
	[sflag:s0] =	ssyncset.done @!p0 $0x0  }
0x48: {  	[sflag:s0] =	ssyncadd.s32 @!p0 s1  }
0x49: {  	[bflag:$0x3] =	sbarrier.arrive $0xFFFF  }
0x4a: {  	_ =	shalt  }

// kernel: kernel.41.cloned.1.call-start
scs
__scs_entry_jumppad:
0x0: {  	(pc) =	sbr.rel $0x88, $3  }
0x1: {  	(tag) =	ssettag $0x0;
	lr =	simm.s32 $0x1  }
0x2: {  	[smem:$0x3F91] =	sst lr;
	_ =	strace $0xD0000000  }
0x3: {  	_ = 	snop  }
0x4: {  	_ = 	snop  }
0x5: {  	_ = 	snop  }
0x6: {  	_ = 	snop  }
0x7: {  	_ = 	snop  }
__scs_overlays_trampoline_lowered:
0x8: {  	[smem:$0x3FA0] =	sst s0  }
0x9: {  	[smem:$0x3FA1] =	sst s1  }
0xa: {  	[smem:$0x3FA2] =	sst s2  }
0xb: {  	[smem:$0x3FA3] =	sst s3  }
0xc: {  	[smem:$0x3FA4] =	sst s4  }
0xd: {  	[smem:$0x3FA5] =	sst s5  }
0xe: {  	[smem:$0x3FA6] =	sst s6  }
0xf: {  	[smem:$0x3FA7] =	sst s7  }
0x10: {  	[smem:$0x3FA8] =	sst s8  }
0x11: {  	[smem:$0x3FA9] =	sst s9;
	s0 =	simm.s32 @!p0 $0x0  }
0x12: {  	s1 =	sld [smem:$0x3F8F];
	s0 =	simm.s32 @p0 $0x1  }
0x13: {  	[smem:$0x3FAA] =	sst s0;
	s0 =	simm.s32 @!p1 $0x0  }
0x14: {  	s2 =	sld [smem:$0x3F8E];
	s0 =	simm.s32 @p1 $0x1  }
0x15: {  	[smem:$0x3FAB] =	sst s0;
	s0 =	simm.s32 @!p2 $0x0  }
0x16: {  	s3 =	sld [smem:$0x3FDB];
	s0 =	simm.s32 @p2 $0x1  }
0x17: {  	s4 =	simm.s32 $0x1BF5;
	[smem:$0x3FAD] =	sst s0  }
0x18: {  	s0 =	sld [smem:$0x3F90];
	_ =	swait.ge [sflag:s4], $0x0  }
0x19: {  	s7 =	sld [smem:$0x3F91]  }
0x1a: {  	s8 =	sadd.s32 $0xFFFFE003, lr  }
0x1b: {  	s9 =	sadd.s32 $0xFFFFFEF7, lr;
	s5 =	simm.s32 $0xFFFFFFFF;
	p2 =	slt.u32 s8, $0xFFFFF086  }
0x1c: {  	p1 =	slt.u32 s9, $0xF7A;
	s5 =	simm.s32 @!p2 $0x0  }
0x1d: {  	s5 =	simm.s32 @p1 $0x1;
	p0 =	seq.s32 s7, s2  }
0x1e: {  	s7 =	smul.u32 @!p0 $0xF7A, s2;
	p2 =	seq.s32 @!p0 s5, $0x0  }
0x1f: {  	s9 =	smul.u32 $0xF7A, s1;
	s8 =	simm.s32 @!p0 $0x1BF5;
	p2 =	por !p2, p0  }
0x20: {  	[sflag:s8] =	ssyncset.s32 @!p0 $0xFFFFF086;
	s6 =	sadd.s32 @!p0 s3, s7;
	s7 =	simm.s32 @!p0 $0x108  }
0x21: {  	s3 =	sadd.s32 s3, s9;
	s6 =	sadd.s32 @!p0 $0x88, s6;
	s7 =	simm.s32 @p2 $0x1082  }
0x22: {  	[simem:s7], [sflag:s8] =	dma.local @!p0 [hbm:s6], $0xF7A  }
0x23: {  	s9 =	sor.u32 $0xD0000000, s2;
	s6 =	simm.s32 $0x108;
	_ =	swait.ge @!p0 [sflag:s8], $0x0  }
0x24: {  	s3 =	sadd.s32 $0x88, s3;
	s6 =	simm.s32 @!p1 $0x1082;
	[sflag:s4] =	ssyncset.s32 $0xFFFFF086  }
0x25: {  	[simem:s6], [sflag:s4] =	dma.local [hbm:s3], $0xF7A  }
0x26: {  	[smem:$0x3F91] =	sst s1;
	(tag) =	ssettag s2;
	_ =	strace s9  }
0x27: {  	s1 =	sld [smem:$0x3FA1]  }
0x28: {  	s2 =	sld [smem:$0x3FA2]  }
0x29: {  	s4 =	sld [smem:$0x3FA4]  }
0x2a: {  	p0 =	seq.s32 s5, $0x0;
	s5 =	sld [smem:$0x3FA5]  }
0x2b: {  	s6 =	sld [smem:$0x3FA6]  }
0x2c: {  	s7 =	sld [smem:$0x3FA7]  }
0x2d: {  	s3 =	simm.s32 $0x108;
	s8 =	sld [smem:$0x3FA8]  }
0x2e: {  	s3 =	simm.s32 @!p0 $0x1082;
	s9 =	sld [smem:$0x3FA9]  }
0x2f: {  	lr =	sadd.s32 s0, s3;
	s0 =	sld [smem:$0x3FA0]  }
0x30: {  	s3 =	sld [smem:$0x3FA3]  }
0x31: {  	[smem:$0x3FAC] =	sst s10  }
0x32: {  	s10 =	sld [smem:$0x3FAA];
	_ =	sdelay $0x3  }
0x33: {  	p0 =	seq.s32 s10, $0x1;
	s10 =	sld [smem:$0x3FAC];
	_ =	sdelay $0x3  }
0x34: {  	[smem:$0x3FAC] =	sst s10  }
0x35: {  	s10 =	sld [smem:$0x3FAB];
	_ =	sdelay $0x3  }
0x36: {  	p1 =	seq.s32 s10, $0x1;
	s10 =	sld [smem:$0x3FAC];
	_ =	sdelay $0x3  }
0x37: {  	[smem:$0x3FAC] =	sst s10  }
0x38: {  	s10 =	sld [smem:$0x3FAD]  }
0x39: {  	_ = 	snop;
	(pc) =	sbr.ind lr, $3  }
0x3a: {  	_ = 	snop  }
0x3b: {  	_ = 	snop  }
0x3c: {  	p2 =	seq.s32 s10, $0x1;
	s10 =	sld [smem:$0x3FAC]  }
0x3d: {  	_ =	shalt  }
0x3e: {  	_ =	shalt  }
0x3f: {  	_ =	shalt  }
0x40: {  	_ =	shalt  }
0x41: {  	_ =	shalt  }
0x42: {  	_ =	shalt  }
0x43: {  	_ =	shalt  }
0x44: {  	_ =	shalt  }
0x45: {  	_ =	shalt  }
0x46: {  	_ =	shalt  }
0x47: {  	_ =	shalt  }
0x48: {  	_ =	shalt  }
0x49: {  	_ =	shalt  }
0x4a: {  	_ =	shalt  }
0x4b: {  	_ =	shalt  }
0x4c: {  	_ =	shalt  }
0x4d: {  	_ =	shalt  }
0x4e: {  	_ =	shalt  }
0x4f: {  	_ =	shalt  }
0x50: {  	_ =	shalt  }
0x51: {  	_ =	shalt  }
0x52: {  	_ =	shalt  }
0x53: {  	_ =	shalt  }
0x54: {  	_ =	shalt  }
0x55: {  	_ =	shalt  }
0x56: {  	_ =	shalt  }
0x57: {  	_ =	shalt  }
0x58: {  	_ =	shalt  }
0x59: {  	_ =	shalt  }
0x5a: {  	_ =	shalt  }
0x5b: {  	_ =	shalt  }
0x5c: {  	_ =	shalt  }
0x5d: {  	_ =	shalt  }
0x5e: {  	_ =	shalt  }
0x5f: {  	_ =	shalt  }
0x60: {  	_ =	shalt  }
0x61: {  	_ =	shalt  }
0x62: {  	_ =	shalt  }
0x63: {  	_ =	shalt  }
0x64: {  	_ =	shalt  }
0x65: {  	_ =	shalt  }
0x66: {  	_ =	shalt  }
0x67: {  	_ =	shalt  }
0x68: {  	_ =	shalt  }
0x69: {  	_ =	shalt  }
0x6a: {  	_ =	shalt  }
0x6b: {  	_ =	shalt  }
0x6c: {  	_ =	shalt  }
0x6d: {  	_ =	shalt  }
0x6e: {  	_ =	shalt  }
0x6f: {  	_ =	shalt  }
0x70: {  	_ =	shalt  }
0x71: {  	_ =	shalt  }
0x72: {  	_ =	shalt  }
0x73: {  	_ =	shalt  }
0x74: {  	_ =	shalt  }
0x75: {  	_ =	shalt  }
0x76: {  	_ =	shalt  }
0x77: {  	_ =	shalt  }
0x78: {  	_ =	shalt  }
0x79: {  	_ =	shalt  }
0x7a: {  	_ =	shalt  }
0x7b: {  	_ =	shalt  }
0x7c: {  	_ =	shalt  }
0x7d: {  	_ =	shalt  }
0x7e: {  	_ =	shalt  }
0x7f: {  	_ =	shalt  }
0x80: {  	_ =	shalt  }
0x81: {  	_ =	shalt  }
0x82: {  	_ =	shalt  }
0x83: {  	_ =	shalt  }
0x84: {  	_ =	shalt  }
0x85: {  	_ =	shalt  }
0x86: {  	_ =	shalt  }
0x87: {  	_ =	shalt  }
.Lfunc_end0:
.L_simem_size_0:
called_computation.8_lowered:
.L_overlay_start_0:
0x88: {  	s2 =	sld [smem:$0x3FD9]  }
0x89: {  	s3 =	sld [smem:$0x3FFE];
	_ =	sdelay $0x1  }
0x8a: {  	s1 =	srdreg.scid  }
0x8b: {  	s0 =	sand.u32 $0x1, s1  }
0x8c: {  	s16 =	sshll.u32 s0, $0xA;
	s2 =	sadd.s32 s3, s2  }
0x8d: {  	s2 =	sadd.s32 s2, s16  }
0x8e: {  	[smem:$0x3FB8] =	sst s2  }
0x8f: {  	_ = 	snop  }
0x90: {  	(tm) =	ssettm $0x1  }
0x91: {  	s17 =	sld [smem:$0x3FFB];
	_ =	sdelay $0x3  }
0x92: {  	_ =	strace s17  }
0x93: {  	s2 =	sld [smem:$0x3FFC];
	_ =	sdelay $0x3  }
0x94: {  	_ =	strace s2  }
0x95: {  	s2 =	sld [smem:$0x3FFD];
	_ =	sdelay $0x3  }
0x96: {  	_ =	strace s2  }
0x97: {  	_ =	strace $0x8FFFFFFF  }
0x98: {  	s18 =	sld [smem:$0x3FDB];
	_ =	sdelay $0x1  }
0x99: {  	s19 =	simm.s32 $_scs_section_size  }
0x9a: {  	s4 =	simm.s32 $_size__tile_overlayer_lowered;
	s5 =	simm.s32 $_tile_overlayer_lowered  }
0x9b: {  	s22 =	simm.s32 $0x1BFF;
	s21 =	sshll.u32 s5, $0x1;
	s2 =	sadd.s32 s19, s18  }
0x9c: {  	s6 =	simm.s32 $0x0;
	s20 =	sshll.u32 s4, $0x1;
	s4 =	sadd.s32 s21, s2  }
0x9d: {  	[timem:s6], [sflag:s22] =	dma.local [hbm:s4], s20  }
0x9e: {  	_ =	swait.ge [sflag:s22], s20  }
0x9f: {  	s3 =	ssub.s32 $0x0, s20;
	[sflag:s22] =	ssyncset.done $0x0  }
0xa0: {  	[sflag:s22] =	ssyncadd.s32 s3;
	_ =	sdelay $0x1  }
0xa1: {  	s23 =	simm.s32 $0x1B8B  }
0xa2: {  	_ =	swait.ge [sflag:s23], $0x1  }
0xa3: {  	[sflag:s23] =	ssyncset.done $0x0  }
0xa4: {  	s25 =	simm.s32 $0x1B8E;
	s24 =	sld [smem:$0x3FFE];
	[sflag:s23] =	ssyncadd.s32 $0xFFFFFFFF  }
0xa5: {  	s26 =	simm.s32 $execute0_lowered;
	[smem:$0x3FD2] =	sst s25  }
0xa6: {  	s4 =	sshll.u32 s26, $0x1;
	_ =	strace $0x8000005E;
	[dreg:$0x1] =	wrdreg $0xFFFFFFFF  }
0xa7: {  	s28 =	simm.s32 $_size_execute0_lowered;
	s2 =	sadd.s32 s2, s4;
	[dreg:$0x0] =	wrdreg $0x0  }
0xa8: {  	s4 =	sshll.u32 s28, $0x1;
	[dreg:$0x2] =	wrdreg s2  }
0xa9: {  	[dreg:$0x3] =	wrdreg s4  }
0xaa: {  	[dreg:$0x4] =	wrdreg $0xC0  }
0xab: {  	_ =	task [dreg:s6], $0x5FFFF  }
0xac: {  	[dreg:$0x1] =	wrdreg $0xFFFFFFFF  }
0xad: {  	[dreg:$0x0] =	wrdreg $0x60  }
0xae: {  	[dreg:$0x2] =	wrdreg s24  }
0xaf: {  	[dreg:$0x3] =	wrdreg $0x80E80  }
0xb0: {  	[dreg:$0x4] =	wrdreg $0x9  }
0xb1: {  	_ =	task.clear_ibuf [dreg:s6], $0x5FFFF;
	_ =	strace $0x9000005E  }
0xb2: {  	s29 =	simm.s32 $0x9;
	_ =	strace $0x80000060  }
0xb3: {  	_ =	swait.ge [sflag:s29], $0x1  }
0xb4: {  	[sflag:s29] =	ssyncadd.s32 $0xFFFFFFFF  }
0xb5: {  	_ =	strace $0x90000060  }
0xb6: {  	_ =	sfence  }
0xb7: {  	s30 =	sld [smem:$0x0];
	_ =	sdelay $0x2  }
0xb8: {  	s31 =	sshll.u32 s1, $0xD;
	s1 =	sshrl.u32 s1, $0x2  }
0xb9: {  	s3 =	sand.u32 $0x4000, s31;
	s1 =	sadd.s32 s1, s30  }
0xba: {  	s0 =	sor.u32 s3, s0;
	s1 =	sshll.u32 s1, $0x11  }
0xbb: {  	s0 =	sor.u32 s1, s0  }
0xbc: {  	s0 =	sadd.s32 $0x8F2B, s0  }
0xbd: {  	[sflag:s0] =	ssyncadd.remote.s32 $0x1  }
0xbe: {  	_ =	sfence.sel $0xFFFF  }
0xbf: {  	[dreg:$0x0] =	wrdreg $0xFFFFFFFF;
	(pc) =	sbr.abs _section_cstart, $3  }
0xc0: {  	[dreg:$0x1] =	wrdreg $0xFFFFFFFF  }
0xc1: {  	_ =	task.clear_ibuf [dreg:s6], $0x2FFFF;
	_ =	strace $0x9FFFFFFF  }
0xc2: {  	(tm) =	ssettm $0x7FFFFFFF  }
0xc3: {  	_ =	shalt  }
tec
execute0_lowered:
.L_overlay_start_1:
0x0: {  	(tag) =	ssettag $0x1  }
0x1: {  	s4 =	rddreg [dreg:$0x0]  }
0x2: {  	s2 =	rddreg [dreg:$0x1]  }
0x3: {  	s0 =	rddreg [dreg:$0x2]  }
0x4: {  	s3 =	simm.s32 $0x0;
	s1 =	srdreg.scid;
	p1 =	por $0x0, $0x0  }
0x5: {  	[smem:$0x7FF] =	sst s3;
	s5 =	sadd.s32 $0x4200, s4;
	s6 =	sadd.s32 $0xA0600, s4  }
0x6: {  	s7 =	sand.u32 $0x1, s1;
	s1 =	stileid.u32;
	_ =	strace $0x8000005F  }
0x7: {  	s8 =	smul.u32 $0x9C40, s7;
	s9 =	ssub.s32 $0x2, s7;
	s10 =	sshll.u32 s1, $0x1  }
0x8: {  	s12 =	smul.u32 $0x7D00, s1;
	p0 =	sgt.u32 s1, $0x9;
	s11 =	sshrl.u32 s9, $0x1  }
0x9: {  	s7 =	sor.u32 s7, s10;
	s8 =	sadd.s32 s8, s4;
	s9 =	ssub.s32 s9, s11  }
0xa: {  	s10 =	smul.u32 $0x1388, s7;
	s21 =	sshrl.u32 s12, $0x3;
	s4 =	sadd.s32 s12, s2  }
0xb: {  	s7 =	smul.u32 $0x4E20, s7;
	s20 =	sadd.s32 $0x141A00, s8;
	s8 =	sadd.s32 $0xA5600, s8  }
0xc: {  	s22 =	smax.u32 s9, $0x1;
	s16 =	sshrl.u32 s10, $0x3;
	s17 =	sadd.s32 $0x3E8, s10  }
0xd: {  	s18 =	sadd.s32 s5, s7;
	s24 =	sadd.s32 $0x7D0, s10;
	s26 =	sadd.s32 $0xBB8, s10  }
0xe: {  	s30 =	sadd.s32 $0xFA0, s10;
	s20 =	sadd.s32 @!p0 s21, s20;
	s22 =	sadd.s32 $0xFFFFFFFF, s22  }
0xf: {  	s10 =	simm.s32 $0x3E8;
	s19 =	sadd.s32 s6, s16;
	s23 =	sshrl.u32 s17, $0x3  }
0x10: {  	s9 =	sshll.u32 s17, $0x2;
	s25 =	sshrl.u32 s24, $0x3;
	s7 =	sshll.u32 s24, $0x2  }
0x11: {  	s28 =	sshrl.u32 s26, $0x3;
	s29 =	sshll.u32 s26, $0x2;
	p2 =	sne.s32 s22, $0x0  }
.Ltmp0:
0x12: {  	s31 =	sshrl.u32 s30, $0x3;
	s17 =	sadd.s32 s6, s23;
	(pc) =	sbr.rel @!p2 .LBB2_1-.Ltmp0, $4  }
0x13: {  	s16 =	sadd.s32 s5, s9;
	s15 =	sadd.s32 s6, s25;
	s14 =	sadd.s32 s5, s7  }
0x14: {  	s13 =	sadd.s32 s6, s28;
	s12 =	sadd.s32 s5, s29;
	s9 =	sshll.u32 s30, $0x2  }
0x15: {  	s11 =	sadd.s32 s6, s31;
	s7 =	simm.s32 $0x1;
	s6 =	simm.s32 @!p0 $0x1  }
0x16: {  	s9 =	sadd.s32 s5, s9;
	s5 =	sadd.s32 @!p0 s21, s8;
	s8 =	simm.s32 @!p0 $0x0  }
0x17: {  	s21 =	simm.s32 @!p0 $0x3E8  }
0x18: {  	[tilespmem:s21], [sflag:$0x1] =	stream.linear.gather @!p0 [hbm4b:s20+s8], $0x7D00, $0x38;
	[tilespmem:$0xCF08] =	vst v63  }
0x19: {  	_ =	swait.ge @!p0 [sflag:s6], $0x7D00  }
0x1a: {  	[sflag:s6] =	ssyncset.done @!p0 $0x0  }
0x1b: {  	[sflag:s6] =	ssyncadd.s32 @!p0 $0xFFFF8300  }
0x1c: {  	[spmem:s4] =	stream.linear.scatter @!p0 [tilespmem:s21], [sflag:$0x1], $0x7D00, $0x38;
	[tilespmem:$0xCF08] =	vst v63  }
0x1d: {  	_ =	swait.ge @!p0 [sflag:s6], $0x7D00  }
0x1e: {  	[sflag:s6] =	ssyncset.done @!p0 $0x0  }
0x1f: {  	[sflag:s6] =	ssyncadd.s32 @!p0 $0xFFFF8300  }
0x20: {  	[bflag:$0x0] =	sbarrier.arrive $0xFFFF  }
0x21: {  	[tilespmem:s3], [sflag:$0x1] =	stream.linear.gather [hbm4b:s19+s3], $0x3E8, $0x38;
	[tilespmem:$0xCF08] =	vst v63  }
0x22: {  	_ =	swait.ge [sflag:s7], $0x3E8  }
0x23: {  	[sflag:s7] =	ssyncset.done $0x0  }
0x24: {  	[sflag:s7] =	ssyncadd.s32 $0xFFFFFC18  }
0x25: {  	[tilespmem:s10], [sflag:$0x1] =	stream.linear.gather [hbm4b:s18+s3], $0x7D00, $0x38;
	[tilespmem:$0xCF08] =	vst v63  }
0x26: {  	_ =	swait.ge [sflag:s7], $0x7D00  }
0x27: {  	[sflag:s7] =	ssyncset.done $0x0  }
0x28: {  	[sflag:s7] =	ssyncadd.s32 $0xFFFF8300  }
0x29: {  	[spmem:s2] =	stream.indirect.scatter.add.f32 [tilespmem:s10], [sflag:$0x1], $0x20, s3, s10, $0xb8;
	[tilespmem:$0xCF08] =	vst v63  }
0x2a: {  	_ =	swait.ge [sflag:s7], $0x7D00  }
0x2b: {  	[sflag:s7] =	ssyncset.done $0x0  }
0x2c: {  	[sflag:s7] =	ssyncadd.s32 $0xFFFF8300  }
0x2d: {  	[tilespmem:s3], [sflag:$0x1] =	stream.linear.gather [hbm4b:s17+s3], $0x3E8, $0x38;
	[tilespmem:$0xCF08] =	vst v63  }
0x2e: {  	_ =	swait.ge [sflag:s7], $0x3E8  }
0x2f: {  	[sflag:s7] =	ssyncset.done $0x0  }
0x30: {  	[sflag:s7] =	ssyncadd.s32 $0xFFFFFC18  }
0x31: {  	[tilespmem:s10], [sflag:$0x1] =	stream.linear.gather [hbm4b:s16+s3], $0x7D00, $0x38;
	[tilespmem:$0xCF08] =	vst v63  }
0x32: {  	_ =	swait.ge [sflag:s7], $0x7D00  }
0x33: {  	[sflag:s7] =	ssyncset.done $0x0  }
0x34: {  	[sflag:s7] =	ssyncadd.s32 $0xFFFF8300  }
0x35: {  	[spmem:s2] =	stream.indirect.scatter.add.f32 [tilespmem:s10], [sflag:$0x1], $0x20, s3, s10, $0xb8;
	[tilespmem:$0xCF08] =	vst v63  }
0x36: {  	_ =	swait.ge [sflag:s7], $0x7D00  }
0x37: {  	[sflag:s7] =	ssyncset.done $0x0  }
0x38: {  	[sflag:s7] =	ssyncadd.s32 $0xFFFF8300  }
0x39: {  	[tilespmem:s3], [sflag:$0x1] =	stream.linear.gather [hbm4b:s15+s3], $0x3E8, $0x38;
	[tilespmem:$0xCF08] =	vst v63  }
0x3a: {  	_ =	swait.ge [sflag:s7], $0x3E8  }
0x3b: {  	[sflag:s7] =	ssyncset.done $0x0  }
0x3c: {  	[sflag:s7] =	ssyncadd.s32 $0xFFFFFC18  }
0x3d: {  	[tilespmem:s10], [sflag:$0x1] =	stream.linear.gather [hbm4b:s14+s3], $0x7D00, $0x38;
	[tilespmem:$0xCF08] =	vst v63  }
0x3e: {  	_ =	swait.ge [sflag:s7], $0x7D00  }
0x3f: {  	[sflag:s7] =	ssyncset.done $0x0  }
0x40: {  	[sflag:s7] =	ssyncadd.s32 $0xFFFF8300  }
0x41: {  	[spmem:s2] =	stream.indirect.scatter.add.f32 [tilespmem:s10], [sflag:$0x1], $0x20, s3, s10, $0xb8;
	[tilespmem:$0xCF08] =	vst v63  }
0x42: {  	_ =	swait.ge [sflag:s7], $0x7D00  }
0x43: {  	[sflag:s7] =	ssyncset.done $0x0  }
0x44: {  	[sflag:s7] =	ssyncadd.s32 $0xFFFF8300  }
0x45: {  	[tilespmem:s3], [sflag:$0x1] =	stream.linear.gather [hbm4b:s13+s3], $0x3E8, $0x38;
	[tilespmem:$0xCF08] =	vst v63  }
0x46: {  	_ =	swait.ge [sflag:s7], $0x3E8  }
0x47: {  	[sflag:s7] =	ssyncset.done $0x0  }
0x48: {  	[sflag:s7] =	ssyncadd.s32 $0xFFFFFC18  }
0x49: {  	[tilespmem:s10], [sflag:$0x1] =	stream.linear.gather [hbm4b:s12+s3], $0x7D00, $0x38;
	[tilespmem:$0xCF08] =	vst v63  }
0x4a: {  	_ =	swait.ge [sflag:s7], $0x7D00  }
0x4b: {  	[sflag:s7] =	ssyncset.done $0x0  }
0x4c: {  	[sflag:s7] =	ssyncadd.s32 $0xFFFF8300  }
0x4d: {  	[spmem:s2] =	stream.indirect.scatter.add.f32 [tilespmem:s10], [sflag:$0x1], $0x20, s3, s10, $0xb8;
	[tilespmem:$0xCF08] =	vst v63  }
0x4e: {  	_ =	swait.ge [sflag:s7], $0x7D00  }
0x4f: {  	[sflag:s7] =	ssyncset.done $0x0  }
0x50: {  	[sflag:s7] =	ssyncadd.s32 $0xFFFF8300  }
0x51: {  	[tilespmem:s3], [sflag:$0x1] =	stream.linear.gather [hbm4b:s11+s3], $0x3E8, $0x38;
	[tilespmem:$0xCF08] =	vst v63  }
0x52: {  	_ =	swait.ge [sflag:s7], $0x3E8  }
0x53: {  	[sflag:s7] =	ssyncset.done $0x0  }
0x54: {  	[sflag:s7] =	ssyncadd.s32 $0xFFFFFC18  }
0x55: {  	[tilespmem:s10], [sflag:$0x1] =	stream.linear.gather [hbm4b:s9+s3], $0x7D00, $0x38;
	[tilespmem:$0xCF08] =	vst v63  }
0x56: {  	_ =	swait.ge [sflag:s7], $0x7D00  }
0x57: {  	[sflag:s7] =	ssyncset.done $0x0  }
0x58: {  	[sflag:s7] =	ssyncadd.s32 $0xFFFF8300  }
0x59: {  	[spmem:s2] =	stream.indirect.scatter.add.f32 [tilespmem:s10], [sflag:$0x1], $0x20, s3, s10, $0xb8;
	[tilespmem:$0xCF08] =	vst v63  }
0x5a: {  	_ =	swait.ge [sflag:s7], $0x7D00  }
0x5b: {  	[sflag:s7] =	ssyncset.done $0x0  }
0x5c: {  	[sflag:s7] =	ssyncadd.s32 $0xFFFF8300  }
0x5d: {  	s22 =	sadd.s32 $0xFFFFFFFF, s22;
	[bflag:$0x0] =	sbarrier.arrive $0xFFFF  }
0x5e: {  	[tilespmem:s21], [sflag:$0x1] =	stream.linear.gather @!p0 [spmem:s4], $0x7D00, $0x38;
	[tilespmem:$0xCF08] =	vst v63  }
0x5f: {  	p2 =	sne.s32 s22, $0x0;
	_ =	swait.ge @!p0 [sflag:s6], $0x7D00  }
.Ltmp1:
0x60: {  	[sflag:s6] =	ssyncset.done @!p0 $0x0;
	(pc) =	sbr.rel @!p2 .LBB2_3-.Ltmp1, $4  }
0x61: {  	[sflag:s6] =	ssyncadd.s32 @!p0 $0xFFFF8300  }
0x62: {  	[hbm4b:s5+s8] =	stream.linear.scatter @!p0 [tilespmem:s21], [sflag:$0x1], $0x7D00, $0x38;
	[tilespmem:$0xCF08] =	vst v63  }
0x63: {  	_ =	swait.ge @!p0 [sflag:s6], $0x7D00  }
0x64: {  	p1 =	por $0x1, $0x1;
	s23 =	simm.s32 @!p0 $0x1;
	[sflag:s6] =	ssyncset.done @!p0 $0x0  }
.LBB2_4:
0x65: {  	s24 =	simm.s32 @!p0 $0x0;
	[sflag:s23] =	ssyncadd.s32 @!p0 $0xFFFF8300  }
0x66: {  	[tilespmem:s21], [sflag:$0x1] =	stream.linear.gather @!p0 [hbm4b:s20+s8], $0x7D00, $0x38;
	[tilespmem:$0xCF08] =	vst v63  }
0x67: {  	s22 =	sadd.s32 $0xFFFFFFFF, s22;
	s23 =	smov.u32 s6;
	_ =	swait.ge @!p0 [sflag:s6], $0x7D00  }
0x68: {  	p2 =	sne.s32 s22, $0x0;
	[sflag:s23] =	ssyncset.done @!p0 $0x0  }
0x69: {  	[sflag:s23] =	ssyncadd.s32 @!p0 $0xFFFF8300  }
0x6a: {  	[spmem:s4] =	stream.linear.scatter @!p0 [tilespmem:s21], [sflag:$0x1], $0x7D00, $0x38;
	[tilespmem:$0xCF08] =	vst v63  }
0x6b: {  	_ =	swait.ge @!p0 [sflag:s23], $0x7D00  }
0x6c: {  	[sflag:s23] =	ssyncset.done @!p0 $0x0  }
0x6d: {  	[sflag:s23] =	ssyncadd.s32 @!p0 $0xFFFF8300  }
0x6e: {  	[bflag:$0x0] =	sbarrier.arrive $0xFFFF  }
0x6f: {  	[tilespmem:s3], [sflag:$0x1] =	stream.linear.gather [hbm4b:s19+s3], $0x3E8, $0x38;
	[tilespmem:$0xCF08] =	vst v63  }
0x70: {  	_ =	swait.ge [sflag:s7], $0x3E8  }
0x71: {  	[sflag:s7] =	ssyncset.done $0x0  }
0x72: {  	[sflag:s7] =	ssyncadd.s32 $0xFFFFFC18  }
0x73: {  	[tilespmem:s10], [sflag:$0x1] =	stream.linear.gather [hbm4b:s18+s3], $0x7D00, $0x38;
	[tilespmem:$0xCF08] =	vst v63  }
0x74: {  	_ =	swait.ge [sflag:s7], $0x7D00  }
0x75: {  	[sflag:s7] =	ssyncset.done $0x0  }
0x76: {  	[sflag:s7] =	ssyncadd.s32 $0xFFFF8300  }
0x77: {  	[spmem:s2] =	stream.indirect.scatter.add.f32 [tilespmem:s10], [sflag:$0x1], $0x20, s3, s10, $0xb8;
	[tilespmem:$0xCF08] =	vst v63  }
0x78: {  	_ =	swait.ge [sflag:s7], $0x7D00  }
0x79: {  	[sflag:s7] =	ssyncset.done $0x0  }
0x7a: {  	[sflag:s7] =	ssyncadd.s32 $0xFFFF8300  }
0x7b: {  	[tilespmem:s3], [sflag:$0x1] =	stream.linear.gather [hbm4b:s17+s3], $0x3E8, $0x38;
	[tilespmem:$0xCF08] =	vst v63  }
0x7c: {  	_ =	swait.ge [sflag:s7], $0x3E8  }
0x7d: {  	[sflag:s7] =	ssyncset.done $0x0  }
0x7e: {  	[sflag:s7] =	ssyncadd.s32 $0xFFFFFC18  }
0x7f: {  	[tilespmem:s10], [sflag:$0x1] =	stream.linear.gather [hbm4b:s16+s3], $0x7D00, $0x38;
	[tilespmem:$0xCF08] =	vst v63  }
0x80: {  	_ =	swait.ge [sflag:s7], $0x7D00  }
0x81: {  	[sflag:s7] =	ssyncset.done $0x0  }
0x82: {  	[sflag:s7] =	ssyncadd.s32 $0xFFFF8300  }
0x83: {  	[spmem:s2] =	stream.indirect.scatter.add.f32 [tilespmem:s10], [sflag:$0x1], $0x20, s3, s10, $0xb8;
	[tilespmem:$0xCF08] =	vst v63  }
0x84: {  	_ =	swait.ge [sflag:s7], $0x7D00  }
0x85: {  	[sflag:s7] =	ssyncset.done $0x0  }
0x86: {  	[sflag:s7] =	ssyncadd.s32 $0xFFFF8300  }
0x87: {  	[tilespmem:s3], [sflag:$0x1] =	stream.linear.gather [hbm4b:s15+s3], $0x3E8, $0x38;
	[tilespmem:$0xCF08] =	vst v63  }
0x88: {  	_ =	swait.ge [sflag:s7], $0x3E8  }
0x89: {  	[sflag:s7] =	ssyncset.done $0x0  }
0x8a: {  	[sflag:s7] =	ssyncadd.s32 $0xFFFFFC18  }
0x8b: {  	[tilespmem:s10], [sflag:$0x1] =	stream.linear.gather [hbm4b:s14+s3], $0x7D00, $0x38;
	[tilespmem:$0xCF08] =	vst v63  }
0x8c: {  	_ =	swait.ge [sflag:s7], $0x7D00  }
0x8d: {  	[sflag:s7] =	ssyncset.done $0x0  }
0x8e: {  	[sflag:s7] =	ssyncadd.s32 $0xFFFF8300  }
0x8f: {  	[spmem:s2] =	stream.indirect.scatter.add.f32 [tilespmem:s10], [sflag:$0x1], $0x20, s3, s10, $0xb8;
	[tilespmem:$0xCF08] =	vst v63  }
0x90: {  	_ =	swait.ge [sflag:s7], $0x7D00  }
0x91: {  	[sflag:s7] =	ssyncset.done $0x0  }
0x92: {  	[sflag:s7] =	ssyncadd.s32 $0xFFFF8300  }
0x93: {  	[tilespmem:s3], [sflag:$0x1] =	stream.linear.gather [hbm4b:s13+s3], $0x3E8, $0x38;
	[tilespmem:$0xCF08] =	vst v63  }
0x94: {  	_ =	swait.ge [sflag:s7], $0x3E8  }
0x95: {  	[sflag:s7] =	ssyncset.done $0x0  }
0x96: {  	[sflag:s7] =	ssyncadd.s32 $0xFFFFFC18  }
0x97: {  	[tilespmem:s10], [sflag:$0x1] =	stream.linear.gather [hbm4b:s12+s3], $0x7D00, $0x38;
	[tilespmem:$0xCF08] =	vst v63  }
0x98: {  	_ =	swait.ge [sflag:s7], $0x7D00  }
0x99: {  	[sflag:s7] =	ssyncset.done $0x0  }
0x9a: {  	[sflag:s7] =	ssyncadd.s32 $0xFFFF8300  }
0x9b: {  	[spmem:s2] =	stream.indirect.scatter.add.f32 [tilespmem:s10], [sflag:$0x1], $0x20, s3, s10, $0xb8;
	[tilespmem:$0xCF08] =	vst v63  }
0x9c: {  	_ =	swait.ge [sflag:s7], $0x7D00  }
0x9d: {  	[sflag:s7] =	ssyncset.done $0x0  }
0x9e: {  	[sflag:s7] =	ssyncadd.s32 $0xFFFF8300  }
0x9f: {  	[tilespmem:s3], [sflag:$0x1] =	stream.linear.gather [hbm4b:s11+s3], $0x3E8, $0x38;
	[tilespmem:$0xCF08] =	vst v63  }
0xa0: {  	_ =	swait.ge [sflag:s7], $0x3E8  }
0xa1: {  	[sflag:s7] =	ssyncset.done $0x0  }
0xa2: {  	[sflag:s7] =	ssyncadd.s32 $0xFFFFFC18  }
0xa3: {  	[tilespmem:s10], [sflag:$0x1] =	stream.linear.gather [hbm4b:s9+s3], $0x7D00, $0x38;
	[tilespmem:$0xCF08] =	vst v63  }
0xa4: {  	_ =	swait.ge [sflag:s7], $0x7D00  }
0xa5: {  	[sflag:s7] =	ssyncset.done $0x0  }
0xa6: {  	[sflag:s7] =	ssyncadd.s32 $0xFFFF8300  }
0xa7: {  	[spmem:s2] =	stream.indirect.scatter.add.f32 [tilespmem:s10], [sflag:$0x1], $0x20, s3, s10, $0xb8;
	[tilespmem:$0xCF08] =	vst v63  }
0xa8: {  	_ =	swait.ge [sflag:s7], $0x7D00  }
0xa9: {  	[sflag:s7] =	ssyncset.done $0x0  }
0xaa: {  	[sflag:s7] =	ssyncadd.s32 $0xFFFF8300  }
0xab: {  	[bflag:$0x0] =	sbarrier.arrive $0xFFFF  }
0xac: {  	[tilespmem:s21], [sflag:$0x1] =	stream.linear.gather @!p0 [spmem:s4], $0x7D00, $0x38;
	[tilespmem:$0xCF08] =	vst v63  }
0xad: {  	_ =	swait.ge @!p0 [sflag:s23], $0x7D00  }
.Ltmp2:
0xae: {  	[sflag:s23] =	ssyncset.done @!p0 $0x0;
	(pc) =	sbr.rel @p2 .LBB2_4-.Ltmp2, $4  }
0xaf: {  	[sflag:s23] =	ssyncadd.s32 @!p0 $0xFFFF8300  }
0xb0: {  	[hbm4b:s5+s8] =	stream.linear.scatter @!p0 [tilespmem:s21], [sflag:$0x1], $0x7D00, $0x38;
	[tilespmem:$0xCF08] =	vst v63  }
0xb1: {  	s8 =	smov.u32 s24;
	_ =	swait.ge @!p0 [sflag:s23], $0x7D00  }
0xb2: {  	[sflag:s23] =	ssyncset.done @!p0 $0x0  }
.LBB2_5:
0xb3: {  	p1 =	por p0, !p1  }
0xb4: {  	s21 =	simm.s32 @!p0 $0x3E8;
	[sflag:s23] =	ssyncadd.s32 @!p1 $0xFFFF8300  }
0xb5: {  	[tilespmem:s21], [sflag:$0x1] =	stream.linear.gather @!p0 [hbm4b:s20+s8], $0x7D00, $0x38;
	[tilespmem:$0xCF08] =	vst v63  }
0xb6: {  	_ =	swait.ge @!p0 [sflag:s6], $0x7D00  }
0xb7: {  	[sflag:s6] =	ssyncset.done @!p0 $0x0  }
0xb8: {  	[sflag:s6] =	ssyncadd.s32 @!p0 $0xFFFF8300  }
0xb9: {  	[spmem:s4] =	stream.linear.scatter @!p0 [tilespmem:s21], [sflag:$0x1], $0x7D00, $0x38;
	[tilespmem:$0xCF08] =	vst v63  }
0xba: {  	_ =	swait.ge @!p0 [sflag:s6], $0x7D00  }
0xbb: {  	[sflag:s6] =	ssyncset.done @!p0 $0x0  }
0xbc: {  	[sflag:s6] =	ssyncadd.s32 @!p0 $0xFFFF8300  }
0xbd: {  	[bflag:$0x0] =	sbarrier.arrive $0xFFFF  }
0xbe: {  	[tilespmem:s3], [sflag:$0x1] =	stream.linear.gather [hbm4b:s19+s3], $0x3E8, $0x38;
	[tilespmem:$0xCF08] =	vst v63  }
0xbf: {  	_ =	swait.ge [sflag:s7], $0x3E8  }
0xc0: {  	[sflag:s7] =	ssyncset.done $0x0  }
0xc1: {  	[sflag:s7] =	ssyncadd.s32 $0xFFFFFC18  }
0xc2: {  	[tilespmem:s10], [sflag:$0x1] =	stream.linear.gather [hbm4b:s18+s3], $0x7D00, $0x38;
	[tilespmem:$0xCF08] =	vst v63  }
0xc3: {  	_ =	swait.ge [sflag:s7], $0x7D00  }
0xc4: {  	[sflag:s7] =	ssyncset.done $0x0  }
0xc5: {  	[sflag:s7] =	ssyncadd.s32 $0xFFFF8300  }
0xc6: {  	[spmem:s2] =	stream.indirect.scatter.add.f32 [tilespmem:s10], [sflag:$0x1], $0x20, s3, s10, $0xb8;
	[tilespmem:$0xCF08] =	vst v63  }
0xc7: {  	_ =	swait.ge [sflag:s7], $0x7D00  }
0xc8: {  	[sflag:s7] =	ssyncset.done $0x0  }
0xc9: {  	[sflag:s7] =	ssyncadd.s32 $0xFFFF8300  }
0xca: {  	[tilespmem:s3], [sflag:$0x1] =	stream.linear.gather [hbm4b:s17+s3], $0x3E8, $0x38;
	[tilespmem:$0xCF08] =	vst v63  }
0xcb: {  	_ =	swait.ge [sflag:s7], $0x3E8  }
0xcc: {  	[sflag:s7] =	ssyncset.done $0x0  }
0xcd: {  	[sflag:s7] =	ssyncadd.s32 $0xFFFFFC18  }
0xce: {  	[tilespmem:s10], [sflag:$0x1] =	stream.linear.gather [hbm4b:s16+s3], $0x7D00, $0x38;
	[tilespmem:$0xCF08] =	vst v63  }
0xcf: {  	_ =	swait.ge [sflag:s7], $0x7D00  }
0xd0: {  	[sflag:s7] =	ssyncset.done $0x0  }
0xd1: {  	[sflag:s7] =	ssyncadd.s32 $0xFFFF8300  }
0xd2: {  	[spmem:s2] =	stream.indirect.scatter.add.f32 [tilespmem:s10], [sflag:$0x1], $0x20, s3, s10, $0xb8;
	[tilespmem:$0xCF08] =	vst v63  }
0xd3: {  	_ =	swait.ge [sflag:s7], $0x7D00  }
0xd4: {  	[sflag:s7] =	ssyncset.done $0x0  }
0xd5: {  	[sflag:s7] =	ssyncadd.s32 $0xFFFF8300  }
0xd6: {  	[tilespmem:s3], [sflag:$0x1] =	stream.linear.gather [hbm4b:s15+s3], $0x3E8, $0x38;
	[tilespmem:$0xCF08] =	vst v63  }
0xd7: {  	_ =	swait.ge [sflag:s7], $0x3E8  }
0xd8: {  	[sflag:s7] =	ssyncset.done $0x0  }
0xd9: {  	[sflag:s7] =	ssyncadd.s32 $0xFFFFFC18  }
0xda: {  	[tilespmem:s10], [sflag:$0x1] =	stream.linear.gather [hbm4b:s14+s3], $0x7D00, $0x38;
	[tilespmem:$0xCF08] =	vst v63  }
0xdb: {  	_ =	swait.ge [sflag:s7], $0x7D00  }
0xdc: {  	[sflag:s7] =	ssyncset.done $0x0  }
0xdd: {  	[sflag:s7] =	ssyncadd.s32 $0xFFFF8300  }
0xde: {  	[spmem:s2] =	stream.indirect.scatter.add.f32 [tilespmem:s10], [sflag:$0x1], $0x20, s3, s10, $0xb8;
	[tilespmem:$0xCF08] =	vst v63  }
0xdf: {  	_ =	swait.ge [sflag:s7], $0x7D00  }
0xe0: {  	[sflag:s7] =	ssyncset.done $0x0  }
0xe1: {  	[sflag:s7] =	ssyncadd.s32 $0xFFFF8300  }
0xe2: {  	[tilespmem:s3], [sflag:$0x1] =	stream.linear.gather [hbm4b:s13+s3], $0x3E8, $0x38;
	[tilespmem:$0xCF08] =	vst v63  }
0xe3: {  	_ =	swait.ge [sflag:s7], $0x3E8  }
0xe4: {  	[sflag:s7] =	ssyncset.done $0x0  }
0xe5: {  	[sflag:s7] =	ssyncadd.s32 $0xFFFFFC18  }
0xe6: {  	[tilespmem:s10], [sflag:$0x1] =	stream.linear.gather [hbm4b:s12+s3], $0x7D00, $0x38;
	[tilespmem:$0xCF08] =	vst v63  }
0xe7: {  	_ =	swait.ge [sflag:s7], $0x7D00  }
0xe8: {  	[sflag:s7] =	ssyncset.done $0x0  }
0xe9: {  	[sflag:s7] =	ssyncadd.s32 $0xFFFF8300  }
0xea: {  	[spmem:s2] =	stream.indirect.scatter.add.f32 [tilespmem:s10], [sflag:$0x1], $0x20, s3, s10, $0xb8;
	[tilespmem:$0xCF08] =	vst v63  }
0xeb: {  	_ =	swait.ge [sflag:s7], $0x7D00  }
0xec: {  	[sflag:s7] =	ssyncset.done $0x0  }
0xed: {  	[sflag:s7] =	ssyncadd.s32 $0xFFFF8300  }
0xee: {  	[tilespmem:s3], [sflag:$0x1] =	stream.linear.gather [hbm4b:s11+s3], $0x3E8, $0x38;
	[tilespmem:$0xCF08] =	vst v63  }
0xef: {  	_ =	swait.ge [sflag:s7], $0x3E8  }
0xf0: {  	[sflag:s7] =	ssyncset.done $0x0  }
0xf1: {  	[sflag:s7] =	ssyncadd.s32 $0xFFFFFC18  }
0xf2: {  	[tilespmem:s10], [sflag:$0x1] =	stream.linear.gather [hbm4b:s9+s3], $0x7D00, $0x38;
	[tilespmem:$0xCF08] =	vst v63  }
0xf3: {  	_ =	swait.ge [sflag:s7], $0x7D00  }
0xf4: {  	[sflag:s7] =	ssyncset.done $0x0  }
0xf5: {  	[sflag:s7] =	ssyncadd.s32 $0xFFFF8300  }
0xf6: {  	[spmem:s2] =	stream.indirect.scatter.add.f32 [tilespmem:s10], [sflag:$0x1], $0x20, s3, s10, $0xb8;
	[tilespmem:$0xCF08] =	vst v63  }
0xf7: {  	_ =	swait.ge [sflag:s7], $0x7D00  }
0xf8: {  	[sflag:s7] =	ssyncset.done $0x0  }
0xf9: {  	[sflag:s7] =	ssyncadd.s32 $0xFFFF8300  }
0xfa: {  	[bflag:$0x0] =	sbarrier.arrive $0xFFFF  }
0xfb: {  	[tilespmem:s21], [sflag:$0x1] =	stream.linear.gather @!p0 [spmem:s4], $0x7D00, $0x38;
	[tilespmem:$0xCF08] =	vst v63  }
0xfc: {  	_ =	swait.ge @!p0 [sflag:s6], $0x7D00  }
0xfd: {  	[sflag:s6] =	ssyncset.done @!p0 $0x0  }
0xfe: {  	[sflag:s6] =	ssyncadd.s32 @!p0 $0xFFFF8300  }
0xff: {  	[hbm4b:s5+s8] =	stream.linear.scatter @!p0 [tilespmem:s21], [sflag:$0x1], $0x7D00, $0x38;
	[tilespmem:$0xCF08] =	vst v63  }
0x100: {  	_ =	swait.ge @!p0 [sflag:s6], $0x7D00  }
0x101: {  	[sflag:s6] =	ssyncset.done @!p0 $0x0  }
0x102: {  	[sflag:s6] =	ssyncadd.s32 @!p0 $0xFFFF8300  }
0x103: {  	_ =	sfence.sel $0x180000  }
0x104: {  	[bflag:$0x0] =	sbarrier.arrive $0xFFFF  }
0x105: {  	p0 =	sne.s32 s1, $0x0;
	_ =	strace $0x9000005F  }
0x106: {  	s0 =	sadd.s32 @!p0 $0x100000, s0;
	[bflag:$0x2] =	sbarrier.arrive $0xFFFF  }
0x107: {  	[sflag:s0] =	ssyncadd.tile.s32 @!p0 $0x1;
	_ =	shalt  }
.LBB2_1:
.Ltmp3:
0x108: {  	(pc) =	sbr.rel .LBB2_5-.Ltmp3, $2  }
0x109: {  	_ =	sdelay $0x2  }
0x10a: {  	_ = 	snop  }
.LBB2_3:
.Ltmp4:
0x10b: {  	(pc) =	sbr.rel .LBB2_5-.Ltmp4, $2  }
0x10c: {  	_ =	sdelay $0x2  }
0x10d: {  	s23 =	simm.s32 @!p0 $0x1  }
.Lfunc_end2:
_tile_overlayer_lowered:
.L_overlay_start_2:
0x10e: {  	(tag) =	ssettag $0x2  }
0x10f: {  	s0 =	rddreg [dreg:$0x0];
	s2 =	stileid.u32  }
0x110: {  	s1 =	rddreg [dreg:$0x1];
	p0 =	sne.s32 s2, $0x0  }
0x111: {  	s3 =	rddreg [dreg:$0x2];
	[bflag:$0x3] =	sbarrier.arrive $0xFFFF;
	s2 =	simm.s32 @!p0 $0x1C01  }
0x112: {  	[timem:s3], [sflag:s2] =	dma.local @!p0 [hbm:s0], s1  }
0x113: {  	s0 =	simm.s32 @!p0 $0x1  }
0x114: {  	_ =	swait.ge @!p0 [sflag:s0], s1  }
0x115: {  	s1 =	ssub.s32 @!p0 $0x0, s1;
	[sflag:s0] =	ssyncset.done @!p0 $0x0  }
0x116: {  	[sflag:s0] =	ssyncadd.s32 @!p0 s1  }
0x117: {  	[bflag:$0x3] =	sbarrier.arrive $0xFFFF  }
0x118: {  	_ =	shalt  }

</sc_bundles>
